<compile_context>
chip_gen: v7x
topology: tpu7x:2x2x1
jax: 0.10.2.dev20260603
libtpu: 0.0.44.dev20260713+nightly
codegen_flags: <defaults>
</compile_context>

<pallas_src>
import jax
import jax.numpy as jnp
from jax import lax
from jax.experimental import pallas as pl
from jax.experimental.pallas import tpu as pltpu
from jax.experimental.pallas import tpu_sc as plsc

B = 16384
ED = 64
RD = 32
NW = 32
PW = B // NW
HP = PW // 2
CH = 16
NCH = HP // CH


def _sc_body(head_hbm, rel_hbm, tail_hbm, ent_hbm, relemb_hbm, projt_hbm,
             out_hbm, hbuf, tbuf, rebuf, obuf, pb0, pb1, hidx, tidx, ridx,
             sem_g, sem_p0, sem_p1):
  wid = lax.axis_index("s") * 2 + lax.axis_index("c")
  for half in range(2):
    base = wid * PW + half * HP
    r0 = wid * 4 + half * 2

    pltpu.sync_copy(head_hbm.at[pl.ds(r0, 2)], hidx)
    pltpu.sync_copy(tail_hbm.at[pl.ds(r0, 2)], tidx)
    pltpu.sync_copy(rel_hbm.at[pl.ds(r0, 2)], ridx)

    gathers = []
    for c in range(2):
      gathers.append(pltpu.make_async_copy(
          ent_hbm.at[hidx.at[c]], hbuf.at[pl.ds(c * 128, 128)], sem_g))
      gathers.append(pltpu.make_async_copy(
          ent_hbm.at[tidx.at[c]], tbuf.at[pl.ds(c * 128, 128)], sem_g))
      gathers.append(pltpu.make_async_copy(
          relemb_hbm.at[ridx.at[c]], rebuf.at[pl.ds(c * 128, 128)], sem_g))
    for g in gathers:
      g.start()

    def p_desc(c, buf, sem):
      row = c // 8
      col = (c % 8) * CH
      return pltpu.make_async_copy(
          projt_hbm.at[ridx.at[row, pl.ds(col, CH)]], buf, sem)

    p_desc(0, pb0, sem_p0).start()
    p_desc(1, pb1, sem_p1).start()

    for g in gathers:
      g.wait()

    def dsub(i, carry):
      b = i // 4
      k = (i % 4) * 16
      hbuf[b, pl.ds(k, 16)] = hbuf[b, pl.ds(k, 16)] - tbuf[b, pl.ds(k, 16)]
      return carry
    lax.fori_loop(0, HP * 4, dsub, 0)

    def ring(it, carry):
      for bb, (buf, sem) in enumerate(((pb0, sem_p0), (pb1, sem_p1))):
        c = it * 2 + bb
        p_desc(c, buf, sem).wait()

        def triple(s, carry2):
          b = c * CH + s
          a0 = rebuf[b, pl.ds(0, 16)]
          a1 = rebuf[b, pl.ds(16, 16)]
          for kk in range(ED // 16):
            dv = hbuf[b, pl.ds(kk * 16, 16)]
            for j in range(16):
              k = kk * 16 + j
              bc = jnp.broadcast_to(dv[j], (16,))
              pv = buf[s, pl.ds(k * RD, RD)]
              p0, p1 = plsc.unpack(pv, format=plsc.PackFormat.INTERLEAVED)
              a0 = a0 + bc * p0
              a1 = a1 + bc * p1
          obuf[b, pl.ds(0, 16)] = a0
          obuf[b, pl.ds(16, 16)] = a1
          return carry2
        lax.fori_loop(0, CH, triple, 0)

        nxt = c + 2

        @pl.when(nxt < NCH)
        def _():
          p_desc(nxt, buf, sem).start()
      return carry
    lax.fori_loop(0, NCH // 2, ring, 0)

    pltpu.sync_copy(obuf, out_hbm.at[pl.ds(base, HP)])


def _tc_norm_body(x_ref, o_ref):
  x = x_ref[...]
  o_ref[...] = jnp.sqrt(jnp.sum(x * x, axis=1))


def kernel(head, relation, tail, entity_table, relation_table, proj_table):
  head2 = head.reshape(128, 128).astype(jnp.int32)
  rel2 = relation.reshape(128, 128).astype(jnp.int32)
  tail2 = tail.reshape(128, 128).astype(jnp.int32)
  projt = (proj_table.reshape(-1, 2, 16, ED).transpose(0, 3, 2, 1)
           .reshape(-1, RD * ED).astype(jnp.bfloat16))

  sc = pl.kernel(
      _sc_body,
      out_type=jax.ShapeDtypeStruct((B, RD), jnp.float32),
      mesh=plsc.VectorSubcoreMesh(core_axis_name="c", subcore_axis_name="s"),
      compiler_params=pltpu.CompilerParams(use_tc_tiling_on_sc=False,
                                           needs_layout_passes=False),
      scratch_types=[
          pltpu.VMEM((HP, ED), jnp.float32),
          pltpu.VMEM((HP, ED), jnp.float32),
          pltpu.VMEM((HP, RD), jnp.float32),
          pltpu.VMEM((HP, RD), jnp.float32),
          pltpu.VMEM((CH, RD * ED), jnp.bfloat16),
          pltpu.VMEM((CH, RD * ED), jnp.bfloat16),
          pltpu.VMEM((2, 128), jnp.int32),
          pltpu.VMEM((2, 128), jnp.int32),
          pltpu.VMEM((2, 128), jnp.int32),
          pltpu.SemaphoreType.DMA,
          pltpu.SemaphoreType.DMA,
          pltpu.SemaphoreType.DMA,
      ],
  )
  diff = sc(head2, rel2, tail2, entity_table, relation_table, projt)

  out = pl.pallas_call(
      _tc_norm_body,
      grid=(16,),
      in_specs=[pl.BlockSpec((B // 16, RD), lambda i: (i, 0))],
      out_specs=pl.BlockSpec((B // 16,), lambda i: (i,)),
      out_shape=jax.ShapeDtypeStruct((B,), jnp.float32),
  )(diff)
  return out

# --- scband reference (transcript-rebuilt; emitter-appended) ---
"""Pipeline reference for scband-trans-r-90452011254398 (READ-ONLY COPY).

The authoritative reference and input builder live on the scoring server;
editing this copy changes nothing except your own understanding.
"""

import jax, jax.numpy as jnp
import numpy as np

NUM_ENTITIES = 1000000
NUM_RELATIONS = 1000
ENTITY_DIM = 64
RELATION_DIM = 32
BATCH = 16384


def setup_inputs(seed: int = 0) -> dict:
    key = jax.random.key(seed)
    k1, k2, k3, k4, k5, k6 = jax.random.split(key, 6)
    e_bound = 6.0 / np.sqrt(ENTITY_DIM)
    r_bound = 6.0 / np.sqrt(RELATION_DIM)
    entity_table = jax.random.uniform(k1, (NUM_ENTITIES, ENTITY_DIM), dtype=jnp.float32, minval=-e_bound, maxval=e_bound)
    relation_table = jax.random.uniform(k2, (NUM_RELATIONS, RELATION_DIM), dtype=jnp.float32, minval=-r_bound, maxval=r_bound)
    proj_table = jax.random.uniform(k3, (NUM_RELATIONS, ENTITY_DIM * RELATION_DIM), dtype=jnp.float32, minval=-e_bound, maxval=e_bound)
    head = jax.random.randint(k4, (BATCH,), 0, NUM_ENTITIES, dtype=jnp.int64 if jax.config.jax_enable_x64 else jnp.int32)
    relation = jax.random.randint(k5, (BATCH,), 0, NUM_RELATIONS, dtype=jnp.int64 if jax.config.jax_enable_x64 else jnp.int32)
    tail = jax.random.randint(k6, (BATCH,), 0, NUM_ENTITIES, dtype=jnp.int64 if jax.config.jax_enable_x64 else jnp.int32)
    return {
        "head": head,
        "relation": relation,
        "tail": tail,
        "entity_table": entity_table,
        "relation_table": relation_table,
        "proj_table": proj_table,
    }


def reference(head, relation, tail, entity_table, relation_table, proj_table):
    head_emb = jnp.take(entity_table, head, axis=0)              # [B, entity_dim]
    relation_emb = jnp.take(relation_table, relation, axis=0)    # [B, relation_dim]
    tail_emb = jnp.take(entity_table, tail, axis=0)              # [B, entity_dim]
    proj_matrix = jnp.take(proj_table, relation, axis=0).reshape(-1, RELATION_DIM, ENTITY_DIM)  # [B, r, e]
    head_proj = jnp.einsum('bre,be->br', proj_matrix, head_emb)  # bmm(proj, head[:, :, None])
    tail_proj = jnp.einsum('bre,be->br', proj_matrix, tail_emb)
    diff = head_proj + relation_emb - tail_proj
    return jnp.linalg.norm(diff, ord=2, axis=1)

if __name__ == "__main__":
    import jax
    _d = setup_inputs()
    print(jax.jit(kernel)(*tuple(_d.values())))

</pallas_src>

<mosaic_0001>
#map = affine_map<(d0, d1) -> (0, 0)>
module attributes {stable_mosaic.version = 14 : i64} {
  func.func @_sc_body(%arg0: i32, %arg1: i32, %arg2: memref<128x128xi32, #tpu.memory_space<hbm>>, %arg3: memref<128x128xi32, #tpu.memory_space<hbm>>, %arg4: memref<128x128xi32, #tpu.memory_space<hbm>>, %arg5: memref<1000000x64xf32, #tpu.memory_space<hbm>>, %arg6: memref<1000x32xf32, #tpu.memory_space<hbm>>, %arg7: memref<1000x2048xbf16, #tpu.memory_space<hbm>>, %arg8: memref<16384x32xf32, #tpu.memory_space<hbm>>, %arg9: memref<256x64xf32, #tpu.memory_space<vmem>>, %arg10: memref<256x64xf32, #tpu.memory_space<vmem>>, %arg11: memref<256x32xf32, #tpu.memory_space<vmem>>, %arg12: memref<256x32xf32, #tpu.memory_space<vmem>>, %arg13: memref<16x2048xbf16, #tpu.memory_space<vmem>>, %arg14: memref<16x2048xbf16, #tpu.memory_space<vmem>>, %arg15: memref<2x128xi32, #tpu.memory_space<vmem>>, %arg16: memref<2x128xi32, #tpu.memory_space<vmem>>, %arg17: memref<2x128xi32, #tpu.memory_space<vmem>>, %arg18: memref<!tpu.dma_semaphore, #tpu.memory_space<semaphore_mem>>, %arg19: memref<!tpu.dma_semaphore, #tpu.memory_space<semaphore_mem>>, %arg20: memref<!tpu.dma_semaphore, #tpu.memory_space<semaphore_mem>>) attributes {dimension_semantics = [#tpu.dimension_semantics<core_parallel>, #tpu.dimension_semantics<subcore_parallel>], iteration_bounds = array<i64: 2, 16>, scalar_prefetch = 0 : i64, scratch_operands = 12 : i64, tpu.core_type = #tpu.core_type<sc_vector_subcore>, window_params = [{transform_indices = #map}, {transform_indices = #map}, {transform_indices = #map}, {transform_indices = #map}, {transform_indices = #map}, {transform_indices = #map}, {transform_indices = #map}]} {
    %mul3A = arith.constant 2 : i32
    %mul3A_0 = arith.muli %arg1, %mul3A : i32
    %add3A = arith.addi %mul3A_0, %arg0 : i32
    %mul3A_1 = arith.constant 512 : i32
    %mul3A_2 = arith.muli %add3A, %mul3A_1 : i32
    %add3A_3 = arith.constant 0 : i32
    %add3A_4 = arith.addi %mul3A_2, %add3A_3 : i32
    %mul3A_5 = arith.constant 4 : i32
    %mul3A_6 = arith.muli %add3A, %mul3A_5 : i32
    %add3A_7 = arith.constant 0 : i32
    %add3A_8 = arith.addi %mul3A_6, %add3A_7 : i32
    "tpu.region"() ({
      %run_scoped3A = tpu.sem_alloc : memref<!tpu.dma_semaphore, #tpu.memory_space<semaphore_mem>>
      %dma_start3A_306 = arith.constant 0 : i32
      %dma_start3A_307 = tpu.memref_slice %arg2[%add3A_8, %dma_start3A_306] : memref<128x128xi32, #tpu.memory_space<hbm>> -> memref<2x128xi32, #tpu.memory_space<hbm>>
      %dma_start3A_308 = arith.constant 0 : i32
      %dma_start3A_309 = tpu.memref_slice %arg2[%add3A_8, %dma_start3A_308] : memref<128x128xi32, #tpu.memory_space<hbm>> -> memref<2x128xi32, #tpu.memory_space<hbm>>
      tpu.enqueue_dma source(%dma_start3A_309 : memref<2x128xi32, #tpu.memory_space<hbm>>) target(%arg15 : memref<2x128xi32, #tpu.memory_space<vmem>>) target_semaphore(%run_scoped3A : memref<!tpu.dma_semaphore, #tpu.memory_space<semaphore_mem>>)
      %dma_wait3A_310 = arith.constant 0 : i32
      %dma_wait3A_311 = tpu.memref_slice %arg2[%add3A_8, %dma_wait3A_310] : memref<128x128xi32, #tpu.memory_space<hbm>> -> memref<2x128xi32, #tpu.memory_space<hbm>>
      %dma_wait3A_312 = arith.constant 0 : i32
      %dma_wait3A_313 = tpu.memref_slice %arg2[%add3A_8, %dma_wait3A_312] : memref<128x128xi32, #tpu.memory_space<hbm>> -> memref<2x128xi32, #tpu.memory_space<hbm>>
      tpu.wait_dma2 semaphore(%run_scoped3A : memref<!tpu.dma_semaphore, #tpu.memory_space<semaphore_mem>>) src(%dma_wait3A_313 : memref<2x128xi32, #tpu.memory_space<hbm>>) dst(%arg15 : memref<2x128xi32, #tpu.memory_space<vmem>>)
      tpu.yield
    }) : () -> ()
    "tpu.region"() ({
      %run_scoped3A = tpu.sem_alloc : memref<!tpu.dma_semaphore, #tpu.memory_space<semaphore_mem>>
      %dma_start3A_306 = arith.constant 0 : i32
      %dma_start3A_307 = tpu.memref_slice %arg4[%add3A_8, %dma_start3A_306] : memref<128x128xi32, #tpu.memory_space<hbm>> -> memref<2x128xi32, #tpu.memory_space<hbm>>
      %dma_start3A_308 = arith.constant 0 : i32
      %dma_start3A_309 = tpu.memref_slice %arg4[%add3A_8, %dma_start3A_308] : memref<128x128xi32, #tpu.memory_space<hbm>> -> memref<2x128xi32, #tpu.memory_space<hbm>>
      tpu.enqueue_dma source(%dma_start3A_309 : memref<2x128xi32, #tpu.memory_space<hbm>>) target(%arg16 : memref<2x128xi32, #tpu.memory_space<vmem>>) target_semaphore(%run_scoped3A : memref<!tpu.dma_semaphore, #tpu.memory_space<semaphore_mem>>)
      %dma_wait3A_310 = arith.constant 0 : i32
      %dma_wait3A_311 = tpu.memref_slice %arg4[%add3A_8, %dma_wait3A_310] : memref<128x128xi32, #tpu.memory_space<hbm>> -> memref<2x128xi32, #tpu.memory_space<hbm>>
      %dma_wait3A_312 = arith.constant 0 : i32
      %dma_wait3A_313 = tpu.memref_slice %arg4[%add3A_8, %dma_wait3A_312] : memref<128x128xi32, #tpu.memory_space<hbm>> -> memref<2x128xi32, #tpu.memory_space<hbm>>
      tpu.wait_dma2 semaphore(%run_scoped3A : memref<!tpu.dma_semaphore, #tpu.memory_space<semaphore_mem>>) src(%dma_wait3A_313 : memref<2x128xi32, #tpu.memory_space<hbm>>) dst(%arg16 : memref<2x128xi32, #tpu.memory_space<vmem>>)
      tpu.yield
    }) : () -> ()
    "tpu.region"() ({
      %run_scoped3A = tpu.sem_alloc : memref<!tpu.dma_semaphore, #tpu.memory_space<semaphore_mem>>
      %dma_start3A_306 = arith.constant 0 : i32
      %dma_start3A_307 = tpu.memref_slice %arg3[%add3A_8, %dma_start3A_306] : memref<128x128xi32, #tpu.memory_space<hbm>> -> memref<2x128xi32, #tpu.memory_space<hbm>>
      %dma_start3A_308 = arith.constant 0 : i32
      %dma_start3A_309 = tpu.memref_slice %arg3[%add3A_8, %dma_start3A_308] : memref<128x128xi32, #tpu.memory_space<hbm>> -> memref<2x128xi32, #tpu.memory_space<hbm>>
      tpu.enqueue_dma source(%dma_start3A_309 : memref<2x128xi32, #tpu.memory_space<hbm>>) target(%arg17 : memref<2x128xi32, #tpu.memory_space<vmem>>) target_semaphore(%run_scoped3A : memref<!tpu.dma_semaphore, #tpu.memory_space<semaphore_mem>>)
      %dma_wait3A_310 = arith.constant 0 : i32
      %dma_wait3A_311 = tpu.memref_slice %arg3[%add3A_8, %dma_wait3A_310] : memref<128x128xi32, #tpu.memory_space<hbm>> -> memref<2x128xi32, #tpu.memory_space<hbm>>
      %dma_wait3A_312 = arith.constant 0 : i32
      %dma_wait3A_313 = tpu.memref_slice %arg3[%add3A_8, %dma_wait3A_312] : memref<128x128xi32, #tpu.memory_space<hbm>> -> memref<2x128xi32, #tpu.memory_space<hbm>>
      tpu.wait_dma2 semaphore(%run_scoped3A : memref<!tpu.dma_semaphore, #tpu.memory_space<semaphore_mem>>) src(%dma_wait3A_313 : memref<2x128xi32, #tpu.memory_space<hbm>>) dst(%arg17 : memref<2x128xi32, #tpu.memory_space<vmem>>)
      tpu.yield
    }) : () -> ()
    %dma_start3A = arith.constant 0 : i32
    %dma_start3A_9 = arith.constant 0 : i32
    %dma_start3A_10 = arith.constant 0 : i32
    %dma_start3A_11 = tpu.memref_slice %arg9[%dma_start3A_9, %dma_start3A_10] : memref<256x64xf32, #tpu.memory_space<vmem>> -> memref<128x64xf32, #tpu.memory_space<vmem>>
    %dma_start3A_12 = arith.constant 0 : i32
    %dma_start3A_13 = tpu.memref_slice %arg15[%dma_start3A, %dma_start3A_12] : memref<2x128xi32, #tpu.memory_space<vmem>> -> memref<1x128xi32, #tpu.memory_space<vmem>>
    %dma_start3A_14 = tpu.memref_squeeze %dma_start3A_13 : memref<1x128xi32, #tpu.memory_space<vmem>> -> memref<128xi32, #tpu.memory_space<vmem>>
    %dma_start3A_15 = arith.constant 0 : i32
    %dma_start3A_16 = arith.constant 0 : i32
    %dma_start3A_17 = tpu.memref_slice %arg5[%dma_start3A_15, %dma_start3A_16] : memref<1000000x64xf32, #tpu.memory_space<hbm>> -> memref<1000000x64xf32, #tpu.memory_space<hbm>>
    tpu.enqueue_indirect_dma source(%dma_start3A_17 : memref<1000000x64xf32, #tpu.memory_space<hbm>>) target(%dma_start3A_11 : memref<128x64xf32, #tpu.memory_space<vmem>>) offsets(%dma_start3A_14 : memref<128xi32, #tpu.memory_space<vmem>>) semaphore(%arg18 : memref<!tpu.dma_semaphore, #tpu.memory_space<semaphore_mem>>)
    %dma_start3A_18 = arith.constant 0 : i32
    %dma_start3A_19 = arith.constant 0 : i32
    %dma_start3A_20 = arith.constant 0 : i32
    %dma_start3A_21 = tpu.memref_slice %arg10[%dma_start3A_19, %dma_start3A_20] : memref<256x64xf32, #tpu.memory_space<vmem>> -> memref<128x64xf32, #tpu.memory_space<vmem>>
    %dma_start3A_22 = arith.constant 0 : i32
    %dma_start3A_23 = tpu.memref_slice %arg16[%dma_start3A_18, %dma_start3A_22] : memref<2x128xi32, #tpu.memory_space<vmem>> -> memref<1x128xi32, #tpu.memory_space<vmem>>
    %dma_start3A_24 = tpu.memref_squeeze %dma_start3A_23 : memref<1x128xi32, #tpu.memory_space<vmem>> -> memref<128xi32, #tpu.memory_space<vmem>>
    %dma_start3A_25 = arith.constant 0 : i32
    %dma_start3A_26 = arith.constant 0 : i32
    %dma_start3A_27 = tpu.memref_slice %arg5[%dma_start3A_25, %dma_start3A_26] : memref<1000000x64xf32, #tpu.memory_space<hbm>> -> memref<1000000x64xf32, #tpu.memory_space<hbm>>
    tpu.enqueue_indirect_dma source(%dma_start3A_27 : memref<1000000x64xf32, #tpu.memory_space<hbm>>) target(%dma_start3A_21 : memref<128x64xf32, #tpu.memory_space<vmem>>) offsets(%dma_start3A_24 : memref<128xi32, #tpu.memory_space<vmem>>) semaphore(%arg18 : memref<!tpu.dma_semaphore, #tpu.memory_space<semaphore_mem>>)
    %dma_start3A_28 = arith.constant 0 : i32
    %dma_start3A_29 = arith.constant 0 : i32
    %dma_start3A_30 = arith.constant 0 : i32
    %dma_start3A_31 = tpu.memref_slice %arg11[%dma_start3A_29, %dma_start3A_30] : memref<256x32xf32, #tpu.memory_space<vmem>> -> memref<128x32xf32, #tpu.memory_space<vmem>>
    %dma_start3A_32 = arith.constant 0 : i32
    %dma_start3A_33 = tpu.memref_slice %arg17[%dma_start3A_28, %dma_start3A_32] : memref<2x128xi32, #tpu.memory_space<vmem>> -> memref<1x128xi32, #tpu.memory_space<vmem>>
    %dma_start3A_34 = tpu.memref_squeeze %dma_start3A_33 : memref<1x128xi32, #tpu.memory_space<vmem>> -> memref<128xi32, #tpu.memory_space<vmem>>
    %dma_start3A_35 = arith.constant 0 : i32
    %dma_start3A_36 = arith.constant 0 : i32
    %dma_start3A_37 = tpu.memref_slice %arg6[%dma_start3A_35, %dma_start3A_36] : memref<1000x32xf32, #tpu.memory_space<hbm>> -> memref<1000x32xf32, #tpu.memory_space<hbm>>
    tpu.enqueue_indirect_dma source(%dma_start3A_37 : memref<1000x32xf32, #tpu.memory_space<hbm>>) target(%dma_start3A_31 : memref<128x32xf32, #tpu.memory_space<vmem>>) offsets(%dma_start3A_34 : memref<128xi32, #tpu.memory_space<vmem>>) semaphore(%arg18 : memref<!tpu.dma_semaphore, #tpu.memory_space<semaphore_mem>>)
    %dma_start3A_38 = arith.constant 1 : i32
    %dma_start3A_39 = arith.constant 128 : i32
    %dma_start3A_40 = arith.constant 0 : i32
    %dma_start3A_41 = tpu.memref_slice %arg9[%dma_start3A_39, %dma_start3A_40] : memref<256x64xf32, #tpu.memory_space<vmem>> -> memref<128x64xf32, #tpu.memory_space<vmem>>
    %dma_start3A_42 = arith.constant 0 : i32
    %dma_start3A_43 = tpu.memref_slice %arg15[%dma_start3A_38, %dma_start3A_42] : memref<2x128xi32, #tpu.memory_space<vmem>> -> memref<1x128xi32, #tpu.memory_space<vmem>>
    %dma_start3A_44 = tpu.memref_squeeze %dma_start3A_43 : memref<1x128xi32, #tpu.memory_space<vmem>> -> memref<128xi32, #tpu.memory_space<vmem>>
    %dma_start3A_45 = arith.constant 0 : i32
    %dma_start3A_46 = arith.constant 0 : i32
    %dma_start3A_47 = tpu.memref_slice %arg5[%dma_start3A_45, %dma_start3A_46] : memref<1000000x64xf32, #tpu.memory_space<hbm>> -> memref<1000000x64xf32, #tpu.memory_space<hbm>>
    tpu.enqueue_indirect_dma source(%dma_start3A_47 : memref<1000000x64xf32, #tpu.memory_space<hbm>>) target(%dma_start3A_41 : memref<128x64xf32, #tpu.memory_space<vmem>>) offsets(%dma_start3A_44 : memref<128xi32, #tpu.memory_space<vmem>>) semaphore(%arg18 : memref<!tpu.dma_semaphore, #tpu.memory_space<semaphore_mem>>)
    %dma_start3A_48 = arith.constant 1 : i32
    %dma_start3A_49 = arith.constant 128 : i32
    %dma_start3A_50 = arith.constant 0 : i32
    %dma_start3A_51 = tpu.memref_slice %arg10[%dma_start3A_49, %dma_start3A_50] : memref<256x64xf32, #tpu.memory_space<vmem>> -> memref<128x64xf32, #tpu.memory_space<vmem>>
    %dma_start3A_52 = arith.constant 0 : i32
    %dma_start3A_53 = tpu.memref_slice %arg16[%dma_start3A_48, %dma_start3A_52] : memref<2x128xi32, #tpu.memory_space<vmem>> -> memref<1x128xi32, #tpu.memory_space<vmem>>
    %dma_start3A_54 = tpu.memref_squeeze %dma_start3A_53 : memref<1x128xi32, #tpu.memory_space<vmem>> -> memref<128xi32, #tpu.memory_space<vmem>>
    %dma_start3A_55 = arith.constant 0 : i32
    %dma_start3A_56 = arith.constant 0 : i32
    %dma_start3A_57 = tpu.memref_slice %arg5[%dma_start3A_55, %dma_start3A_56] : memref<1000000x64xf32, #tpu.memory_space<hbm>> -> memref<1000000x64xf32, #tpu.memory_space<hbm>>
    tpu.enqueue_indirect_dma source(%dma_start3A_57 : memref<1000000x64xf32, #tpu.memory_space<hbm>>) target(%dma_start3A_51 : memref<128x64xf32, #tpu.memory_space<vmem>>) offsets(%dma_start3A_54 : memref<128xi32, #tpu.memory_space<vmem>>) semaphore(%arg18 : memref<!tpu.dma_semaphore, #tpu.memory_space<semaphore_mem>>)
    %dma_start3A_58 = arith.constant 1 : i32
    %dma_start3A_59 = arith.constant 128 : i32
    %dma_start3A_60 = arith.constant 0 : i32
    %dma_start3A_61 = tpu.memref_slice %arg11[%dma_start3A_59, %dma_start3A_60] : memref<256x32xf32, #tpu.memory_space<vmem>> -> memref<128x32xf32, #tpu.memory_space<vmem>>
    %dma_start3A_62 = arith.constant 0 : i32
    %dma_start3A_63 = tpu.memref_slice %arg17[%dma_start3A_58, %dma_start3A_62] : memref<2x128xi32, #tpu.memory_space<vmem>> -> memref<1x128xi32, #tpu.memory_space<vmem>>
    %dma_start3A_64 = tpu.memref_squeeze %dma_start3A_63 : memref<1x128xi32, #tpu.memory_space<vmem>> -> memref<128xi32, #tpu.memory_space<vmem>>
    %dma_start3A_65 = arith.constant 0 : i32
    %dma_start3A_66 = arith.constant 0 : i32
    %dma_start3A_67 = tpu.memref_slice %arg6[%dma_start3A_65, %dma_start3A_66] : memref<1000x32xf32, #tpu.memory_space<hbm>> -> memref<1000x32xf32, #tpu.memory_space<hbm>>
    tpu.enqueue_indirect_dma source(%dma_start3A_67 : memref<1000x32xf32, #tpu.memory_space<hbm>>) target(%dma_start3A_61 : memref<128x32xf32, #tpu.memory_space<vmem>>) offsets(%dma_start3A_64 : memref<128xi32, #tpu.memory_space<vmem>>) semaphore(%arg18 : memref<!tpu.dma_semaphore, #tpu.memory_space<semaphore_mem>>)
    %dma_start3A_68 = arith.constant 0 : i32
    %dma_start3A_69 = arith.constant 0 : i32
    %dma_start3A_70 = tpu.memref_slice %arg17[%dma_start3A_68, %dma_start3A_69] : memref<2x128xi32, #tpu.memory_space<vmem>> -> memref<1x16xi32, #tpu.memory_space<vmem>>
    %dma_start3A_71 = tpu.memref_squeeze %dma_start3A_70 : memref<1x16xi32, #tpu.memory_space<vmem>> -> memref<16xi32, #tpu.memory_space<vmem>>
    %dma_start3A_72 = arith.constant 0 : i32
    %dma_start3A_73 = arith.constant 0 : i32
    %dma_start3A_74 = tpu.memref_slice %arg7[%dma_start3A_72, %dma_start3A_73] : memref<1000x2048xbf16, #tpu.memory_space<hbm>> -> memref<1000x2048xbf16, #tpu.memory_space<hbm>>
    tpu.enqueue_indirect_dma source(%dma_start3A_74 : memref<1000x2048xbf16, #tpu.memory_space<hbm>>) target(%arg13 : memref<16x2048xbf16, #tpu.memory_space<vmem>>) offsets(%dma_start3A_71 : memref<16xi32, #tpu.memory_space<vmem>>) semaphore(%arg19 : memref<!tpu.dma_semaphore, #tpu.memory_space<semaphore_mem>>)
    %dma_start3A_75 = arith.constant 0 : i32
    %dma_start3A_76 = arith.constant 16 : i32
    %dma_start3A_77 = tpu.memref_slice %arg17[%dma_start3A_75, %dma_start3A_76] : memref<2x128xi32, #tpu.memory_space<vmem>> -> memref<1x16xi32, #tpu.memory_space<vmem>>
    %dma_start3A_78 = tpu.memref_squeeze %dma_start3A_77 : memref<1x16xi32, #tpu.memory_space<vmem>> -> memref<16xi32, #tpu.memory_space<vmem>>
    %dma_start3A_79 = arith.constant 0 : i32
    %dma_start3A_80 = arith.constant 0 : i32
    %dma_start3A_81 = tpu.memref_slice %arg7[%dma_start3A_79, %dma_start3A_80] : memref<1000x2048xbf16, #tpu.memory_space<hbm>> -> memref<1000x2048xbf16, #tpu.memory_space<hbm>>
    tpu.enqueue_indirect_dma source(%dma_start3A_81 : memref<1000x2048xbf16, #tpu.memory_space<hbm>>) target(%arg14 : memref<16x2048xbf16, #tpu.memory_space<vmem>>) offsets(%dma_start3A_78 : memref<16xi32, #tpu.memory_space<vmem>>) semaphore(%arg20 : memref<!tpu.dma_semaphore, #tpu.memory_space<semaphore_mem>>)
    %dma_wait3A = arith.constant 0 : i32
    %dma_wait3A_82 = arith.constant 0 : i32
    %dma_wait3A_83 = arith.constant 0 : i32
    %dma_wait3A_84 = tpu.memref_slice %arg9[%dma_wait3A_82, %dma_wait3A_83] : memref<256x64xf32, #tpu.memory_space<vmem>> -> memref<128x64xf32, #tpu.memory_space<vmem>>
    %dma_wait3A_85 = arith.constant 0 : i32
    %dma_wait3A_86 = tpu.memref_slice %arg15[%dma_wait3A, %dma_wait3A_85] : memref<2x128xi32, #tpu.memory_space<vmem>> -> memref<1x128xi32, #tpu.memory_space<vmem>>
    %dma_wait3A_87 = tpu.memref_squeeze %dma_wait3A_86 : memref<1x128xi32, #tpu.memory_space<vmem>> -> memref<128xi32, #tpu.memory_space<vmem>>
    %dma_wait3A_88 = arith.constant 0 : i32
    %dma_wait3A_89 = arith.constant 0 : i32
    %dma_wait3A_90 = tpu.memref_slice %arg5[%dma_wait3A_88, %dma_wait3A_89] : memref<1000000x64xf32, #tpu.memory_space<hbm>> -> memref<1000000x64xf32, #tpu.memory_space<hbm>>
    tpu.wait_indirect_dma semaphore(%arg18 : memref<!tpu.dma_semaphore, #tpu.memory_space<semaphore_mem>>) src(%dma_wait3A_90 : memref<1000000x64xf32, #tpu.memory_space<hbm>>) dst(%dma_wait3A_84 : memref<128x64xf32, #tpu.memory_space<vmem>>)
    %dma_wait3A_91 = arith.constant 0 : i32
    %dma_wait3A_92 = arith.constant 0 : i32
    %dma_wait3A_93 = arith.constant 0 : i32
    %dma_wait3A_94 = tpu.memref_slice %arg10[%dma_wait3A_92, %dma_wait3A_93] : memref<256x64xf32, #tpu.memory_space<vmem>> -> memref<128x64xf32, #tpu.memory_space<vmem>>
    %dma_wait3A_95 = arith.constant 0 : i32
    %dma_wait3A_96 = tpu.memref_slice %arg16[%dma_wait3A_91, %dma_wait3A_95] : memref<2x128xi32, #tpu.memory_space<vmem>> -> memref<1x128xi32, #tpu.memory_space<vmem>>
    %dma_wait3A_97 = tpu.memref_squeeze %dma_wait3A_96 : memref<1x128xi32, #tpu.memory_space<vmem>> -> memref<128xi32, #tpu.memory_space<vmem>>
    %dma_wait3A_98 = arith.constant 0 : i32
    %dma_wait3A_99 = arith.constant 0 : i32
    %dma_wait3A_100 = tpu.memref_slice %arg5[%dma_wait3A_98, %dma_wait3A_99] : memref<1000000x64xf32, #tpu.memory_space<hbm>> -> memref<1000000x64xf32, #tpu.memory_space<hbm>>
    tpu.wait_indirect_dma semaphore(%arg18 : memref<!tpu.dma_semaphore, #tpu.memory_space<semaphore_mem>>) src(%dma_wait3A_100 : memref<1000000x64xf32, #tpu.memory_space<hbm>>) dst(%dma_wait3A_94 : memref<128x64xf32, #tpu.memory_space<vmem>>)
    %dma_wait3A_101 = arith.constant 0 : i32
    %dma_wait3A_102 = arith.constant 0 : i32
    %dma_wait3A_103 = arith.constant 0 : i32
    %dma_wait3A_104 = tpu.memref_slice %arg11[%dma_wait3A_102, %dma_wait3A_103] : memref<256x32xf32, #tpu.memory_space<vmem>> -> memref<128x32xf32, #tpu.memory_space<vmem>>
    %dma_wait3A_105 = arith.constant 0 : i32
    %dma_wait3A_106 = tpu.memref_slice %arg17[%dma_wait3A_101, %dma_wait3A_105] : memref<2x128xi32, #tpu.memory_space<vmem>> -> memref<1x128xi32, #tpu.memory_space<vmem>>
    %dma_wait3A_107 = tpu.memref_squeeze %dma_wait3A_106 : memref<1x128xi32, #tpu.memory_space<vmem>> -> memref<128xi32, #tpu.memory_space<vmem>>
    %dma_wait3A_108 = arith.constant 0 : i32
    %dma_wait3A_109 = arith.constant 0 : i32
    %dma_wait3A_110 = tpu.memref_slice %arg6[%dma_wait3A_108, %dma_wait3A_109] : memref<1000x32xf32, #tpu.memory_space<hbm>> -> memref<1000x32xf32, #tpu.memory_space<hbm>>
    tpu.wait_indirect_dma semaphore(%arg18 : memref<!tpu.dma_semaphore, #tpu.memory_space<semaphore_mem>>) src(%dma_wait3A_110 : memref<1000x32xf32, #tpu.memory_space<hbm>>) dst(%dma_wait3A_104 : memref<128x32xf32, #tpu.memory_space<vmem>>)
    %dma_wait3A_111 = arith.constant 1 : i32
    %dma_wait3A_112 = arith.constant 128 : i32
    %dma_wait3A_113 = arith.constant 0 : i32
    %dma_wait3A_114 = tpu.memref_slice %arg9[%dma_wait3A_112, %dma_wait3A_113] : memref<256x64xf32, #tpu.memory_space<vmem>> -> memref<128x64xf32, #tpu.memory_space<vmem>>
    %dma_wait3A_115 = arith.constant 0 : i32
    %dma_wait3A_116 = tpu.memref_slice %arg15[%dma_wait3A_111, %dma_wait3A_115] : memref<2x128xi32, #tpu.memory_space<vmem>> -> memref<1x128xi32, #tpu.memory_space<vmem>>
    %dma_wait3A_117 = tpu.memref_squeeze %dma_wait3A_116 : memref<1x128xi32, #tpu.memory_space<vmem>> -> memref<128xi32, #tpu.memory_space<vmem>>
    %dma_wait3A_118 = arith.constant 0 : i32
    %dma_wait3A_119 = arith.constant 0 : i32
    %dma_wait3A_120 = tpu.memref_slice %arg5[%dma_wait3A_118, %dma_wait3A_119] : memref<1000000x64xf32, #tpu.memory_space<hbm>> -> memref<1000000x64xf32, #tpu.memory_space<hbm>>
    tpu.wait_indirect_dma semaphore(%arg18 : memref<!tpu.dma_semaphore, #tpu.memory_space<semaphore_mem>>) src(%dma_wait3A_120 : memref<1000000x64xf32, #tpu.memory_space<hbm>>) dst(%dma_wait3A_114 : memref<128x64xf32, #tpu.memory_space<vmem>>)
    %dma_wait3A_121 = arith.constant 1 : i32
    %dma_wait3A_122 = arith.constant 128 : i32
    %dma_wait3A_123 = arith.constant 0 : i32
    %dma_wait3A_124 = tpu.memref_slice %arg10[%dma_wait3A_122, %dma_wait3A_123] : memref<256x64xf32, #tpu.memory_space<vmem>> -> memref<128x64xf32, #tpu.memory_space<vmem>>
    %dma_wait3A_125 = arith.constant 0 : i32
    %dma_wait3A_126 = tpu.memref_slice %arg16[%dma_wait3A_121, %dma_wait3A_125] : memref<2x128xi32, #tpu.memory_space<vmem>> -> memref<1x128xi32, #tpu.memory_space<vmem>>
    %dma_wait3A_127 = tpu.memref_squeeze %dma_wait3A_126 : memref<1x128xi32, #tpu.memory_space<vmem>> -> memref<128xi32, #tpu.memory_space<vmem>>
    %dma_wait3A_128 = arith.constant 0 : i32
    %dma_wait3A_129 = arith.constant 0 : i32
    %dma_wait3A_130 = tpu.memref_slice %arg5[%dma_wait3A_128, %dma_wait3A_129] : memref<1000000x64xf32, #tpu.memory_space<hbm>> -> memref<1000000x64xf32, #tpu.memory_space<hbm>>
    tpu.wait_indirect_dma semaphore(%arg18 : memref<!tpu.dma_semaphore, #tpu.memory_space<semaphore_mem>>) src(%dma_wait3A_130 : memref<1000000x64xf32, #tpu.memory_space<hbm>>) dst(%dma_wait3A_124 : memref<128x64xf32, #tpu.memory_space<vmem>>)
    %dma_wait3A_131 = arith.constant 1 : i32
    %dma_wait3A_132 = arith.constant 128 : i32
    %dma_wait3A_133 = arith.constant 0 : i32
    %dma_wait3A_134 = tpu.memref_slice %arg11[%dma_wait3A_132, %dma_wait3A_133] : memref<256x32xf32, #tpu.memory_space<vmem>> -> memref<128x32xf32, #tpu.memory_space<vmem>>
    %dma_wait3A_135 = arith.constant 0 : i32
    %dma_wait3A_136 = tpu.memref_slice %arg17[%dma_wait3A_131, %dma_wait3A_135] : memref<2x128xi32, #tpu.memory_space<vmem>> -> memref<1x128xi32, #tpu.memory_space<vmem>>
    %dma_wait3A_137 = tpu.memref_squeeze %dma_wait3A_136 : memref<1x128xi32, #tpu.memory_space<vmem>> -> memref<128xi32, #tpu.memory_space<vmem>>
    %dma_wait3A_138 = arith.constant 0 : i32
    %dma_wait3A_139 = arith.constant 0 : i32
    %dma_wait3A_140 = tpu.memref_slice %arg6[%dma_wait3A_138, %dma_wait3A_139] : memref<1000x32xf32, #tpu.memory_space<hbm>> -> memref<1000x32xf32, #tpu.memory_space<hbm>>
    tpu.wait_indirect_dma semaphore(%arg18 : memref<!tpu.dma_semaphore, #tpu.memory_space<semaphore_mem>>) src(%dma_wait3A_140 : memref<1000x32xf32, #tpu.memory_space<hbm>>) dst(%dma_wait3A_134 : memref<128x32xf32, #tpu.memory_space<vmem>>)
    %scan3A = arith.constant 0 : i32
    %scan3A_141 = arith.constant 0 : i32
    %scan3A_142 = arith.constant 1024 : i32
    %scan3A_143 = arith.addi %scan3A_141, %scan3A_142 : i32
    %scan3A_144 = arith.constant 1 : i32
    scf.for %scan3A_306 = %scan3A_141 to %scan3A_143 step %scan3A_144  : i32 {
      %jit3A = arith.constant 4 : i32
      %div3A = arith.divsi %scan3A_306, %jit3A : i32
      %sign3A = arith.constant 0 : i32
      %sign3A_307 = arith.cmpi sgt, %scan3A_306, %sign3A : i32
      %sign3A_308 = arith.extui %sign3A_307 : i1 to i32
      %sign3A_309 = arith.constant 0 : i32
      %sign3A_310 = arith.cmpi slt, %scan3A_306, %sign3A_309 : i32
      %sign3A_311 = arith.extui %sign3A_310 : i1 to i32
      %sign3A_312 = arith.subi %sign3A_308, %sign3A_311 : i32
      %sign3A_313 = arith.constant 0 : i32
      %sign3A_314 = arith.cmpi sgt, %jit3A, %sign3A_313 : i32
      %sign3A_315 = arith.extui %sign3A_314 : i1 to i32
      %sign3A_316 = arith.constant 0 : i32
      %sign3A_317 = arith.cmpi slt, %jit3A, %sign3A_316 : i32
      %sign3A_318 = arith.extui %sign3A_317 : i1 to i32
      %sign3A_319 = arith.subi %sign3A_315, %sign3A_318 : i32
      %ne3A = arith.cmpi ne, %sign3A_312, %sign3A_319 : i32
      %rem3A = arith.remsi %scan3A_306, %jit3A : i32
      %ne3A_320 = arith.constant 0 : i32
      %ne3A_321 = arith.cmpi ne, %rem3A, %ne3A_320 : i32
      %and3A = arith.andi %ne3A, %ne3A_321 : i1
      %sub3A = arith.constant 1 : i32
      %sub3A_322 = arith.subi %div3A, %sub3A : i32
      %select_n3A = arith.select %and3A, %sub3A_322, %div3A : i32
      %jit3A_323 = arith.constant 4 : i32
      %eq3A = arith.constant 0 : i32
      %eq3A_324 = arith.cmpi eq, %jit3A_323, %eq3A : i32
      %jit3A_325 = arith.constant 1 : i32
      %select_n3A_326 = arith.select %eq3A_324, %jit3A_325, %jit3A_323 : i32
      %rem3A_327 = arith.remsi %scan3A_306, %select_n3A_326 : i32
      %ne3A_328 = arith.constant 0 : i32
      %ne3A_329 = arith.cmpi ne, %rem3A_327, %ne3A_328 : i32
      %lt3A = arith.constant 0 : i32
      %lt3A_330 = arith.cmpi slt, %rem3A_327, %lt3A : i32
      %lt3A_331 = arith.constant 0 : i32
      %lt3A_332 = arith.cmpi slt, %select_n3A_326, %lt3A_331 : i32
      %ne3A_333 = arith.xori %lt3A_330, %lt3A_332 : i1
      %and3A_334 = arith.andi %ne3A_333, %ne3A_329 : i1
      %add3A_335 = arith.addi %rem3A_327, %select_n3A_326 : i32
      %select_n3A_336 = arith.select %and3A_334, %add3A_335, %rem3A_327 : i32
      %mul3A_337 = arith.constant 16 : i32
      %mul3A_338 = arith.muli %select_n3A_336, %mul3A_337 : i32
      %get3A = arith.index_cast %select_n3A : i32 to index
      %get3A_339 = arith.index_cast %mul3A_338 : i32 to index
      %get3A_340 = tpu.vector_load %arg9[%get3A, %get3A_339] {strides = array<i32>} : memref<256x64xf32, #tpu.memory_space<vmem>>, vector<16xf32>,
      %get3A_341 = arith.index_cast %select_n3A : i32 to index
      %get3A_342 = arith.index_cast %mul3A_338 : i32 to index
      %get3A_343 = tpu.vector_load %arg10[%get3A_341, %get3A_342] {strides = array<i32>} : memref<256x64xf32, #tpu.memory_space<vmem>>, vector<16xf32>,
      %sub3A_344 = arith.subf %get3A_340, %get3A_343 : vector<16xf32>
      %swap3A = arith.index_cast %select_n3A : i32 to index
      %swap3A_345 = arith.index_cast %mul3A_338 : i32 to index
      %swap3A_346 = tpu.vector_load %arg9[%swap3A, %swap3A_345] {strides = array<i32>} : memref<256x64xf32, #tpu.memory_space<vmem>>, vector<16xf32>,
      tpu.vector_store %arg9[%swap3A, %swap3A_345], %sub3A_344 {strides = array<i32>} : memref<256x64xf32, #tpu.memory_space<vmem>>, vector<16xf32>,
    }
    %scan3A_145 = arith.constant 1024 : i32
    %scan3A_146 = arith.constant 0 : i32
    %scan3A_147 = arith.constant 0 : i32
    %scan3A_148 = arith.constant 8 : i32
    %scan3A_149 = arith.addi %scan3A_147, %scan3A_148 : i32
    %scan3A_150 = arith.constant 1 : i32
    scf.for %scan3A_306 = %scan3A_147 to %scan3A_149 step %scan3A_150  : i32 {
      %mul3A_307 = arith.constant 2 : i32
      %mul3A_308 = arith.muli %scan3A_306, %mul3A_307 : i32
      %add3A_309 = arith.constant 0 : i32
      %add3A_310 = arith.addi %mul3A_308, %add3A_309 : i32
      %jit3A = arith.constant 8 : i32
      %div3A = arith.divsi %add3A_310, %jit3A : i32
      %sign3A = arith.constant 0 : i32
      %sign3A_311 = arith.cmpi sgt, %add3A_310, %sign3A : i32
      %sign3A_312 = arith.extui %sign3A_311 : i1 to i32
      %sign3A_313 = arith.constant 0 : i32
      %sign3A_314 = arith.cmpi slt, %add3A_310, %sign3A_313 : i32
      %sign3A_315 = arith.extui %sign3A_314 : i1 to i32
      %sign3A_316 = arith.subi %sign3A_312, %sign3A_315 : i32
      %sign3A_317 = arith.constant 0 : i32
      %sign3A_318 = arith.cmpi sgt, %jit3A, %sign3A_317 : i32
      %sign3A_319 = arith.extui %sign3A_318 : i1 to i32
      %sign3A_320 = arith.constant 0 : i32
      %sign3A_321 = arith.cmpi slt, %jit3A, %sign3A_320 : i32
      %sign3A_322 = arith.extui %sign3A_321 : i1 to i32
      %sign3A_323 = arith.subi %sign3A_319, %sign3A_322 : i32
      %ne3A = arith.cmpi ne, %sign3A_316, %sign3A_323 : i32
      %rem3A = arith.remsi %add3A_310, %jit3A : i32
      %ne3A_324 = arith.constant 0 : i32
      %ne3A_325 = arith.cmpi ne, %rem3A, %ne3A_324 : i32
      %and3A = arith.andi %ne3A, %ne3A_325 : i1
      %sub3A = arith.constant 1 : i32
      %sub3A_326 = arith.subi %div3A, %sub3A : i32
      %select_n3A = arith.select %and3A, %sub3A_326, %div3A : i32
      %jit3A_327 = arith.constant 8 : i32
      %eq3A = arith.constant 0 : i32
      %eq3A_328 = arith.cmpi eq, %jit3A_327, %eq3A : i32
      %jit3A_329 = arith.constant 1 : i32
      %select_n3A_330 = arith.select %eq3A_328, %jit3A_329, %jit3A_327 : i32
      %rem3A_331 = arith.remsi %add3A_310, %select_n3A_330 : i32
      %ne3A_332 = arith.constant 0 : i32
      %ne3A_333 = arith.cmpi ne, %rem3A_331, %ne3A_332 : i32
      %lt3A = arith.constant 0 : i32
      %lt3A_334 = arith.cmpi slt, %rem3A_331, %lt3A : i32
      %lt3A_335 = arith.constant 0 : i32
      %lt3A_336 = arith.cmpi slt, %select_n3A_330, %lt3A_335 : i32
      %ne3A_337 = arith.xori %lt3A_334, %lt3A_336 : i1
      %and3A_338 = arith.andi %ne3A_337, %ne3A_333 : i1
      %add3A_339 = arith.addi %rem3A_331, %select_n3A_330 : i32
      %select_n3A_340 = arith.select %and3A_338, %add3A_339, %rem3A_331 : i32
      %mul3A_341 = arith.constant 16 : i32
      %mul3A_342 = arith.muli %select_n3A_340, %mul3A_341 : i32
      %dma_wait3A_343 = tpu.memref_slice %arg17[%select_n3A, %mul3A_342] : memref<2x128xi32, #tpu.memory_space<vmem>> -> memref<1x16xi32, #tpu.memory_space<vmem>>
      %dma_wait3A_344 = tpu.memref_squeeze %dma_wait3A_343 : memref<1x16xi32, #tpu.memory_space<vmem>> -> memref<16xi32, #tpu.memory_space<vmem>>
      %dma_wait3A_345 = arith.constant 0 : i32
      %dma_wait3A_346 = arith.constant 0 : i32
      %dma_wait3A_347 = tpu.memref_slice %arg7[%dma_wait3A_345, %dma_wait3A_346] : memref<1000x2048xbf16, #tpu.memory_space<hbm>> -> memref<1000x2048xbf16, #tpu.memory_space<hbm>>
      tpu.wait_indirect_dma semaphore(%arg19 : memref<!tpu.dma_semaphore, #tpu.memory_space<semaphore_mem>>) src(%dma_wait3A_347 : memref<1000x2048xbf16, #tpu.memory_space<hbm>>) dst(%arg13 : memref<16x2048xbf16, #tpu.memory_space<vmem>>)
      %scan3A_348 = arith.constant 0 : i32
      %scan3A_349 = arith.constant 0 : i32
      %scan3A_350 = arith.constant 16 : i32
      %scan3A_351 = arith.addi %scan3A_349, %scan3A_350 : i32
      %scan3A_352 = arith.constant 1 : i32
      scf.for %scan3A_423 = %scan3A_349 to %scan3A_351 step %scan3A_352  : i32 {
        %mul3A_424 = arith.constant 16 : i32
        %mul3A_425 = arith.muli %add3A_310, %mul3A_424 : i32
        %add3A_426 = arith.addi %mul3A_425, %scan3A_423 : i32
        %get3A = arith.index_cast %add3A_426 : i32 to index
        %get3A_427 = arith.constant 0 : index
        %get3A_428 = tpu.vector_load %arg11[%get3A, %get3A_427] {strides = array<i32>} : memref<256x32xf32, #tpu.memory_space<vmem>>, vector<16xf32>,
        %get3A_429 = arith.index_cast %add3A_426 : i32 to index
        %get3A_430 = arith.constant 16 : index
        %get3A_431 = tpu.vector_load %arg11[%get3A_429, %get3A_430] {strides = array<i32>} : memref<256x32xf32, #tpu.memory_space<vmem>>, vector<16xf32>,
        %get3A_432 = arith.index_cast %add3A_426 : i32 to index
        %get3A_433 = arith.constant 0 : index
        %get3A_434 = tpu.vector_load %arg9[%get3A_432, %get3A_433] {strides = array<i32>} : memref<256x64xf32, #tpu.memory_space<vmem>>, vector<16xf32>,
        %slice3A = vector.extract_strided_slice %get3A_434 {offsets = [0], sizes = [1], strides = [1]} : vector<16xf32> to vector<1xf32>
        %squeeze3A = vector.extract %slice3A[0] : f32 from vector<1xf32>
        %broadcast_in_dim3A = vector.broadcast %squeeze3A : f32 to vector<16xf32>
        %get3A_435 = arith.index_cast %scan3A_423 : i32 to index
        %get3A_436 = arith.constant 0 : index
        %get3A_437 = tpu.vector_load %arg13[%get3A_435, %get3A_436] {strides = array<i32>} : memref<16x2048xbf16, #tpu.memory_space<vmem>>, vector<32xbf16>,
        %unpack3A = tpu.unpack_subelements %get3A_437, 0 {pack_format = #tpu.pack_format<interleaved>} : vector<32xbf16> -> vector<16xf32>
        %unpack3A_438 = tpu.unpack_subelements %get3A_437, 1 {pack_format = #tpu.pack_format<interleaved>} : vector<32xbf16> -> vector<16xf32>
        %mul3A_439 = arith.mulf %broadcast_in_dim3A, %unpack3A : vector<16xf32>
        %add3A_440 = arith.addf %get3A_428, %mul3A_439 : vector<16xf32>
        %mul3A_441 = arith.mulf %broadcast_in_dim3A, %unpack3A_438 : vector<16xf32>
        %add3A_442 = arith.addf %get3A_431, %mul3A_441 : vector<16xf32>
        %slice3A_443 = vector.extract_strided_slice %get3A_434 {offsets = [1], sizes = [1], strides = [1]} : vector<16xf32> to vector<1xf32>
        %squeeze3A_444 = vector.extract %slice3A_443[0] : f32 from vector<1xf32>
        %broadcast_in_dim3A_445 = vector.broadcast %squeeze3A_444 : f32 to vector<16xf32>
        %get3A_446 = arith.index_cast %scan3A_423 : i32 to index
        %get3A_447 = arith.constant 32 : index
        %get3A_448 = tpu.vector_load %arg13[%get3A_446, %get3A_447] {strides = array<i32>} : memref<16x2048xbf16, #tpu.memory_space<vmem>>, vector<32xbf16>,
        %unpack3A_449 = tpu.unpack_subelements %get3A_448, 0 {pack_format = #tpu.pack_format<interleaved>} : vector<32xbf16> -> vector<16xf32>
        %unpack3A_450 = tpu.unpack_subelements %get3A_448, 1 {pack_format = #tpu.pack_format<interleaved>} : vector<32xbf16> -> vector<16xf32>
        %mul3A_451 = arith.mulf %broadcast_in_dim3A_445, %unpack3A_449 : vector<16xf32>
        %add3A_452 = arith.addf %add3A_440, %mul3A_451 : vector<16xf32>
        %mul3A_453 = arith.mulf %broadcast_in_dim3A_445, %unpack3A_450 : vector<16xf32>
        %add3A_454 = arith.addf %add3A_442, %mul3A_453 : vector<16xf32>
        %slice3A_455 = vector.extract_strided_slice %get3A_434 {offsets = [2], sizes = [1], strides = [1]} : vector<16xf32> to vector<1xf32>
        %squeeze3A_456 = vector.extract %slice3A_455[0] : f32 from vector<1xf32>
        %broadcast_in_dim3A_457 = vector.broadcast %squeeze3A_456 : f32 to vector<16xf32>
        %get3A_458 = arith.index_cast %scan3A_423 : i32 to index
        %get3A_459 = arith.constant 64 : index
        %get3A_460 = tpu.vector_load %arg13[%get3A_458, %get3A_459] {strides = array<i32>} : memref<16x2048xbf16, #tpu.memory_space<vmem>>, vector<32xbf16>,
        %unpack3A_461 = tpu.unpack_subelements %get3A_460, 0 {pack_format = #tpu.pack_format<interleaved>} : vector<32xbf16> -> vector<16xf32>
        %unpack3A_462 = tpu.unpack_subelements %get3A_460, 1 {pack_format = #tpu.pack_format<interleaved>} : vector<32xbf16> -> vector<16xf32>
        %mul3A_463 = arith.mulf %broadcast_in_dim3A_457, %unpack3A_461 : vector<16xf32>
        %add3A_464 = arith.addf %add3A_452, %mul3A_463 : vector<16xf32>
        %mul3A_465 = arith.mulf %broadcast_in_dim3A_457, %unpack3A_462 : vector<16xf32>
        %add3A_466 = arith.addf %add3A_454, %mul3A_465 : vector<16xf32>
        %slice3A_467 = vector.extract_strided_slice %get3A_434 {offsets = [3], sizes = [1], strides = [1]} : vector<16xf32> to vector<1xf32>
        %squeeze3A_468 = vector.extract %slice3A_467[0] : f32 from vector<1xf32>
        %broadcast_in_dim3A_469 = vector.broadcast %squeeze3A_468 : f32 to vector<16xf32>
        %get3A_470 = arith.index_cast %scan3A_423 : i32 to index
        %get3A_471 = arith.constant 96 : index
        %get3A_472 = tpu.vector_load %arg13[%get3A_470, %get3A_471] {strides = array<i32>} : memref<16x2048xbf16, #tpu.memory_space<vmem>>, vector<32xbf16>,
        %unpack3A_473 = tpu.unpack_subelements %get3A_472, 0 {pack_format = #tpu.pack_format<interleaved>} : vector<32xbf16> -> vector<16xf32>
        %unpack3A_474 = tpu.unpack_subelements %get3A_472, 1 {pack_format = #tpu.pack_format<interleaved>} : vector<32xbf16> -> vector<16xf32>
        %mul3A_475 = arith.mulf %broadcast_in_dim3A_469, %unpack3A_473 : vector<16xf32>
        %add3A_476 = arith.addf %add3A_464, %mul3A_475 : vector<16xf32>
        %mul3A_477 = arith.mulf %broadcast_in_dim3A_469, %unpack3A_474 : vector<16xf32>
        %add3A_478 = arith.addf %add3A_466, %mul3A_477 : vector<16xf32>
        %slice3A_479 = vector.extract_strided_slice %get3A_434 {offsets = [4], sizes = [1], strides = [1]} : vector<16xf32> to vector<1xf32>
        %squeeze3A_480 = vector.extract %slice3A_479[0] : f32 from vector<1xf32>
        %broadcast_in_dim3A_481 = vector.broadcast %squeeze3A_480 : f32 to vector<16xf32>
        %get3A_482 = arith.index_cast %scan3A_423 : i32 to index
        %get3A_483 = arith.constant 128 : index
        %get3A_484 = tpu.vector_load %arg13[%get3A_482, %get3A_483] {strides = array<i32>} : memref<16x2048xbf16, #tpu.memory_space<vmem>>, vector<32xbf16>,
        %unpack3A_485 = tpu.unpack_subelements %get3A_484, 0 {pack_format = #tpu.pack_format<interleaved>} : vector<32xbf16> -> vector<16xf32>
        %unpack3A_486 = tpu.unpack_subelements %get3A_484, 1 {pack_format = #tpu.pack_format<interleaved>} : vector<32xbf16> -> vector<16xf32>
        %mul3A_487 = arith.mulf %broadcast_in_dim3A_481, %unpack3A_485 : vector<16xf32>
        %add3A_488 = arith.addf %add3A_476, %mul3A_487 : vector<16xf32>
        %mul3A_489 = arith.mulf %broadcast_in_dim3A_481, %unpack3A_486 : vector<16xf32>
        %add3A_490 = arith.addf %add3A_478, %mul3A_489 : vector<16xf32>
        %slice3A_491 = vector.extract_strided_slice %get3A_434 {offsets = [5], sizes = [1], strides = [1]} : vector<16xf32> to vector<1xf32>
        %squeeze3A_492 = vector.extract %slice3A_491[0] : f32 from vector<1xf32>
        %broadcast_in_dim3A_493 = vector.broadcast %squeeze3A_492 : f32 to vector<16xf32>
        %get3A_494 = arith.index_cast %scan3A_423 : i32 to index
        %get3A_495 = arith.constant 160 : index
        %get3A_496 = tpu.vector_load %arg13[%get3A_494, %get3A_495] {strides = array<i32>} : memref<16x2048xbf16, #tpu.memory_space<vmem>>, vector<32xbf16>,
        %unpack3A_497 = tpu.unpack_subelements %get3A_496, 0 {pack_format = #tpu.pack_format<interleaved>} : vector<32xbf16> -> vector<16xf32>
        %unpack3A_498 = tpu.unpack_subelements %get3A_496, 1 {pack_format = #tpu.pack_format<interleaved>} : vector<32xbf16> -> vector<16xf32>
        %mul3A_499 = arith.mulf %broadcast_in_dim3A_493, %unpack3A_497 : vector<16xf32>
        %add3A_500 = arith.addf %add3A_488, %mul3A_499 : vector<16xf32>
        %mul3A_501 = arith.mulf %broadcast_in_dim3A_493, %unpack3A_498 : vector<16xf32>
        %add3A_502 = arith.addf %add3A_490, %mul3A_501 : vector<16xf32>
        %slice3A_503 = vector.extract_strided_slice %get3A_434 {offsets = [6], sizes = [1], strides = [1]} : vector<16xf32> to vector<1xf32>
        %squeeze3A_504 = vector.extract %slice3A_503[0] : f32 from vector<1xf32>
        %broadcast_in_dim3A_505 = vector.broadcast %squeeze3A_504 : f32 to vector<16xf32>
        %get3A_506 = arith.index_cast %scan3A_423 : i32 to index
        %get3A_507 = arith.constant 192 : index
        %get3A_508 = tpu.vector_load %arg13[%get3A_506, %get3A_507] {strides = array<i32>} : memref<16x2048xbf16, #tpu.memory_space<vmem>>, vector<32xbf16>,
        %unpack3A_509 = tpu.unpack_subelements %get3A_508, 0 {pack_format = #tpu.pack_format<interleaved>} : vector<32xbf16> -> vector<16xf32>
        %unpack3A_510 = tpu.unpack_subelements %get3A_508, 1 {pack_format = #tpu.pack_format<interleaved>} : vector<32xbf16> -> vector<16xf32>
        %mul3A_511 = arith.mulf %broadcast_in_dim3A_505, %unpack3A_509 : vector<16xf32>
        %add3A_512 = arith.addf %add3A_500, %mul3A_511 : vector<16xf32>
        %mul3A_513 = arith.mulf %broadcast_in_dim3A_505, %unpack3A_510 : vector<16xf32>
        %add3A_514 = arith.addf %add3A_502, %mul3A_513 : vector<16xf32>
        %slice3A_515 = vector.extract_strided_slice %get3A_434 {offsets = [7], sizes = [1], strides = [1]} : vector<16xf32> to vector<1xf32>
        %squeeze3A_516 = vector.extract %slice3A_515[0] : f32 from vector<1xf32>
        %broadcast_in_dim3A_517 = vector.broadcast %squeeze3A_516 : f32 to vector<16xf32>
        %get3A_518 = arith.index_cast %scan3A_423 : i32 to index
        %get3A_519 = arith.constant 224 : index
        %get3A_520 = tpu.vector_load %arg13[%get3A_518, %get3A_519] {strides = array<i32>} : memref<16x2048xbf16, #tpu.memory_space<vmem>>, vector<32xbf16>,
        %unpack3A_521 = tpu.unpack_subelements %get3A_520, 0 {pack_format = #tpu.pack_format<interleaved>} : vector<32xbf16> -> vector<16xf32>
        %unpack3A_522 = tpu.unpack_subelements %get3A_520, 1 {pack_format = #tpu.pack_format<interleaved>} : vector<32xbf16> -> vector<16xf32>
        %mul3A_523 = arith.mulf %broadcast_in_dim3A_517, %unpack3A_521 : vector<16xf32>
        %add3A_524 = arith.addf %add3A_512, %mul3A_523 : vector<16xf32>
        %mul3A_525 = arith.mulf %broadcast_in_dim3A_517, %unpack3A_522 : vector<16xf32>
        %add3A_526 = arith.addf %add3A_514, %mul3A_525 : vector<16xf32>
        %slice3A_527 = vector.extract_strided_slice %get3A_434 {offsets = [8], sizes = [1], strides = [1]} : vector<16xf32> to vector<1xf32>
        %squeeze3A_528 = vector.extract %slice3A_527[0] : f32 from vector<1xf32>
        %broadcast_in_dim3A_529 = vector.broadcast %squeeze3A_528 : f32 to vector<16xf32>
        %get3A_530 = arith.index_cast %scan3A_423 : i32 to index
        %get3A_531 = arith.constant 256 : index
        %get3A_532 = tpu.vector_load %arg13[%get3A_530, %get3A_531] {strides = array<i32>} : memref<16x2048xbf16, #tpu.memory_space<vmem>>, vector<32xbf16>,
        %unpack3A_533 = tpu.unpack_subelements %get3A_532, 0 {pack_format = #tpu.pack_format<interleaved>} : vector<32xbf16> -> vector<16xf32>
        %unpack3A_534 = tpu.unpack_subelements %get3A_532, 1 {pack_format = #tpu.pack_format<interleaved>} : vector<32xbf16> -> vector<16xf32>
        %mul3A_535 = arith.mulf %broadcast_in_dim3A_529, %unpack3A_533 : vector<16xf32>
        %add3A_536 = arith.addf %add3A_524, %mul3A_535 : vector<16xf32>
        %mul3A_537 = arith.mulf %broadcast_in_dim3A_529, %unpack3A_534 : vector<16xf32>
        %add3A_538 = arith.addf %add3A_526, %mul3A_537 : vector<16xf32>
        %slice3A_539 = vector.extract_strided_slice %get3A_434 {offsets = [9], sizes = [1], strides = [1]} : vector<16xf32> to vector<1xf32>
        %squeeze3A_540 = vector.extract %slice3A_539[0] : f32 from vector<1xf32>
        %broadcast_in_dim3A_541 = vector.broadcast %squeeze3A_540 : f32 to vector<16xf32>
        %get3A_542 = arith.index_cast %scan3A_423 : i32 to index
        %get3A_543 = arith.constant 288 : index
        %get3A_544 = tpu.vector_load %arg13[%get3A_542, %get3A_543] {strides = array<i32>} : memref<16x2048xbf16, #tpu.memory_space<vmem>>, vector<32xbf16>,
        %unpack3A_545 = tpu.unpack_subelements %get3A_544, 0 {pack_format = #tpu.pack_format<interleaved>} : vector<32xbf16> -> vector<16xf32>
        %unpack3A_546 = tpu.unpack_subelements %get3A_544, 1 {pack_format = #tpu.pack_format<interleaved>} : vector<32xbf16> -> vector<16xf32>
        %mul3A_547 = arith.mulf %broadcast_in_dim3A_541, %unpack3A_545 : vector<16xf32>
        %add3A_548 = arith.addf %add3A_536, %mul3A_547 : vector<16xf32>
        %mul3A_549 = arith.mulf %broadcast_in_dim3A_541, %unpack3A_546 : vector<16xf32>
        %add3A_550 = arith.addf %add3A_538, %mul3A_549 : vector<16xf32>
        %slice3A_551 = vector.extract_strided_slice %get3A_434 {offsets = [10], sizes = [1], strides = [1]} : vector<16xf32> to vector<1xf32>
        %squeeze3A_552 = vector.extract %slice3A_551[0] : f32 from vector<1xf32>
        %broadcast_in_dim3A_553 = vector.broadcast %squeeze3A_552 : f32 to vector<16xf32>
        %get3A_554 = arith.index_cast %scan3A_423 : i32 to index
        %get3A_555 = arith.constant 320 : index
        %get3A_556 = tpu.vector_load %arg13[%get3A_554, %get3A_555] {strides = array<i32>} : memref<16x2048xbf16, #tpu.memory_space<vmem>>, vector<32xbf16>,
        %unpack3A_557 = tpu.unpack_subelements %get3A_556, 0 {pack_format = #tpu.pack_format<interleaved>} : vector<32xbf16> -> vector<16xf32>
        %unpack3A_558 = tpu.unpack_subelements %get3A_556, 1 {pack_format = #tpu.pack_format<interleaved>} : vector<32xbf16> -> vector<16xf32>
        %mul3A_559 = arith.mulf %broadcast_in_dim3A_553, %unpack3A_557 : vector<16xf32>
        %add3A_560 = arith.addf %add3A_548, %mul3A_559 : vector<16xf32>
        %mul3A_561 = arith.mulf %broadcast_in_dim3A_553, %unpack3A_558 : vector<16xf32>
        %add3A_562 = arith.addf %add3A_550, %mul3A_561 : vector<16xf32>
        %slice3A_563 = vector.extract_strided_slice %get3A_434 {offsets = [11], sizes = [1], strides = [1]} : vector<16xf32> to vector<1xf32>
        %squeeze3A_564 = vector.extract %slice3A_563[0] : f32 from vector<1xf32>
        %broadcast_in_dim3A_565 = vector.broadcast %squeeze3A_564 : f32 to vector<16xf32>
        %get3A_566 = arith.index_cast %scan3A_423 : i32 to index
        %get3A_567 = arith.constant 352 : index
        %get3A_568 = tpu.vector_load %arg13[%get3A_566, %get3A_567] {strides = array<i32>} : memref<16x2048xbf16, #tpu.memory_space<vmem>>, vector<32xbf16>,
        %unpack3A_569 = tpu.unpack_subelements %get3A_568, 0 {pack_format = #tpu.pack_format<interleaved>} : vector<32xbf16> -> vector<16xf32>
        %unpack3A_570 = tpu.unpack_subelements %get3A_568, 1 {pack_format = #tpu.pack_format<interleaved>} : vector<32xbf16> -> vector<16xf32>
        %mul3A_571 = arith.mulf %broadcast_in_dim3A_565, %unpack3A_569 : vector<16xf32>
        %add3A_572 = arith.addf %add3A_560, %mul3A_571 : vector<16xf32>
        %mul3A_573 = arith.mulf %broadcast_in_dim3A_565, %unpack3A_570 : vector<16xf32>
        %add3A_574 = arith.addf %add3A_562, %mul3A_573 : vector<16xf32>
        %slice3A_575 = vector.extract_strided_slice %get3A_434 {offsets = [12], sizes = [1], strides = [1]} : vector<16xf32> to vector<1xf32>
        %squeeze3A_576 = vector.extract %slice3A_575[0] : f32 from vector<1xf32>
        %broadcast_in_dim3A_577 = vector.broadcast %squeeze3A_576 : f32 to vector<16xf32>
        %get3A_578 = arith.index_cast %scan3A_423 : i32 to index
        %get3A_579 = arith.constant 384 : index
        %get3A_580 = tpu.vector_load %arg13[%get3A_578, %get3A_579] {strides = array<i32>} : memref<16x2048xbf16, #tpu.memory_space<vmem>>, vector<32xbf16>,
        %unpack3A_581 = tpu.unpack_subelements %get3A_580, 0 {pack_format = #tpu.pack_format<interleaved>} : vector<32xbf16> -> vector<16xf32>
        %unpack3A_582 = tpu.unpack_subelements %get3A_580, 1 {pack_format = #tpu.pack_format<interleaved>} : vector<32xbf16> -> vector<16xf32>
        %mul3A_583 = arith.mulf %broadcast_in_dim3A_577, %unpack3A_581 : vector<16xf32>
        %add3A_584 = arith.addf %add3A_572, %mul3A_583 : vector<16xf32>
        %mul3A_585 = arith.mulf %broadcast_in_dim3A_577, %unpack3A_582 : vector<16xf32>
        %add3A_586 = arith.addf %add3A_574, %mul3A_585 : vector<16xf32>
        %slice3A_587 = vector.extract_strided_slice %get3A_434 {offsets = [13], sizes = [1], strides = [1]} : vector<16xf32> to vector<1xf32>
        %squeeze3A_588 = vector.extract %slice3A_587[0] : f32 from vector<1xf32>
        %broadcast_in_dim3A_589 = vector.broadcast %squeeze3A_588 : f32 to vector<16xf32>
        %get3A_590 = arith.index_cast %scan3A_423 : i32 to index
        %get3A_591 = arith.constant 416 : index
        %get3A_592 = tpu.vector_load %arg13[%get3A_590, %get3A_591] {strides = array<i32>} : memref<16x2048xbf16, #tpu.memory_space<vmem>>, vector<32xbf16>,
        %unpack3A_593 = tpu.unpack_subelements %get3A_592, 0 {pack_format = #tpu.pack_format<interleaved>} : vector<32xbf16> -> vector<16xf32>
        %unpack3A_594 = tpu.unpack_subelements %get3A_592, 1 {pack_format = #tpu.pack_format<interleaved>} : vector<32xbf16> -> vector<16xf32>
        %mul3A_595 = arith.mulf %broadcast_in_dim3A_589, %unpack3A_593 : vector<16xf32>
        %add3A_596 = arith.addf %add3A_584, %mul3A_595 : vector<16xf32>
        %mul3A_597 = arith.mulf %broadcast_in_dim3A_589, %unpack3A_594 : vector<16xf32>
        %add3A_598 = arith.addf %add3A_586, %mul3A_597 : vector<16xf32>
        %slice3A_599 = vector.extract_strided_slice %get3A_434 {offsets = [14], sizes = [1], strides = [1]} : vector<16xf32> to vector<1xf32>
        %squeeze3A_600 = vector.extract %slice3A_599[0] : f32 from vector<1xf32>
        %broadcast_in_dim3A_601 = vector.broadcast %squeeze3A_600 : f32 to vector<16xf32>
        %get3A_602 = arith.index_cast %scan3A_423 : i32 to index
        %get3A_603 = arith.constant 448 : index
        %get3A_604 = tpu.vector_load %arg13[%get3A_602, %get3A_603] {strides = array<i32>} : memref<16x2048xbf16, #tpu.memory_space<vmem>>, vector<32xbf16>,
        %unpack3A_605 = tpu.unpack_subelements %get3A_604, 0 {pack_format = #tpu.pack_format<interleaved>} : vector<32xbf16> -> vector<16xf32>
        %unpack3A_606 = tpu.unpack_subelements %get3A_604, 1 {pack_format = #tpu.pack_format<interleaved>} : vector<32xbf16> -> vector<16xf32>
        %mul3A_607 = arith.mulf %broadcast_in_dim3A_601, %unpack3A_605 : vector<16xf32>
        %add3A_608 = arith.addf %add3A_596, %mul3A_607 : vector<16xf32>
        %mul3A_609 = arith.mulf %broadcast_in_dim3A_601, %unpack3A_606 : vector<16xf32>
        %add3A_610 = arith.addf %add3A_598, %mul3A_609 : vector<16xf32>
        %slice3A_611 = vector.extract_strided_slice %get3A_434 {offsets = [15], sizes = [1], strides = [1]} : vector<16xf32> to vector<1xf32>
        %squeeze3A_612 = vector.extract %slice3A_611[0] : f32 from vector<1xf32>
        %broadcast_in_dim3A_613 = vector.broadcast %squeeze3A_612 : f32 to vector<16xf32>
        %get3A_614 = arith.index_cast %scan3A_423 : i32 to index
        %get3A_615 = arith.constant 480 : index
        %get3A_616 = tpu.vector_load %arg13[%get3A_614, %get3A_615] {strides = array<i32>} : memref<16x2048xbf16, #tpu.memory_space<vmem>>, vector<32xbf16>,
        %unpack3A_617 = tpu.unpack_subelements %get3A_616, 0 {pack_format = #tpu.pack_format<interleaved>} : vector<32xbf16> -> vector<16xf32>
        %unpack3A_618 = tpu.unpack_subelements %get3A_616, 1 {pack_format = #tpu.pack_format<interleaved>} : vector<32xbf16> -> vector<16xf32>
        %mul3A_619 = arith.mulf %broadcast_in_dim3A_613, %unpack3A_617 : vector<16xf32>
        %add3A_620 = arith.addf %add3A_608, %mul3A_619 : vector<16xf32>
        %mul3A_621 = arith.mulf %broadcast_in_dim3A_613, %unpack3A_618 : vector<16xf32>
        %add3A_622 = arith.addf %add3A_610, %mul3A_621 : vector<16xf32>
        %get3A_623 = arith.index_cast %add3A_426 : i32 to index
        %get3A_624 = arith.constant 16 : index
        %get3A_625 = tpu.vector_load %arg9[%get3A_623, %get3A_624] {strides = array<i32>} : memref<256x64xf32, #tpu.memory_space<vmem>>, vector<16xf32>,
        %slice3A_626 = vector.extract_strided_slice %get3A_625 {offsets = [0], sizes = [1], strides = [1]} : vector<16xf32> to vector<1xf32>
        %squeeze3A_627 = vector.extract %slice3A_626[0] : f32 from vector<1xf32>
        %broadcast_in_dim3A_628 = vector.broadcast %squeeze3A_627 : f32 to vector<16xf32>
        %get3A_629 = arith.index_cast %scan3A_423 : i32 to index
        %get3A_630 = arith.constant 512 : index
        %get3A_631 = tpu.vector_load %arg13[%get3A_629, %get3A_630] {strides = array<i32>} : memref<16x2048xbf16, #tpu.memory_space<vmem>>, vector<32xbf16>,
        %unpack3A_632 = tpu.unpack_subelements %get3A_631, 0 {pack_format = #tpu.pack_format<interleaved>} : vector<32xbf16> -> vector<16xf32>
        %unpack3A_633 = tpu.unpack_subelements %get3A_631, 1 {pack_format = #tpu.pack_format<interleaved>} : vector<32xbf16> -> vector<16xf32>
        %mul3A_634 = arith.mulf %broadcast_in_dim3A_628, %unpack3A_632 : vector<16xf32>
        %add3A_635 = arith.addf %add3A_620, %mul3A_634 : vector<16xf32>
        %mul3A_636 = arith.mulf %broadcast_in_dim3A_628, %unpack3A_633 : vector<16xf32>
        %add3A_637 = arith.addf %add3A_622, %mul3A_636 : vector<16xf32>
        %slice3A_638 = vector.extract_strided_slice %get3A_625 {offsets = [1], sizes = [1], strides = [1]} : vector<16xf32> to vector<1xf32>
        %squeeze3A_639 = vector.extract %slice3A_638[0] : f32 from vector<1xf32>
        %broadcast_in_dim3A_640 = vector.broadcast %squeeze3A_639 : f32 to vector<16xf32>
        %get3A_641 = arith.index_cast %scan3A_423 : i32 to index
        %get3A_642 = arith.constant 544 : index
        %get3A_643 = tpu.vector_load %arg13[%get3A_641, %get3A_642] {strides = array<i32>} : memref<16x2048xbf16, #tpu.memory_space<vmem>>, vector<32xbf16>,
        %unpack3A_644 = tpu.unpack_subelements %get3A_643, 0 {pack_format = #tpu.pack_format<interleaved>} : vector<32xbf16> -> vector<16xf32>
        %unpack3A_645 = tpu.unpack_subelements %get3A_643, 1 {pack_format = #tpu.pack_format<interleaved>} : vector<32xbf16> -> vector<16xf32>
        %mul3A_646 = arith.mulf %broadcast_in_dim3A_640, %unpack3A_644 : vector<16xf32>
        %add3A_647 = arith.addf %add3A_635, %mul3A_646 : vector<16xf32>
        %mul3A_648 = arith.mulf %broadcast_in_dim3A_640, %unpack3A_645 : vector<16xf32>
        %add3A_649 = arith.addf %add3A_637, %mul3A_648 : vector<16xf32>
        %slice3A_650 = vector.extract_strided_slice %get3A_625 {offsets = [2], sizes = [1], strides = [1]} : vector<16xf32> to vector<1xf32>
        %squeeze3A_651 = vector.extract %slice3A_650[0] : f32 from vector<1xf32>
        %broadcast_in_dim3A_652 = vector.broadcast %squeeze3A_651 : f32 to vector<16xf32>
        %get3A_653 = arith.index_cast %scan3A_423 : i32 to index
        %get3A_654 = arith.constant 576 : index
        %get3A_655 = tpu.vector_load %arg13[%get3A_653, %get3A_654] {strides = array<i32>} : memref<16x2048xbf16, #tpu.memory_space<vmem>>, vector<32xbf16>,
        %unpack3A_656 = tpu.unpack_subelements %get3A_655, 0 {pack_format = #tpu.pack_format<interleaved>} : vector<32xbf16> -> vector<16xf32>
        %unpack3A_657 = tpu.unpack_subelements %get3A_655, 1 {pack_format = #tpu.pack_format<interleaved>} : vector<32xbf16> -> vector<16xf32>
        %mul3A_658 = arith.mulf %broadcast_in_dim3A_652, %unpack3A_656 : vector<16xf32>
        %add3A_659 = arith.addf %add3A_647, %mul3A_658 : vector<16xf32>
        %mul3A_660 = arith.mulf %broadcast_in_dim3A_652, %unpack3A_657 : vector<16xf32>
        %add3A_661 = arith.addf %add3A_649, %mul3A_660 : vector<16xf32>
        %slice3A_662 = vector.extract_strided_slice %get3A_625 {offsets = [3], sizes = [1], strides = [1]} : vector<16xf32> to vector<1xf32>
        %squeeze3A_663 = vector.extract %slice3A_662[0] : f32 from vector<1xf32>
        %broadcast_in_dim3A_664 = vector.broadcast %squeeze3A_663 : f32 to vector<16xf32>
        %get3A_665 = arith.index_cast %scan3A_423 : i32 to index
        %get3A_666 = arith.constant 608 : index
        %get3A_667 = tpu.vector_load %arg13[%get3A_665, %get3A_666] {strides = array<i32>} : memref<16x2048xbf16, #tpu.memory_space<vmem>>, vector<32xbf16>,
        %unpack3A_668 = tpu.unpack_subelements %get3A_667, 0 {pack_format = #tpu.pack_format<interleaved>} : vector<32xbf16> -> vector<16xf32>
        %unpack3A_669 = tpu.unpack_subelements %get3A_667, 1 {pack_format = #tpu.pack_format<interleaved>} : vector<32xbf16> -> vector<16xf32>
        %mul3A_670 = arith.mulf %broadcast_in_dim3A_664, %unpack3A_668 : vector<16xf32>
        %add3A_671 = arith.addf %add3A_659, %mul3A_670 : vector<16xf32>
        %mul3A_672 = arith.mulf %broadcast_in_dim3A_664, %unpack3A_669 : vector<16xf32>
        %add3A_673 = arith.addf %add3A_661, %mul3A_672 : vector<16xf32>
        %slice3A_674 = vector.extract_strided_slice %get3A_625 {offsets = [4], sizes = [1], strides = [1]} : vector<16xf32> to vector<1xf32>
        %squeeze3A_675 = vector.extract %slice3A_674[0] : f32 from vector<1xf32>
        %broadcast_in_dim3A_676 = vector.broadcast %squeeze3A_675 : f32 to vector<16xf32>
        %get3A_677 = arith.index_cast %scan3A_423 : i32 to index
        %get3A_678 = arith.constant 640 : index
        %get3A_679 = tpu.vector_load %arg13[%get3A_677, %get3A_678] {strides = array<i32>} : memref<16x2048xbf16, #tpu.memory_space<vmem>>, vector<32xbf16>,
        %unpack3A_680 = tpu.unpack_subelements %get3A_679, 0 {pack_format = #tpu.pack_format<interleaved>} : vector<32xbf16> -> vector<16xf32>
        %unpack3A_681 = tpu.unpack_subelements %get3A_679, 1 {pack_format = #tpu.pack_format<interleaved>} : vector<32xbf16> -> vector<16xf32>
        %mul3A_682 = arith.mulf %broadcast_in_dim3A_676, %unpack3A_680 : vector<16xf32>
        %add3A_683 = arith.addf %add3A_671, %mul3A_682 : vector<16xf32>
        %mul3A_684 = arith.mulf %broadcast_in_dim3A_676, %unpack3A_681 : vector<16xf32>
        %add3A_685 = arith.addf %add3A_673, %mul3A_684 : vector<16xf32>
        %slice3A_686 = vector.extract_strided_slice %get3A_625 {offsets = [5], sizes = [1], strides = [1]} : vector<16xf32> to vector<1xf32>
        %squeeze3A_687 = vector.extract %slice3A_686[0] : f32 from vector<1xf32>
        %broadcast_in_dim3A_688 = vector.broadcast %squeeze3A_687 : f32 to vector<16xf32>
        %get3A_689 = arith.index_cast %scan3A_423 : i32 to index
        %get3A_690 = arith.constant 672 : index
        %get3A_691 = tpu.vector_load %arg13[%get3A_689, %get3A_690] {strides = array<i32>} : memref<16x2048xbf16, #tpu.memory_space<vmem>>, vector<32xbf16>,
        %unpack3A_692 = tpu.unpack_subelements %get3A_691, 0 {pack_format = #tpu.pack_format<interleaved>} : vector<32xbf16> -> vector<16xf32>
        %unpack3A_693 = tpu.unpack_subelements %get3A_691, 1 {pack_format = #tpu.pack_format<interleaved>} : vector<32xbf16> -> vector<16xf32>
        %mul3A_694 = arith.mulf %broadcast_in_dim3A_688, %unpack3A_692 : vector<16xf32>
        %add3A_695 = arith.addf %add3A_683, %mul3A_694 : vector<16xf32>
        %mul3A_696 = arith.mulf %broadcast_in_dim3A_688, %unpack3A_693 : vector<16xf32>
        %add3A_697 = arith.addf %add3A_685, %mul3A_696 : vector<16xf32>
        %slice3A_698 = vector.extract_strided_slice %get3A_625 {offsets = [6], sizes = [1], strides = [1]} : vector<16xf32> to vector<1xf32>
        %squeeze3A_699 = vector.extract %slice3A_698[0] : f32 from vector<1xf32>
        %broadcast_in_dim3A_700 = vector.broadcast %squeeze3A_699 : f32 to vector<16xf32>
        %get3A_701 = arith.index_cast %scan3A_423 : i32 to index
        %get3A_702 = arith.constant 704 : index
        %get3A_703 = tpu.vector_load %arg13[%get3A_701, %get3A_702] {strides = array<i32>} : memref<16x2048xbf16, #tpu.memory_space<vmem>>, vector<32xbf16>,
        %unpack3A_704 = tpu.unpack_subelements %get3A_703, 0 {pack_format = #tpu.pack_format<interleaved>} : vector<32xbf16> -> vector<16xf32>
        %unpack3A_705 = tpu.unpack_subelements %get3A_703, 1 {pack_format = #tpu.pack_format<interleaved>} : vector<32xbf16> -> vector<16xf32>
        %mul3A_706 = arith.mulf %broadcast_in_dim3A_700, %unpack3A_704 : vector<16xf32>
        %add3A_707 = arith.addf %add3A_695, %mul3A_706 : vector<16xf32>
        %mul3A_708 = arith.mulf %broadcast_in_dim3A_700, %unpack3A_705 : vector<16xf32>
        %add3A_709 = arith.addf %add3A_697, %mul3A_708 : vector<16xf32>
        %slice3A_710 = vector.extract_strided_slice %get3A_625 {offsets = [7], sizes = [1], strides = [1]} : vector<16xf32> to vector<1xf32>
        %squeeze3A_711 = vector.extract %slice3A_710[0] : f32 from vector<1xf32>
        %broadcast_in_dim3A_712 = vector.broadcast %squeeze3A_711 : f32 to vector<16xf32>
        %get3A_713 = arith.index_cast %scan3A_423 : i32 to index
        %get3A_714 = arith.constant 736 : index
        %get3A_715 = tpu.vector_load %arg13[%get3A_713, %get3A_714] {strides = array<i32>} : memref<16x2048xbf16, #tpu.memory_space<vmem>>, vector<32xbf16>,
        %unpack3A_716 = tpu.unpack_subelements %get3A_715, 0 {pack_format = #tpu.pack_format<interleaved>} : vector<32xbf16> -> vector<16xf32>
        %unpack3A_717 = tpu.unpack_subelements %get3A_715, 1 {pack_format = #tpu.pack_format<interleaved>} : vector<32xbf16> -> vector<16xf32>
        %mul3A_718 = arith.mulf %broadcast_in_dim3A_712, %unpack3A_716 : vector<16xf32>
        %add3A_719 = arith.addf %add3A_707, %mul3A_718 : vector<16xf32>
        %mul3A_720 = arith.mulf %broadcast_in_dim3A_712, %unpack3A_717 : vector<16xf32>
        %add3A_721 = arith.addf %add3A_709, %mul3A_720 : vector<16xf32>
        %slice3A_722 = vector.extract_strided_slice %get3A_625 {offsets = [8], sizes = [1], strides = [1]} : vector<16xf32> to vector<1xf32>
        %squeeze3A_723 = vector.extract %slice3A_722[0] : f32 from vector<1xf32>
        %broadcast_in_dim3A_724 = vector.broadcast %squeeze3A_723 : f32 to vector<16xf32>
        %get3A_725 = arith.index_cast %scan3A_423 : i32 to index
        %get3A_726 = arith.constant 768 : index
        %get3A_727 = tpu.vector_load %arg13[%get3A_725, %get3A_726] {strides = array<i32>} : memref<16x2048xbf16, #tpu.memory_space<vmem>>, vector<32xbf16>,
        %unpack3A_728 = tpu.unpack_subelements %get3A_727, 0 {pack_format = #tpu.pack_format<interleaved>} : vector<32xbf16> -> vector<16xf32>
        %unpack3A_729 = tpu.unpack_subelements %get3A_727, 1 {pack_format = #tpu.pack_format<interleaved>} : vector<32xbf16> -> vector<16xf32>
        %mul3A_730 = arith.mulf %broadcast_in_dim3A_724, %unpack3A_728 : vector<16xf32>
        %add3A_731 = arith.addf %add3A_719, %mul3A_730 : vector<16xf32>
        %mul3A_732 = arith.mulf %broadcast_in_dim3A_724, %unpack3A_729 : vector<16xf32>
        %add3A_733 = arith.addf %add3A_721, %mul3A_732 : vector<16xf32>
        %slice3A_734 = vector.extract_strided_slice %get3A_625 {offsets = [9], sizes = [1], strides = [1]} : vector<16xf32> to vector<1xf32>
        %squeeze3A_735 = vector.extract %slice3A_734[0] : f32 from vector<1xf32>
        %broadcast_in_dim3A_736 = vector.broadcast %squeeze3A_735 : f32 to vector<16xf32>
        %get3A_737 = arith.index_cast %scan3A_423 : i32 to index
        %get3A_738 = arith.constant 800 : index
        %get3A_739 = tpu.vector_load %arg13[%get3A_737, %get3A_738] {strides = array<i32>} : memref<16x2048xbf16, #tpu.memory_space<vmem>>, vector<32xbf16>,
        %unpack3A_740 = tpu.unpack_subelements %get3A_739, 0 {pack_format = #tpu.pack_format<interleaved>} : vector<32xbf16> -> vector<16xf32>
        %unpack3A_741 = tpu.unpack_subelements %get3A_739, 1 {pack_format = #tpu.pack_format<interleaved>} : vector<32xbf16> -> vector<16xf32>
        %mul3A_742 = arith.mulf %broadcast_in_dim3A_736, %unpack3A_740 : vector<16xf32>
        %add3A_743 = arith.addf %add3A_731, %mul3A_742 : vector<16xf32>
        %mul3A_744 = arith.mulf %broadcast_in_dim3A_736, %unpack3A_741 : vector<16xf32>
        %add3A_745 = arith.addf %add3A_733, %mul3A_744 : vector<16xf32>
        %slice3A_746 = vector.extract_strided_slice %get3A_625 {offsets = [10], sizes = [1], strides = [1]} : vector<16xf32> to vector<1xf32>
        %squeeze3A_747 = vector.extract %slice3A_746[0] : f32 from vector<1xf32>
        %broadcast_in_dim3A_748 = vector.broadcast %squeeze3A_747 : f32 to vector<16xf32>
        %get3A_749 = arith.index_cast %scan3A_423 : i32 to index
        %get3A_750 = arith.constant 832 : index
        %get3A_751 = tpu.vector_load %arg13[%get3A_749, %get3A_750] {strides = array<i32>} : memref<16x2048xbf16, #tpu.memory_space<vmem>>, vector<32xbf16>,
        %unpack3A_752 = tpu.unpack_subelements %get3A_751, 0 {pack_format = #tpu.pack_format<interleaved>} : vector<32xbf16> -> vector<16xf32>
        %unpack3A_753 = tpu.unpack_subelements %get3A_751, 1 {pack_format = #tpu.pack_format<interleaved>} : vector<32xbf16> -> vector<16xf32>
        %mul3A_754 = arith.mulf %broadcast_in_dim3A_748, %unpack3A_752 : vector<16xf32>
        %add3A_755 = arith.addf %add3A_743, %mul3A_754 : vector<16xf32>
        %mul3A_756 = arith.mulf %broadcast_in_dim3A_748, %unpack3A_753 : vector<16xf32>
        %add3A_757 = arith.addf %add3A_745, %mul3A_756 : vector<16xf32>
        %slice3A_758 = vector.extract_strided_slice %get3A_625 {offsets = [11], sizes = [1], strides = [1]} : vector<16xf32> to vector<1xf32>
        %squeeze3A_759 = vector.extract %slice3A_758[0] : f32 from vector<1xf32>
        %broadcast_in_dim3A_760 = vector.broadcast %squeeze3A_759 : f32 to vector<16xf32>
        %get3A_761 = arith.index_cast %scan3A_423 : i32 to index
        %get3A_762 = arith.constant 864 : index
        %get3A_763 = tpu.vector_load %arg13[%get3A_761, %get3A_762] {strides = array<i32>} : memref<16x2048xbf16, #tpu.memory_space<vmem>>, vector<32xbf16>,
        %unpack3A_764 = tpu.unpack_subelements %get3A_763, 0 {pack_format = #tpu.pack_format<interleaved>} : vector<32xbf16> -> vector<16xf32>
        %unpack3A_765 = tpu.unpack_subelements %get3A_763, 1 {pack_format = #tpu.pack_format<interleaved>} : vector<32xbf16> -> vector<16xf32>
        %mul3A_766 = arith.mulf %broadcast_in_dim3A_760, %unpack3A_764 : vector<16xf32>
        %add3A_767 = arith.addf %add3A_755, %mul3A_766 : vector<16xf32>
        %mul3A_768 = arith.mulf %broadcast_in_dim3A_760, %unpack3A_765 : vector<16xf32>
        %add3A_769 = arith.addf %add3A_757, %mul3A_768 : vector<16xf32>
        %slice3A_770 = vector.extract_strided_slice %get3A_625 {offsets = [12], sizes = [1], strides = [1]} : vector<16xf32> to vector<1xf32>
        %squeeze3A_771 = vector.extract %slice3A_770[0] : f32 from vector<1xf32>
        %broadcast_in_dim3A_772 = vector.broadcast %squeeze3A_771 : f32 to vector<16xf32>
        %get3A_773 = arith.index_cast %scan3A_423 : i32 to index
        %get3A_774 = arith.constant 896 : index
        %get3A_775 = tpu.vector_load %arg13[%get3A_773, %get3A_774] {strides = array<i32>} : memref<16x2048xbf16, #tpu.memory_space<vmem>>, vector<32xbf16>,
        %unpack3A_776 = tpu.unpack_subelements %get3A_775, 0 {pack_format = #tpu.pack_format<interleaved>} : vector<32xbf16> -> vector<16xf32>
        %unpack3A_777 = tpu.unpack_subelements %get3A_775, 1 {pack_format = #tpu.pack_format<interleaved>} : vector<32xbf16> -> vector<16xf32>
        %mul3A_778 = arith.mulf %broadcast_in_dim3A_772, %unpack3A_776 : vector<16xf32>
        %add3A_779 = arith.addf %add3A_767, %mul3A_778 : vector<16xf32>
        %mul3A_780 = arith.mulf %broadcast_in_dim3A_772, %unpack3A_777 : vector<16xf32>
        %add3A_781 = arith.addf %add3A_769, %mul3A_780 : vector<16xf32>
        %slice3A_782 = vector.extract_strided_slice %get3A_625 {offsets = [13], sizes = [1], strides = [1]} : vector<16xf32> to vector<1xf32>
        %squeeze3A_783 = vector.extract %slice3A_782[0] : f32 from vector<1xf32>
        %broadcast_in_dim3A_784 = vector.broadcast %squeeze3A_783 : f32 to vector<16xf32>
        %get3A_785 = arith.index_cast %scan3A_423 : i32 to index
        %get3A_786 = arith.constant 928 : index
        %get3A_787 = tpu.vector_load %arg13[%get3A_785, %get3A_786] {strides = array<i32>} : memref<16x2048xbf16, #tpu.memory_space<vmem>>, vector<32xbf16>,
        %unpack3A_788 = tpu.unpack_subelements %get3A_787, 0 {pack_format = #tpu.pack_format<interleaved>} : vector<32xbf16> -> vector<16xf32>
        %unpack3A_789 = tpu.unpack_subelements %get3A_787, 1 {pack_format = #tpu.pack_format<interleaved>} : vector<32xbf16> -> vector<16xf32>
        %mul3A_790 = arith.mulf %broadcast_in_dim3A_784, %unpack3A_788 : vector<16xf32>
        %add3A_791 = arith.addf %add3A_779, %mul3A_790 : vector<16xf32>
        %mul3A_792 = arith.mulf %broadcast_in_dim3A_784, %unpack3A_789 : vector<16xf32>
        %add3A_793 = arith.addf %add3A_781, %mul3A_792 : vector<16xf32>
        %slice3A_794 = vector.extract_strided_slice %get3A_625 {offsets = [14], sizes = [1], strides = [1]} : vector<16xf32> to vector<1xf32>
        %squeeze3A_795 = vector.extract %slice3A_794[0] : f32 from vector<1xf32>
        %broadcast_in_dim3A_796 = vector.broadcast %squeeze3A_795 : f32 to vector<16xf32>
        %get3A_797 = arith.index_cast %scan3A_423 : i32 to index
        %get3A_798 = arith.constant 960 : index
        %get3A_799 = tpu.vector_load %arg13[%get3A_797, %get3A_798] {strides = array<i32>} : memref<16x2048xbf16, #tpu.memory_space<vmem>>, vector<32xbf16>,
        %unpack3A_800 = tpu.unpack_subelements %get3A_799, 0 {pack_format = #tpu.pack_format<interleaved>} : vector<32xbf16> -> vector<16xf32>
        %unpack3A_801 = tpu.unpack_subelements %get3A_799, 1 {pack_format = #tpu.pack_format<interleaved>} : vector<32xbf16> -> vector<16xf32>
        %mul3A_802 = arith.mulf %broadcast_in_dim3A_796, %unpack3A_800 : vector<16xf32>
        %add3A_803 = arith.addf %add3A_791, %mul3A_802 : vector<16xf32>
        %mul3A_804 = arith.mulf %broadcast_in_dim3A_796, %unpack3A_801 : vector<16xf32>
        %add3A_805 = arith.addf %add3A_793, %mul3A_804 : vector<16xf32>
        %slice3A_806 = vector.extract_strided_slice %get3A_625 {offsets = [15], sizes = [1], strides = [1]} : vector<16xf32> to vector<1xf32>
        %squeeze3A_807 = vector.extract %slice3A_806[0] : f32 from vector<1xf32>
        %broadcast_in_dim3A_808 = vector.broadcast %squeeze3A_807 : f32 to vector<16xf32>
        %get3A_809 = arith.index_cast %scan3A_423 : i32 to index
        %get3A_810 = arith.constant 992 : index
        %get3A_811 = tpu.vector_load %arg13[%get3A_809, %get3A_810] {strides = array<i32>} : memref<16x2048xbf16, #tpu.memory_space<vmem>>, vector<32xbf16>,
        %unpack3A_812 = tpu.unpack_subelements %get3A_811, 0 {pack_format = #tpu.pack_format<interleaved>} : vector<32xbf16> -> vector<16xf32>
        %unpack3A_813 = tpu.unpack_subelements %get3A_811, 1 {pack_format = #tpu.pack_format<interleaved>} : vector<32xbf16> -> vector<16xf32>
        %mul3A_814 = arith.mulf %broadcast_in_dim3A_808, %unpack3A_812 : vector<16xf32>
        %add3A_815 = arith.addf %add3A_803, %mul3A_814 : vector<16xf32>
        %mul3A_816 = arith.mulf %broadcast_in_dim3A_808, %unpack3A_813 : vector<16xf32>
        %add3A_817 = arith.addf %add3A_805, %mul3A_816 : vector<16xf32>
        %get3A_818 = arith.index_cast %add3A_426 : i32 to index
        %get3A_819 = arith.constant 32 : index
        %get3A_820 = tpu.vector_load %arg9[%get3A_818, %get3A_819] {strides = array<i32>} : memref<256x64xf32, #tpu.memory_space<vmem>>, vector<16xf32>,
        %slice3A_821 = vector.extract_strided_slice %get3A_820 {offsets = [0], sizes = [1], strides = [1]} : vector<16xf32> to vector<1xf32>
        %squeeze3A_822 = vector.extract %slice3A_821[0] : f32 from vector<1xf32>
        %broadcast_in_dim3A_823 = vector.broadcast %squeeze3A_822 : f32 to vector<16xf32>
        %get3A_824 = arith.index_cast %scan3A_423 : i32 to index
        %get3A_825 = arith.constant 1024 : index
        %get3A_826 = tpu.vector_load %arg13[%get3A_824, %get3A_825] {strides = array<i32>} : memref<16x2048xbf16, #tpu.memory_space<vmem>>, vector<32xbf16>,
        %unpack3A_827 = tpu.unpack_subelements %get3A_826, 0 {pack_format = #tpu.pack_format<interleaved>} : vector<32xbf16> -> vector<16xf32>
        %unpack3A_828 = tpu.unpack_subelements %get3A_826, 1 {pack_format = #tpu.pack_format<interleaved>} : vector<32xbf16> -> vector<16xf32>
        %mul3A_829 = arith.mulf %broadcast_in_dim3A_823, %unpack3A_827 : vector<16xf32>
        %add3A_830 = arith.addf %add3A_815, %mul3A_829 : vector<16xf32>
        %mul3A_831 = arith.mulf %broadcast_in_dim3A_823, %unpack3A_828 : vector<16xf32>
        %add3A_832 = arith.addf %add3A_817, %mul3A_831 : vector<16xf32>
        %slice3A_833 = vector.extract_strided_slice %get3A_820 {offsets = [1], sizes = [1], strides = [1]} : vector<16xf32> to vector<1xf32>
        %squeeze3A_834 = vector.extract %slice3A_833[0] : f32 from vector<1xf32>
        %broadcast_in_dim3A_835 = vector.broadcast %squeeze3A_834 : f32 to vector<16xf32>
        %get3A_836 = arith.index_cast %scan3A_423 : i32 to index
        %get3A_837 = arith.constant 1056 : index
        %get3A_838 = tpu.vector_load %arg13[%get3A_836, %get3A_837] {strides = array<i32>} : memref<16x2048xbf16, #tpu.memory_space<vmem>>, vector<32xbf16>,
        %unpack3A_839 = tpu.unpack_subelements %get3A_838, 0 {pack_format = #tpu.pack_format<interleaved>} : vector<32xbf16> -> vector<16xf32>
        %unpack3A_840 = tpu.unpack_subelements %get3A_838, 1 {pack_format = #tpu.pack_format<interleaved>} : vector<32xbf16> -> vector<16xf32>
        %mul3A_841 = arith.mulf %broadcast_in_dim3A_835, %unpack3A_839 : vector<16xf32>
        %add3A_842 = arith.addf %add3A_830, %mul3A_841 : vector<16xf32>
        %mul3A_843 = arith.mulf %broadcast_in_dim3A_835, %unpack3A_840 : vector<16xf32>
        %add3A_844 = arith.addf %add3A_832, %mul3A_843 : vector<16xf32>
        %slice3A_845 = vector.extract_strided_slice %get3A_820 {offsets = [2], sizes = [1], strides = [1]} : vector<16xf32> to vector<1xf32>
        %squeeze3A_846 = vector.extract %slice3A_845[0] : f32 from vector<1xf32>
        %broadcast_in_dim3A_847 = vector.broadcast %squeeze3A_846 : f32 to vector<16xf32>
        %get3A_848 = arith.index_cast %scan3A_423 : i32 to index
        %get3A_849 = arith.constant 1088 : index
        %get3A_850 = tpu.vector_load %arg13[%get3A_848, %get3A_849] {strides = array<i32>} : memref<16x2048xbf16, #tpu.memory_space<vmem>>, vector<32xbf16>,
        %unpack3A_851 = tpu.unpack_subelements %get3A_850, 0 {pack_format = #tpu.pack_format<interleaved>} : vector<32xbf16> -> vector<16xf32>
        %unpack3A_852 = tpu.unpack_subelements %get3A_850, 1 {pack_format = #tpu.pack_format<interleaved>} : vector<32xbf16> -> vector<16xf32>
        %mul3A_853 = arith.mulf %broadcast_in_dim3A_847, %unpack3A_851 : vector<16xf32>
        %add3A_854 = arith.addf %add3A_842, %mul3A_853 : vector<16xf32>
        %mul3A_855 = arith.mulf %broadcast_in_dim3A_847, %unpack3A_852 : vector<16xf32>
        %add3A_856 = arith.addf %add3A_844, %mul3A_855 : vector<16xf32>
        %slice3A_857 = vector.extract_strided_slice %get3A_820 {offsets = [3], sizes = [1], strides = [1]} : vector<16xf32> to vector<1xf32>
        %squeeze3A_858 = vector.extract %slice3A_857[0] : f32 from vector<1xf32>
        %broadcast_in_dim3A_859 = vector.broadcast %squeeze3A_858 : f32 to vector<16xf32>
        %get3A_860 = arith.index_cast %scan3A_423 : i32 to index
        %get3A_861 = arith.constant 1120 : index
        %get3A_862 = tpu.vector_load %arg13[%get3A_860, %get3A_861] {strides = array<i32>} : memref<16x2048xbf16, #tpu.memory_space<vmem>>, vector<32xbf16>,
        %unpack3A_863 = tpu.unpack_subelements %get3A_862, 0 {pack_format = #tpu.pack_format<interleaved>} : vector<32xbf16> -> vector<16xf32>
        %unpack3A_864 = tpu.unpack_subelements %get3A_862, 1 {pack_format = #tpu.pack_format<interleaved>} : vector<32xbf16> -> vector<16xf32>
        %mul3A_865 = arith.mulf %broadcast_in_dim3A_859, %unpack3A_863 : vector<16xf32>
        %add3A_866 = arith.addf %add3A_854, %mul3A_865 : vector<16xf32>
        %mul3A_867 = arith.mulf %broadcast_in_dim3A_859, %unpack3A_864 : vector<16xf32>
        %add3A_868 = arith.addf %add3A_856, %mul3A_867 : vector<16xf32>
        %slice3A_869 = vector.extract_strided_slice %get3A_820 {offsets = [4], sizes = [1], strides = [1]} : vector<16xf32> to vector<1xf32>
        %squeeze3A_870 = vector.extract %slice3A_869[0] : f32 from vector<1xf32>
        %broadcast_in_dim3A_871 = vector.broadcast %squeeze3A_870 : f32 to vector<16xf32>
        %get3A_872 = arith.index_cast %scan3A_423 : i32 to index
        %get3A_873 = arith.constant 1152 : index
        %get3A_874 = tpu.vector_load %arg13[%get3A_872, %get3A_873] {strides = array<i32>} : memref<16x2048xbf16, #tpu.memory_space<vmem>>, vector<32xbf16>,
        %unpack3A_875 = tpu.unpack_subelements %get3A_874, 0 {pack_format = #tpu.pack_format<interleaved>} : vector<32xbf16> -> vector<16xf32>
        %unpack3A_876 = tpu.unpack_subelements %get3A_874, 1 {pack_format = #tpu.pack_format<interleaved>} : vector<32xbf16> -> vector<16xf32>
        %mul3A_877 = arith.mulf %broadcast_in_dim3A_871, %unpack3A_875 : vector<16xf32>
        %add3A_878 = arith.addf %add3A_866, %mul3A_877 : vector<16xf32>
        %mul3A_879 = arith.mulf %broadcast_in_dim3A_871, %unpack3A_876 : vector<16xf32>
        %add3A_880 = arith.addf %add3A_868, %mul3A_879 : vector<16xf32>
        %slice3A_881 = vector.extract_strided_slice %get3A_820 {offsets = [5], sizes = [1], strides = [1]} : vector<16xf32> to vector<1xf32>
        %squeeze3A_882 = vector.extract %slice3A_881[0] : f32 from vector<1xf32>
        %broadcast_in_dim3A_883 = vector.broadcast %squeeze3A_882 : f32 to vector<16xf32>
        %get3A_884 = arith.index_cast %scan3A_423 : i32 to index
        %get3A_885 = arith.constant 1184 : index
        %get3A_886 = tpu.vector_load %arg13[%get3A_884, %get3A_885] {strides = array<i32>} : memref<16x2048xbf16, #tpu.memory_space<vmem>>, vector<32xbf16>,
        %unpack3A_887 = tpu.unpack_subelements %get3A_886, 0 {pack_format = #tpu.pack_format<interleaved>} : vector<32xbf16> -> vector<16xf32>
        %unpack3A_888 = tpu.unpack_subelements %get3A_886, 1 {pack_format = #tpu.pack_format<interleaved>} : vector<32xbf16> -> vector<16xf32>
        %mul3A_889 = arith.mulf %broadcast_in_dim3A_883, %unpack3A_887 : vector<16xf32>
        %add3A_890 = arith.addf %add3A_878, %mul3A_889 : vector<16xf32>
        %mul3A_891 = arith.mulf %broadcast_in_dim3A_883, %unpack3A_888 : vector<16xf32>
        %add3A_892 = arith.addf %add3A_880, %mul3A_891 : vector<16xf32>
        %slice3A_893 = vector.extract_strided_slice %get3A_820 {offsets = [6], sizes = [1], strides = [1]} : vector<16xf32> to vector<1xf32>
        %squeeze3A_894 = vector.extract %slice3A_893[0] : f32 from vector<1xf32>
        %broadcast_in_dim3A_895 = vector.broadcast %squeeze3A_894 : f32 to vector<16xf32>
        %get3A_896 = arith.index_cast %scan3A_423 : i32 to index
        %get3A_897 = arith.constant 1216 : index
        %get3A_898 = tpu.vector_load %arg13[%get3A_896, %get3A_897] {strides = array<i32>} : memref<16x2048xbf16, #tpu.memory_space<vmem>>, vector<32xbf16>,
        %unpack3A_899 = tpu.unpack_subelements %get3A_898, 0 {pack_format = #tpu.pack_format<interleaved>} : vector<32xbf16> -> vector<16xf32>
        %unpack3A_900 = tpu.unpack_subelements %get3A_898, 1 {pack_format = #tpu.pack_format<interleaved>} : vector<32xbf16> -> vector<16xf32>
        %mul3A_901 = arith.mulf %broadcast_in_dim3A_895, %unpack3A_899 : vector<16xf32>
        %add3A_902 = arith.addf %add3A_890, %mul3A_901 : vector<16xf32>
        %mul3A_903 = arith.mulf %broadcast_in_dim3A_895, %unpack3A_900 : vector<16xf32>
        %add3A_904 = arith.addf %add3A_892, %mul3A_903 : vector<16xf32>
        %slice3A_905 = vector.extract_strided_slice %get3A_820 {offsets = [7], sizes = [1], strides = [1]} : vector<16xf32> to vector<1xf32>
        %squeeze3A_906 = vector.extract %slice3A_905[0] : f32 from vector<1xf32>
        %broadcast_in_dim3A_907 = vector.broadcast %squeeze3A_906 : f32 to vector<16xf32>
        %get3A_908 = arith.index_cast %scan3A_423 : i32 to index
        %get3A_909 = arith.constant 1248 : index
        %get3A_910 = tpu.vector_load %arg13[%get3A_908, %get3A_909] {strides = array<i32>} : memref<16x2048xbf16, #tpu.memory_space<vmem>>, vector<32xbf16>,
        %unpack3A_911 = tpu.unpack_subelements %get3A_910, 0 {pack_format = #tpu.pack_format<interleaved>} : vector<32xbf16> -> vector<16xf32>
        %unpack3A_912 = tpu.unpack_subelements %get3A_910, 1 {pack_format = #tpu.pack_format<interleaved>} : vector<32xbf16> -> vector<16xf32>
        %mul3A_913 = arith.mulf %broadcast_in_dim3A_907, %unpack3A_911 : vector<16xf32>
        %add3A_914 = arith.addf %add3A_902, %mul3A_913 : vector<16xf32>
        %mul3A_915 = arith.mulf %broadcast_in_dim3A_907, %unpack3A_912 : vector<16xf32>
        %add3A_916 = arith.addf %add3A_904, %mul3A_915 : vector<16xf32>
        %slice3A_917 = vector.extract_strided_slice %get3A_820 {offsets = [8], sizes = [1], strides = [1]} : vector<16xf32> to vector<1xf32>
        %squeeze3A_918 = vector.extract %slice3A_917[0] : f32 from vector<1xf32>
        %broadcast_in_dim3A_919 = vector.broadcast %squeeze3A_918 : f32 to vector<16xf32>
        %get3A_920 = arith.index_cast %scan3A_423 : i32 to index
        %get3A_921 = arith.constant 1280 : index
        %get3A_922 = tpu.vector_load %arg13[%get3A_920, %get3A_921] {strides = array<i32>} : memref<16x2048xbf16, #tpu.memory_space<vmem>>, vector<32xbf16>,
        %unpack3A_923 = tpu.unpack_subelements %get3A_922, 0 {pack_format = #tpu.pack_format<interleaved>} : vector<32xbf16> -> vector<16xf32>
        %unpack3A_924 = tpu.unpack_subelements %get3A_922, 1 {pack_format = #tpu.pack_format<interleaved>} : vector<32xbf16> -> vector<16xf32>
        %mul3A_925 = arith.mulf %broadcast_in_dim3A_919, %unpack3A_923 : vector<16xf32>
        %add3A_926 = arith.addf %add3A_914, %mul3A_925 : vector<16xf32>
        %mul3A_927 = arith.mulf %broadcast_in_dim3A_919, %unpack3A_924 : vector<16xf32>
        %add3A_928 = arith.addf %add3A_916, %mul3A_927 : vector<16xf32>
        %slice3A_929 = vector.extract_strided_slice %get3A_820 {offsets = [9], sizes = [1], strides = [1]} : vector<16xf32> to vector<1xf32>
        %squeeze3A_930 = vector.extract %slice3A_929[0] : f32 from vector<1xf32>
        %broadcast_in_dim3A_931 = vector.broadcast %squeeze3A_930 : f32 to vector<16xf32>
        %get3A_932 = arith.index_cast %scan3A_423 : i32 to index
        %get3A_933 = arith.constant 1312 : index
        %get3A_934 = tpu.vector_load %arg13[%get3A_932, %get3A_933] {strides = array<i32>} : memref<16x2048xbf16, #tpu.memory_space<vmem>>, vector<32xbf16>,
        %unpack3A_935 = tpu.unpack_subelements %get3A_934, 0 {pack_format = #tpu.pack_format<interleaved>} : vector<32xbf16> -> vector<16xf32>
        %unpack3A_936 = tpu.unpack_subelements %get3A_934, 1 {pack_format = #tpu.pack_format<interleaved>} : vector<32xbf16> -> vector<16xf32>
        %mul3A_937 = arith.mulf %broadcast_in_dim3A_931, %unpack3A_935 : vector<16xf32>
        %add3A_938 = arith.addf %add3A_926, %mul3A_937 : vector<16xf32>
        %mul3A_939 = arith.mulf %broadcast_in_dim3A_931, %unpack3A_936 : vector<16xf32>
        %add3A_940 = arith.addf %add3A_928, %mul3A_939 : vector<16xf32>
        %slice3A_941 = vector.extract_strided_slice %get3A_820 {offsets = [10], sizes = [1], strides = [1]} : vector<16xf32> to vector<1xf32>
        %squeeze3A_942 = vector.extract %slice3A_941[0] : f32 from vector<1xf32>
        %broadcast_in_dim3A_943 = vector.broadcast %squeeze3A_942 : f32 to vector<16xf32>
        %get3A_944 = arith.index_cast %scan3A_423 : i32 to index
        %get3A_945 = arith.constant 1344 : index
        %get3A_946 = tpu.vector_load %arg13[%get3A_944, %get3A_945] {strides = array<i32>} : memref<16x2048xbf16, #tpu.memory_space<vmem>>, vector<32xbf16>,
        %unpack3A_947 = tpu.unpack_subelements %get3A_946, 0 {pack_format = #tpu.pack_format<interleaved>} : vector<32xbf16> -> vector<16xf32>
        %unpack3A_948 = tpu.unpack_subelements %get3A_946, 1 {pack_format = #tpu.pack_format<interleaved>} : vector<32xbf16> -> vector<16xf32>
        %mul3A_949 = arith.mulf %broadcast_in_dim3A_943, %unpack3A_947 : vector<16xf32>
        %add3A_950 = arith.addf %add3A_938, %mul3A_949 : vector<16xf32>
        %mul3A_951 = arith.mulf %broadcast_in_dim3A_943, %unpack3A_948 : vector<16xf32>
        %add3A_952 = arith.addf %add3A_940, %mul3A_951 : vector<16xf32>
        %slice3A_953 = vector.extract_strided_slice %get3A_820 {offsets = [11], sizes = [1], strides = [1]} : vector<16xf32> to vector<1xf32>
        %squeeze3A_954 = vector.extract %slice3A_953[0] : f32 from vector<1xf32>
        %broadcast_in_dim3A_955 = vector.broadcast %squeeze3A_954 : f32 to vector<16xf32>
        %get3A_956 = arith.index_cast %scan3A_423 : i32 to index
        %get3A_957 = arith.constant 1376 : index
        %get3A_958 = tpu.vector_load %arg13[%get3A_956, %get3A_957] {strides = array<i32>} : memref<16x2048xbf16, #tpu.memory_space<vmem>>, vector<32xbf16>,
        %unpack3A_959 = tpu.unpack_subelements %get3A_958, 0 {pack_format = #tpu.pack_format<interleaved>} : vector<32xbf16> -> vector<16xf32>
        %unpack3A_960 = tpu.unpack_subelements %get3A_958, 1 {pack_format = #tpu.pack_format<interleaved>} : vector<32xbf16> -> vector<16xf32>
        %mul3A_961 = arith.mulf %broadcast_in_dim3A_955, %unpack3A_959 : vector<16xf32>
        %add3A_962 = arith.addf %add3A_950, %mul3A_961 : vector<16xf32>
        %mul3A_963 = arith.mulf %broadcast_in_dim3A_955, %unpack3A_960 : vector<16xf32>
        %add3A_964 = arith.addf %add3A_952, %mul3A_963 : vector<16xf32>
        %slice3A_965 = vector.extract_strided_slice %get3A_820 {offsets = [12], sizes = [1], strides = [1]} : vector<16xf32> to vector<1xf32>
        %squeeze3A_966 = vector.extract %slice3A_965[0] : f32 from vector<1xf32>
        %broadcast_in_dim3A_967 = vector.broadcast %squeeze3A_966 : f32 to vector<16xf32>
        %get3A_968 = arith.index_cast %scan3A_423 : i32 to index
        %get3A_969 = arith.constant 1408 : index
        %get3A_970 = tpu.vector_load %arg13[%get3A_968, %get3A_969] {strides = array<i32>} : memref<16x2048xbf16, #tpu.memory_space<vmem>>, vector<32xbf16>,
        %unpack3A_971 = tpu.unpack_subelements %get3A_970, 0 {pack_format = #tpu.pack_format<interleaved>} : vector<32xbf16> -> vector<16xf32>
        %unpack3A_972 = tpu.unpack_subelements %get3A_970, 1 {pack_format = #tpu.pack_format<interleaved>} : vector<32xbf16> -> vector<16xf32>
        %mul3A_973 = arith.mulf %broadcast_in_dim3A_967, %unpack3A_971 : vector<16xf32>
        %add3A_974 = arith.addf %add3A_962, %mul3A_973 : vector<16xf32>
        %mul3A_975 = arith.mulf %broadcast_in_dim3A_967, %unpack3A_972 : vector<16xf32>
        %add3A_976 = arith.addf %add3A_964, %mul3A_975 : vector<16xf32>
        %slice3A_977 = vector.extract_strided_slice %get3A_820 {offsets = [13], sizes = [1], strides = [1]} : vector<16xf32> to vector<1xf32>
        %squeeze3A_978 = vector.extract %slice3A_977[0] : f32 from vector<1xf32>
        %broadcast_in_dim3A_979 = vector.broadcast %squeeze3A_978 : f32 to vector<16xf32>
        %get3A_980 = arith.index_cast %scan3A_423 : i32 to index
        %get3A_981 = arith.constant 1440 : index
        %get3A_982 = tpu.vector_load %arg13[%get3A_980, %get3A_981] {strides = array<i32>} : memref<16x2048xbf16, #tpu.memory_space<vmem>>, vector<32xbf16>,
        %unpack3A_983 = tpu.unpack_subelements %get3A_982, 0 {pack_format = #tpu.pack_format<interleaved>} : vector<32xbf16> -> vector<16xf32>
        %unpack3A_984 = tpu.unpack_subelements %get3A_982, 1 {pack_format = #tpu.pack_format<interleaved>} : vector<32xbf16> -> vector<16xf32>
        %mul3A_985 = arith.mulf %broadcast_in_dim3A_979, %unpack3A_983 : vector<16xf32>
        %add3A_986 = arith.addf %add3A_974, %mul3A_985 : vector<16xf32>
        %mul3A_987 = arith.mulf %broadcast_in_dim3A_979, %unpack3A_984 : vector<16xf32>
        %add3A_988 = arith.addf %add3A_976, %mul3A_987 : vector<16xf32>
        %slice3A_989 = vector.extract_strided_slice %get3A_820 {offsets = [14], sizes = [1], strides = [1]} : vector<16xf32> to vector<1xf32>
        %squeeze3A_990 = vector.extract %slice3A_989[0] : f32 from vector<1xf32>
        %broadcast_in_dim3A_991 = vector.broadcast %squeeze3A_990 : f32 to vector<16xf32>
        %get3A_992 = arith.index_cast %scan3A_423 : i32 to index
        %get3A_993 = arith.constant 1472 : index
        %get3A_994 = tpu.vector_load %arg13[%get3A_992, %get3A_993] {strides = array<i32>} : memref<16x2048xbf16, #tpu.memory_space<vmem>>, vector<32xbf16>,
        %unpack3A_995 = tpu.unpack_subelements %get3A_994, 0 {pack_format = #tpu.pack_format<interleaved>} : vector<32xbf16> -> vector<16xf32>
        %unpack3A_996 = tpu.unpack_subelements %get3A_994, 1 {pack_format = #tpu.pack_format<interleaved>} : vector<32xbf16> -> vector<16xf32>
        %mul3A_997 = arith.mulf %broadcast_in_dim3A_991, %unpack3A_995 : vector<16xf32>
        %add3A_998 = arith.addf %add3A_986, %mul3A_997 : vector<16xf32>
        %mul3A_999 = arith.mulf %broadcast_in_dim3A_991, %unpack3A_996 : vector<16xf32>
        %add3A_1000 = arith.addf %add3A_988, %mul3A_999 : vector<16xf32>
        %slice3A_1001 = vector.extract_strided_slice %get3A_820 {offsets = [15], sizes = [1], strides = [1]} : vector<16xf32> to vector<1xf32>
        %squeeze3A_1002 = vector.extract %slice3A_1001[0] : f32 from vector<1xf32>
        %broadcast_in_dim3A_1003 = vector.broadcast %squeeze3A_1002 : f32 to vector<16xf32>
        %get3A_1004 = arith.index_cast %scan3A_423 : i32 to index
        %get3A_1005 = arith.constant 1504 : index
        %get3A_1006 = tpu.vector_load %arg13[%get3A_1004, %get3A_1005] {strides = array<i32>} : memref<16x2048xbf16, #tpu.memory_space<vmem>>, vector<32xbf16>,
        %unpack3A_1007 = tpu.unpack_subelements %get3A_1006, 0 {pack_format = #tpu.pack_format<interleaved>} : vector<32xbf16> -> vector<16xf32>
        %unpack3A_1008 = tpu.unpack_subelements %get3A_1006, 1 {pack_format = #tpu.pack_format<interleaved>} : vector<32xbf16> -> vector<16xf32>
        %mul3A_1009 = arith.mulf %broadcast_in_dim3A_1003, %unpack3A_1007 : vector<16xf32>
        %add3A_1010 = arith.addf %add3A_998, %mul3A_1009 : vector<16xf32>
        %mul3A_1011 = arith.mulf %broadcast_in_dim3A_1003, %unpack3A_1008 : vector<16xf32>
        %add3A_1012 = arith.addf %add3A_1000, %mul3A_1011 : vector<16xf32>
        %get3A_1013 = arith.index_cast %add3A_426 : i32 to index
        %get3A_1014 = arith.constant 48 : index
        %get3A_1015 = tpu.vector_load %arg9[%get3A_1013, %get3A_1014] {strides = array<i32>} : memref<256x64xf32, #tpu.memory_space<vmem>>, vector<16xf32>,
        %slice3A_1016 = vector.extract_strided_slice %get3A_1015 {offsets = [0], sizes = [1], strides = [1]} : vector<16xf32> to vector<1xf32>
        %squeeze3A_1017 = vector.extract %slice3A_1016[0] : f32 from vector<1xf32>
        %broadcast_in_dim3A_1018 = vector.broadcast %squeeze3A_1017 : f32 to vector<16xf32>
        %get3A_1019 = arith.index_cast %scan3A_423 : i32 to index
        %get3A_1020 = arith.constant 1536 : index
        %get3A_1021 = tpu.vector_load %arg13[%get3A_1019, %get3A_1020] {strides = array<i32>} : memref<16x2048xbf16, #tpu.memory_space<vmem>>, vector<32xbf16>,
        %unpack3A_1022 = tpu.unpack_subelements %get3A_1021, 0 {pack_format = #tpu.pack_format<interleaved>} : vector<32xbf16> -> vector<16xf32>
        %unpack3A_1023 = tpu.unpack_subelements %get3A_1021, 1 {pack_format = #tpu.pack_format<interleaved>} : vector<32xbf16> -> vector<16xf32>
        %mul3A_1024 = arith.mulf %broadcast_in_dim3A_1018, %unpack3A_1022 : vector<16xf32>
        %add3A_1025 = arith.addf %add3A_1010, %mul3A_1024 : vector<16xf32>
        %mul3A_1026 = arith.mulf %broadcast_in_dim3A_1018, %unpack3A_1023 : vector<16xf32>
        %add3A_1027 = arith.addf %add3A_1012, %mul3A_1026 : vector<16xf32>
        %slice3A_1028 = vector.extract_strided_slice %get3A_1015 {offsets = [1], sizes = [1], strides = [1]} : vector<16xf32> to vector<1xf32>
        %squeeze3A_1029 = vector.extract %slice3A_1028[0] : f32 from vector<1xf32>
        %broadcast_in_dim3A_1030 = vector.broadcast %squeeze3A_1029 : f32 to vector<16xf32>
        %get3A_1031 = arith.index_cast %scan3A_423 : i32 to index
        %get3A_1032 = arith.constant 1568 : index
        %get3A_1033 = tpu.vector_load %arg13[%get3A_1031, %get3A_1032] {strides = array<i32>} : memref<16x2048xbf16, #tpu.memory_space<vmem>>, vector<32xbf16>,
        %unpack3A_1034 = tpu.unpack_subelements %get3A_1033, 0 {pack_format = #tpu.pack_format<interleaved>} : vector<32xbf16> -> vector<16xf32>
        %unpack3A_1035 = tpu.unpack_subelements %get3A_1033, 1 {pack_format = #tpu.pack_format<interleaved>} : vector<32xbf16> -> vector<16xf32>
        %mul3A_1036 = arith.mulf %broadcast_in_dim3A_1030, %unpack3A_1034 : vector<16xf32>
        %add3A_1037 = arith.addf %add3A_1025, %mul3A_1036 : vector<16xf32>
        %mul3A_1038 = arith.mulf %broadcast_in_dim3A_1030, %unpack3A_1035 : vector<16xf32>
        %add3A_1039 = arith.addf %add3A_1027, %mul3A_1038 : vector<16xf32>
        %slice3A_1040 = vector.extract_strided_slice %get3A_1015 {offsets = [2], sizes = [1], strides = [1]} : vector<16xf32> to vector<1xf32>
        %squeeze3A_1041 = vector.extract %slice3A_1040[0] : f32 from vector<1xf32>
        %broadcast_in_dim3A_1042 = vector.broadcast %squeeze3A_1041 : f32 to vector<16xf32>
        %get3A_1043 = arith.index_cast %scan3A_423 : i32 to index
        %get3A_1044 = arith.constant 1600 : index
        %get3A_1045 = tpu.vector_load %arg13[%get3A_1043, %get3A_1044] {strides = array<i32>} : memref<16x2048xbf16, #tpu.memory_space<vmem>>, vector<32xbf16>,
        %unpack3A_1046 = tpu.unpack_subelements %get3A_1045, 0 {pack_format = #tpu.pack_format<interleaved>} : vector<32xbf16> -> vector<16xf32>
        %unpack3A_1047 = tpu.unpack_subelements %get3A_1045, 1 {pack_format = #tpu.pack_format<interleaved>} : vector<32xbf16> -> vector<16xf32>
        %mul3A_1048 = arith.mulf %broadcast_in_dim3A_1042, %unpack3A_1046 : vector<16xf32>
        %add3A_1049 = arith.addf %add3A_1037, %mul3A_1048 : vector<16xf32>
        %mul3A_1050 = arith.mulf %broadcast_in_dim3A_1042, %unpack3A_1047 : vector<16xf32>
        %add3A_1051 = arith.addf %add3A_1039, %mul3A_1050 : vector<16xf32>
        %slice3A_1052 = vector.extract_strided_slice %get3A_1015 {offsets = [3], sizes = [1], strides = [1]} : vector<16xf32> to vector<1xf32>
        %squeeze3A_1053 = vector.extract %slice3A_1052[0] : f32 from vector<1xf32>
        %broadcast_in_dim3A_1054 = vector.broadcast %squeeze3A_1053 : f32 to vector<16xf32>
        %get3A_1055 = arith.index_cast %scan3A_423 : i32 to index
        %get3A_1056 = arith.constant 1632 : index
        %get3A_1057 = tpu.vector_load %arg13[%get3A_1055, %get3A_1056] {strides = array<i32>} : memref<16x2048xbf16, #tpu.memory_space<vmem>>, vector<32xbf16>,
        %unpack3A_1058 = tpu.unpack_subelements %get3A_1057, 0 {pack_format = #tpu.pack_format<interleaved>} : vector<32xbf16> -> vector<16xf32>
        %unpack3A_1059 = tpu.unpack_subelements %get3A_1057, 1 {pack_format = #tpu.pack_format<interleaved>} : vector<32xbf16> -> vector<16xf32>
        %mul3A_1060 = arith.mulf %broadcast_in_dim3A_1054, %unpack3A_1058 : vector<16xf32>
        %add3A_1061 = arith.addf %add3A_1049, %mul3A_1060 : vector<16xf32>
        %mul3A_1062 = arith.mulf %broadcast_in_dim3A_1054, %unpack3A_1059 : vector<16xf32>
        %add3A_1063 = arith.addf %add3A_1051, %mul3A_1062 : vector<16xf32>
        %slice3A_1064 = vector.extract_strided_slice %get3A_1015 {offsets = [4], sizes = [1], strides = [1]} : vector<16xf32> to vector<1xf32>
        %squeeze3A_1065 = vector.extract %slice3A_1064[0] : f32 from vector<1xf32>
        %broadcast_in_dim3A_1066 = vector.broadcast %squeeze3A_1065 : f32 to vector<16xf32>
        %get3A_1067 = arith.index_cast %scan3A_423 : i32 to index
        %get3A_1068 = arith.constant 1664 : index
        %get3A_1069 = tpu.vector_load %arg13[%get3A_1067, %get3A_1068] {strides = array<i32>} : memref<16x2048xbf16, #tpu.memory_space<vmem>>, vector<32xbf16>,
        %unpack3A_1070 = tpu.unpack_subelements %get3A_1069, 0 {pack_format = #tpu.pack_format<interleaved>} : vector<32xbf16> -> vector<16xf32>
        %unpack3A_1071 = tpu.unpack_subelements %get3A_1069, 1 {pack_format = #tpu.pack_format<interleaved>} : vector<32xbf16> -> vector<16xf32>
        %mul3A_1072 = arith.mulf %broadcast_in_dim3A_1066, %unpack3A_1070 : vector<16xf32>
        %add3A_1073 = arith.addf %add3A_1061, %mul3A_1072 : vector<16xf32>
        %mul3A_1074 = arith.mulf %broadcast_in_dim3A_1066, %unpack3A_1071 : vector<16xf32>
        %add3A_1075 = arith.addf %add3A_1063, %mul3A_1074 : vector<16xf32>
        %slice3A_1076 = vector.extract_strided_slice %get3A_1015 {offsets = [5], sizes = [1], strides = [1]} : vector<16xf32> to vector<1xf32>
        %squeeze3A_1077 = vector.extract %slice3A_1076[0] : f32 from vector<1xf32>
        %broadcast_in_dim3A_1078 = vector.broadcast %squeeze3A_1077 : f32 to vector<16xf32>
        %get3A_1079 = arith.index_cast %scan3A_423 : i32 to index
        %get3A_1080 = arith.constant 1696 : index
        %get3A_1081 = tpu.vector_load %arg13[%get3A_1079, %get3A_1080] {strides = array<i32>} : memref<16x2048xbf16, #tpu.memory_space<vmem>>, vector<32xbf16>,
        %unpack3A_1082 = tpu.unpack_subelements %get3A_1081, 0 {pack_format = #tpu.pack_format<interleaved>} : vector<32xbf16> -> vector<16xf32>
        %unpack3A_1083 = tpu.unpack_subelements %get3A_1081, 1 {pack_format = #tpu.pack_format<interleaved>} : vector<32xbf16> -> vector<16xf32>
        %mul3A_1084 = arith.mulf %broadcast_in_dim3A_1078, %unpack3A_1082 : vector<16xf32>
        %add3A_1085 = arith.addf %add3A_1073, %mul3A_1084 : vector<16xf32>
        %mul3A_1086 = arith.mulf %broadcast_in_dim3A_1078, %unpack3A_1083 : vector<16xf32>
        %add3A_1087 = arith.addf %add3A_1075, %mul3A_1086 : vector<16xf32>
        %slice3A_1088 = vector.extract_strided_slice %get3A_1015 {offsets = [6], sizes = [1], strides = [1]} : vector<16xf32> to vector<1xf32>
        %squeeze3A_1089 = vector.extract %slice3A_1088[0] : f32 from vector<1xf32>
        %broadcast_in_dim3A_1090 = vector.broadcast %squeeze3A_1089 : f32 to vector<16xf32>
        %get3A_1091 = arith.index_cast %scan3A_423 : i32 to index
        %get3A_1092 = arith.constant 1728 : index
        %get3A_1093 = tpu.vector_load %arg13[%get3A_1091, %get3A_1092] {strides = array<i32>} : memref<16x2048xbf16, #tpu.memory_space<vmem>>, vector<32xbf16>,
        %unpack3A_1094 = tpu.unpack_subelements %get3A_1093, 0 {pack_format = #tpu.pack_format<interleaved>} : vector<32xbf16> -> vector<16xf32>
        %unpack3A_1095 = tpu.unpack_subelements %get3A_1093, 1 {pack_format = #tpu.pack_format<interleaved>} : vector<32xbf16> -> vector<16xf32>
        %mul3A_1096 = arith.mulf %broadcast_in_dim3A_1090, %unpack3A_1094 : vector<16xf32>
        %add3A_1097 = arith.addf %add3A_1085, %mul3A_1096 : vector<16xf32>
        %mul3A_1098 = arith.mulf %broadcast_in_dim3A_1090, %unpack3A_1095 : vector<16xf32>
        %add3A_1099 = arith.addf %add3A_1087, %mul3A_1098 : vector<16xf32>
        %slice3A_1100 = vector.extract_strided_slice %get3A_1015 {offsets = [7], sizes = [1], strides = [1]} : vector<16xf32> to vector<1xf32>
        %squeeze3A_1101 = vector.extract %slice3A_1100[0] : f32 from vector<1xf32>
        %broadcast_in_dim3A_1102 = vector.broadcast %squeeze3A_1101 : f32 to vector<16xf32>
        %get3A_1103 = arith.index_cast %scan3A_423 : i32 to index
        %get3A_1104 = arith.constant 1760 : index
        %get3A_1105 = tpu.vector_load %arg13[%get3A_1103, %get3A_1104] {strides = array<i32>} : memref<16x2048xbf16, #tpu.memory_space<vmem>>, vector<32xbf16>,
        %unpack3A_1106 = tpu.unpack_subelements %get3A_1105, 0 {pack_format = #tpu.pack_format<interleaved>} : vector<32xbf16> -> vector<16xf32>
        %unpack3A_1107 = tpu.unpack_subelements %get3A_1105, 1 {pack_format = #tpu.pack_format<interleaved>} : vector<32xbf16> -> vector<16xf32>
        %mul3A_1108 = arith.mulf %broadcast_in_dim3A_1102, %unpack3A_1106 : vector<16xf32>
        %add3A_1109 = arith.addf %add3A_1097, %mul3A_1108 : vector<16xf32>
        %mul3A_1110 = arith.mulf %broadcast_in_dim3A_1102, %unpack3A_1107 : vector<16xf32>
        %add3A_1111 = arith.addf %add3A_1099, %mul3A_1110 : vector<16xf32>
        %slice3A_1112 = vector.extract_strided_slice %get3A_1015 {offsets = [8], sizes = [1], strides = [1]} : vector<16xf32> to vector<1xf32>
        %squeeze3A_1113 = vector.extract %slice3A_1112[0] : f32 from vector<1xf32>
        %broadcast_in_dim3A_1114 = vector.broadcast %squeeze3A_1113 : f32 to vector<16xf32>
        %get3A_1115 = arith.index_cast %scan3A_423 : i32 to index
        %get3A_1116 = arith.constant 1792 : index
        %get3A_1117 = tpu.vector_load %arg13[%get3A_1115, %get3A_1116] {strides = array<i32>} : memref<16x2048xbf16, #tpu.memory_space<vmem>>, vector<32xbf16>,
        %unpack3A_1118 = tpu.unpack_subelements %get3A_1117, 0 {pack_format = #tpu.pack_format<interleaved>} : vector<32xbf16> -> vector<16xf32>
        %unpack3A_1119 = tpu.unpack_subelements %get3A_1117, 1 {pack_format = #tpu.pack_format<interleaved>} : vector<32xbf16> -> vector<16xf32>
        %mul3A_1120 = arith.mulf %broadcast_in_dim3A_1114, %unpack3A_1118 : vector<16xf32>
        %add3A_1121 = arith.addf %add3A_1109, %mul3A_1120 : vector<16xf32>
        %mul3A_1122 = arith.mulf %broadcast_in_dim3A_1114, %unpack3A_1119 : vector<16xf32>
        %add3A_1123 = arith.addf %add3A_1111, %mul3A_1122 : vector<16xf32>
        %slice3A_1124 = vector.extract_strided_slice %get3A_1015 {offsets = [9], sizes = [1], strides = [1]} : vector<16xf32> to vector<1xf32>
        %squeeze3A_1125 = vector.extract %slice3A_1124[0] : f32 from vector<1xf32>
        %broadcast_in_dim3A_1126 = vector.broadcast %squeeze3A_1125 : f32 to vector<16xf32>
        %get3A_1127 = arith.index_cast %scan3A_423 : i32 to index
        %get3A_1128 = arith.constant 1824 : index
        %get3A_1129 = tpu.vector_load %arg13[%get3A_1127, %get3A_1128] {strides = array<i32>} : memref<16x2048xbf16, #tpu.memory_space<vmem>>, vector<32xbf16>,
        %unpack3A_1130 = tpu.unpack_subelements %get3A_1129, 0 {pack_format = #tpu.pack_format<interleaved>} : vector<32xbf16> -> vector<16xf32>
        %unpack3A_1131 = tpu.unpack_subelements %get3A_1129, 1 {pack_format = #tpu.pack_format<interleaved>} : vector<32xbf16> -> vector<16xf32>
        %mul3A_1132 = arith.mulf %broadcast_in_dim3A_1126, %unpack3A_1130 : vector<16xf32>
        %add3A_1133 = arith.addf %add3A_1121, %mul3A_1132 : vector<16xf32>
        %mul3A_1134 = arith.mulf %broadcast_in_dim3A_1126, %unpack3A_1131 : vector<16xf32>
        %add3A_1135 = arith.addf %add3A_1123, %mul3A_1134 : vector<16xf32>
        %slice3A_1136 = vector.extract_strided_slice %get3A_1015 {offsets = [10], sizes = [1], strides = [1]} : vector<16xf32> to vector<1xf32>
        %squeeze3A_1137 = vector.extract %slice3A_1136[0] : f32 from vector<1xf32>
        %broadcast_in_dim3A_1138 = vector.broadcast %squeeze3A_1137 : f32 to vector<16xf32>
        %get3A_1139 = arith.index_cast %scan3A_423 : i32 to index
        %get3A_1140 = arith.constant 1856 : index
        %get3A_1141 = tpu.vector_load %arg13[%get3A_1139, %get3A_1140] {strides = array<i32>} : memref<16x2048xbf16, #tpu.memory_space<vmem>>, vector<32xbf16>,
        %unpack3A_1142 = tpu.unpack_subelements %get3A_1141, 0 {pack_format = #tpu.pack_format<interleaved>} : vector<32xbf16> -> vector<16xf32>
        %unpack3A_1143 = tpu.unpack_subelements %get3A_1141, 1 {pack_format = #tpu.pack_format<interleaved>} : vector<32xbf16> -> vector<16xf32>
        %mul3A_1144 = arith.mulf %broadcast_in_dim3A_1138, %unpack3A_1142 : vector<16xf32>
        %add3A_1145 = arith.addf %add3A_1133, %mul3A_1144 : vector<16xf32>
        %mul3A_1146 = arith.mulf %broadcast_in_dim3A_1138, %unpack3A_1143 : vector<16xf32>
        %add3A_1147 = arith.addf %add3A_1135, %mul3A_1146 : vector<16xf32>
        %slice3A_1148 = vector.extract_strided_slice %get3A_1015 {offsets = [11], sizes = [1], strides = [1]} : vector<16xf32> to vector<1xf32>
        %squeeze3A_1149 = vector.extract %slice3A_1148[0] : f32 from vector<1xf32>
        %broadcast_in_dim3A_1150 = vector.broadcast %squeeze3A_1149 : f32 to vector<16xf32>
        %get3A_1151 = arith.index_cast %scan3A_423 : i32 to index
        %get3A_1152 = arith.constant 1888 : index
        %get3A_1153 = tpu.vector_load %arg13[%get3A_1151, %get3A_1152] {strides = array<i32>} : memref<16x2048xbf16, #tpu.memory_space<vmem>>, vector<32xbf16>,
        %unpack3A_1154 = tpu.unpack_subelements %get3A_1153, 0 {pack_format = #tpu.pack_format<interleaved>} : vector<32xbf16> -> vector<16xf32>
        %unpack3A_1155 = tpu.unpack_subelements %get3A_1153, 1 {pack_format = #tpu.pack_format<interleaved>} : vector<32xbf16> -> vector<16xf32>
        %mul3A_1156 = arith.mulf %broadcast_in_dim3A_1150, %unpack3A_1154 : vector<16xf32>
        %add3A_1157 = arith.addf %add3A_1145, %mul3A_1156 : vector<16xf32>
        %mul3A_1158 = arith.mulf %broadcast_in_dim3A_1150, %unpack3A_1155 : vector<16xf32>
        %add3A_1159 = arith.addf %add3A_1147, %mul3A_1158 : vector<16xf32>
        %slice3A_1160 = vector.extract_strided_slice %get3A_1015 {offsets = [12], sizes = [1], strides = [1]} : vector<16xf32> to vector<1xf32>
        %squeeze3A_1161 = vector.extract %slice3A_1160[0] : f32 from vector<1xf32>
        %broadcast_in_dim3A_1162 = vector.broadcast %squeeze3A_1161 : f32 to vector<16xf32>
        %get3A_1163 = arith.index_cast %scan3A_423 : i32 to index
        %get3A_1164 = arith.constant 1920 : index
        %get3A_1165 = tpu.vector_load %arg13[%get3A_1163, %get3A_1164] {strides = array<i32>} : memref<16x2048xbf16, #tpu.memory_space<vmem>>, vector<32xbf16>,
        %unpack3A_1166 = tpu.unpack_subelements %get3A_1165, 0 {pack_format = #tpu.pack_format<interleaved>} : vector<32xbf16> -> vector<16xf32>
        %unpack3A_1167 = tpu.unpack_subelements %get3A_1165, 1 {pack_format = #tpu.pack_format<interleaved>} : vector<32xbf16> -> vector<16xf32>
        %mul3A_1168 = arith.mulf %broadcast_in_dim3A_1162, %unpack3A_1166 : vector<16xf32>
        %add3A_1169 = arith.addf %add3A_1157, %mul3A_1168 : vector<16xf32>
        %mul3A_1170 = arith.mulf %broadcast_in_dim3A_1162, %unpack3A_1167 : vector<16xf32>
        %add3A_1171 = arith.addf %add3A_1159, %mul3A_1170 : vector<16xf32>
        %slice3A_1172 = vector.extract_strided_slice %get3A_1015 {offsets = [13], sizes = [1], strides = [1]} : vector<16xf32> to vector<1xf32>
        %squeeze3A_1173 = vector.extract %slice3A_1172[0] : f32 from vector<1xf32>
        %broadcast_in_dim3A_1174 = vector.broadcast %squeeze3A_1173 : f32 to vector<16xf32>
        %get3A_1175 = arith.index_cast %scan3A_423 : i32 to index
        %get3A_1176 = arith.constant 1952 : index
        %get3A_1177 = tpu.vector_load %arg13[%get3A_1175, %get3A_1176] {strides = array<i32>} : memref<16x2048xbf16, #tpu.memory_space<vmem>>, vector<32xbf16>,
        %unpack3A_1178 = tpu.unpack_subelements %get3A_1177, 0 {pack_format = #tpu.pack_format<interleaved>} : vector<32xbf16> -> vector<16xf32>
        %unpack3A_1179 = tpu.unpack_subelements %get3A_1177, 1 {pack_format = #tpu.pack_format<interleaved>} : vector<32xbf16> -> vector<16xf32>
        %mul3A_1180 = arith.mulf %broadcast_in_dim3A_1174, %unpack3A_1178 : vector<16xf32>
        %add3A_1181 = arith.addf %add3A_1169, %mul3A_1180 : vector<16xf32>
        %mul3A_1182 = arith.mulf %broadcast_in_dim3A_1174, %unpack3A_1179 : vector<16xf32>
        %add3A_1183 = arith.addf %add3A_1171, %mul3A_1182 : vector<16xf32>
        %slice3A_1184 = vector.extract_strided_slice %get3A_1015 {offsets = [14], sizes = [1], strides = [1]} : vector<16xf32> to vector<1xf32>
        %squeeze3A_1185 = vector.extract %slice3A_1184[0] : f32 from vector<1xf32>
        %broadcast_in_dim3A_1186 = vector.broadcast %squeeze3A_1185 : f32 to vector<16xf32>
        %get3A_1187 = arith.index_cast %scan3A_423 : i32 to index
        %get3A_1188 = arith.constant 1984 : index
        %get3A_1189 = tpu.vector_load %arg13[%get3A_1187, %get3A_1188] {strides = array<i32>} : memref<16x2048xbf16, #tpu.memory_space<vmem>>, vector<32xbf16>,
        %unpack3A_1190 = tpu.unpack_subelements %get3A_1189, 0 {pack_format = #tpu.pack_format<interleaved>} : vector<32xbf16> -> vector<16xf32>
        %unpack3A_1191 = tpu.unpack_subelements %get3A_1189, 1 {pack_format = #tpu.pack_format<interleaved>} : vector<32xbf16> -> vector<16xf32>
        %mul3A_1192 = arith.mulf %broadcast_in_dim3A_1186, %unpack3A_1190 : vector<16xf32>
        %add3A_1193 = arith.addf %add3A_1181, %mul3A_1192 : vector<16xf32>
        %mul3A_1194 = arith.mulf %broadcast_in_dim3A_1186, %unpack3A_1191 : vector<16xf32>
        %add3A_1195 = arith.addf %add3A_1183, %mul3A_1194 : vector<16xf32>
        %slice3A_1196 = vector.extract_strided_slice %get3A_1015 {offsets = [15], sizes = [1], strides = [1]} : vector<16xf32> to vector<1xf32>
        %squeeze3A_1197 = vector.extract %slice3A_1196[0] : f32 from vector<1xf32>
        %broadcast_in_dim3A_1198 = vector.broadcast %squeeze3A_1197 : f32 to vector<16xf32>
        %get3A_1199 = arith.index_cast %scan3A_423 : i32 to index
        %get3A_1200 = arith.constant 2016 : index
        %get3A_1201 = tpu.vector_load %arg13[%get3A_1199, %get3A_1200] {strides = array<i32>} : memref<16x2048xbf16, #tpu.memory_space<vmem>>, vector<32xbf16>,
        %unpack3A_1202 = tpu.unpack_subelements %get3A_1201, 0 {pack_format = #tpu.pack_format<interleaved>} : vector<32xbf16> -> vector<16xf32>
        %unpack3A_1203 = tpu.unpack_subelements %get3A_1201, 1 {pack_format = #tpu.pack_format<interleaved>} : vector<32xbf16> -> vector<16xf32>
        %mul3A_1204 = arith.mulf %broadcast_in_dim3A_1198, %unpack3A_1202 : vector<16xf32>
        %add3A_1205 = arith.addf %add3A_1193, %mul3A_1204 : vector<16xf32>
        %mul3A_1206 = arith.mulf %broadcast_in_dim3A_1198, %unpack3A_1203 : vector<16xf32>
        %add3A_1207 = arith.addf %add3A_1195, %mul3A_1206 : vector<16xf32>
        %swap3A = arith.index_cast %add3A_426 : i32 to index
        %swap3A_1208 = arith.constant 0 : index
        %swap3A_1209 = tpu.vector_load %arg12[%swap3A, %swap3A_1208] {strides = array<i32>} : memref<256x32xf32, #tpu.memory_space<vmem>>, vector<16xf32>,
        tpu.vector_store %arg12[%swap3A, %swap3A_1208], %add3A_1205 {strides = array<i32>} : memref<256x32xf32, #tpu.memory_space<vmem>>, vector<16xf32>,
        %swap3A_1210 = arith.index_cast %add3A_426 : i32 to index
        %swap3A_1211 = arith.constant 16 : index
        %swap3A_1212 = tpu.vector_load %arg12[%swap3A_1210, %swap3A_1211] {strides = array<i32>} : memref<256x32xf32, #tpu.memory_space<vmem>>, vector<16xf32>,
        tpu.vector_store %arg12[%swap3A_1210, %swap3A_1211], %add3A_1207 {strides = array<i32>} : memref<256x32xf32, #tpu.memory_space<vmem>>, vector<16xf32>,
      }
      %scan3A_353 = arith.constant 16 : i32
      %add3A_354 = arith.constant 2 : i32
      %add3A_355 = arith.addi %add3A_310, %add3A_354 : i32
      %lt3A_356 = arith.constant 16 : i32
      %lt3A_357 = arith.cmpi slt, %add3A_355, %lt3A_356 : i32
      %convert_element_type3A = arith.extui %lt3A_357 : i1 to i32
      %cond3A = arith.constant 0 : i32
      %cond3A_358 = arith.cmpi ne, %convert_element_type3A, %cond3A : i32
      scf.if %cond3A_358 {
        %jit3A_423 = arith.constant 8 : i32
        %div3A_424 = arith.divsi %add3A_355, %jit3A_423 : i32
        %sign3A_425 = arith.constant 0 : i32
        %sign3A_426 = arith.cmpi sgt, %add3A_355, %sign3A_425 : i32
        %sign3A_427 = arith.extui %sign3A_426 : i1 to i32
        %sign3A_428 = arith.constant 0 : i32
        %sign3A_429 = arith.cmpi slt, %add3A_355, %sign3A_428 : i32
        %sign3A_430 = arith.extui %sign3A_429 : i1 to i32
        %sign3A_431 = arith.subi %sign3A_427, %sign3A_430 : i32
        %sign3A_432 = arith.constant 0 : i32
        %sign3A_433 = arith.cmpi sgt, %jit3A_423, %sign3A_432 : i32
        %sign3A_434 = arith.extui %sign3A_433 : i1 to i32
        %sign3A_435 = arith.constant 0 : i32
        %sign3A_436 = arith.cmpi slt, %jit3A_423, %sign3A_435 : i32
        %sign3A_437 = arith.extui %sign3A_436 : i1 to i32
        %sign3A_438 = arith.subi %sign3A_434, %sign3A_437 : i32
        %ne3A_439 = arith.cmpi ne, %sign3A_431, %sign3A_438 : i32
        %rem3A_440 = arith.remsi %add3A_355, %jit3A_423 : i32
        %ne3A_441 = arith.constant 0 : i32
        %ne3A_442 = arith.cmpi ne, %rem3A_440, %ne3A_441 : i32
        %and3A_443 = arith.andi %ne3A_439, %ne3A_442 : i1
        %sub3A_444 = arith.constant 1 : i32
        %sub3A_445 = arith.subi %div3A_424, %sub3A_444 : i32
        %select_n3A_446 = arith.select %and3A_443, %sub3A_445, %div3A_424 : i32
        %jit3A_447 = arith.constant 8 : i32
        %eq3A_448 = arith.constant 0 : i32
        %eq3A_449 = arith.cmpi eq, %jit3A_447, %eq3A_448 : i32
        %jit3A_450 = arith.constant 1 : i32
        %select_n3A_451 = arith.select %eq3A_449, %jit3A_450, %jit3A_447 : i32
        %rem3A_452 = arith.remsi %add3A_355, %select_n3A_451 : i32
        %ne3A_453 = arith.constant 0 : i32
        %ne3A_454 = arith.cmpi ne, %rem3A_452, %ne3A_453 : i32
        %lt3A_455 = arith.constant 0 : i32
        %lt3A_456 = arith.cmpi slt, %rem3A_452, %lt3A_455 : i32
        %lt3A_457 = arith.constant 0 : i32
        %lt3A_458 = arith.cmpi slt, %select_n3A_451, %lt3A_457 : i32
        %ne3A_459 = arith.xori %lt3A_456, %lt3A_458 : i1
        %and3A_460 = arith.andi %ne3A_459, %ne3A_454 : i1
        %add3A_461 = arith.addi %rem3A_452, %select_n3A_451 : i32
        %select_n3A_462 = arith.select %and3A_460, %add3A_461, %rem3A_452 : i32
        %mul3A_463 = arith.constant 16 : i32
        %mul3A_464 = arith.muli %select_n3A_462, %mul3A_463 : i32
        %dma_start3A_465 = tpu.memref_slice %arg17[%select_n3A_446, %mul3A_464] : memref<2x128xi32, #tpu.memory_space<vmem>> -> memref<1x16xi32, #tpu.memory_space<vmem>>
        %dma_start3A_466 = tpu.memref_squeeze %dma_start3A_465 : memref<1x16xi32, #tpu.memory_space<vmem>> -> memref<16xi32, #tpu.memory_space<vmem>>
        %dma_start3A_467 = arith.constant 0 : i32
        %dma_start3A_468 = arith.constant 0 : i32
        %dma_start3A_469 = tpu.memref_slice %arg7[%dma_start3A_467, %dma_start3A_468] : memref<1000x2048xbf16, #tpu.memory_space<hbm>> -> memref<1000x2048xbf16, #tpu.memory_space<hbm>>
        tpu.enqueue_indirect_dma source(%dma_start3A_469 : memref<1000x2048xbf16, #tpu.memory_space<hbm>>) target(%arg13 : memref<16x2048xbf16, #tpu.memory_space<vmem>>) offsets(%dma_start3A_466 : memref<16xi32, #tpu.memory_space<vmem>>) semaphore(%arg19 : memref<!tpu.dma_semaphore, #tpu.memory_space<semaphore_mem>>)
      } else {
      }
      %mul3A_359 = arith.constant 2 : i32
      %mul3A_360 = arith.muli %scan3A_306, %mul3A_359 : i32
      %add3A_361 = arith.constant 1 : i32
      %add3A_362 = arith.addi %mul3A_360, %add3A_361 : i32
      %jit3A_363 = arith.constant 8 : i32
      %div3A_364 = arith.divsi %add3A_362, %jit3A_363 : i32
      %sign3A_365 = arith.constant 0 : i32
      %sign3A_366 = arith.cmpi sgt, %add3A_362, %sign3A_365 : i32
      %sign3A_367 = arith.extui %sign3A_366 : i1 to i32
      %sign3A_368 = arith.constant 0 : i32
      %sign3A_369 = arith.cmpi slt, %add3A_362, %sign3A_368 : i32
      %sign3A_370 = arith.extui %sign3A_369 : i1 to i32
      %sign3A_371 = arith.subi %sign3A_367, %sign3A_370 : i32
      %sign3A_372 = arith.constant 0 : i32
      %sign3A_373 = arith.cmpi sgt, %jit3A_363, %sign3A_372 : i32
      %sign3A_374 = arith.extui %sign3A_373 : i1 to i32
      %sign3A_375 = arith.constant 0 : i32
      %sign3A_376 = arith.cmpi slt, %jit3A_363, %sign3A_375 : i32
      %sign3A_377 = arith.extui %sign3A_376 : i1 to i32
      %sign3A_378 = arith.subi %sign3A_374, %sign3A_377 : i32
      %ne3A_379 = arith.cmpi ne, %sign3A_371, %sign3A_378 : i32
      %rem3A_380 = arith.remsi %add3A_362, %jit3A_363 : i32
      %ne3A_381 = arith.constant 0 : i32
      %ne3A_382 = arith.cmpi ne, %rem3A_380, %ne3A_381 : i32
      %and3A_383 = arith.andi %ne3A_379, %ne3A_382 : i1
      %sub3A_384 = arith.constant 1 : i32
      %sub3A_385 = arith.subi %div3A_364, %sub3A_384 : i32
      %select_n3A_386 = arith.select %and3A_383, %sub3A_385, %div3A_364 : i32
      %jit3A_387 = arith.constant 8 : i32
      %eq3A_388 = arith.constant 0 : i32
      %eq3A_389 = arith.cmpi eq, %jit3A_387, %eq3A_388 : i32
      %jit3A_390 = arith.constant 1 : i32
      %select_n3A_391 = arith.select %eq3A_389, %jit3A_390, %jit3A_387 : i32
      %rem3A_392 = arith.remsi %add3A_362, %select_n3A_391 : i32
      %ne3A_393 = arith.constant 0 : i32
      %ne3A_394 = arith.cmpi ne, %rem3A_392, %ne3A_393 : i32
      %lt3A_395 = arith.constant 0 : i32
      %lt3A_396 = arith.cmpi slt, %rem3A_392, %lt3A_395 : i32
      %lt3A_397 = arith.constant 0 : i32
      %lt3A_398 = arith.cmpi slt, %select_n3A_391, %lt3A_397 : i32
      %ne3A_399 = arith.xori %lt3A_396, %lt3A_398 : i1
      %and3A_400 = arith.andi %ne3A_399, %ne3A_394 : i1
      %add3A_401 = arith.addi %rem3A_392, %select_n3A_391 : i32
      %select_n3A_402 = arith.select %and3A_400, %add3A_401, %rem3A_392 : i32
      %mul3A_403 = arith.constant 16 : i32
      %mul3A_404 = arith.muli %select_n3A_402, %mul3A_403 : i32
      %dma_wait3A_405 = tpu.memref_slice %arg17[%select_n3A_386, %mul3A_404] : memref<2x128xi32, #tpu.memory_space<vmem>> -> memref<1x16xi32, #tpu.memory_space<vmem>>
      %dma_wait3A_406 = tpu.memref_squeeze %dma_wait3A_405 : memref<1x16xi32, #tpu.memory_space<vmem>> -> memref<16xi32, #tpu.memory_space<vmem>>
      %dma_wait3A_407 = arith.constant 0 : i32
      %dma_wait3A_408 = arith.constant 0 : i32
      %dma_wait3A_409 = tpu.memref_slice %arg7[%dma_wait3A_407, %dma_wait3A_408] : memref<1000x2048xbf16, #tpu.memory_space<hbm>> -> memref<1000x2048xbf16, #tpu.memory_space<hbm>>
      tpu.wait_indirect_dma semaphore(%arg20 : memref<!tpu.dma_semaphore, #tpu.memory_space<semaphore_mem>>) src(%dma_wait3A_409 : memref<1000x2048xbf16, #tpu.memory_space<hbm>>) dst(%arg14 : memref<16x2048xbf16, #tpu.memory_space<vmem>>)
      %scan3A_410 = arith.constant 0 : i32
      %scan3A_411 = arith.constant 0 : i32
      %scan3A_412 = arith.constant 16 : i32
      %scan3A_413 = arith.addi %scan3A_411, %scan3A_412 : i32
      %scan3A_414 = arith.constant 1 : i32
      scf.for %scan3A_423 = %scan3A_411 to %scan3A_413 step %scan3A_414  : i32 {
        %mul3A_424 = arith.constant 16 : i32
        %mul3A_425 = arith.muli %add3A_362, %mul3A_424 : i32
        %add3A_426 = arith.addi %mul3A_425, %scan3A_423 : i32
        %get3A = arith.index_cast %add3A_426 : i32 to index
        %get3A_427 = arith.constant 0 : index
        %get3A_428 = tpu.vector_load %arg11[%get3A, %get3A_427] {strides = array<i32>} : memref<256x32xf32, #tpu.memory_space<vmem>>, vector<16xf32>,
        %get3A_429 = arith.index_cast %add3A_426 : i32 to index
        %get3A_430 = arith.constant 16 : index
        %get3A_431 = tpu.vector_load %arg11[%get3A_429, %get3A_430] {strides = array<i32>} : memref<256x32xf32, #tpu.memory_space<vmem>>, vector<16xf32>,
        %get3A_432 = arith.index_cast %add3A_426 : i32 to index
        %get3A_433 = arith.constant 0 : index
        %get3A_434 = tpu.vector_load %arg9[%get3A_432, %get3A_433] {strides = array<i32>} : memref<256x64xf32, #tpu.memory_space<vmem>>, vector<16xf32>,
        %slice3A = vector.extract_strided_slice %get3A_434 {offsets = [0], sizes = [1], strides = [1]} : vector<16xf32> to vector<1xf32>
        %squeeze3A = vector.extract %slice3A[0] : f32 from vector<1xf32>
        %broadcast_in_dim3A = vector.broadcast %squeeze3A : f32 to vector<16xf32>
        %get3A_435 = arith.index_cast %scan3A_423 : i32 to index
        %get3A_436 = arith.constant 0 : index
        %get3A_437 = tpu.vector_load %arg14[%get3A_435, %get3A_436] {strides = array<i32>} : memref<16x2048xbf16, #tpu.memory_space<vmem>>, vector<32xbf16>,
        %unpack3A = tpu.unpack_subelements %get3A_437, 0 {pack_format = #tpu.pack_format<interleaved>} : vector<32xbf16> -> vector<16xf32>
        %unpack3A_438 = tpu.unpack_subelements %get3A_437, 1 {pack_format = #tpu.pack_format<interleaved>} : vector<32xbf16> -> vector<16xf32>
        %mul3A_439 = arith.mulf %broadcast_in_dim3A, %unpack3A : vector<16xf32>
        %add3A_440 = arith.addf %get3A_428, %mul3A_439 : vector<16xf32>
        %mul3A_441 = arith.mulf %broadcast_in_dim3A, %unpack3A_438 : vector<16xf32>
        %add3A_442 = arith.addf %get3A_431, %mul3A_441 : vector<16xf32>
        %slice3A_443 = vector.extract_strided_slice %get3A_434 {offsets = [1], sizes = [1], strides = [1]} : vector<16xf32> to vector<1xf32>
        %squeeze3A_444 = vector.extract %slice3A_443[0] : f32 from vector<1xf32>
        %broadcast_in_dim3A_445 = vector.broadcast %squeeze3A_444 : f32 to vector<16xf32>
        %get3A_446 = arith.index_cast %scan3A_423 : i32 to index
        %get3A_447 = arith.constant 32 : index
        %get3A_448 = tpu.vector_load %arg14[%get3A_446, %get3A_447] {strides = array<i32>} : memref<16x2048xbf16, #tpu.memory_space<vmem>>, vector<32xbf16>,
        %unpack3A_449 = tpu.unpack_subelements %get3A_448, 0 {pack_format = #tpu.pack_format<interleaved>} : vector<32xbf16> -> vector<16xf32>
        %unpack3A_450 = tpu.unpack_subelements %get3A_448, 1 {pack_format = #tpu.pack_format<interleaved>} : vector<32xbf16> -> vector<16xf32>
        %mul3A_451 = arith.mulf %broadcast_in_dim3A_445, %unpack3A_449 : vector<16xf32>
        %add3A_452 = arith.addf %add3A_440, %mul3A_451 : vector<16xf32>
        %mul3A_453 = arith.mulf %broadcast_in_dim3A_445, %unpack3A_450 : vector<16xf32>
        %add3A_454 = arith.addf %add3A_442, %mul3A_453 : vector<16xf32>
        %slice3A_455 = vector.extract_strided_slice %get3A_434 {offsets = [2], sizes = [1], strides = [1]} : vector<16xf32> to vector<1xf32>
        %squeeze3A_456 = vector.extract %slice3A_455[0] : f32 from vector<1xf32>
        %broadcast_in_dim3A_457 = vector.broadcast %squeeze3A_456 : f32 to vector<16xf32>
        %get3A_458 = arith.index_cast %scan3A_423 : i32 to index
        %get3A_459 = arith.constant 64 : index
        %get3A_460 = tpu.vector_load %arg14[%get3A_458, %get3A_459] {strides = array<i32>} : memref<16x2048xbf16, #tpu.memory_space<vmem>>, vector<32xbf16>,
        %unpack3A_461 = tpu.unpack_subelements %get3A_460, 0 {pack_format = #tpu.pack_format<interleaved>} : vector<32xbf16> -> vector<16xf32>
        %unpack3A_462 = tpu.unpack_subelements %get3A_460, 1 {pack_format = #tpu.pack_format<interleaved>} : vector<32xbf16> -> vector<16xf32>
        %mul3A_463 = arith.mulf %broadcast_in_dim3A_457, %unpack3A_461 : vector<16xf32>
        %add3A_464 = arith.addf %add3A_452, %mul3A_463 : vector<16xf32>
        %mul3A_465 = arith.mulf %broadcast_in_dim3A_457, %unpack3A_462 : vector<16xf32>
        %add3A_466 = arith.addf %add3A_454, %mul3A_465 : vector<16xf32>
        %slice3A_467 = vector.extract_strided_slice %get3A_434 {offsets = [3], sizes = [1], strides = [1]} : vector<16xf32> to vector<1xf32>
        %squeeze3A_468 = vector.extract %slice3A_467[0] : f32 from vector<1xf32>
        %broadcast_in_dim3A_469 = vector.broadcast %squeeze3A_468 : f32 to vector<16xf32>
        %get3A_470 = arith.index_cast %scan3A_423 : i32 to index
        %get3A_471 = arith.constant 96 : index
        %get3A_472 = tpu.vector_load %arg14[%get3A_470, %get3A_471] {strides = array<i32>} : memref<16x2048xbf16, #tpu.memory_space<vmem>>, vector<32xbf16>,
        %unpack3A_473 = tpu.unpack_subelements %get3A_472, 0 {pack_format = #tpu.pack_format<interleaved>} : vector<32xbf16> -> vector<16xf32>
        %unpack3A_474 = tpu.unpack_subelements %get3A_472, 1 {pack_format = #tpu.pack_format<interleaved>} : vector<32xbf16> -> vector<16xf32>
        %mul3A_475 = arith.mulf %broadcast_in_dim3A_469, %unpack3A_473 : vector<16xf32>
        %add3A_476 = arith.addf %add3A_464, %mul3A_475 : vector<16xf32>
        %mul3A_477 = arith.mulf %broadcast_in_dim3A_469, %unpack3A_474 : vector<16xf32>
        %add3A_478 = arith.addf %add3A_466, %mul3A_477 : vector<16xf32>
        %slice3A_479 = vector.extract_strided_slice %get3A_434 {offsets = [4], sizes = [1], strides = [1]} : vector<16xf32> to vector<1xf32>
        %squeeze3A_480 = vector.extract %slice3A_479[0] : f32 from vector<1xf32>
        %broadcast_in_dim3A_481 = vector.broadcast %squeeze3A_480 : f32 to vector<16xf32>
        %get3A_482 = arith.index_cast %scan3A_423 : i32 to index
        %get3A_483 = arith.constant 128 : index
        %get3A_484 = tpu.vector_load %arg14[%get3A_482, %get3A_483] {strides = array<i32>} : memref<16x2048xbf16, #tpu.memory_space<vmem>>, vector<32xbf16>,
        %unpack3A_485 = tpu.unpack_subelements %get3A_484, 0 {pack_format = #tpu.pack_format<interleaved>} : vector<32xbf16> -> vector<16xf32>
        %unpack3A_486 = tpu.unpack_subelements %get3A_484, 1 {pack_format = #tpu.pack_format<interleaved>} : vector<32xbf16> -> vector<16xf32>
        %mul3A_487 = arith.mulf %broadcast_in_dim3A_481, %unpack3A_485 : vector<16xf32>
        %add3A_488 = arith.addf %add3A_476, %mul3A_487 : vector<16xf32>
        %mul3A_489 = arith.mulf %broadcast_in_dim3A_481, %unpack3A_486 : vector<16xf32>
        %add3A_490 = arith.addf %add3A_478, %mul3A_489 : vector<16xf32>
        %slice3A_491 = vector.extract_strided_slice %get3A_434 {offsets = [5], sizes = [1], strides = [1]} : vector<16xf32> to vector<1xf32>
        %squeeze3A_492 = vector.extract %slice3A_491[0] : f32 from vector<1xf32>
        %broadcast_in_dim3A_493 = vector.broadcast %squeeze3A_492 : f32 to vector<16xf32>
        %get3A_494 = arith.index_cast %scan3A_423 : i32 to index
        %get3A_495 = arith.constant 160 : index
        %get3A_496 = tpu.vector_load %arg14[%get3A_494, %get3A_495] {strides = array<i32>} : memref<16x2048xbf16, #tpu.memory_space<vmem>>, vector<32xbf16>,
        %unpack3A_497 = tpu.unpack_subelements %get3A_496, 0 {pack_format = #tpu.pack_format<interleaved>} : vector<32xbf16> -> vector<16xf32>
        %unpack3A_498 = tpu.unpack_subelements %get3A_496, 1 {pack_format = #tpu.pack_format<interleaved>} : vector<32xbf16> -> vector<16xf32>
        %mul3A_499 = arith.mulf %broadcast_in_dim3A_493, %unpack3A_497 : vector<16xf32>
        %add3A_500 = arith.addf %add3A_488, %mul3A_499 : vector<16xf32>
        %mul3A_501 = arith.mulf %broadcast_in_dim3A_493, %unpack3A_498 : vector<16xf32>
        %add3A_502 = arith.addf %add3A_490, %mul3A_501 : vector<16xf32>
        %slice3A_503 = vector.extract_strided_slice %get3A_434 {offsets = [6], sizes = [1], strides = [1]} : vector<16xf32> to vector<1xf32>
        %squeeze3A_504 = vector.extract %slice3A_503[0] : f32 from vector<1xf32>
        %broadcast_in_dim3A_505 = vector.broadcast %squeeze3A_504 : f32 to vector<16xf32>
        %get3A_506 = arith.index_cast %scan3A_423 : i32 to index
        %get3A_507 = arith.constant 192 : index
        %get3A_508 = tpu.vector_load %arg14[%get3A_506, %get3A_507] {strides = array<i32>} : memref<16x2048xbf16, #tpu.memory_space<vmem>>, vector<32xbf16>,
        %unpack3A_509 = tpu.unpack_subelements %get3A_508, 0 {pack_format = #tpu.pack_format<interleaved>} : vector<32xbf16> -> vector<16xf32>
        %unpack3A_510 = tpu.unpack_subelements %get3A_508, 1 {pack_format = #tpu.pack_format<interleaved>} : vector<32xbf16> -> vector<16xf32>
        %mul3A_511 = arith.mulf %broadcast_in_dim3A_505, %unpack3A_509 : vector<16xf32>
        %add3A_512 = arith.addf %add3A_500, %mul3A_511 : vector<16xf32>
        %mul3A_513 = arith.mulf %broadcast_in_dim3A_505, %unpack3A_510 : vector<16xf32>
        %add3A_514 = arith.addf %add3A_502, %mul3A_513 : vector<16xf32>
        %slice3A_515 = vector.extract_strided_slice %get3A_434 {offsets = [7], sizes = [1], strides = [1]} : vector<16xf32> to vector<1xf32>
        %squeeze3A_516 = vector.extract %slice3A_515[0] : f32 from vector<1xf32>
        %broadcast_in_dim3A_517 = vector.broadcast %squeeze3A_516 : f32 to vector<16xf32>
        %get3A_518 = arith.index_cast %scan3A_423 : i32 to index
        %get3A_519 = arith.constant 224 : index
        %get3A_520 = tpu.vector_load %arg14[%get3A_518, %get3A_519] {strides = array<i32>} : memref<16x2048xbf16, #tpu.memory_space<vmem>>, vector<32xbf16>,
        %unpack3A_521 = tpu.unpack_subelements %get3A_520, 0 {pack_format = #tpu.pack_format<interleaved>} : vector<32xbf16> -> vector<16xf32>
        %unpack3A_522 = tpu.unpack_subelements %get3A_520, 1 {pack_format = #tpu.pack_format<interleaved>} : vector<32xbf16> -> vector<16xf32>
        %mul3A_523 = arith.mulf %broadcast_in_dim3A_517, %unpack3A_521 : vector<16xf32>
        %add3A_524 = arith.addf %add3A_512, %mul3A_523 : vector<16xf32>
        %mul3A_525 = arith.mulf %broadcast_in_dim3A_517, %unpack3A_522 : vector<16xf32>
        %add3A_526 = arith.addf %add3A_514, %mul3A_525 : vector<16xf32>
        %slice3A_527 = vector.extract_strided_slice %get3A_434 {offsets = [8], sizes = [1], strides = [1]} : vector<16xf32> to vector<1xf32>
        %squeeze3A_528 = vector.extract %slice3A_527[0] : f32 from vector<1xf32>
        %broadcast_in_dim3A_529 = vector.broadcast %squeeze3A_528 : f32 to vector<16xf32>
        %get3A_530 = arith.index_cast %scan3A_423 : i32 to index
        %get3A_531 = arith.constant 256 : index
        %get3A_532 = tpu.vector_load %arg14[%get3A_530, %get3A_531] {strides = array<i32>} : memref<16x2048xbf16, #tpu.memory_space<vmem>>, vector<32xbf16>,
        %unpack3A_533 = tpu.unpack_subelements %get3A_532, 0 {pack_format = #tpu.pack_format<interleaved>} : vector<32xbf16> -> vector<16xf32>
        %unpack3A_534 = tpu.unpack_subelements %get3A_532, 1 {pack_format = #tpu.pack_format<interleaved>} : vector<32xbf16> -> vector<16xf32>
        %mul3A_535 = arith.mulf %broadcast_in_dim3A_529, %unpack3A_533 : vector<16xf32>
        %add3A_536 = arith.addf %add3A_524, %mul3A_535 : vector<16xf32>
        %mul3A_537 = arith.mulf %broadcast_in_dim3A_529, %unpack3A_534 : vector<16xf32>
        %add3A_538 = arith.addf %add3A_526, %mul3A_537 : vector<16xf32>
        %slice3A_539 = vector.extract_strided_slice %get3A_434 {offsets = [9], sizes = [1], strides = [1]} : vector<16xf32> to vector<1xf32>
        %squeeze3A_540 = vector.extract %slice3A_539[0] : f32 from vector<1xf32>
        %broadcast_in_dim3A_541 = vector.broadcast %squeeze3A_540 : f32 to vector<16xf32>
        %get3A_542 = arith.index_cast %scan3A_423 : i32 to index
        %get3A_543 = arith.constant 288 : index
        %get3A_544 = tpu.vector_load %arg14[%get3A_542, %get3A_543] {strides = array<i32>} : memref<16x2048xbf16, #tpu.memory_space<vmem>>, vector<32xbf16>,
        %unpack3A_545 = tpu.unpack_subelements %get3A_544, 0 {pack_format = #tpu.pack_format<interleaved>} : vector<32xbf16> -> vector<16xf32>
        %unpack3A_546 = tpu.unpack_subelements %get3A_544, 1 {pack_format = #tpu.pack_format<interleaved>} : vector<32xbf16> -> vector<16xf32>
        %mul3A_547 = arith.mulf %broadcast_in_dim3A_541, %unpack3A_545 : vector<16xf32>
        %add3A_548 = arith.addf %add3A_536, %mul3A_547 : vector<16xf32>
        %mul3A_549 = arith.mulf %broadcast_in_dim3A_541, %unpack3A_546 : vector<16xf32>
        %add3A_550 = arith.addf %add3A_538, %mul3A_549 : vector<16xf32>
        %slice3A_551 = vector.extract_strided_slice %get3A_434 {offsets = [10], sizes = [1], strides = [1]} : vector<16xf32> to vector<1xf32>
        %squeeze3A_552 = vector.extract %slice3A_551[0] : f32 from vector<1xf32>
        %broadcast_in_dim3A_553 = vector.broadcast %squeeze3A_552 : f32 to vector<16xf32>
        %get3A_554 = arith.index_cast %scan3A_423 : i32 to index
        %get3A_555 = arith.constant 320 : index
        %get3A_556 = tpu.vector_load %arg14[%get3A_554, %get3A_555] {strides = array<i32>} : memref<16x2048xbf16, #tpu.memory_space<vmem>>, vector<32xbf16>,
        %unpack3A_557 = tpu.unpack_subelements %get3A_556, 0 {pack_format = #tpu.pack_format<interleaved>} : vector<32xbf16> -> vector<16xf32>
        %unpack3A_558 = tpu.unpack_subelements %get3A_556, 1 {pack_format = #tpu.pack_format<interleaved>} : vector<32xbf16> -> vector<16xf32>
        %mul3A_559 = arith.mulf %broadcast_in_dim3A_553, %unpack3A_557 : vector<16xf32>
        %add3A_560 = arith.addf %add3A_548, %mul3A_559 : vector<16xf32>
        %mul3A_561 = arith.mulf %broadcast_in_dim3A_553, %unpack3A_558 : vector<16xf32>
        %add3A_562 = arith.addf %add3A_550, %mul3A_561 : vector<16xf32>
        %slice3A_563 = vector.extract_strided_slice %get3A_434 {offsets = [11], sizes = [1], strides = [1]} : vector<16xf32> to vector<1xf32>
        %squeeze3A_564 = vector.extract %slice3A_563[0] : f32 from vector<1xf32>
        %broadcast_in_dim3A_565 = vector.broadcast %squeeze3A_564 : f32 to vector<16xf32>
        %get3A_566 = arith.index_cast %scan3A_423 : i32 to index
        %get3A_567 = arith.constant 352 : index
        %get3A_568 = tpu.vector_load %arg14[%get3A_566, %get3A_567] {strides = array<i32>} : memref<16x2048xbf16, #tpu.memory_space<vmem>>, vector<32xbf16>,
        %unpack3A_569 = tpu.unpack_subelements %get3A_568, 0 {pack_format = #tpu.pack_format<interleaved>} : vector<32xbf16> -> vector<16xf32>
        %unpack3A_570 = tpu.unpack_subelements %get3A_568, 1 {pack_format = #tpu.pack_format<interleaved>} : vector<32xbf16> -> vector<16xf32>
        %mul3A_571 = arith.mulf %broadcast_in_dim3A_565, %unpack3A_569 : vector<16xf32>
        %add3A_572 = arith.addf %add3A_560, %mul3A_571 : vector<16xf32>
        %mul3A_573 = arith.mulf %broadcast_in_dim3A_565, %unpack3A_570 : vector<16xf32>
        %add3A_574 = arith.addf %add3A_562, %mul3A_573 : vector<16xf32>
        %slice3A_575 = vector.extract_strided_slice %get3A_434 {offsets = [12], sizes = [1], strides = [1]} : vector<16xf32> to vector<1xf32>
        %squeeze3A_576 = vector.extract %slice3A_575[0] : f32 from vector<1xf32>
        %broadcast_in_dim3A_577 = vector.broadcast %squeeze3A_576 : f32 to vector<16xf32>
        %get3A_578 = arith.index_cast %scan3A_423 : i32 to index
        %get3A_579 = arith.constant 384 : index
        %get3A_580 = tpu.vector_load %arg14[%get3A_578, %get3A_579] {strides = array<i32>} : memref<16x2048xbf16, #tpu.memory_space<vmem>>, vector<32xbf16>,
        %unpack3A_581 = tpu.unpack_subelements %get3A_580, 0 {pack_format = #tpu.pack_format<interleaved>} : vector<32xbf16> -> vector<16xf32>
        %unpack3A_582 = tpu.unpack_subelements %get3A_580, 1 {pack_format = #tpu.pack_format<interleaved>} : vector<32xbf16> -> vector<16xf32>
        %mul3A_583 = arith.mulf %broadcast_in_dim3A_577, %unpack3A_581 : vector<16xf32>
        %add3A_584 = arith.addf %add3A_572, %mul3A_583 : vector<16xf32>
        %mul3A_585 = arith.mulf %broadcast_in_dim3A_577, %unpack3A_582 : vector<16xf32>
        %add3A_586 = arith.addf %add3A_574, %mul3A_585 : vector<16xf32>
        %slice3A_587 = vector.extract_strided_slice %get3A_434 {offsets = [13], sizes = [1], strides = [1]} : vector<16xf32> to vector<1xf32>
        %squeeze3A_588 = vector.extract %slice3A_587[0] : f32 from vector<1xf32>
        %broadcast_in_dim3A_589 = vector.broadcast %squeeze3A_588 : f32 to vector<16xf32>
        %get3A_590 = arith.index_cast %scan3A_423 : i32 to index
        %get3A_591 = arith.constant 416 : index
        %get3A_592 = tpu.vector_load %arg14[%get3A_590, %get3A_591] {strides = array<i32>} : memref<16x2048xbf16, #tpu.memory_space<vmem>>, vector<32xbf16>,
        %unpack3A_593 = tpu.unpack_subelements %get3A_592, 0 {pack_format = #tpu.pack_format<interleaved>} : vector<32xbf16> -> vector<16xf32>
        %unpack3A_594 = tpu.unpack_subelements %get3A_592, 1 {pack_format = #tpu.pack_format<interleaved>} : vector<32xbf16> -> vector<16xf32>
        %mul3A_595 = arith.mulf %broadcast_in_dim3A_589, %unpack3A_593 : vector<16xf32>
        %add3A_596 = arith.addf %add3A_584, %mul3A_595 : vector<16xf32>
        %mul3A_597 = arith.mulf %broadcast_in_dim3A_589, %unpack3A_594 : vector<16xf32>
        %add3A_598 = arith.addf %add3A_586, %mul3A_597 : vector<16xf32>
        %slice3A_599 = vector.extract_strided_slice %get3A_434 {offsets = [14], sizes = [1], strides = [1]} : vector<16xf32> to vector<1xf32>
        %squeeze3A_600 = vector.extract %slice3A_599[0] : f32 from vector<1xf32>
        %broadcast_in_dim3A_601 = vector.broadcast %squeeze3A_600 : f32 to vector<16xf32>
        %get3A_602 = arith.index_cast %scan3A_423 : i32 to index
        %get3A_603 = arith.constant 448 : index
        %get3A_604 = tpu.vector_load %arg14[%get3A_602, %get3A_603] {strides = array<i32>} : memref<16x2048xbf16, #tpu.memory_space<vmem>>, vector<32xbf16>,
        %unpack3A_605 = tpu.unpack_subelements %get3A_604, 0 {pack_format = #tpu.pack_format<interleaved>} : vector<32xbf16> -> vector<16xf32>
        %unpack3A_606 = tpu.unpack_subelements %get3A_604, 1 {pack_format = #tpu.pack_format<interleaved>} : vector<32xbf16> -> vector<16xf32>
        %mul3A_607 = arith.mulf %broadcast_in_dim3A_601, %unpack3A_605 : vector<16xf32>
        %add3A_608 = arith.addf %add3A_596, %mul3A_607 : vector<16xf32>
        %mul3A_609 = arith.mulf %broadcast_in_dim3A_601, %unpack3A_606 : vector<16xf32>
        %add3A_610 = arith.addf %add3A_598, %mul3A_609 : vector<16xf32>
        %slice3A_611 = vector.extract_strided_slice %get3A_434 {offsets = [15], sizes = [1], strides = [1]} : vector<16xf32> to vector<1xf32>
        %squeeze3A_612 = vector.extract %slice3A_611[0] : f32 from vector<1xf32>
        %broadcast_in_dim3A_613 = vector.broadcast %squeeze3A_612 : f32 to vector<16xf32>
        %get3A_614 = arith.index_cast %scan3A_423 : i32 to index
        %get3A_615 = arith.constant 480 : index
        %get3A_616 = tpu.vector_load %arg14[%get3A_614, %get3A_615] {strides = array<i32>} : memref<16x2048xbf16, #tpu.memory_space<vmem>>, vector<32xbf16>,
        %unpack3A_617 = tpu.unpack_subelements %get3A_616, 0 {pack_format = #tpu.pack_format<interleaved>} : vector<32xbf16> -> vector<16xf32>
        %unpack3A_618 = tpu.unpack_subelements %get3A_616, 1 {pack_format = #tpu.pack_format<interleaved>} : vector<32xbf16> -> vector<16xf32>
        %mul3A_619 = arith.mulf %broadcast_in_dim3A_613, %unpack3A_617 : vector<16xf32>
        %add3A_620 = arith.addf %add3A_608, %mul3A_619 : vector<16xf32>
        %mul3A_621 = arith.mulf %broadcast_in_dim3A_613, %unpack3A_618 : vector<16xf32>
        %add3A_622 = arith.addf %add3A_610, %mul3A_621 : vector<16xf32>
        %get3A_623 = arith.index_cast %add3A_426 : i32 to index
        %get3A_624 = arith.constant 16 : index
        %get3A_625 = tpu.vector_load %arg9[%get3A_623, %get3A_624] {strides = array<i32>} : memref<256x64xf32, #tpu.memory_space<vmem>>, vector<16xf32>,
        %slice3A_626 = vector.extract_strided_slice %get3A_625 {offsets = [0], sizes = [1], strides = [1]} : vector<16xf32> to vector<1xf32>
        %squeeze3A_627 = vector.extract %slice3A_626[0] : f32 from vector<1xf32>
        %broadcast_in_dim3A_628 = vector.broadcast %squeeze3A_627 : f32 to vector<16xf32>
        %get3A_629 = arith.index_cast %scan3A_423 : i32 to index
        %get3A_630 = arith.constant 512 : index
        %get3A_631 = tpu.vector_load %arg14[%get3A_629, %get3A_630] {strides = array<i32>} : memref<16x2048xbf16, #tpu.memory_space<vmem>>, vector<32xbf16>,
        %unpack3A_632 = tpu.unpack_subelements %get3A_631, 0 {pack_format = #tpu.pack_format<interleaved>} : vector<32xbf16> -> vector<16xf32>
        %unpack3A_633 = tpu.unpack_subelements %get3A_631, 1 {pack_format = #tpu.pack_format<interleaved>} : vector<32xbf16> -> vector<16xf32>
        %mul3A_634 = arith.mulf %broadcast_in_dim3A_628, %unpack3A_632 : vector<16xf32>
        %add3A_635 = arith.addf %add3A_620, %mul3A_634 : vector<16xf32>
        %mul3A_636 = arith.mulf %broadcast_in_dim3A_628, %unpack3A_633 : vector<16xf32>
        %add3A_637 = arith.addf %add3A_622, %mul3A_636 : vector<16xf32>
        %slice3A_638 = vector.extract_strided_slice %get3A_625 {offsets = [1], sizes = [1], strides = [1]} : vector<16xf32> to vector<1xf32>
        %squeeze3A_639 = vector.extract %slice3A_638[0] : f32 from vector<1xf32>
        %broadcast_in_dim3A_640 = vector.broadcast %squeeze3A_639 : f32 to vector<16xf32>
        %get3A_641 = arith.index_cast %scan3A_423 : i32 to index
        %get3A_642 = arith.constant 544 : index
        %get3A_643 = tpu.vector_load %arg14[%get3A_641, %get3A_642] {strides = array<i32>} : memref<16x2048xbf16, #tpu.memory_space<vmem>>, vector<32xbf16>,
        %unpack3A_644 = tpu.unpack_subelements %get3A_643, 0 {pack_format = #tpu.pack_format<interleaved>} : vector<32xbf16> -> vector<16xf32>
        %unpack3A_645 = tpu.unpack_subelements %get3A_643, 1 {pack_format = #tpu.pack_format<interleaved>} : vector<32xbf16> -> vector<16xf32>
        %mul3A_646 = arith.mulf %broadcast_in_dim3A_640, %unpack3A_644 : vector<16xf32>
        %add3A_647 = arith.addf %add3A_635, %mul3A_646 : vector<16xf32>
        %mul3A_648 = arith.mulf %broadcast_in_dim3A_640, %unpack3A_645 : vector<16xf32>
        %add3A_649 = arith.addf %add3A_637, %mul3A_648 : vector<16xf32>
        %slice3A_650 = vector.extract_strided_slice %get3A_625 {offsets = [2], sizes = [1], strides = [1]} : vector<16xf32> to vector<1xf32>
        %squeeze3A_651 = vector.extract %slice3A_650[0] : f32 from vector<1xf32>
        %broadcast_in_dim3A_652 = vector.broadcast %squeeze3A_651 : f32 to vector<16xf32>
        %get3A_653 = arith.index_cast %scan3A_423 : i32 to index
        %get3A_654 = arith.constant 576 : index
        %get3A_655 = tpu.vector_load %arg14[%get3A_653, %get3A_654] {strides = array<i32>} : memref<16x2048xbf16, #tpu.memory_space<vmem>>, vector<32xbf16>,
        %unpack3A_656 = tpu.unpack_subelements %get3A_655, 0 {pack_format = #tpu.pack_format<interleaved>} : vector<32xbf16> -> vector<16xf32>
        %unpack3A_657 = tpu.unpack_subelements %get3A_655, 1 {pack_format = #tpu.pack_format<interleaved>} : vector<32xbf16> -> vector<16xf32>
        %mul3A_658 = arith.mulf %broadcast_in_dim3A_652, %unpack3A_656 : vector<16xf32>
        %add3A_659 = arith.addf %add3A_647, %mul3A_658 : vector<16xf32>
        %mul3A_660 = arith.mulf %broadcast_in_dim3A_652, %unpack3A_657 : vector<16xf32>
        %add3A_661 = arith.addf %add3A_649, %mul3A_660 : vector<16xf32>
        %slice3A_662 = vector.extract_strided_slice %get3A_625 {offsets = [3], sizes = [1], strides = [1]} : vector<16xf32> to vector<1xf32>
        %squeeze3A_663 = vector.extract %slice3A_662[0] : f32 from vector<1xf32>
        %broadcast_in_dim3A_664 = vector.broadcast %squeeze3A_663 : f32 to vector<16xf32>
        %get3A_665 = arith.index_cast %scan3A_423 : i32 to index
        %get3A_666 = arith.constant 608 : index
        %get3A_667 = tpu.vector_load %arg14[%get3A_665, %get3A_666] {strides = array<i32>} : memref<16x2048xbf16, #tpu.memory_space<vmem>>, vector<32xbf16>,
        %unpack3A_668 = tpu.unpack_subelements %get3A_667, 0 {pack_format = #tpu.pack_format<interleaved>} : vector<32xbf16> -> vector<16xf32>
        %unpack3A_669 = tpu.unpack_subelements %get3A_667, 1 {pack_format = #tpu.pack_format<interleaved>} : vector<32xbf16> -> vector<16xf32>
        %mul3A_670 = arith.mulf %broadcast_in_dim3A_664, %unpack3A_668 : vector<16xf32>
        %add3A_671 = arith.addf %add3A_659, %mul3A_670 : vector<16xf32>
        %mul3A_672 = arith.mulf %broadcast_in_dim3A_664, %unpack3A_669 : vector<16xf32>
        %add3A_673 = arith.addf %add3A_661, %mul3A_672 : vector<16xf32>
        %slice3A_674 = vector.extract_strided_slice %get3A_625 {offsets = [4], sizes = [1], strides = [1]} : vector<16xf32> to vector<1xf32>
        %squeeze3A_675 = vector.extract %slice3A_674[0] : f32 from vector<1xf32>
        %broadcast_in_dim3A_676 = vector.broadcast %squeeze3A_675 : f32 to vector<16xf32>
        %get3A_677 = arith.index_cast %scan3A_423 : i32 to index
        %get3A_678 = arith.constant 640 : index
        %get3A_679 = tpu.vector_load %arg14[%get3A_677, %get3A_678] {strides = array<i32>} : memref<16x2048xbf16, #tpu.memory_space<vmem>>, vector<32xbf16>,
        %unpack3A_680 = tpu.unpack_subelements %get3A_679, 0 {pack_format = #tpu.pack_format<interleaved>} : vector<32xbf16> -> vector<16xf32>
        %unpack3A_681 = tpu.unpack_subelements %get3A_679, 1 {pack_format = #tpu.pack_format<interleaved>} : vector<32xbf16> -> vector<16xf32>
        %mul3A_682 = arith.mulf %broadcast_in_dim3A_676, %unpack3A_680 : vector<16xf32>
        %add3A_683 = arith.addf %add3A_671, %mul3A_682 : vector<16xf32>
        %mul3A_684 = arith.mulf %broadcast_in_dim3A_676, %unpack3A_681 : vector<16xf32>
        %add3A_685 = arith.addf %add3A_673, %mul3A_684 : vector<16xf32>
        %slice3A_686 = vector.extract_strided_slice %get3A_625 {offsets = [5], sizes = [1], strides = [1]} : vector<16xf32> to vector<1xf32>
        %squeeze3A_687 = vector.extract %slice3A_686[0] : f32 from vector<1xf32>
        %broadcast_in_dim3A_688 = vector.broadcast %squeeze3A_687 : f32 to vector<16xf32>
        %get3A_689 = arith.index_cast %scan3A_423 : i32 to index
        %get3A_690 = arith.constant 672 : index
        %get3A_691 = tpu.vector_load %arg14[%get3A_689, %get3A_690] {strides = array<i32>} : memref<16x2048xbf16, #tpu.memory_space<vmem>>, vector<32xbf16>,
        %unpack3A_692 = tpu.unpack_subelements %get3A_691, 0 {pack_format = #tpu.pack_format<interleaved>} : vector<32xbf16> -> vector<16xf32>
        %unpack3A_693 = tpu.unpack_subelements %get3A_691, 1 {pack_format = #tpu.pack_format<interleaved>} : vector<32xbf16> -> vector<16xf32>
        %mul3A_694 = arith.mulf %broadcast_in_dim3A_688, %unpack3A_692 : vector<16xf32>
        %add3A_695 = arith.addf %add3A_683, %mul3A_694 : vector<16xf32>
        %mul3A_696 = arith.mulf %broadcast_in_dim3A_688, %unpack3A_693 : vector<16xf32>
        %add3A_697 = arith.addf %add3A_685, %mul3A_696 : vector<16xf32>
        %slice3A_698 = vector.extract_strided_slice %get3A_625 {offsets = [6], sizes = [1], strides = [1]} : vector<16xf32> to vector<1xf32>
        %squeeze3A_699 = vector.extract %slice3A_698[0] : f32 from vector<1xf32>
        %broadcast_in_dim3A_700 = vector.broadcast %squeeze3A_699 : f32 to vector<16xf32>
        %get3A_701 = arith.index_cast %scan3A_423 : i32 to index
        %get3A_702 = arith.constant 704 : index
        %get3A_703 = tpu.vector_load %arg14[%get3A_701, %get3A_702] {strides = array<i32>} : memref<16x2048xbf16, #tpu.memory_space<vmem>>, vector<32xbf16>,
        %unpack3A_704 = tpu.unpack_subelements %get3A_703, 0 {pack_format = #tpu.pack_format<interleaved>} : vector<32xbf16> -> vector<16xf32>
        %unpack3A_705 = tpu.unpack_subelements %get3A_703, 1 {pack_format = #tpu.pack_format<interleaved>} : vector<32xbf16> -> vector<16xf32>
        %mul3A_706 = arith.mulf %broadcast_in_dim3A_700, %unpack3A_704 : vector<16xf32>
        %add3A_707 = arith.addf %add3A_695, %mul3A_706 : vector<16xf32>
        %mul3A_708 = arith.mulf %broadcast_in_dim3A_700, %unpack3A_705 : vector<16xf32>
        %add3A_709 = arith.addf %add3A_697, %mul3A_708 : vector<16xf32>
        %slice3A_710 = vector.extract_strided_slice %get3A_625 {offsets = [7], sizes = [1], strides = [1]} : vector<16xf32> to vector<1xf32>
        %squeeze3A_711 = vector.extract %slice3A_710[0] : f32 from vector<1xf32>
        %broadcast_in_dim3A_712 = vector.broadcast %squeeze3A_711 : f32 to vector<16xf32>
        %get3A_713 = arith.index_cast %scan3A_423 : i32 to index
        %get3A_714 = arith.constant 736 : index
        %get3A_715 = tpu.vector_load %arg14[%get3A_713, %get3A_714] {strides = array<i32>} : memref<16x2048xbf16, #tpu.memory_space<vmem>>, vector<32xbf16>,
        %unpack3A_716 = tpu.unpack_subelements %get3A_715, 0 {pack_format = #tpu.pack_format<interleaved>} : vector<32xbf16> -> vector<16xf32>
        %unpack3A_717 = tpu.unpack_subelements %get3A_715, 1 {pack_format = #tpu.pack_format<interleaved>} : vector<32xbf16> -> vector<16xf32>
        %mul3A_718 = arith.mulf %broadcast_in_dim3A_712, %unpack3A_716 : vector<16xf32>
        %add3A_719 = arith.addf %add3A_707, %mul3A_718 : vector<16xf32>
        %mul3A_720 = arith.mulf %broadcast_in_dim3A_712, %unpack3A_717 : vector<16xf32>
        %add3A_721 = arith.addf %add3A_709, %mul3A_720 : vector<16xf32>
        %slice3A_722 = vector.extract_strided_slice %get3A_625 {offsets = [8], sizes = [1], strides = [1]} : vector<16xf32> to vector<1xf32>
        %squeeze3A_723 = vector.extract %slice3A_722[0] : f32 from vector<1xf32>
        %broadcast_in_dim3A_724 = vector.broadcast %squeeze3A_723 : f32 to vector<16xf32>
        %get3A_725 = arith.index_cast %scan3A_423 : i32 to index
        %get3A_726 = arith.constant 768 : index
        %get3A_727 = tpu.vector_load %arg14[%get3A_725, %get3A_726] {strides = array<i32>} : memref<16x2048xbf16, #tpu.memory_space<vmem>>, vector<32xbf16>,
        %unpack3A_728 = tpu.unpack_subelements %get3A_727, 0 {pack_format = #tpu.pack_format<interleaved>} : vector<32xbf16> -> vector<16xf32>
        %unpack3A_729 = tpu.unpack_subelements %get3A_727, 1 {pack_format = #tpu.pack_format<interleaved>} : vector<32xbf16> -> vector<16xf32>
        %mul3A_730 = arith.mulf %broadcast_in_dim3A_724, %unpack3A_728 : vector<16xf32>
        %add3A_731 = arith.addf %add3A_719, %mul3A_730 : vector<16xf32>
        %mul3A_732 = arith.mulf %broadcast_in_dim3A_724, %unpack3A_729 : vector<16xf32>
        %add3A_733 = arith.addf %add3A_721, %mul3A_732 : vector<16xf32>
        %slice3A_734 = vector.extract_strided_slice %get3A_625 {offsets = [9], sizes = [1], strides = [1]} : vector<16xf32> to vector<1xf32>
        %squeeze3A_735 = vector.extract %slice3A_734[0] : f32 from vector<1xf32>
        %broadcast_in_dim3A_736 = vector.broadcast %squeeze3A_735 : f32 to vector<16xf32>
        %get3A_737 = arith.index_cast %scan3A_423 : i32 to index
        %get3A_738 = arith.constant 800 : index
        %get3A_739 = tpu.vector_load %arg14[%get3A_737, %get3A_738] {strides = array<i32>} : memref<16x2048xbf16, #tpu.memory_space<vmem>>, vector<32xbf16>,
        %unpack3A_740 = tpu.unpack_subelements %get3A_739, 0 {pack_format = #tpu.pack_format<interleaved>} : vector<32xbf16> -> vector<16xf32>
        %unpack3A_741 = tpu.unpack_subelements %get3A_739, 1 {pack_format = #tpu.pack_format<interleaved>} : vector<32xbf16> -> vector<16xf32>
        %mul3A_742 = arith.mulf %broadcast_in_dim3A_736, %unpack3A_740 : vector<16xf32>
        %add3A_743 = arith.addf %add3A_731, %mul3A_742 : vector<16xf32>
        %mul3A_744 = arith.mulf %broadcast_in_dim3A_736, %unpack3A_741 : vector<16xf32>
        %add3A_745 = arith.addf %add3A_733, %mul3A_744 : vector<16xf32>
        %slice3A_746 = vector.extract_strided_slice %get3A_625 {offsets = [10], sizes = [1], strides = [1]} : vector<16xf32> to vector<1xf32>
        %squeeze3A_747 = vector.extract %slice3A_746[0] : f32 from vector<1xf32>
        %broadcast_in_dim3A_748 = vector.broadcast %squeeze3A_747 : f32 to vector<16xf32>
        %get3A_749 = arith.index_cast %scan3A_423 : i32 to index
        %get3A_750 = arith.constant 832 : index
        %get3A_751 = tpu.vector_load %arg14[%get3A_749, %get3A_750] {strides = array<i32>} : memref<16x2048xbf16, #tpu.memory_space<vmem>>, vector<32xbf16>,
        %unpack3A_752 = tpu.unpack_subelements %get3A_751, 0 {pack_format = #tpu.pack_format<interleaved>} : vector<32xbf16> -> vector<16xf32>
        %unpack3A_753 = tpu.unpack_subelements %get3A_751, 1 {pack_format = #tpu.pack_format<interleaved>} : vector<32xbf16> -> vector<16xf32>
        %mul3A_754 = arith.mulf %broadcast_in_dim3A_748, %unpack3A_752 : vector<16xf32>
        %add3A_755 = arith.addf %add3A_743, %mul3A_754 : vector<16xf32>
        %mul3A_756 = arith.mulf %broadcast_in_dim3A_748, %unpack3A_753 : vector<16xf32>
        %add3A_757 = arith.addf %add3A_745, %mul3A_756 : vector<16xf32>
        %slice3A_758 = vector.extract_strided_slice %get3A_625 {offsets = [11], sizes = [1], strides = [1]} : vector<16xf32> to vector<1xf32>
        %squeeze3A_759 = vector.extract %slice3A_758[0] : f32 from vector<1xf32>
        %broadcast_in_dim3A_760 = vector.broadcast %squeeze3A_759 : f32 to vector<16xf32>
        %get3A_761 = arith.index_cast %scan3A_423 : i32 to index
        %get3A_762 = arith.constant 864 : index
        %get3A_763 = tpu.vector_load %arg14[%get3A_761, %get3A_762] {strides = array<i32>} : memref<16x2048xbf16, #tpu.memory_space<vmem>>, vector<32xbf16>,
        %unpack3A_764 = tpu.unpack_subelements %get3A_763, 0 {pack_format = #tpu.pack_format<interleaved>} : vector<32xbf16> -> vector<16xf32>
        %unpack3A_765 = tpu.unpack_subelements %get3A_763, 1 {pack_format = #tpu.pack_format<interleaved>} : vector<32xbf16> -> vector<16xf32>
        %mul3A_766 = arith.mulf %broadcast_in_dim3A_760, %unpack3A_764 : vector<16xf32>
        %add3A_767 = arith.addf %add3A_755, %mul3A_766 : vector<16xf32>
        %mul3A_768 = arith.mulf %broadcast_in_dim3A_760, %unpack3A_765 : vector<16xf32>
        %add3A_769 = arith.addf %add3A_757, %mul3A_768 : vector<16xf32>
        %slice3A_770 = vector.extract_strided_slice %get3A_625 {offsets = [12], sizes = [1], strides = [1]} : vector<16xf32> to vector<1xf32>
        %squeeze3A_771 = vector.extract %slice3A_770[0] : f32 from vector<1xf32>
        %broadcast_in_dim3A_772 = vector.broadcast %squeeze3A_771 : f32 to vector<16xf32>
        %get3A_773 = arith.index_cast %scan3A_423 : i32 to index
        %get3A_774 = arith.constant 896 : index
        %get3A_775 = tpu.vector_load %arg14[%get3A_773, %get3A_774] {strides = array<i32>} : memref<16x2048xbf16, #tpu.memory_space<vmem>>, vector<32xbf16>,
        %unpack3A_776 = tpu.unpack_subelements %get3A_775, 0 {pack_format = #tpu.pack_format<interleaved>} : vector<32xbf16> -> vector<16xf32>
        %unpack3A_777 = tpu.unpack_subelements %get3A_775, 1 {pack_format = #tpu.pack_format<interleaved>} : vector<32xbf16> -> vector<16xf32>
        %mul3A_778 = arith.mulf %broadcast_in_dim3A_772, %unpack3A_776 : vector<16xf32>
        %add3A_779 = arith.addf %add3A_767, %mul3A_778 : vector<16xf32>
        %mul3A_780 = arith.mulf %broadcast_in_dim3A_772, %unpack3A_777 : vector<16xf32>
        %add3A_781 = arith.addf %add3A_769, %mul3A_780 : vector<16xf32>
        %slice3A_782 = vector.extract_strided_slice %get3A_625 {offsets = [13], sizes = [1], strides = [1]} : vector<16xf32> to vector<1xf32>
        %squeeze3A_783 = vector.extract %slice3A_782[0] : f32 from vector<1xf32>
        %broadcast_in_dim3A_784 = vector.broadcast %squeeze3A_783 : f32 to vector<16xf32>
        %get3A_785 = arith.index_cast %scan3A_423 : i32 to index
        %get3A_786 = arith.constant 928 : index
        %get3A_787 = tpu.vector_load %arg14[%get3A_785, %get3A_786] {strides = array<i32>} : memref<16x2048xbf16, #tpu.memory_space<vmem>>, vector<32xbf16>,
        %unpack3A_788 = tpu.unpack_subelements %get3A_787, 0 {pack_format = #tpu.pack_format<interleaved>} : vector<32xbf16> -> vector<16xf32>
        %unpack3A_789 = tpu.unpack_subelements %get3A_787, 1 {pack_format = #tpu.pack_format<interleaved>} : vector<32xbf16> -> vector<16xf32>
        %mul3A_790 = arith.mulf %broadcast_in_dim3A_784, %unpack3A_788 : vector<16xf32>
        %add3A_791 = arith.addf %add3A_779, %mul3A_790 : vector<16xf32>
        %mul3A_792 = arith.mulf %broadcast_in_dim3A_784, %unpack3A_789 : vector<16xf32>
        %add3A_793 = arith.addf %add3A_781, %mul3A_792 : vector<16xf32>
        %slice3A_794 = vector.extract_strided_slice %get3A_625 {offsets = [14], sizes = [1], strides = [1]} : vector<16xf32> to vector<1xf32>
        %squeeze3A_795 = vector.extract %slice3A_794[0] : f32 from vector<1xf32>
        %broadcast_in_dim3A_796 = vector.broadcast %squeeze3A_795 : f32 to vector<16xf32>
        %get3A_797 = arith.index_cast %scan3A_423 : i32 to index
        %get3A_798 = arith.constant 960 : index
        %get3A_799 = tpu.vector_load %arg14[%get3A_797, %get3A_798] {strides = array<i32>} : memref<16x2048xbf16, #tpu.memory_space<vmem>>, vector<32xbf16>,
        %unpack3A_800 = tpu.unpack_subelements %get3A_799, 0 {pack_format = #tpu.pack_format<interleaved>} : vector<32xbf16> -> vector<16xf32>
        %unpack3A_801 = tpu.unpack_subelements %get3A_799, 1 {pack_format = #tpu.pack_format<interleaved>} : vector<32xbf16> -> vector<16xf32>
        %mul3A_802 = arith.mulf %broadcast_in_dim3A_796, %unpack3A_800 : vector<16xf32>
        %add3A_803 = arith.addf %add3A_791, %mul3A_802 : vector<16xf32>
        %mul3A_804 = arith.mulf %broadcast_in_dim3A_796, %unpack3A_801 : vector<16xf32>
        %add3A_805 = arith.addf %add3A_793, %mul3A_804 : vector<16xf32>
        %slice3A_806 = vector.extract_strided_slice %get3A_625 {offsets = [15], sizes = [1], strides = [1]} : vector<16xf32> to vector<1xf32>
        %squeeze3A_807 = vector.extract %slice3A_806[0] : f32 from vector<1xf32>
        %broadcast_in_dim3A_808 = vector.broadcast %squeeze3A_807 : f32 to vector<16xf32>
        %get3A_809 = arith.index_cast %scan3A_423 : i32 to index
        %get3A_810 = arith.constant 992 : index
        %get3A_811 = tpu.vector_load %arg14[%get3A_809, %get3A_810] {strides = array<i32>} : memref<16x2048xbf16, #tpu.memory_space<vmem>>, vector<32xbf16>,
        %unpack3A_812 = tpu.unpack_subelements %get3A_811, 0 {pack_format = #tpu.pack_format<interleaved>} : vector<32xbf16> -> vector<16xf32>
        %unpack3A_813 = tpu.unpack_subelements %get3A_811, 1 {pack_format = #tpu.pack_format<interleaved>} : vector<32xbf16> -> vector<16xf32>
        %mul3A_814 = arith.mulf %broadcast_in_dim3A_808, %unpack3A_812 : vector<16xf32>
        %add3A_815 = arith.addf %add3A_803, %mul3A_814 : vector<16xf32>
        %mul3A_816 = arith.mulf %broadcast_in_dim3A_808, %unpack3A_813 : vector<16xf32>
        %add3A_817 = arith.addf %add3A_805, %mul3A_816 : vector<16xf32>
        %get3A_818 = arith.index_cast %add3A_426 : i32 to index
        %get3A_819 = arith.constant 32 : index
        %get3A_820 = tpu.vector_load %arg9[%get3A_818, %get3A_819] {strides = array<i32>} : memref<256x64xf32, #tpu.memory_space<vmem>>, vector<16xf32>,
        %slice3A_821 = vector.extract_strided_slice %get3A_820 {offsets = [0], sizes = [1], strides = [1]} : vector<16xf32> to vector<1xf32>
        %squeeze3A_822 = vector.extract %slice3A_821[0] : f32 from vector<1xf32>
        %broadcast_in_dim3A_823 = vector.broadcast %squeeze3A_822 : f32 to vector<16xf32>
        %get3A_824 = arith.index_cast %scan3A_423 : i32 to index
        %get3A_825 = arith.constant 1024 : index
        %get3A_826 = tpu.vector_load %arg14[%get3A_824, %get3A_825] {strides = array<i32>} : memref<16x2048xbf16, #tpu.memory_space<vmem>>, vector<32xbf16>,
        %unpack3A_827 = tpu.unpack_subelements %get3A_826, 0 {pack_format = #tpu.pack_format<interleaved>} : vector<32xbf16> -> vector<16xf32>
        %unpack3A_828 = tpu.unpack_subelements %get3A_826, 1 {pack_format = #tpu.pack_format<interleaved>} : vector<32xbf16> -> vector<16xf32>
        %mul3A_829 = arith.mulf %broadcast_in_dim3A_823, %unpack3A_827 : vector<16xf32>
        %add3A_830 = arith.addf %add3A_815, %mul3A_829 : vector<16xf32>
        %mul3A_831 = arith.mulf %broadcast_in_dim3A_823, %unpack3A_828 : vector<16xf32>
        %add3A_832 = arith.addf %add3A_817, %mul3A_831 : vector<16xf32>
        %slice3A_833 = vector.extract_strided_slice %get3A_820 {offsets = [1], sizes = [1], strides = [1]} : vector<16xf32> to vector<1xf32>
        %squeeze3A_834 = vector.extract %slice3A_833[0] : f32 from vector<1xf32>
        %broadcast_in_dim3A_835 = vector.broadcast %squeeze3A_834 : f32 to vector<16xf32>
        %get3A_836 = arith.index_cast %scan3A_423 : i32 to index
        %get3A_837 = arith.constant 1056 : index
        %get3A_838 = tpu.vector_load %arg14[%get3A_836, %get3A_837] {strides = array<i32>} : memref<16x2048xbf16, #tpu.memory_space<vmem>>, vector<32xbf16>,
        %unpack3A_839 = tpu.unpack_subelements %get3A_838, 0 {pack_format = #tpu.pack_format<interleaved>} : vector<32xbf16> -> vector<16xf32>
        %unpack3A_840 = tpu.unpack_subelements %get3A_838, 1 {pack_format = #tpu.pack_format<interleaved>} : vector<32xbf16> -> vector<16xf32>
        %mul3A_841 = arith.mulf %broadcast_in_dim3A_835, %unpack3A_839 : vector<16xf32>
        %add3A_842 = arith.addf %add3A_830, %mul3A_841 : vector<16xf32>
        %mul3A_843 = arith.mulf %broadcast_in_dim3A_835, %unpack3A_840 : vector<16xf32>
        %add3A_844 = arith.addf %add3A_832, %mul3A_843 : vector<16xf32>
        %slice3A_845 = vector.extract_strided_slice %get3A_820 {offsets = [2], sizes = [1], strides = [1]} : vector<16xf32> to vector<1xf32>
        %squeeze3A_846 = vector.extract %slice3A_845[0] : f32 from vector<1xf32>
        %broadcast_in_dim3A_847 = vector.broadcast %squeeze3A_846 : f32 to vector<16xf32>
        %get3A_848 = arith.index_cast %scan3A_423 : i32 to index
        %get3A_849 = arith.constant 1088 : index
        %get3A_850 = tpu.vector_load %arg14[%get3A_848, %get3A_849] {strides = array<i32>} : memref<16x2048xbf16, #tpu.memory_space<vmem>>, vector<32xbf16>,
        %unpack3A_851 = tpu.unpack_subelements %get3A_850, 0 {pack_format = #tpu.pack_format<interleaved>} : vector<32xbf16> -> vector<16xf32>
        %unpack3A_852 = tpu.unpack_subelements %get3A_850, 1 {pack_format = #tpu.pack_format<interleaved>} : vector<32xbf16> -> vector<16xf32>
        %mul3A_853 = arith.mulf %broadcast_in_dim3A_847, %unpack3A_851 : vector<16xf32>
        %add3A_854 = arith.addf %add3A_842, %mul3A_853 : vector<16xf32>
        %mul3A_855 = arith.mulf %broadcast_in_dim3A_847, %unpack3A_852 : vector<16xf32>
        %add3A_856 = arith.addf %add3A_844, %mul3A_855 : vector<16xf32>
        %slice3A_857 = vector.extract_strided_slice %get3A_820 {offsets = [3], sizes = [1], strides = [1]} : vector<16xf32> to vector<1xf32>
        %squeeze3A_858 = vector.extract %slice3A_857[0] : f32 from vector<1xf32>
        %broadcast_in_dim3A_859 = vector.broadcast %squeeze3A_858 : f32 to vector<16xf32>
        %get3A_860 = arith.index_cast %scan3A_423 : i32 to index
        %get3A_861 = arith.constant 1120 : index
        %get3A_862 = tpu.vector_load %arg14[%get3A_860, %get3A_861] {strides = array<i32>} : memref<16x2048xbf16, #tpu.memory_space<vmem>>, vector<32xbf16>,
        %unpack3A_863 = tpu.unpack_subelements %get3A_862, 0 {pack_format = #tpu.pack_format<interleaved>} : vector<32xbf16> -> vector<16xf32>
        %unpack3A_864 = tpu.unpack_subelements %get3A_862, 1 {pack_format = #tpu.pack_format<interleaved>} : vector<32xbf16> -> vector<16xf32>
        %mul3A_865 = arith.mulf %broadcast_in_dim3A_859, %unpack3A_863 : vector<16xf32>
        %add3A_866 = arith.addf %add3A_854, %mul3A_865 : vector<16xf32>
        %mul3A_867 = arith.mulf %broadcast_in_dim3A_859, %unpack3A_864 : vector<16xf32>
        %add3A_868 = arith.addf %add3A_856, %mul3A_867 : vector<16xf32>
        %slice3A_869 = vector.extract_strided_slice %get3A_820 {offsets = [4], sizes = [1], strides = [1]} : vector<16xf32> to vector<1xf32>
        %squeeze3A_870 = vector.extract %slice3A_869[0] : f32 from vector<1xf32>
        %broadcast_in_dim3A_871 = vector.broadcast %squeeze3A_870 : f32 to vector<16xf32>
        %get3A_872 = arith.index_cast %scan3A_423 : i32 to index
        %get3A_873 = arith.constant 1152 : index
        %get3A_874 = tpu.vector_load %arg14[%get3A_872, %get3A_873] {strides = array<i32>} : memref<16x2048xbf16, #tpu.memory_space<vmem>>, vector<32xbf16>,
        %unpack3A_875 = tpu.unpack_subelements %get3A_874, 0 {pack_format = #tpu.pack_format<interleaved>} : vector<32xbf16> -> vector<16xf32>
        %unpack3A_876 = tpu.unpack_subelements %get3A_874, 1 {pack_format = #tpu.pack_format<interleaved>} : vector<32xbf16> -> vector<16xf32>
        %mul3A_877 = arith.mulf %broadcast_in_dim3A_871, %unpack3A_875 : vector<16xf32>
        %add3A_878 = arith.addf %add3A_866, %mul3A_877 : vector<16xf32>
        %mul3A_879 = arith.mulf %broadcast_in_dim3A_871, %unpack3A_876 : vector<16xf32>
        %add3A_880 = arith.addf %add3A_868, %mul3A_879 : vector<16xf32>
        %slice3A_881 = vector.extract_strided_slice %get3A_820 {offsets = [5], sizes = [1], strides = [1]} : vector<16xf32> to vector<1xf32>
        %squeeze3A_882 = vector.extract %slice3A_881[0] : f32 from vector<1xf32>
        %broadcast_in_dim3A_883 = vector.broadcast %squeeze3A_882 : f32 to vector<16xf32>
        %get3A_884 = arith.index_cast %scan3A_423 : i32 to index
        %get3A_885 = arith.constant 1184 : index
        %get3A_886 = tpu.vector_load %arg14[%get3A_884, %get3A_885] {strides = array<i32>} : memref<16x2048xbf16, #tpu.memory_space<vmem>>, vector<32xbf16>,
        %unpack3A_887 = tpu.unpack_subelements %get3A_886, 0 {pack_format = #tpu.pack_format<interleaved>} : vector<32xbf16> -> vector<16xf32>
        %unpack3A_888 = tpu.unpack_subelements %get3A_886, 1 {pack_format = #tpu.pack_format<interleaved>} : vector<32xbf16> -> vector<16xf32>
        %mul3A_889 = arith.mulf %broadcast_in_dim3A_883, %unpack3A_887 : vector<16xf32>
        %add3A_890 = arith.addf %add3A_878, %mul3A_889 : vector<16xf32>
        %mul3A_891 = arith.mulf %broadcast_in_dim3A_883, %unpack3A_888 : vector<16xf32>
        %add3A_892 = arith.addf %add3A_880, %mul3A_891 : vector<16xf32>
        %slice3A_893 = vector.extract_strided_slice %get3A_820 {offsets = [6], sizes = [1], strides = [1]} : vector<16xf32> to vector<1xf32>
        %squeeze3A_894 = vector.extract %slice3A_893[0] : f32 from vector<1xf32>
        %broadcast_in_dim3A_895 = vector.broadcast %squeeze3A_894 : f32 to vector<16xf32>
        %get3A_896 = arith.index_cast %scan3A_423 : i32 to index
        %get3A_897 = arith.constant 1216 : index
        %get3A_898 = tpu.vector_load %arg14[%get3A_896, %get3A_897] {strides = array<i32>} : memref<16x2048xbf16, #tpu.memory_space<vmem>>, vector<32xbf16>,
        %unpack3A_899 = tpu.unpack_subelements %get3A_898, 0 {pack_format = #tpu.pack_format<interleaved>} : vector<32xbf16> -> vector<16xf32>
        %unpack3A_900 = tpu.unpack_subelements %get3A_898, 1 {pack_format = #tpu.pack_format<interleaved>} : vector<32xbf16> -> vector<16xf32>
        %mul3A_901 = arith.mulf %broadcast_in_dim3A_895, %unpack3A_899 : vector<16xf32>
        %add3A_902 = arith.addf %add3A_890, %mul3A_901 : vector<16xf32>
        %mul3A_903 = arith.mulf %broadcast_in_dim3A_895, %unpack3A_900 : vector<16xf32>
        %add3A_904 = arith.addf %add3A_892, %mul3A_903 : vector<16xf32>
        %slice3A_905 = vector.extract_strided_slice %get3A_820 {offsets = [7], sizes = [1], strides = [1]} : vector<16xf32> to vector<1xf32>
        %squeeze3A_906 = vector.extract %slice3A_905[0] : f32 from vector<1xf32>
        %broadcast_in_dim3A_907 = vector.broadcast %squeeze3A_906 : f32 to vector<16xf32>
        %get3A_908 = arith.index_cast %scan3A_423 : i32 to index
        %get3A_909 = arith.constant 1248 : index
        %get3A_910 = tpu.vector_load %arg14[%get3A_908, %get3A_909] {strides = array<i32>} : memref<16x2048xbf16, #tpu.memory_space<vmem>>, vector<32xbf16>,
        %unpack3A_911 = tpu.unpack_subelements %get3A_910, 0 {pack_format = #tpu.pack_format<interleaved>} : vector<32xbf16> -> vector<16xf32>
        %unpack3A_912 = tpu.unpack_subelements %get3A_910, 1 {pack_format = #tpu.pack_format<interleaved>} : vector<32xbf16> -> vector<16xf32>
        %mul3A_913 = arith.mulf %broadcast_in_dim3A_907, %unpack3A_911 : vector<16xf32>
        %add3A_914 = arith.addf %add3A_902, %mul3A_913 : vector<16xf32>
        %mul3A_915 = arith.mulf %broadcast_in_dim3A_907, %unpack3A_912 : vector<16xf32>
        %add3A_916 = arith.addf %add3A_904, %mul3A_915 : vector<16xf32>
        %slice3A_917 = vector.extract_strided_slice %get3A_820 {offsets = [8], sizes = [1], strides = [1]} : vector<16xf32> to vector<1xf32>
        %squeeze3A_918 = vector.extract %slice3A_917[0] : f32 from vector<1xf32>
        %broadcast_in_dim3A_919 = vector.broadcast %squeeze3A_918 : f32 to vector<16xf32>
        %get3A_920 = arith.index_cast %scan3A_423 : i32 to index
        %get3A_921 = arith.constant 1280 : index
        %get3A_922 = tpu.vector_load %arg14[%get3A_920, %get3A_921] {strides = array<i32>} : memref<16x2048xbf16, #tpu.memory_space<vmem>>, vector<32xbf16>,
        %unpack3A_923 = tpu.unpack_subelements %get3A_922, 0 {pack_format = #tpu.pack_format<interleaved>} : vector<32xbf16> -> vector<16xf32>
        %unpack3A_924 = tpu.unpack_subelements %get3A_922, 1 {pack_format = #tpu.pack_format<interleaved>} : vector<32xbf16> -> vector<16xf32>
        %mul3A_925 = arith.mulf %broadcast_in_dim3A_919, %unpack3A_923 : vector<16xf32>
        %add3A_926 = arith.addf %add3A_914, %mul3A_925 : vector<16xf32>
        %mul3A_927 = arith.mulf %broadcast_in_dim3A_919, %unpack3A_924 : vector<16xf32>
        %add3A_928 = arith.addf %add3A_916, %mul3A_927 : vector<16xf32>
        %slice3A_929 = vector.extract_strided_slice %get3A_820 {offsets = [9], sizes = [1], strides = [1]} : vector<16xf32> to vector<1xf32>
        %squeeze3A_930 = vector.extract %slice3A_929[0] : f32 from vector<1xf32>
        %broadcast_in_dim3A_931 = vector.broadcast %squeeze3A_930 : f32 to vector<16xf32>
        %get3A_932 = arith.index_cast %scan3A_423 : i32 to index
        %get3A_933 = arith.constant 1312 : index
        %get3A_934 = tpu.vector_load %arg14[%get3A_932, %get3A_933] {strides = array<i32>} : memref<16x2048xbf16, #tpu.memory_space<vmem>>, vector<32xbf16>,
        %unpack3A_935 = tpu.unpack_subelements %get3A_934, 0 {pack_format = #tpu.pack_format<interleaved>} : vector<32xbf16> -> vector<16xf32>
        %unpack3A_936 = tpu.unpack_subelements %get3A_934, 1 {pack_format = #tpu.pack_format<interleaved>} : vector<32xbf16> -> vector<16xf32>
        %mul3A_937 = arith.mulf %broadcast_in_dim3A_931, %unpack3A_935 : vector<16xf32>
        %add3A_938 = arith.addf %add3A_926, %mul3A_937 : vector<16xf32>
        %mul3A_939 = arith.mulf %broadcast_in_dim3A_931, %unpack3A_936 : vector<16xf32>
        %add3A_940 = arith.addf %add3A_928, %mul3A_939 : vector<16xf32>
        %slice3A_941 = vector.extract_strided_slice %get3A_820 {offsets = [10], sizes = [1], strides = [1]} : vector<16xf32> to vector<1xf32>
        %squeeze3A_942 = vector.extract %slice3A_941[0] : f32 from vector<1xf32>
        %broadcast_in_dim3A_943 = vector.broadcast %squeeze3A_942 : f32 to vector<16xf32>
        %get3A_944 = arith.index_cast %scan3A_423 : i32 to index
        %get3A_945 = arith.constant 1344 : index
        %get3A_946 = tpu.vector_load %arg14[%get3A_944, %get3A_945] {strides = array<i32>} : memref<16x2048xbf16, #tpu.memory_space<vmem>>, vector<32xbf16>,
        %unpack3A_947 = tpu.unpack_subelements %get3A_946, 0 {pack_format = #tpu.pack_format<interleaved>} : vector<32xbf16> -> vector<16xf32>
        %unpack3A_948 = tpu.unpack_subelements %get3A_946, 1 {pack_format = #tpu.pack_format<interleaved>} : vector<32xbf16> -> vector<16xf32>
        %mul3A_949 = arith.mulf %broadcast_in_dim3A_943, %unpack3A_947 : vector<16xf32>
        %add3A_950 = arith.addf %add3A_938, %mul3A_949 : vector<16xf32>
        %mul3A_951 = arith.mulf %broadcast_in_dim3A_943, %unpack3A_948 : vector<16xf32>
        %add3A_952 = arith.addf %add3A_940, %mul3A_951 : vector<16xf32>
        %slice3A_953 = vector.extract_strided_slice %get3A_820 {offsets = [11], sizes = [1], strides = [1]} : vector<16xf32> to vector<1xf32>
        %squeeze3A_954 = vector.extract %slice3A_953[0] : f32 from vector<1xf32>
        %broadcast_in_dim3A_955 = vector.broadcast %squeeze3A_954 : f32 to vector<16xf32>
        %get3A_956 = arith.index_cast %scan3A_423 : i32 to index
        %get3A_957 = arith.constant 1376 : index
        %get3A_958 = tpu.vector_load %arg14[%get3A_956, %get3A_957] {strides = array<i32>} : memref<16x2048xbf16, #tpu.memory_space<vmem>>, vector<32xbf16>,
        %unpack3A_959 = tpu.unpack_subelements %get3A_958, 0 {pack_format = #tpu.pack_format<interleaved>} : vector<32xbf16> -> vector<16xf32>
        %unpack3A_960 = tpu.unpack_subelements %get3A_958, 1 {pack_format = #tpu.pack_format<interleaved>} : vector<32xbf16> -> vector<16xf32>
        %mul3A_961 = arith.mulf %broadcast_in_dim3A_955, %unpack3A_959 : vector<16xf32>
        %add3A_962 = arith.addf %add3A_950, %mul3A_961 : vector<16xf32>
        %mul3A_963 = arith.mulf %broadcast_in_dim3A_955, %unpack3A_960 : vector<16xf32>
        %add3A_964 = arith.addf %add3A_952, %mul3A_963 : vector<16xf32>
        %slice3A_965 = vector.extract_strided_slice %get3A_820 {offsets = [12], sizes = [1], strides = [1]} : vector<16xf32> to vector<1xf32>
        %squeeze3A_966 = vector.extract %slice3A_965[0] : f32 from vector<1xf32>
        %broadcast_in_dim3A_967 = vector.broadcast %squeeze3A_966 : f32 to vector<16xf32>
        %get3A_968 = arith.index_cast %scan3A_423 : i32 to index
        %get3A_969 = arith.constant 1408 : index
        %get3A_970 = tpu.vector_load %arg14[%get3A_968, %get3A_969] {strides = array<i32>} : memref<16x2048xbf16, #tpu.memory_space<vmem>>, vector<32xbf16>,
        %unpack3A_971 = tpu.unpack_subelements %get3A_970, 0 {pack_format = #tpu.pack_format<interleaved>} : vector<32xbf16> -> vector<16xf32>
        %unpack3A_972 = tpu.unpack_subelements %get3A_970, 1 {pack_format = #tpu.pack_format<interleaved>} : vector<32xbf16> -> vector<16xf32>
        %mul3A_973 = arith.mulf %broadcast_in_dim3A_967, %unpack3A_971 : vector<16xf32>
        %add3A_974 = arith.addf %add3A_962, %mul3A_973 : vector<16xf32>
        %mul3A_975 = arith.mulf %broadcast_in_dim3A_967, %unpack3A_972 : vector<16xf32>
        %add3A_976 = arith.addf %add3A_964, %mul3A_975 : vector<16xf32>
        %slice3A_977 = vector.extract_strided_slice %get3A_820 {offsets = [13], sizes = [1], strides = [1]} : vector<16xf32> to vector<1xf32>
        %squeeze3A_978 = vector.extract %slice3A_977[0] : f32 from vector<1xf32>
        %broadcast_in_dim3A_979 = vector.broadcast %squeeze3A_978 : f32 to vector<16xf32>
        %get3A_980 = arith.index_cast %scan3A_423 : i32 to index
        %get3A_981 = arith.constant 1440 : index
        %get3A_982 = tpu.vector_load %arg14[%get3A_980, %get3A_981] {strides = array<i32>} : memref<16x2048xbf16, #tpu.memory_space<vmem>>, vector<32xbf16>,
        %unpack3A_983 = tpu.unpack_subelements %get3A_982, 0 {pack_format = #tpu.pack_format<interleaved>} : vector<32xbf16> -> vector<16xf32>
        %unpack3A_984 = tpu.unpack_subelements %get3A_982, 1 {pack_format = #tpu.pack_format<interleaved>} : vector<32xbf16> -> vector<16xf32>
        %mul3A_985 = arith.mulf %broadcast_in_dim3A_979, %unpack3A_983 : vector<16xf32>
        %add3A_986 = arith.addf %add3A_974, %mul3A_985 : vector<16xf32>
        %mul3A_987 = arith.mulf %broadcast_in_dim3A_979, %unpack3A_984 : vector<16xf32>
        %add3A_988 = arith.addf %add3A_976, %mul3A_987 : vector<16xf32>
        %slice3A_989 = vector.extract_strided_slice %get3A_820 {offsets = [14], sizes = [1], strides = [1]} : vector<16xf32> to vector<1xf32>
        %squeeze3A_990 = vector.extract %slice3A_989[0] : f32 from vector<1xf32>
        %broadcast_in_dim3A_991 = vector.broadcast %squeeze3A_990 : f32 to vector<16xf32>
        %get3A_992 = arith.index_cast %scan3A_423 : i32 to index
        %get3A_993 = arith.constant 1472 : index
        %get3A_994 = tpu.vector_load %arg14[%get3A_992, %get3A_993] {strides = array<i32>} : memref<16x2048xbf16, #tpu.memory_space<vmem>>, vector<32xbf16>,
        %unpack3A_995 = tpu.unpack_subelements %get3A_994, 0 {pack_format = #tpu.pack_format<interleaved>} : vector<32xbf16> -> vector<16xf32>
        %unpack3A_996 = tpu.unpack_subelements %get3A_994, 1 {pack_format = #tpu.pack_format<interleaved>} : vector<32xbf16> -> vector<16xf32>
        %mul3A_997 = arith.mulf %broadcast_in_dim3A_991, %unpack3A_995 : vector<16xf32>
        %add3A_998 = arith.addf %add3A_986, %mul3A_997 : vector<16xf32>
        %mul3A_999 = arith.mulf %broadcast_in_dim3A_991, %unpack3A_996 : vector<16xf32>
        %add3A_1000 = arith.addf %add3A_988, %mul3A_999 : vector<16xf32>
        %slice3A_1001 = vector.extract_strided_slice %get3A_820 {offsets = [15], sizes = [1], strides = [1]} : vector<16xf32> to vector<1xf32>
        %squeeze3A_1002 = vector.extract %slice3A_1001[0] : f32 from vector<1xf32>
        %broadcast_in_dim3A_1003 = vector.broadcast %squeeze3A_1002 : f32 to vector<16xf32>
        %get3A_1004 = arith.index_cast %scan3A_423 : i32 to index
        %get3A_1005 = arith.constant 1504 : index
        %get3A_1006 = tpu.vector_load %arg14[%get3A_1004, %get3A_1005] {strides = array<i32>} : memref<16x2048xbf16, #tpu.memory_space<vmem>>, vector<32xbf16>,
        %unpack3A_1007 = tpu.unpack_subelements %get3A_1006, 0 {pack_format = #tpu.pack_format<interleaved>} : vector<32xbf16> -> vector<16xf32>
        %unpack3A_1008 = tpu.unpack_subelements %get3A_1006, 1 {pack_format = #tpu.pack_format<interleaved>} : vector<32xbf16> -> vector<16xf32>
        %mul3A_1009 = arith.mulf %broadcast_in_dim3A_1003, %unpack3A_1007 : vector<16xf32>
        %add3A_1010 = arith.addf %add3A_998, %mul3A_1009 : vector<16xf32>
        %mul3A_1011 = arith.mulf %broadcast_in_dim3A_1003, %unpack3A_1008 : vector<16xf32>
        %add3A_1012 = arith.addf %add3A_1000, %mul3A_1011 : vector<16xf32>
        %get3A_1013 = arith.index_cast %add3A_426 : i32 to index
        %get3A_1014 = arith.constant 48 : index
        %get3A_1015 = tpu.vector_load %arg9[%get3A_1013, %get3A_1014] {strides = array<i32>} : memref<256x64xf32, #tpu.memory_space<vmem>>, vector<16xf32>,
        %slice3A_1016 = vector.extract_strided_slice %get3A_1015 {offsets = [0], sizes = [1], strides = [1]} : vector<16xf32> to vector<1xf32>
        %squeeze3A_1017 = vector.extract %slice3A_1016[0] : f32 from vector<1xf32>
        %broadcast_in_dim3A_1018 = vector.broadcast %squeeze3A_1017 : f32 to vector<16xf32>
        %get3A_1019 = arith.index_cast %scan3A_423 : i32 to index
        %get3A_1020 = arith.constant 1536 : index
        %get3A_1021 = tpu.vector_load %arg14[%get3A_1019, %get3A_1020] {strides = array<i32>} : memref<16x2048xbf16, #tpu.memory_space<vmem>>, vector<32xbf16>,
        %unpack3A_1022 = tpu.unpack_subelements %get3A_1021, 0 {pack_format = #tpu.pack_format<interleaved>} : vector<32xbf16> -> vector<16xf32>
        %unpack3A_1023 = tpu.unpack_subelements %get3A_1021, 1 {pack_format = #tpu.pack_format<interleaved>} : vector<32xbf16> -> vector<16xf32>
        %mul3A_1024 = arith.mulf %broadcast_in_dim3A_1018, %unpack3A_1022 : vector<16xf32>
        %add3A_1025 = arith.addf %add3A_1010, %mul3A_1024 : vector<16xf32>
        %mul3A_1026 = arith.mulf %broadcast_in_dim3A_1018, %unpack3A_1023 : vector<16xf32>
        %add3A_1027 = arith.addf %add3A_1012, %mul3A_1026 : vector<16xf32>
        %slice3A_1028 = vector.extract_strided_slice %get3A_1015 {offsets = [1], sizes = [1], strides = [1]} : vector<16xf32> to vector<1xf32>
        %squeeze3A_1029 = vector.extract %slice3A_1028[0] : f32 from vector<1xf32>
        %broadcast_in_dim3A_1030 = vector.broadcast %squeeze3A_1029 : f32 to vector<16xf32>
        %get3A_1031 = arith.index_cast %scan3A_423 : i32 to index
        %get3A_1032 = arith.constant 1568 : index
        %get3A_1033 = tpu.vector_load %arg14[%get3A_1031, %get3A_1032] {strides = array<i32>} : memref<16x2048xbf16, #tpu.memory_space<vmem>>, vector<32xbf16>,
        %unpack3A_1034 = tpu.unpack_subelements %get3A_1033, 0 {pack_format = #tpu.pack_format<interleaved>} : vector<32xbf16> -> vector<16xf32>
        %unpack3A_1035 = tpu.unpack_subelements %get3A_1033, 1 {pack_format = #tpu.pack_format<interleaved>} : vector<32xbf16> -> vector<16xf32>
        %mul3A_1036 = arith.mulf %broadcast_in_dim3A_1030, %unpack3A_1034 : vector<16xf32>
        %add3A_1037 = arith.addf %add3A_1025, %mul3A_1036 : vector<16xf32>
        %mul3A_1038 = arith.mulf %broadcast_in_dim3A_1030, %unpack3A_1035 : vector<16xf32>
        %add3A_1039 = arith.addf %add3A_1027, %mul3A_1038 : vector<16xf32>
        %slice3A_1040 = vector.extract_strided_slice %get3A_1015 {offsets = [2], sizes = [1], strides = [1]} : vector<16xf32> to vector<1xf32>
        %squeeze3A_1041 = vector.extract %slice3A_1040[0] : f32 from vector<1xf32>
        %broadcast_in_dim3A_1042 = vector.broadcast %squeeze3A_1041 : f32 to vector<16xf32>
        %get3A_1043 = arith.index_cast %scan3A_423 : i32 to index
        %get3A_1044 = arith.constant 1600 : index
        %get3A_1045 = tpu.vector_load %arg14[%get3A_1043, %get3A_1044] {strides = array<i32>} : memref<16x2048xbf16, #tpu.memory_space<vmem>>, vector<32xbf16>,
        %unpack3A_1046 = tpu.unpack_subelements %get3A_1045, 0 {pack_format = #tpu.pack_format<interleaved>} : vector<32xbf16> -> vector<16xf32>
        %unpack3A_1047 = tpu.unpack_subelements %get3A_1045, 1 {pack_format = #tpu.pack_format<interleaved>} : vector<32xbf16> -> vector<16xf32>
        %mul3A_1048 = arith.mulf %broadcast_in_dim3A_1042, %unpack3A_1046 : vector<16xf32>
        %add3A_1049 = arith.addf %add3A_1037, %mul3A_1048 : vector<16xf32>
        %mul3A_1050 = arith.mulf %broadcast_in_dim3A_1042, %unpack3A_1047 : vector<16xf32>
        %add3A_1051 = arith.addf %add3A_1039, %mul3A_1050 : vector<16xf32>
        %slice3A_1052 = vector.extract_strided_slice %get3A_1015 {offsets = [3], sizes = [1], strides = [1]} : vector<16xf32> to vector<1xf32>
        %squeeze3A_1053 = vector.extract %slice3A_1052[0] : f32 from vector<1xf32>
        %broadcast_in_dim3A_1054 = vector.broadcast %squeeze3A_1053 : f32 to vector<16xf32>
        %get3A_1055 = arith.index_cast %scan3A_423 : i32 to index
        %get3A_1056 = arith.constant 1632 : index
        %get3A_1057 = tpu.vector_load %arg14[%get3A_1055, %get3A_1056] {strides = array<i32>} : memref<16x2048xbf16, #tpu.memory_space<vmem>>, vector<32xbf16>,
        %unpack3A_1058 = tpu.unpack_subelements %get3A_1057, 0 {pack_format = #tpu.pack_format<interleaved>} : vector<32xbf16> -> vector<16xf32>
        %unpack3A_1059 = tpu.unpack_subelements %get3A_1057, 1 {pack_format = #tpu.pack_format<interleaved>} : vector<32xbf16> -> vector<16xf32>
        %mul3A_1060 = arith.mulf %broadcast_in_dim3A_1054, %unpack3A_1058 : vector<16xf32>
        %add3A_1061 = arith.addf %add3A_1049, %mul3A_1060 : vector<16xf32>
        %mul3A_1062 = arith.mulf %broadcast_in_dim3A_1054, %unpack3A_1059 : vector<16xf32>
        %add3A_1063 = arith.addf %add3A_1051, %mul3A_1062 : vector<16xf32>
        %slice3A_1064 = vector.extract_strided_slice %get3A_1015 {offsets = [4], sizes = [1], strides = [1]} : vector<16xf32> to vector<1xf32>
        %squeeze3A_1065 = vector.extract %slice3A_1064[0] : f32 from vector<1xf32>
        %broadcast_in_dim3A_1066 = vector.broadcast %squeeze3A_1065 : f32 to vector<16xf32>
        %get3A_1067 = arith.index_cast %scan3A_423 : i32 to index
        %get3A_1068 = arith.constant 1664 : index
        %get3A_1069 = tpu.vector_load %arg14[%get3A_1067, %get3A_1068] {strides = array<i32>} : memref<16x2048xbf16, #tpu.memory_space<vmem>>, vector<32xbf16>,
        %unpack3A_1070 = tpu.unpack_subelements %get3A_1069, 0 {pack_format = #tpu.pack_format<interleaved>} : vector<32xbf16> -> vector<16xf32>
        %unpack3A_1071 = tpu.unpack_subelements %get3A_1069, 1 {pack_format = #tpu.pack_format<interleaved>} : vector<32xbf16> -> vector<16xf32>
        %mul3A_1072 = arith.mulf %broadcast_in_dim3A_1066, %unpack3A_1070 : vector<16xf32>
        %add3A_1073 = arith.addf %add3A_1061, %mul3A_1072 : vector<16xf32>
        %mul3A_1074 = arith.mulf %broadcast_in_dim3A_1066, %unpack3A_1071 : vector<16xf32>
        %add3A_1075 = arith.addf %add3A_1063, %mul3A_1074 : vector<16xf32>
        %slice3A_1076 = vector.extract_strided_slice %get3A_1015 {offsets = [5], sizes = [1], strides = [1]} : vector<16xf32> to vector<1xf32>
        %squeeze3A_1077 = vector.extract %slice3A_1076[0] : f32 from vector<1xf32>
        %broadcast_in_dim3A_1078 = vector.broadcast %squeeze3A_1077 : f32 to vector<16xf32>
        %get3A_1079 = arith.index_cast %scan3A_423 : i32 to index
        %get3A_1080 = arith.constant 1696 : index
        %get3A_1081 = tpu.vector_load %arg14[%get3A_1079, %get3A_1080] {strides = array<i32>} : memref<16x2048xbf16, #tpu.memory_space<vmem>>, vector<32xbf16>,
        %unpack3A_1082 = tpu.unpack_subelements %get3A_1081, 0 {pack_format = #tpu.pack_format<interleaved>} : vector<32xbf16> -> vector<16xf32>
        %unpack3A_1083 = tpu.unpack_subelements %get3A_1081, 1 {pack_format = #tpu.pack_format<interleaved>} : vector<32xbf16> -> vector<16xf32>
        %mul3A_1084 = arith.mulf %broadcast_in_dim3A_1078, %unpack3A_1082 : vector<16xf32>
        %add3A_1085 = arith.addf %add3A_1073, %mul3A_1084 : vector<16xf32>
        %mul3A_1086 = arith.mulf %broadcast_in_dim3A_1078, %unpack3A_1083 : vector<16xf32>
        %add3A_1087 = arith.addf %add3A_1075, %mul3A_1086 : vector<16xf32>
        %slice3A_1088 = vector.extract_strided_slice %get3A_1015 {offsets = [6], sizes = [1], strides = [1]} : vector<16xf32> to vector<1xf32>
        %squeeze3A_1089 = vector.extract %slice3A_1088[0] : f32 from vector<1xf32>
        %broadcast_in_dim3A_1090 = vector.broadcast %squeeze3A_1089 : f32 to vector<16xf32>
        %get3A_1091 = arith.index_cast %scan3A_423 : i32 to index
        %get3A_1092 = arith.constant 1728 : index
        %get3A_1093 = tpu.vector_load %arg14[%get3A_1091, %get3A_1092] {strides = array<i32>} : memref<16x2048xbf16, #tpu.memory_space<vmem>>, vector<32xbf16>,
        %unpack3A_1094 = tpu.unpack_subelements %get3A_1093, 0 {pack_format = #tpu.pack_format<interleaved>} : vector<32xbf16> -> vector<16xf32>
        %unpack3A_1095 = tpu.unpack_subelements %get3A_1093, 1 {pack_format = #tpu.pack_format<interleaved>} : vector<32xbf16> -> vector<16xf32>
        %mul3A_1096 = arith.mulf %broadcast_in_dim3A_1090, %unpack3A_1094 : vector<16xf32>
        %add3A_1097 = arith.addf %add3A_1085, %mul3A_1096 : vector<16xf32>
        %mul3A_1098 = arith.mulf %broadcast_in_dim3A_1090, %unpack3A_1095 : vector<16xf32>
        %add3A_1099 = arith.addf %add3A_1087, %mul3A_1098 : vector<16xf32>
        %slice3A_1100 = vector.extract_strided_slice %get3A_1015 {offsets = [7], sizes = [1], strides = [1]} : vector<16xf32> to vector<1xf32>
        %squeeze3A_1101 = vector.extract %slice3A_1100[0] : f32 from vector<1xf32>
        %broadcast_in_dim3A_1102 = vector.broadcast %squeeze3A_1101 : f32 to vector<16xf32>
        %get3A_1103 = arith.index_cast %scan3A_423 : i32 to index
        %get3A_1104 = arith.constant 1760 : index
        %get3A_1105 = tpu.vector_load %arg14[%get3A_1103, %get3A_1104] {strides = array<i32>} : memref<16x2048xbf16, #tpu.memory_space<vmem>>, vector<32xbf16>,
        %unpack3A_1106 = tpu.unpack_subelements %get3A_1105, 0 {pack_format = #tpu.pack_format<interleaved>} : vector<32xbf16> -> vector<16xf32>
        %unpack3A_1107 = tpu.unpack_subelements %get3A_1105, 1 {pack_format = #tpu.pack_format<interleaved>} : vector<32xbf16> -> vector<16xf32>
        %mul3A_1108 = arith.mulf %broadcast_in_dim3A_1102, %unpack3A_1106 : vector<16xf32>
        %add3A_1109 = arith.addf %add3A_1097, %mul3A_1108 : vector<16xf32>
        %mul3A_1110 = arith.mulf %broadcast_in_dim3A_1102, %unpack3A_1107 : vector<16xf32>
        %add3A_1111 = arith.addf %add3A_1099, %mul3A_1110 : vector<16xf32>
        %slice3A_1112 = vector.extract_strided_slice %get3A_1015 {offsets = [8], sizes = [1], strides = [1]} : vector<16xf32> to vector<1xf32>
        %squeeze3A_1113 = vector.extract %slice3A_1112[0] : f32 from vector<1xf32>
        %broadcast_in_dim3A_1114 = vector.broadcast %squeeze3A_1113 : f32 to vector<16xf32>
        %get3A_1115 = arith.index_cast %scan3A_423 : i32 to index
        %get3A_1116 = arith.constant 1792 : index
        %get3A_1117 = tpu.vector_load %arg14[%get3A_1115, %get3A_1116] {strides = array<i32>} : memref<16x2048xbf16, #tpu.memory_space<vmem>>, vector<32xbf16>,
        %unpack3A_1118 = tpu.unpack_subelements %get3A_1117, 0 {pack_format = #tpu.pack_format<interleaved>} : vector<32xbf16> -> vector<16xf32>
        %unpack3A_1119 = tpu.unpack_subelements %get3A_1117, 1 {pack_format = #tpu.pack_format<interleaved>} : vector<32xbf16> -> vector<16xf32>
        %mul3A_1120 = arith.mulf %broadcast_in_dim3A_1114, %unpack3A_1118 : vector<16xf32>
        %add3A_1121 = arith.addf %add3A_1109, %mul3A_1120 : vector<16xf32>
        %mul3A_1122 = arith.mulf %broadcast_in_dim3A_1114, %unpack3A_1119 : vector<16xf32>
        %add3A_1123 = arith.addf %add3A_1111, %mul3A_1122 : vector<16xf32>
        %slice3A_1124 = vector.extract_strided_slice %get3A_1015 {offsets = [9], sizes = [1], strides = [1]} : vector<16xf32> to vector<1xf32>
        %squeeze3A_1125 = vector.extract %slice3A_1124[0] : f32 from vector<1xf32>
        %broadcast_in_dim3A_1126 = vector.broadcast %squeeze3A_1125 : f32 to vector<16xf32>
        %get3A_1127 = arith.index_cast %scan3A_423 : i32 to index
        %get3A_1128 = arith.constant 1824 : index
        %get3A_1129 = tpu.vector_load %arg14[%get3A_1127, %get3A_1128] {strides = array<i32>} : memref<16x2048xbf16, #tpu.memory_space<vmem>>, vector<32xbf16>,
        %unpack3A_1130 = tpu.unpack_subelements %get3A_1129, 0 {pack_format = #tpu.pack_format<interleaved>} : vector<32xbf16> -> vector<16xf32>
        %unpack3A_1131 = tpu.unpack_subelements %get3A_1129, 1 {pack_format = #tpu.pack_format<interleaved>} : vector<32xbf16> -> vector<16xf32>
        %mul3A_1132 = arith.mulf %broadcast_in_dim3A_1126, %unpack3A_1130 : vector<16xf32>
        %add3A_1133 = arith.addf %add3A_1121, %mul3A_1132 : vector<16xf32>
        %mul3A_1134 = arith.mulf %broadcast_in_dim3A_1126, %unpack3A_1131 : vector<16xf32>
        %add3A_1135 = arith.addf %add3A_1123, %mul3A_1134 : vector<16xf32>
        %slice3A_1136 = vector.extract_strided_slice %get3A_1015 {offsets = [10], sizes = [1], strides = [1]} : vector<16xf32> to vector<1xf32>
        %squeeze3A_1137 = vector.extract %slice3A_1136[0] : f32 from vector<1xf32>
        %broadcast_in_dim3A_1138 = vector.broadcast %squeeze3A_1137 : f32 to vector<16xf32>
        %get3A_1139 = arith.index_cast %scan3A_423 : i32 to index
        %get3A_1140 = arith.constant 1856 : index
        %get3A_1141 = tpu.vector_load %arg14[%get3A_1139, %get3A_1140] {strides = array<i32>} : memref<16x2048xbf16, #tpu.memory_space<vmem>>, vector<32xbf16>,
        %unpack3A_1142 = tpu.unpack_subelements %get3A_1141, 0 {pack_format = #tpu.pack_format<interleaved>} : vector<32xbf16> -> vector<16xf32>
        %unpack3A_1143 = tpu.unpack_subelements %get3A_1141, 1 {pack_format = #tpu.pack_format<interleaved>} : vector<32xbf16> -> vector<16xf32>
        %mul3A_1144 = arith.mulf %broadcast_in_dim3A_1138, %unpack3A_1142 : vector<16xf32>
        %add3A_1145 = arith.addf %add3A_1133, %mul3A_1144 : vector<16xf32>
        %mul3A_1146 = arith.mulf %broadcast_in_dim3A_1138, %unpack3A_1143 : vector<16xf32>
        %add3A_1147 = arith.addf %add3A_1135, %mul3A_1146 : vector<16xf32>
        %slice3A_1148 = vector.extract_strided_slice %get3A_1015 {offsets = [11], sizes = [1], strides = [1]} : vector<16xf32> to vector<1xf32>
        %squeeze3A_1149 = vector.extract %slice3A_1148[0] : f32 from vector<1xf32>
        %broadcast_in_dim3A_1150 = vector.broadcast %squeeze3A_1149 : f32 to vector<16xf32>
        %get3A_1151 = arith.index_cast %scan3A_423 : i32 to index
        %get3A_1152 = arith.constant 1888 : index
        %get3A_1153 = tpu.vector_load %arg14[%get3A_1151, %get3A_1152] {strides = array<i32>} : memref<16x2048xbf16, #tpu.memory_space<vmem>>, vector<32xbf16>,
        %unpack3A_1154 = tpu.unpack_subelements %get3A_1153, 0 {pack_format = #tpu.pack_format<interleaved>} : vector<32xbf16> -> vector<16xf32>
        %unpack3A_1155 = tpu.unpack_subelements %get3A_1153, 1 {pack_format = #tpu.pack_format<interleaved>} : vector<32xbf16> -> vector<16xf32>
        %mul3A_1156 = arith.mulf %broadcast_in_dim3A_1150, %unpack3A_1154 : vector<16xf32>
        %add3A_1157 = arith.addf %add3A_1145, %mul3A_1156 : vector<16xf32>
        %mul3A_1158 = arith.mulf %broadcast_in_dim3A_1150, %unpack3A_1155 : vector<16xf32>
        %add3A_1159 = arith.addf %add3A_1147, %mul3A_1158 : vector<16xf32>
        %slice3A_1160 = vector.extract_strided_slice %get3A_1015 {offsets = [12], sizes = [1], strides = [1]} : vector<16xf32> to vector<1xf32>
        %squeeze3A_1161 = vector.extract %slice3A_1160[0] : f32 from vector<1xf32>
        %broadcast_in_dim3A_1162 = vector.broadcast %squeeze3A_1161 : f32 to vector<16xf32>
        %get3A_1163 = arith.index_cast %scan3A_423 : i32 to index
        %get3A_1164 = arith.constant 1920 : index
        %get3A_1165 = tpu.vector_load %arg14[%get3A_1163, %get3A_1164] {strides = array<i32>} : memref<16x2048xbf16, #tpu.memory_space<vmem>>, vector<32xbf16>,
        %unpack3A_1166 = tpu.unpack_subelements %get3A_1165, 0 {pack_format = #tpu.pack_format<interleaved>} : vector<32xbf16> -> vector<16xf32>
        %unpack3A_1167 = tpu.unpack_subelements %get3A_1165, 1 {pack_format = #tpu.pack_format<interleaved>} : vector<32xbf16> -> vector<16xf32>
        %mul3A_1168 = arith.mulf %broadcast_in_dim3A_1162, %unpack3A_1166 : vector<16xf32>
        %add3A_1169 = arith.addf %add3A_1157, %mul3A_1168 : vector<16xf32>
        %mul3A_1170 = arith.mulf %broadcast_in_dim3A_1162, %unpack3A_1167 : vector<16xf32>
        %add3A_1171 = arith.addf %add3A_1159, %mul3A_1170 : vector<16xf32>
        %slice3A_1172 = vector.extract_strided_slice %get3A_1015 {offsets = [13], sizes = [1], strides = [1]} : vector<16xf32> to vector<1xf32>
        %squeeze3A_1173 = vector.extract %slice3A_1172[0] : f32 from vector<1xf32>
        %broadcast_in_dim3A_1174 = vector.broadcast %squeeze3A_1173 : f32 to vector<16xf32>
        %get3A_1175 = arith.index_cast %scan3A_423 : i32 to index
        %get3A_1176 = arith.constant 1952 : index
        %get3A_1177 = tpu.vector_load %arg14[%get3A_1175, %get3A_1176] {strides = array<i32>} : memref<16x2048xbf16, #tpu.memory_space<vmem>>, vector<32xbf16>,
        %unpack3A_1178 = tpu.unpack_subelements %get3A_1177, 0 {pack_format = #tpu.pack_format<interleaved>} : vector<32xbf16> -> vector<16xf32>
        %unpack3A_1179 = tpu.unpack_subelements %get3A_1177, 1 {pack_format = #tpu.pack_format<interleaved>} : vector<32xbf16> -> vector<16xf32>
        %mul3A_1180 = arith.mulf %broadcast_in_dim3A_1174, %unpack3A_1178 : vector<16xf32>
        %add3A_1181 = arith.addf %add3A_1169, %mul3A_1180 : vector<16xf32>
        %mul3A_1182 = arith.mulf %broadcast_in_dim3A_1174, %unpack3A_1179 : vector<16xf32>
        %add3A_1183 = arith.addf %add3A_1171, %mul3A_1182 : vector<16xf32>
        %slice3A_1184 = vector.extract_strided_slice %get3A_1015 {offsets = [14], sizes = [1], strides = [1]} : vector<16xf32> to vector<1xf32>
        %squeeze3A_1185 = vector.extract %slice3A_1184[0] : f32 from vector<1xf32>
        %broadcast_in_dim3A_1186 = vector.broadcast %squeeze3A_1185 : f32 to vector<16xf32>
        %get3A_1187 = arith.index_cast %scan3A_423 : i32 to index
        %get3A_1188 = arith.constant 1984 : index
        %get3A_1189 = tpu.vector_load %arg14[%get3A_1187, %get3A_1188] {strides = array<i32>} : memref<16x2048xbf16, #tpu.memory_space<vmem>>, vector<32xbf16>,
        %unpack3A_1190 = tpu.unpack_subelements %get3A_1189, 0 {pack_format = #tpu.pack_format<interleaved>} : vector<32xbf16> -> vector<16xf32>
        %unpack3A_1191 = tpu.unpack_subelements %get3A_1189, 1 {pack_format = #tpu.pack_format<interleaved>} : vector<32xbf16> -> vector<16xf32>
        %mul3A_1192 = arith.mulf %broadcast_in_dim3A_1186, %unpack3A_1190 : vector<16xf32>
        %add3A_1193 = arith.addf %add3A_1181, %mul3A_1192 : vector<16xf32>
        %mul3A_1194 = arith.mulf %broadcast_in_dim3A_1186, %unpack3A_1191 : vector<16xf32>
        %add3A_1195 = arith.addf %add3A_1183, %mul3A_1194 : vector<16xf32>
        %slice3A_1196 = vector.extract_strided_slice %get3A_1015 {offsets = [15], sizes = [1], strides = [1]} : vector<16xf32> to vector<1xf32>
        %squeeze3A_1197 = vector.extract %slice3A_1196[0] : f32 from vector<1xf32>
        %broadcast_in_dim3A_1198 = vector.broadcast %squeeze3A_1197 : f32 to vector<16xf32>
        %get3A_1199 = arith.index_cast %scan3A_423 : i32 to index
        %get3A_1200 = arith.constant 2016 : index
        %get3A_1201 = tpu.vector_load %arg14[%get3A_1199, %get3A_1200] {strides = array<i32>} : memref<16x2048xbf16, #tpu.memory_space<vmem>>, vector<32xbf16>,
        %unpack3A_1202 = tpu.unpack_subelements %get3A_1201, 0 {pack_format = #tpu.pack_format<interleaved>} : vector<32xbf16> -> vector<16xf32>
        %unpack3A_1203 = tpu.unpack_subelements %get3A_1201, 1 {pack_format = #tpu.pack_format<interleaved>} : vector<32xbf16> -> vector<16xf32>
        %mul3A_1204 = arith.mulf %broadcast_in_dim3A_1198, %unpack3A_1202 : vector<16xf32>
        %add3A_1205 = arith.addf %add3A_1193, %mul3A_1204 : vector<16xf32>
        %mul3A_1206 = arith.mulf %broadcast_in_dim3A_1198, %unpack3A_1203 : vector<16xf32>
        %add3A_1207 = arith.addf %add3A_1195, %mul3A_1206 : vector<16xf32>
        %swap3A = arith.index_cast %add3A_426 : i32 to index
        %swap3A_1208 = arith.constant 0 : index
        %swap3A_1209 = tpu.vector_load %arg12[%swap3A, %swap3A_1208] {strides = array<i32>} : memref<256x32xf32, #tpu.memory_space<vmem>>, vector<16xf32>,
        tpu.vector_store %arg12[%swap3A, %swap3A_1208], %add3A_1205 {strides = array<i32>} : memref<256x32xf32, #tpu.memory_space<vmem>>, vector<16xf32>,
        %swap3A_1210 = arith.index_cast %add3A_426 : i32 to index
        %swap3A_1211 = arith.constant 16 : index
        %swap3A_1212 = tpu.vector_load %arg12[%swap3A_1210, %swap3A_1211] {strides = array<i32>} : memref<256x32xf32, #tpu.memory_space<vmem>>, vector<16xf32>,
        tpu.vector_store %arg12[%swap3A_1210, %swap3A_1211], %add3A_1207 {strides = array<i32>} : memref<256x32xf32, #tpu.memory_space<vmem>>, vector<16xf32>,
      }
      %scan3A_415 = arith.constant 16 : i32
      %add3A_416 = arith.constant 2 : i32
      %add3A_417 = arith.addi %add3A_362, %add3A_416 : i32
      %lt3A_418 = arith.constant 16 : i32
      %lt3A_419 = arith.cmpi slt, %add3A_417, %lt3A_418 : i32
      %convert_element_type3A_420 = arith.extui %lt3A_419 : i1 to i32
      %cond3A_421 = arith.constant 0 : i32
      %cond3A_422 = arith.cmpi ne, %convert_element_type3A_420, %cond3A_421 : i32
      scf.if %cond3A_422 {
        %jit3A_423 = arith.constant 8 : i32
        %div3A_424 = arith.divsi %add3A_417, %jit3A_423 : i32
        %sign3A_425 = arith.constant 0 : i32
        %sign3A_426 = arith.cmpi sgt, %add3A_417, %sign3A_425 : i32
        %sign3A_427 = arith.extui %sign3A_426 : i1 to i32
        %sign3A_428 = arith.constant 0 : i32
        %sign3A_429 = arith.cmpi slt, %add3A_417, %sign3A_428 : i32
        %sign3A_430 = arith.extui %sign3A_429 : i1 to i32
        %sign3A_431 = arith.subi %sign3A_427, %sign3A_430 : i32
        %sign3A_432 = arith.constant 0 : i32
        %sign3A_433 = arith.cmpi sgt, %jit3A_423, %sign3A_432 : i32
        %sign3A_434 = arith.extui %sign3A_433 : i1 to i32
        %sign3A_435 = arith.constant 0 : i32
        %sign3A_436 = arith.cmpi slt, %jit3A_423, %sign3A_435 : i32
        %sign3A_437 = arith.extui %sign3A_436 : i1 to i32
        %sign3A_438 = arith.subi %sign3A_434, %sign3A_437 : i32
        %ne3A_439 = arith.cmpi ne, %sign3A_431, %sign3A_438 : i32
        %rem3A_440 = arith.remsi %add3A_417, %jit3A_423 : i32
        %ne3A_441 = arith.constant 0 : i32
        %ne3A_442 = arith.cmpi ne, %rem3A_440, %ne3A_441 : i32
        %and3A_443 = arith.andi %ne3A_439, %ne3A_442 : i1
        %sub3A_444 = arith.constant 1 : i32
        %sub3A_445 = arith.subi %div3A_424, %sub3A_444 : i32
        %select_n3A_446 = arith.select %and3A_443, %sub3A_445, %div3A_424 : i32
        %jit3A_447 = arith.constant 8 : i32
        %eq3A_448 = arith.constant 0 : i32
        %eq3A_449 = arith.cmpi eq, %jit3A_447, %eq3A_448 : i32
        %jit3A_450 = arith.constant 1 : i32
        %select_n3A_451 = arith.select %eq3A_449, %jit3A_450, %jit3A_447 : i32
        %rem3A_452 = arith.remsi %add3A_417, %select_n3A_451 : i32
        %ne3A_453 = arith.constant 0 : i32
        %ne3A_454 = arith.cmpi ne, %rem3A_452, %ne3A_453 : i32
        %lt3A_455 = arith.constant 0 : i32
        %lt3A_456 = arith.cmpi slt, %rem3A_452, %lt3A_455 : i32
        %lt3A_457 = arith.constant 0 : i32
        %lt3A_458 = arith.cmpi slt, %select_n3A_451, %lt3A_457 : i32
        %ne3A_459 = arith.xori %lt3A_456, %lt3A_458 : i1
        %and3A_460 = arith.andi %ne3A_459, %ne3A_454 : i1
        %add3A_461 = arith.addi %rem3A_452, %select_n3A_451 : i32
        %select_n3A_462 = arith.select %and3A_460, %add3A_461, %rem3A_452 : i32
        %mul3A_463 = arith.constant 16 : i32
        %mul3A_464 = arith.muli %select_n3A_462, %mul3A_463 : i32
        %dma_start3A_465 = tpu.memref_slice %arg17[%select_n3A_446, %mul3A_464] : memref<2x128xi32, #tpu.memory_space<vmem>> -> memref<1x16xi32, #tpu.memory_space<vmem>>
        %dma_start3A_466 = tpu.memref_squeeze %dma_start3A_465 : memref<1x16xi32, #tpu.memory_space<vmem>> -> memref<16xi32, #tpu.memory_space<vmem>>
        %dma_start3A_467 = arith.constant 0 : i32
        %dma_start3A_468 = arith.constant 0 : i32
        %dma_start3A_469 = tpu.memref_slice %arg7[%dma_start3A_467, %dma_start3A_468] : memref<1000x2048xbf16, #tpu.memory_space<hbm>> -> memref<1000x2048xbf16, #tpu.memory_space<hbm>>
        tpu.enqueue_indirect_dma source(%dma_start3A_469 : memref<1000x2048xbf16, #tpu.memory_space<hbm>>) target(%arg14 : memref<16x2048xbf16, #tpu.memory_space<vmem>>) offsets(%dma_start3A_466 : memref<16xi32, #tpu.memory_space<vmem>>) semaphore(%arg20 : memref<!tpu.dma_semaphore, #tpu.memory_space<semaphore_mem>>)
      } else {
      }
    }
    %scan3A_151 = arith.constant 8 : i32
    "tpu.region"() ({
      %run_scoped3A = tpu.sem_alloc : memref<!tpu.dma_semaphore, #tpu.memory_space<semaphore_mem>>
      %dma_start3A_306 = arith.constant 0 : i32
      %dma_start3A_307 = tpu.memref_slice %arg8[%add3A_4, %dma_start3A_306] : memref<16384x32xf32, #tpu.memory_space<hbm>> -> memref<256x32xf32, #tpu.memory_space<hbm>>
      %dma_start3A_308 = arith.constant 0 : i32
      %dma_start3A_309 = tpu.memref_slice %arg8[%add3A_4, %dma_start3A_308] : memref<16384x32xf32, #tpu.memory_space<hbm>> -> memref<256x32xf32, #tpu.memory_space<hbm>>
      tpu.enqueue_dma source(%arg12 : memref<256x32xf32, #tpu.memory_space<vmem>>) target(%dma_start3A_309 : memref<256x32xf32, #tpu.memory_space<hbm>>) target_semaphore(%run_scoped3A : memref<!tpu.dma_semaphore, #tpu.memory_space<semaphore_mem>>)
      %dma_wait3A_310 = arith.constant 0 : i32
      %dma_wait3A_311 = tpu.memref_slice %arg8[%add3A_4, %dma_wait3A_310] : memref<16384x32xf32, #tpu.memory_space<hbm>> -> memref<256x32xf32, #tpu.memory_space<hbm>>
      %dma_wait3A_312 = arith.constant 0 : i32
      %dma_wait3A_313 = tpu.memref_slice %arg8[%add3A_4, %dma_wait3A_312] : memref<16384x32xf32, #tpu.memory_space<hbm>> -> memref<256x32xf32, #tpu.memory_space<hbm>>
      tpu.wait_dma2 semaphore(%run_scoped3A : memref<!tpu.dma_semaphore, #tpu.memory_space<semaphore_mem>>) src(%arg12 : memref<256x32xf32, #tpu.memory_space<vmem>>) dst(%dma_wait3A_313 : memref<256x32xf32, #tpu.memory_space<hbm>>)
      tpu.yield
    }) : () -> ()
    %mul3A_152 = arith.constant 512 : i32
    %mul3A_153 = arith.muli %add3A, %mul3A_152 : i32
    %add3A_154 = arith.constant 256 : i32
    %add3A_155 = arith.addi %mul3A_153, %add3A_154 : i32
    %mul3A_156 = arith.constant 4 : i32
    %mul3A_157 = arith.muli %add3A, %mul3A_156 : i32
    %add3A_158 = arith.constant 2 : i32
    %add3A_159 = arith.addi %mul3A_157, %add3A_158 : i32
    "tpu.region"() ({
      %run_scoped3A = tpu.sem_alloc : memref<!tpu.dma_semaphore, #tpu.memory_space<semaphore_mem>>
      %dma_start3A_306 = arith.constant 0 : i32
      %dma_start3A_307 = tpu.memref_slice %arg2[%add3A_159, %dma_start3A_306] : memref<128x128xi32, #tpu.memory_space<hbm>> -> memref<2x128xi32, #tpu.memory_space<hbm>>
      %dma_start3A_308 = arith.constant 0 : i32
      %dma_start3A_309 = tpu.memref_slice %arg2[%add3A_159, %dma_start3A_308] : memref<128x128xi32, #tpu.memory_space<hbm>> -> memref<2x128xi32, #tpu.memory_space<hbm>>
      tpu.enqueue_dma source(%dma_start3A_309 : memref<2x128xi32, #tpu.memory_space<hbm>>) target(%arg15 : memref<2x128xi32, #tpu.memory_space<vmem>>) target_semaphore(%run_scoped3A : memref<!tpu.dma_semaphore, #tpu.memory_space<semaphore_mem>>)
      %dma_wait3A_310 = arith.constant 0 : i32
      %dma_wait3A_311 = tpu.memref_slice %arg2[%add3A_159, %dma_wait3A_310] : memref<128x128xi32, #tpu.memory_space<hbm>> -> memref<2x128xi32, #tpu.memory_space<hbm>>
      %dma_wait3A_312 = arith.constant 0 : i32
      %dma_wait3A_313 = tpu.memref_slice %arg2[%add3A_159, %dma_wait3A_312] : memref<128x128xi32, #tpu.memory_space<hbm>> -> memref<2x128xi32, #tpu.memory_space<hbm>>
      tpu.wait_dma2 semaphore(%run_scoped3A : memref<!tpu.dma_semaphore, #tpu.memory_space<semaphore_mem>>) src(%dma_wait3A_313 : memref<2x128xi32, #tpu.memory_space<hbm>>) dst(%arg15 : memref<2x128xi32, #tpu.memory_space<vmem>>)
      tpu.yield
    }) : () -> ()
    "tpu.region"() ({
      %run_scoped3A = tpu.sem_alloc : memref<!tpu.dma_semaphore, #tpu.memory_space<semaphore_mem>>
      %dma_start3A_306 = arith.constant 0 : i32
      %dma_start3A_307 = tpu.memref_slice %arg4[%add3A_159, %dma_start3A_306] : memref<128x128xi32, #tpu.memory_space<hbm>> -> memref<2x128xi32, #tpu.memory_space<hbm>>
      %dma_start3A_308 = arith.constant 0 : i32
      %dma_start3A_309 = tpu.memref_slice %arg4[%add3A_159, %dma_start3A_308] : memref<128x128xi32, #tpu.memory_space<hbm>> -> memref<2x128xi32, #tpu.memory_space<hbm>>
      tpu.enqueue_dma source(%dma_start3A_309 : memref<2x128xi32, #tpu.memory_space<hbm>>) target(%arg16 : memref<2x128xi32, #tpu.memory_space<vmem>>) target_semaphore(%run_scoped3A : memref<!tpu.dma_semaphore, #tpu.memory_space<semaphore_mem>>)
      %dma_wait3A_310 = arith.constant 0 : i32
      %dma_wait3A_311 = tpu.memref_slice %arg4[%add3A_159, %dma_wait3A_310] : memref<128x128xi32, #tpu.memory_space<hbm>> -> memref<2x128xi32, #tpu.memory_space<hbm>>
      %dma_wait3A_312 = arith.constant 0 : i32
      %dma_wait3A_313 = tpu.memref_slice %arg4[%add3A_159, %dma_wait3A_312] : memref<128x128xi32, #tpu.memory_space<hbm>> -> memref<2x128xi32, #tpu.memory_space<hbm>>
      tpu.wait_dma2 semaphore(%run_scoped3A : memref<!tpu.dma_semaphore, #tpu.memory_space<semaphore_mem>>) src(%dma_wait3A_313 : memref<2x128xi32, #tpu.memory_space<hbm>>) dst(%arg16 : memref<2x128xi32, #tpu.memory_space<vmem>>)
      tpu.yield
    }) : () -> ()
    "tpu.region"() ({
      %run_scoped3A = tpu.sem_alloc : memref<!tpu.dma_semaphore, #tpu.memory_space<semaphore_mem>>
      %dma_start3A_306 = arith.constant 0 : i32
      %dma_start3A_307 = tpu.memref_slice %arg3[%add3A_159, %dma_start3A_306] : memref<128x128xi32, #tpu.memory_space<hbm>> -> memref<2x128xi32, #tpu.memory_space<hbm>>
      %dma_start3A_308 = arith.constant 0 : i32
      %dma_start3A_309 = tpu.memref_slice %arg3[%add3A_159, %dma_start3A_308] : memref<128x128xi32, #tpu.memory_space<hbm>> -> memref<2x128xi32, #tpu.memory_space<hbm>>
      tpu.enqueue_dma source(%dma_start3A_309 : memref<2x128xi32, #tpu.memory_space<hbm>>) target(%arg17 : memref<2x128xi32, #tpu.memory_space<vmem>>) target_semaphore(%run_scoped3A : memref<!tpu.dma_semaphore, #tpu.memory_space<semaphore_mem>>)
      %dma_wait3A_310 = arith.constant 0 : i32
      %dma_wait3A_311 = tpu.memref_slice %arg3[%add3A_159, %dma_wait3A_310] : memref<128x128xi32, #tpu.memory_space<hbm>> -> memref<2x128xi32, #tpu.memory_space<hbm>>
      %dma_wait3A_312 = arith.constant 0 : i32
      %dma_wait3A_313 = tpu.memref_slice %arg3[%add3A_159, %dma_wait3A_312] : memref<128x128xi32, #tpu.memory_space<hbm>> -> memref<2x128xi32, #tpu.memory_space<hbm>>
      tpu.wait_dma2 semaphore(%run_scoped3A : memref<!tpu.dma_semaphore, #tpu.memory_space<semaphore_mem>>) src(%dma_wait3A_313 : memref<2x128xi32, #tpu.memory_space<hbm>>) dst(%arg17 : memref<2x128xi32, #tpu.memory_space<vmem>>)
      tpu.yield
    }) : () -> ()
    %dma_start3A_160 = arith.constant 0 : i32
    %dma_start3A_161 = arith.constant 0 : i32
    %dma_start3A_162 = arith.constant 0 : i32
    %dma_start3A_163 = tpu.memref_slice %arg9[%dma_start3A_161, %dma_start3A_162] : memref<256x64xf32, #tpu.memory_space<vmem>> -> memref<128x64xf32, #tpu.memory_space<vmem>>
    %dma_start3A_164 = arith.constant 0 : i32
    %dma_start3A_165 = tpu.memref_slice %arg15[%dma_start3A_160, %dma_start3A_164] : memref<2x128xi32, #tpu.memory_space<vmem>> -> memref<1x128xi32, #tpu.memory_space<vmem>>
    %dma_start3A_166 = tpu.memref_squeeze %dma_start3A_165 : memref<1x128xi32, #tpu.memory_space<vmem>> -> memref<128xi32, #tpu.memory_space<vmem>>
    %dma_start3A_167 = arith.constant 0 : i32
    %dma_start3A_168 = arith.constant 0 : i32
    %dma_start3A_169 = tpu.memref_slice %arg5[%dma_start3A_167, %dma_start3A_168] : memref<1000000x64xf32, #tpu.memory_space<hbm>> -> memref<1000000x64xf32, #tpu.memory_space<hbm>>
    tpu.enqueue_indirect_dma source(%dma_start3A_169 : memref<1000000x64xf32, #tpu.memory_space<hbm>>) target(%dma_start3A_163 : memref<128x64xf32, #tpu.memory_space<vmem>>) offsets(%dma_start3A_166 : memref<128xi32, #tpu.memory_space<vmem>>) semaphore(%arg18 : memref<!tpu.dma_semaphore, #tpu.memory_space<semaphore_mem>>)
    %dma_start3A_170 = arith.constant 0 : i32
    %dma_start3A_171 = arith.constant 0 : i32
    %dma_start3A_172 = arith.constant 0 : i32
    %dma_start3A_173 = tpu.memref_slice %arg10[%dma_start3A_171, %dma_start3A_172] : memref<256x64xf32, #tpu.memory_space<vmem>> -> memref<128x64xf32, #tpu.memory_space<vmem>>
    %dma_start3A_174 = arith.constant 0 : i32
    %dma_start3A_175 = tpu.memref_slice %arg16[%dma_start3A_170, %dma_start3A_174] : memref<2x128xi32, #tpu.memory_space<vmem>> -> memref<1x128xi32, #tpu.memory_space<vmem>>
    %dma_start3A_176 = tpu.memref_squeeze %dma_start3A_175 : memref<1x128xi32, #tpu.memory_space<vmem>> -> memref<128xi32, #tpu.memory_space<vmem>>
    %dma_start3A_177 = arith.constant 0 : i32
    %dma_start3A_178 = arith.constant 0 : i32
    %dma_start3A_179 = tpu.memref_slice %arg5[%dma_start3A_177, %dma_start3A_178] : memref<1000000x64xf32, #tpu.memory_space<hbm>> -> memref<1000000x64xf32, #tpu.memory_space<hbm>>
    tpu.enqueue_indirect_dma source(%dma_start3A_179 : memref<1000000x64xf32, #tpu.memory_space<hbm>>) target(%dma_start3A_173 : memref<128x64xf32, #tpu.memory_space<vmem>>) offsets(%dma_start3A_176 : memref<128xi32, #tpu.memory_space<vmem>>) semaphore(%arg18 : memref<!tpu.dma_semaphore, #tpu.memory_space<semaphore_mem>>)
    %dma_start3A_180 = arith.constant 0 : i32
    %dma_start3A_181 = arith.constant 0 : i32
    %dma_start3A_182 = arith.constant 0 : i32
    %dma_start3A_183 = tpu.memref_slice %arg11[%dma_start3A_181, %dma_start3A_182] : memref<256x32xf32, #tpu.memory_space<vmem>> -> memref<128x32xf32, #tpu.memory_space<vmem>>
    %dma_start3A_184 = arith.constant 0 : i32
    %dma_start3A_185 = tpu.memref_slice %arg17[%dma_start3A_180, %dma_start3A_184] : memref<2x128xi32, #tpu.memory_space<vmem>> -> memref<1x128xi32, #tpu.memory_space<vmem>>
    %dma_start3A_186 = tpu.memref_squeeze %dma_start3A_185 : memref<1x128xi32, #tpu.memory_space<vmem>> -> memref<128xi32, #tpu.memory_space<vmem>>
    %dma_start3A_187 = arith.constant 0 : i32
    %dma_start3A_188 = arith.constant 0 : i32
    %dma_start3A_189 = tpu.memref_slice %arg6[%dma_start3A_187, %dma_start3A_188] : memref<1000x32xf32, #tpu.memory_space<hbm>> -> memref<1000x32xf32, #tpu.memory_space<hbm>>
    tpu.enqueue_indirect_dma source(%dma_start3A_189 : memref<1000x32xf32, #tpu.memory_space<hbm>>) target(%dma_start3A_183 : memref<128x32xf32, #tpu.memory_space<vmem>>) offsets(%dma_start3A_186 : memref<128xi32, #tpu.memory_space<vmem>>) semaphore(%arg18 : memref<!tpu.dma_semaphore, #tpu.memory_space<semaphore_mem>>)
    %dma_start3A_190 = arith.constant 1 : i32
    %dma_start3A_191 = arith.constant 128 : i32
    %dma_start3A_192 = arith.constant 0 : i32
    %dma_start3A_193 = tpu.memref_slice %arg9[%dma_start3A_191, %dma_start3A_192] : memref<256x64xf32, #tpu.memory_space<vmem>> -> memref<128x64xf32, #tpu.memory_space<vmem>>
    %dma_start3A_194 = arith.constant 0 : i32
    %dma_start3A_195 = tpu.memref_slice %arg15[%dma_start3A_190, %dma_start3A_194] : memref<2x128xi32, #tpu.memory_space<vmem>> -> memref<1x128xi32, #tpu.memory_space<vmem>>
    %dma_start3A_196 = tpu.memref_squeeze %dma_start3A_195 : memref<1x128xi32, #tpu.memory_space<vmem>> -> memref<128xi32, #tpu.memory_space<vmem>>
    %dma_start3A_197 = arith.constant 0 : i32
    %dma_start3A_198 = arith.constant 0 : i32
    %dma_start3A_199 = tpu.memref_slice %arg5[%dma_start3A_197, %dma_start3A_198] : memref<1000000x64xf32, #tpu.memory_space<hbm>> -> memref<1000000x64xf32, #tpu.memory_space<hbm>>
    tpu.enqueue_indirect_dma source(%dma_start3A_199 : memref<1000000x64xf32, #tpu.memory_space<hbm>>) target(%dma_start3A_193 : memref<128x64xf32, #tpu.memory_space<vmem>>) offsets(%dma_start3A_196 : memref<128xi32, #tpu.memory_space<vmem>>) semaphore(%arg18 : memref<!tpu.dma_semaphore, #tpu.memory_space<semaphore_mem>>)
    %dma_start3A_200 = arith.constant 1 : i32
    %dma_start3A_201 = arith.constant 128 : i32
    %dma_start3A_202 = arith.constant 0 : i32
    %dma_start3A_203 = tpu.memref_slice %arg10[%dma_start3A_201, %dma_start3A_202] : memref<256x64xf32, #tpu.memory_space<vmem>> -> memref<128x64xf32, #tpu.memory_space<vmem>>
    %dma_start3A_204 = arith.constant 0 : i32
    %dma_start3A_205 = tpu.memref_slice %arg16[%dma_start3A_200, %dma_start3A_204] : memref<2x128xi32, #tpu.memory_space<vmem>> -> memref<1x128xi32, #tpu.memory_space<vmem>>
    %dma_start3A_206 = tpu.memref_squeeze %dma_start3A_205 : memref<1x128xi32, #tpu.memory_space<vmem>> -> memref<128xi32, #tpu.memory_space<vmem>>
    %dma_start3A_207 = arith.constant 0 : i32
    %dma_start3A_208 = arith.constant 0 : i32
    %dma_start3A_209 = tpu.memref_slice %arg5[%dma_start3A_207, %dma_start3A_208] : memref<1000000x64xf32, #tpu.memory_space<hbm>> -> memref<1000000x64xf32, #tpu.memory_space<hbm>>
    tpu.enqueue_indirect_dma source(%dma_start3A_209 : memref<1000000x64xf32, #tpu.memory_space<hbm>>) target(%dma_start3A_203 : memref<128x64xf32, #tpu.memory_space<vmem>>) offsets(%dma_start3A_206 : memref<128xi32, #tpu.memory_space<vmem>>) semaphore(%arg18 : memref<!tpu.dma_semaphore, #tpu.memory_space<semaphore_mem>>)
    %dma_start3A_210 = arith.constant 1 : i32
    %dma_start3A_211 = arith.constant 128 : i32
    %dma_start3A_212 = arith.constant 0 : i32
    %dma_start3A_213 = tpu.memref_slice %arg11[%dma_start3A_211, %dma_start3A_212] : memref<256x32xf32, #tpu.memory_space<vmem>> -> memref<128x32xf32, #tpu.memory_space<vmem>>
    %dma_start3A_214 = arith.constant 0 : i32
    %dma_start3A_215 = tpu.memref_slice %arg17[%dma_start3A_210, %dma_start3A_214] : memref<2x128xi32, #tpu.memory_space<vmem>> -> memref<1x128xi32, #tpu.memory_space<vmem>>
    %dma_start3A_216 = tpu.memref_squeeze %dma_start3A_215 : memref<1x128xi32, #tpu.memory_space<vmem>> -> memref<128xi32, #tpu.memory_space<vmem>>
    %dma_start3A_217 = arith.constant 0 : i32
    %dma_start3A_218 = arith.constant 0 : i32
    %dma_start3A_219 = tpu.memref_slice %arg6[%dma_start3A_217, %dma_start3A_218] : memref<1000x32xf32, #tpu.memory_space<hbm>> -> memref<1000x32xf32, #tpu.memory_space<hbm>>
    tpu.enqueue_indirect_dma source(%dma_start3A_219 : memref<1000x32xf32, #tpu.memory_space<hbm>>) target(%dma_start3A_213 : memref<128x32xf32, #tpu.memory_space<vmem>>) offsets(%dma_start3A_216 : memref<128xi32, #tpu.memory_space<vmem>>) semaphore(%arg18 : memref<!tpu.dma_semaphore, #tpu.memory_space<semaphore_mem>>)
    %dma_start3A_220 = arith.constant 0 : i32
    %dma_start3A_221 = arith.constant 0 : i32
    %dma_start3A_222 = tpu.memref_slice %arg17[%dma_start3A_220, %dma_start3A_221] : memref<2x128xi32, #tpu.memory_space<vmem>> -> memref<1x16xi32, #tpu.memory_space<vmem>>
    %dma_start3A_223 = tpu.memref_squeeze %dma_start3A_222 : memref<1x16xi32, #tpu.memory_space<vmem>> -> memref<16xi32, #tpu.memory_space<vmem>>
    %dma_start3A_224 = arith.constant 0 : i32
    %dma_start3A_225 = arith.constant 0 : i32
    %dma_start3A_226 = tpu.memref_slice %arg7[%dma_start3A_224, %dma_start3A_225] : memref<1000x2048xbf16, #tpu.memory_space<hbm>> -> memref<1000x2048xbf16, #tpu.memory_space<hbm>>
    tpu.enqueue_indirect_dma source(%dma_start3A_226 : memref<1000x2048xbf16, #tpu.memory_space<hbm>>) target(%arg13 : memref<16x2048xbf16, #tpu.memory_space<vmem>>) offsets(%dma_start3A_223 : memref<16xi32, #tpu.memory_space<vmem>>) semaphore(%arg19 : memref<!tpu.dma_semaphore, #tpu.memory_space<semaphore_mem>>)
    %dma_start3A_227 = arith.constant 0 : i32
    %dma_start3A_228 = arith.constant 16 : i32
    %dma_start3A_229 = tpu.memref_slice %arg17[%dma_start3A_227, %dma_start3A_228] : memref<2x128xi32, #tpu.memory_space<vmem>> -> memref<1x16xi32, #tpu.memory_space<vmem>>
    %dma_start3A_230 = tpu.memref_squeeze %dma_start3A_229 : memref<1x16xi32, #tpu.memory_space<vmem>> -> memref<16xi32, #tpu.memory_space<vmem>>
    %dma_start3A_231 = arith.constant 0 : i32
    %dma_start3A_232 = arith.constant 0 : i32
    %dma_start3A_233 = tpu.memref_slice %arg7[%dma_start3A_231, %dma_start3A_232] : memref<1000x2048xbf16, #tpu.memory_space<hbm>> -> memref<1000x2048xbf16, #tpu.memory_space<hbm>>
    tpu.enqueue_indirect_dma source(%dma_start3A_233 : memref<1000x2048xbf16, #tpu.memory_space<hbm>>) target(%arg14 : memref<16x2048xbf16, #tpu.memory_space<vmem>>) offsets(%dma_start3A_230 : memref<16xi32, #tpu.memory_space<vmem>>) semaphore(%arg20 : memref<!tpu.dma_semaphore, #tpu.memory_space<semaphore_mem>>)
    %dma_wait3A_234 = arith.constant 0 : i32
    %dma_wait3A_235 = arith.constant 0 : i32
    %dma_wait3A_236 = arith.constant 0 : i32
    %dma_wait3A_237 = tpu.memref_slice %arg9[%dma_wait3A_235, %dma_wait3A_236] : memref<256x64xf32, #tpu.memory_space<vmem>> -> memref<128x64xf32, #tpu.memory_space<vmem>>
    %dma_wait3A_238 = arith.constant 0 : i32
    %dma_wait3A_239 = tpu.memref_slice %arg15[%dma_wait3A_234, %dma_wait3A_238] : memref<2x128xi32, #tpu.memory_space<vmem>> -> memref<1x128xi32, #tpu.memory_space<vmem>>
    %dma_wait3A_240 = tpu.memref_squeeze %dma_wait3A_239 : memref<1x128xi32, #tpu.memory_space<vmem>> -> memref<128xi32, #tpu.memory_space<vmem>>
    %dma_wait3A_241 = arith.constant 0 : i32
    %dma_wait3A_242 = arith.constant 0 : i32
    %dma_wait3A_243 = tpu.memref_slice %arg5[%dma_wait3A_241, %dma_wait3A_242] : memref<1000000x64xf32, #tpu.memory_space<hbm>> -> memref<1000000x64xf32, #tpu.memory_space<hbm>>
    tpu.wait_indirect_dma semaphore(%arg18 : memref<!tpu.dma_semaphore, #tpu.memory_space<semaphore_mem>>) src(%dma_wait3A_243 : memref<1000000x64xf32, #tpu.memory_space<hbm>>) dst(%dma_wait3A_237 : memref<128x64xf32, #tpu.memory_space<vmem>>)
    %dma_wait3A_244 = arith.constant 0 : i32
    %dma_wait3A_245 = arith.constant 0 : i32
    %dma_wait3A_246 = arith.constant 0 : i32
    %dma_wait3A_247 = tpu.memref_slice %arg10[%dma_wait3A_245, %dma_wait3A_246] : memref<256x64xf32, #tpu.memory_space<vmem>> -> memref<128x64xf32, #tpu.memory_space<vmem>>
    %dma_wait3A_248 = arith.constant 0 : i32
    %dma_wait3A_249 = tpu.memref_slice %arg16[%dma_wait3A_244, %dma_wait3A_248] : memref<2x128xi32, #tpu.memory_space<vmem>> -> memref<1x128xi32, #tpu.memory_space<vmem>>
    %dma_wait3A_250 = tpu.memref_squeeze %dma_wait3A_249 : memref<1x128xi32, #tpu.memory_space<vmem>> -> memref<128xi32, #tpu.memory_space<vmem>>
    %dma_wait3A_251 = arith.constant 0 : i32
    %dma_wait3A_252 = arith.constant 0 : i32
    %dma_wait3A_253 = tpu.memref_slice %arg5[%dma_wait3A_251, %dma_wait3A_252] : memref<1000000x64xf32, #tpu.memory_space<hbm>> -> memref<1000000x64xf32, #tpu.memory_space<hbm>>
    tpu.wait_indirect_dma semaphore(%arg18 : memref<!tpu.dma_semaphore, #tpu.memory_space<semaphore_mem>>) src(%dma_wait3A_253 : memref<1000000x64xf32, #tpu.memory_space<hbm>>) dst(%dma_wait3A_247 : memref<128x64xf32, #tpu.memory_space<vmem>>)
    %dma_wait3A_254 = arith.constant 0 : i32
    %dma_wait3A_255 = arith.constant 0 : i32
    %dma_wait3A_256 = arith.constant 0 : i32
    %dma_wait3A_257 = tpu.memref_slice %arg11[%dma_wait3A_255, %dma_wait3A_256] : memref<256x32xf32, #tpu.memory_space<vmem>> -> memref<128x32xf32, #tpu.memory_space<vmem>>
    %dma_wait3A_258 = arith.constant 0 : i32
    %dma_wait3A_259 = tpu.memref_slice %arg17[%dma_wait3A_254, %dma_wait3A_258] : memref<2x128xi32, #tpu.memory_space<vmem>> -> memref<1x128xi32, #tpu.memory_space<vmem>>
    %dma_wait3A_260 = tpu.memref_squeeze %dma_wait3A_259 : memref<1x128xi32, #tpu.memory_space<vmem>> -> memref<128xi32, #tpu.memory_space<vmem>>
    %dma_wait3A_261 = arith.constant 0 : i32
    %dma_wait3A_262 = arith.constant 0 : i32
    %dma_wait3A_263 = tpu.memref_slice %arg6[%dma_wait3A_261, %dma_wait3A_262] : memref<1000x32xf32, #tpu.memory_space<hbm>> -> memref<1000x32xf32, #tpu.memory_space<hbm>>
    tpu.wait_indirect_dma semaphore(%arg18 : memref<!tpu.dma_semaphore, #tpu.memory_space<semaphore_mem>>) src(%dma_wait3A_263 : memref<1000x32xf32, #tpu.memory_space<hbm>>) dst(%dma_wait3A_257 : memref<128x32xf32, #tpu.memory_space<vmem>>)
    %dma_wait3A_264 = arith.constant 1 : i32
    %dma_wait3A_265 = arith.constant 128 : i32
    %dma_wait3A_266 = arith.constant 0 : i32
    %dma_wait3A_267 = tpu.memref_slice %arg9[%dma_wait3A_265, %dma_wait3A_266] : memref<256x64xf32, #tpu.memory_space<vmem>> -> memref<128x64xf32, #tpu.memory_space<vmem>>
    %dma_wait3A_268 = arith.constant 0 : i32
    %dma_wait3A_269 = tpu.memref_slice %arg15[%dma_wait3A_264, %dma_wait3A_268] : memref<2x128xi32, #tpu.memory_space<vmem>> -> memref<1x128xi32, #tpu.memory_space<vmem>>
    %dma_wait3A_270 = tpu.memref_squeeze %dma_wait3A_269 : memref<1x128xi32, #tpu.memory_space<vmem>> -> memref<128xi32, #tpu.memory_space<vmem>>
    %dma_wait3A_271 = arith.constant 0 : i32
    %dma_wait3A_272 = arith.constant 0 : i32
    %dma_wait3A_273 = tpu.memref_slice %arg5[%dma_wait3A_271, %dma_wait3A_272] : memref<1000000x64xf32, #tpu.memory_space<hbm>> -> memref<1000000x64xf32, #tpu.memory_space<hbm>>
    tpu.wait_indirect_dma semaphore(%arg18 : memref<!tpu.dma_semaphore, #tpu.memory_space<semaphore_mem>>) src(%dma_wait3A_273 : memref<1000000x64xf32, #tpu.memory_space<hbm>>) dst(%dma_wait3A_267 : memref<128x64xf32, #tpu.memory_space<vmem>>)
    %dma_wait3A_274 = arith.constant 1 : i32
    %dma_wait3A_275 = arith.constant 128 : i32
    %dma_wait3A_276 = arith.constant 0 : i32
    %dma_wait3A_277 = tpu.memref_slice %arg10[%dma_wait3A_275, %dma_wait3A_276] : memref<256x64xf32, #tpu.memory_space<vmem>> -> memref<128x64xf32, #tpu.memory_space<vmem>>
    %dma_wait3A_278 = arith.constant 0 : i32
    %dma_wait3A_279 = tpu.memref_slice %arg16[%dma_wait3A_274, %dma_wait3A_278] : memref<2x128xi32, #tpu.memory_space<vmem>> -> memref<1x128xi32, #tpu.memory_space<vmem>>
    %dma_wait3A_280 = tpu.memref_squeeze %dma_wait3A_279 : memref<1x128xi32, #tpu.memory_space<vmem>> -> memref<128xi32, #tpu.memory_space<vmem>>
    %dma_wait3A_281 = arith.constant 0 : i32
    %dma_wait3A_282 = arith.constant 0 : i32
    %dma_wait3A_283 = tpu.memref_slice %arg5[%dma_wait3A_281, %dma_wait3A_282] : memref<1000000x64xf32, #tpu.memory_space<hbm>> -> memref<1000000x64xf32, #tpu.memory_space<hbm>>
    tpu.wait_indirect_dma semaphore(%arg18 : memref<!tpu.dma_semaphore, #tpu.memory_space<semaphore_mem>>) src(%dma_wait3A_283 : memref<1000000x64xf32, #tpu.memory_space<hbm>>) dst(%dma_wait3A_277 : memref<128x64xf32, #tpu.memory_space<vmem>>)
    %dma_wait3A_284 = arith.constant 1 : i32
    %dma_wait3A_285 = arith.constant 128 : i32
    %dma_wait3A_286 = arith.constant 0 : i32
    %dma_wait3A_287 = tpu.memref_slice %arg11[%dma_wait3A_285, %dma_wait3A_286] : memref<256x32xf32, #tpu.memory_space<vmem>> -> memref<128x32xf32, #tpu.memory_space<vmem>>
    %dma_wait3A_288 = arith.constant 0 : i32
    %dma_wait3A_289 = tpu.memref_slice %arg17[%dma_wait3A_284, %dma_wait3A_288] : memref<2x128xi32, #tpu.memory_space<vmem>> -> memref<1x128xi32, #tpu.memory_space<vmem>>
    %dma_wait3A_290 = tpu.memref_squeeze %dma_wait3A_289 : memref<1x128xi32, #tpu.memory_space<vmem>> -> memref<128xi32, #tpu.memory_space<vmem>>
    %dma_wait3A_291 = arith.constant 0 : i32
    %dma_wait3A_292 = arith.constant 0 : i32
    %dma_wait3A_293 = tpu.memref_slice %arg6[%dma_wait3A_291, %dma_wait3A_292] : memref<1000x32xf32, #tpu.memory_space<hbm>> -> memref<1000x32xf32, #tpu.memory_space<hbm>>
    tpu.wait_indirect_dma semaphore(%arg18 : memref<!tpu.dma_semaphore, #tpu.memory_space<semaphore_mem>>) src(%dma_wait3A_293 : memref<1000x32xf32, #tpu.memory_space<hbm>>) dst(%dma_wait3A_287 : memref<128x32xf32, #tpu.memory_space<vmem>>)
    %scan3A_294 = arith.constant 0 : i32
    %scan3A_295 = arith.constant 0 : i32
    %scan3A_296 = arith.constant 1024 : i32
    %scan3A_297 = arith.addi %scan3A_295, %scan3A_296 : i32
    %scan3A_298 = arith.constant 1 : i32
    scf.for %scan3A_306 = %scan3A_295 to %scan3A_297 step %scan3A_298  : i32 {
      %jit3A = arith.constant 4 : i32
      %div3A = arith.divsi %scan3A_306, %jit3A : i32
      %sign3A = arith.constant 0 : i32
      %sign3A_307 = arith.cmpi sgt, %scan3A_306, %sign3A : i32
      %sign3A_308 = arith.extui %sign3A_307 : i1 to i32
      %sign3A_309 = arith.constant 0 : i32
      %sign3A_310 = arith.cmpi slt, %scan3A_306, %sign3A_309 : i32
      %sign3A_311 = arith.extui %sign3A_310 : i1 to i32
      %sign3A_312 = arith.subi %sign3A_308, %sign3A_311 : i32
      %sign3A_313 = arith.constant 0 : i32
      %sign3A_314 = arith.cmpi sgt, %jit3A, %sign3A_313 : i32
      %sign3A_315 = arith.extui %sign3A_314 : i1 to i32
      %sign3A_316 = arith.constant 0 : i32
      %sign3A_317 = arith.cmpi slt, %jit3A, %sign3A_316 : i32
      %sign3A_318 = arith.extui %sign3A_317 : i1 to i32
      %sign3A_319 = arith.subi %sign3A_315, %sign3A_318 : i32
      %ne3A = arith.cmpi ne, %sign3A_312, %sign3A_319 : i32
      %rem3A = arith.remsi %scan3A_306, %jit3A : i32
      %ne3A_320 = arith.constant 0 : i32
      %ne3A_321 = arith.cmpi ne, %rem3A, %ne3A_320 : i32
      %and3A = arith.andi %ne3A, %ne3A_321 : i1
      %sub3A = arith.constant 1 : i32
      %sub3A_322 = arith.subi %div3A, %sub3A : i32
      %select_n3A = arith.select %and3A, %sub3A_322, %div3A : i32
      %jit3A_323 = arith.constant 4 : i32
      %eq3A = arith.constant 0 : i32
      %eq3A_324 = arith.cmpi eq, %jit3A_323, %eq3A : i32
      %jit3A_325 = arith.constant 1 : i32
      %select_n3A_326 = arith.select %eq3A_324, %jit3A_325, %jit3A_323 : i32
      %rem3A_327 = arith.remsi %scan3A_306, %select_n3A_326 : i32
      %ne3A_328 = arith.constant 0 : i32
      %ne3A_329 = arith.cmpi ne, %rem3A_327, %ne3A_328 : i32
      %lt3A = arith.constant 0 : i32
      %lt3A_330 = arith.cmpi slt, %rem3A_327, %lt3A : i32
      %lt3A_331 = arith.constant 0 : i32
      %lt3A_332 = arith.cmpi slt, %select_n3A_326, %lt3A_331 : i32
      %ne3A_333 = arith.xori %lt3A_330, %lt3A_332 : i1
      %and3A_334 = arith.andi %ne3A_333, %ne3A_329 : i1
      %add3A_335 = arith.addi %rem3A_327, %select_n3A_326 : i32
      %select_n3A_336 = arith.select %and3A_334, %add3A_335, %rem3A_327 : i32
      %mul3A_337 = arith.constant 16 : i32
      %mul3A_338 = arith.muli %select_n3A_336, %mul3A_337 : i32
      %get3A = arith.index_cast %select_n3A : i32 to index
      %get3A_339 = arith.index_cast %mul3A_338 : i32 to index
      %get3A_340 = tpu.vector_load %arg9[%get3A, %get3A_339] {strides = array<i32>} : memref<256x64xf32, #tpu.memory_space<vmem>>, vector<16xf32>,
      %get3A_341 = arith.index_cast %select_n3A : i32 to index
      %get3A_342 = arith.index_cast %mul3A_338 : i32 to index
      %get3A_343 = tpu.vector_load %arg10[%get3A_341, %get3A_342] {strides = array<i32>} : memref<256x64xf32, #tpu.memory_space<vmem>>, vector<16xf32>,
      %sub3A_344 = arith.subf %get3A_340, %get3A_343 : vector<16xf32>
      %swap3A = arith.index_cast %select_n3A : i32 to index
      %swap3A_345 = arith.index_cast %mul3A_338 : i32 to index
      %swap3A_346 = tpu.vector_load %arg9[%swap3A, %swap3A_345] {strides = array<i32>} : memref<256x64xf32, #tpu.memory_space<vmem>>, vector<16xf32>,
      tpu.vector_store %arg9[%swap3A, %swap3A_345], %sub3A_344 {strides = array<i32>} : memref<256x64xf32, #tpu.memory_space<vmem>>, vector<16xf32>,
    }
    %scan3A_299 = arith.constant 1024 : i32
    %scan3A_300 = arith.constant 0 : i32
    %scan3A_301 = arith.constant 0 : i32
    %scan3A_302 = arith.constant 8 : i32
    %scan3A_303 = arith.addi %scan3A_301, %scan3A_302 : i32
    %scan3A_304 = arith.constant 1 : i32
    scf.for %scan3A_306 = %scan3A_301 to %scan3A_303 step %scan3A_304  : i32 {
      %mul3A_307 = arith.constant 2 : i32
      %mul3A_308 = arith.muli %scan3A_306, %mul3A_307 : i32
      %add3A_309 = arith.constant 0 : i32
      %add3A_310 = arith.addi %mul3A_308, %add3A_309 : i32
      %jit3A = arith.constant 8 : i32
      %div3A = arith.divsi %add3A_310, %jit3A : i32
      %sign3A = arith.constant 0 : i32
      %sign3A_311 = arith.cmpi sgt, %add3A_310, %sign3A : i32
      %sign3A_312 = arith.extui %sign3A_311 : i1 to i32
      %sign3A_313 = arith.constant 0 : i32
      %sign3A_314 = arith.cmpi slt, %add3A_310, %sign3A_313 : i32
      %sign3A_315 = arith.extui %sign3A_314 : i1 to i32
      %sign3A_316 = arith.subi %sign3A_312, %sign3A_315 : i32
      %sign3A_317 = arith.constant 0 : i32
      %sign3A_318 = arith.cmpi sgt, %jit3A, %sign3A_317 : i32
      %sign3A_319 = arith.extui %sign3A_318 : i1 to i32
      %sign3A_320 = arith.constant 0 : i32
      %sign3A_321 = arith.cmpi slt, %jit3A, %sign3A_320 : i32
      %sign3A_322 = arith.extui %sign3A_321 : i1 to i32
      %sign3A_323 = arith.subi %sign3A_319, %sign3A_322 : i32
      %ne3A = arith.cmpi ne, %sign3A_316, %sign3A_323 : i32
      %rem3A = arith.remsi %add3A_310, %jit3A : i32
      %ne3A_324 = arith.constant 0 : i32
      %ne3A_325 = arith.cmpi ne, %rem3A, %ne3A_324 : i32
      %and3A = arith.andi %ne3A, %ne3A_325 : i1
      %sub3A = arith.constant 1 : i32
      %sub3A_326 = arith.subi %div3A, %sub3A : i32
      %select_n3A = arith.select %and3A, %sub3A_326, %div3A : i32
      %jit3A_327 = arith.constant 8 : i32
      %eq3A = arith.constant 0 : i32
      %eq3A_328 = arith.cmpi eq, %jit3A_327, %eq3A : i32
      %jit3A_329 = arith.constant 1 : i32
      %select_n3A_330 = arith.select %eq3A_328, %jit3A_329, %jit3A_327 : i32
      %rem3A_331 = arith.remsi %add3A_310, %select_n3A_330 : i32
      %ne3A_332 = arith.constant 0 : i32
      %ne3A_333 = arith.cmpi ne, %rem3A_331, %ne3A_332 : i32
      %lt3A = arith.constant 0 : i32
      %lt3A_334 = arith.cmpi slt, %rem3A_331, %lt3A : i32
      %lt3A_335 = arith.constant 0 : i32
      %lt3A_336 = arith.cmpi slt, %select_n3A_330, %lt3A_335 : i32
      %ne3A_337 = arith.xori %lt3A_334, %lt3A_336 : i1
      %and3A_338 = arith.andi %ne3A_337, %ne3A_333 : i1
      %add3A_339 = arith.addi %rem3A_331, %select_n3A_330 : i32
      %select_n3A_340 = arith.select %and3A_338, %add3A_339, %rem3A_331 : i32
      %mul3A_341 = arith.constant 16 : i32
      %mul3A_342 = arith.muli %select_n3A_340, %mul3A_341 : i32
      %dma_wait3A_343 = tpu.memref_slice %arg17[%select_n3A, %mul3A_342] : memref<2x128xi32, #tpu.memory_space<vmem>> -> memref<1x16xi32, #tpu.memory_space<vmem>>
      %dma_wait3A_344 = tpu.memref_squeeze %dma_wait3A_343 : memref<1x16xi32, #tpu.memory_space<vmem>> -> memref<16xi32, #tpu.memory_space<vmem>>
      %dma_wait3A_345 = arith.constant 0 : i32
      %dma_wait3A_346 = arith.constant 0 : i32
      %dma_wait3A_347 = tpu.memref_slice %arg7[%dma_wait3A_345, %dma_wait3A_346] : memref<1000x2048xbf16, #tpu.memory_space<hbm>> -> memref<1000x2048xbf16, #tpu.memory_space<hbm>>
      tpu.wait_indirect_dma semaphore(%arg19 : memref<!tpu.dma_semaphore, #tpu.memory_space<semaphore_mem>>) src(%dma_wait3A_347 : memref<1000x2048xbf16, #tpu.memory_space<hbm>>) dst(%arg13 : memref<16x2048xbf16, #tpu.memory_space<vmem>>)
      %scan3A_348 = arith.constant 0 : i32
      %scan3A_349 = arith.constant 0 : i32
      %scan3A_350 = arith.constant 16 : i32
      %scan3A_351 = arith.addi %scan3A_349, %scan3A_350 : i32
      %scan3A_352 = arith.constant 1 : i32
      scf.for %scan3A_423 = %scan3A_349 to %scan3A_351 step %scan3A_352  : i32 {
        %mul3A_424 = arith.constant 16 : i32
        %mul3A_425 = arith.muli %add3A_310, %mul3A_424 : i32
        %add3A_426 = arith.addi %mul3A_425, %scan3A_423 : i32
        %get3A = arith.index_cast %add3A_426 : i32 to index
        %get3A_427 = arith.constant 0 : index
        %get3A_428 = tpu.vector_load %arg11[%get3A, %get3A_427] {strides = array<i32>} : memref<256x32xf32, #tpu.memory_space<vmem>>, vector<16xf32>,
        %get3A_429 = arith.index_cast %add3A_426 : i32 to index
        %get3A_430 = arith.constant 16 : index
        %get3A_431 = tpu.vector_load %arg11[%get3A_429, %get3A_430] {strides = array<i32>} : memref<256x32xf32, #tpu.memory_space<vmem>>, vector<16xf32>,
        %get3A_432 = arith.index_cast %add3A_426 : i32 to index
        %get3A_433 = arith.constant 0 : index
        %get3A_434 = tpu.vector_load %arg9[%get3A_432, %get3A_433] {strides = array<i32>} : memref<256x64xf32, #tpu.memory_space<vmem>>, vector<16xf32>,
        %slice3A = vector.extract_strided_slice %get3A_434 {offsets = [0], sizes = [1], strides = [1]} : vector<16xf32> to vector<1xf32>
        %squeeze3A = vector.extract %slice3A[0] : f32 from vector<1xf32>
        %broadcast_in_dim3A = vector.broadcast %squeeze3A : f32 to vector<16xf32>
        %get3A_435 = arith.index_cast %scan3A_423 : i32 to index
        %get3A_436 = arith.constant 0 : index
        %get3A_437 = tpu.vector_load %arg13[%get3A_435, %get3A_436] {strides = array<i32>} : memref<16x2048xbf16, #tpu.memory_space<vmem>>, vector<32xbf16>,
        %unpack3A = tpu.unpack_subelements %get3A_437, 0 {pack_format = #tpu.pack_format<interleaved>} : vector<32xbf16> -> vector<16xf32>
        %unpack3A_438 = tpu.unpack_subelements %get3A_437, 1 {pack_format = #tpu.pack_format<interleaved>} : vector<32xbf16> -> vector<16xf32>
        %mul3A_439 = arith.mulf %broadcast_in_dim3A, %unpack3A : vector<16xf32>
        %add3A_440 = arith.addf %get3A_428, %mul3A_439 : vector<16xf32>
        %mul3A_441 = arith.mulf %broadcast_in_dim3A, %unpack3A_438 : vector<16xf32>
        %add3A_442 = arith.addf %get3A_431, %mul3A_441 : vector<16xf32>
        %slice3A_443 = vector.extract_strided_slice %get3A_434 {offsets = [1], sizes = [1], strides = [1]} : vector<16xf32> to vector<1xf32>
        %squeeze3A_444 = vector.extract %slice3A_443[0] : f32 from vector<1xf32>
        %broadcast_in_dim3A_445 = vector.broadcast %squeeze3A_444 : f32 to vector<16xf32>
        %get3A_446 = arith.index_cast %scan3A_423 : i32 to index
        %get3A_447 = arith.constant 32 : index
        %get3A_448 = tpu.vector_load %arg13[%get3A_446, %get3A_447] {strides = array<i32>} : memref<16x2048xbf16, #tpu.memory_space<vmem>>, vector<32xbf16>,
        %unpack3A_449 = tpu.unpack_subelements %get3A_448, 0 {pack_format = #tpu.pack_format<interleaved>} : vector<32xbf16> -> vector<16xf32>
        %unpack3A_450 = tpu.unpack_subelements %get3A_448, 1 {pack_format = #tpu.pack_format<interleaved>} : vector<32xbf16> -> vector<16xf32>
        %mul3A_451 = arith.mulf %broadcast_in_dim3A_445, %unpack3A_449 : vector<16xf32>
        %add3A_452 = arith.addf %add3A_440, %mul3A_451 : vector<16xf32>
        %mul3A_453 = arith.mulf %broadcast_in_dim3A_445, %unpack3A_450 : vector<16xf32>
        %add3A_454 = arith.addf %add3A_442, %mul3A_453 : vector<16xf32>
        %slice3A_455 = vector.extract_strided_slice %get3A_434 {offsets = [2], sizes = [1], strides = [1]} : vector<16xf32> to vector<1xf32>
        %squeeze3A_456 = vector.extract %slice3A_455[0] : f32 from vector<1xf32>
        %broadcast_in_dim3A_457 = vector.broadcast %squeeze3A_456 : f32 to vector<16xf32>
        %get3A_458 = arith.index_cast %scan3A_423 : i32 to index
        %get3A_459 = arith.constant 64 : index
        %get3A_460 = tpu.vector_load %arg13[%get3A_458, %get3A_459] {strides = array<i32>} : memref<16x2048xbf16, #tpu.memory_space<vmem>>, vector<32xbf16>,
        %unpack3A_461 = tpu.unpack_subelements %get3A_460, 0 {pack_format = #tpu.pack_format<interleaved>} : vector<32xbf16> -> vector<16xf32>
        %unpack3A_462 = tpu.unpack_subelements %get3A_460, 1 {pack_format = #tpu.pack_format<interleaved>} : vector<32xbf16> -> vector<16xf32>
        %mul3A_463 = arith.mulf %broadcast_in_dim3A_457, %unpack3A_461 : vector<16xf32>
        %add3A_464 = arith.addf %add3A_452, %mul3A_463 : vector<16xf32>
        %mul3A_465 = arith.mulf %broadcast_in_dim3A_457, %unpack3A_462 : vector<16xf32>
        %add3A_466 = arith.addf %add3A_454, %mul3A_465 : vector<16xf32>
        %slice3A_467 = vector.extract_strided_slice %get3A_434 {offsets = [3], sizes = [1], strides = [1]} : vector<16xf32> to vector<1xf32>
        %squeeze3A_468 = vector.extract %slice3A_467[0] : f32 from vector<1xf32>
        %broadcast_in_dim3A_469 = vector.broadcast %squeeze3A_468 : f32 to vector<16xf32>
        %get3A_470 = arith.index_cast %scan3A_423 : i32 to index
        %get3A_471 = arith.constant 96 : index
        %get3A_472 = tpu.vector_load %arg13[%get3A_470, %get3A_471] {strides = array<i32>} : memref<16x2048xbf16, #tpu.memory_space<vmem>>, vector<32xbf16>,
        %unpack3A_473 = tpu.unpack_subelements %get3A_472, 0 {pack_format = #tpu.pack_format<interleaved>} : vector<32xbf16> -> vector<16xf32>
        %unpack3A_474 = tpu.unpack_subelements %get3A_472, 1 {pack_format = #tpu.pack_format<interleaved>} : vector<32xbf16> -> vector<16xf32>
        %mul3A_475 = arith.mulf %broadcast_in_dim3A_469, %unpack3A_473 : vector<16xf32>
        %add3A_476 = arith.addf %add3A_464, %mul3A_475 : vector<16xf32>
        %mul3A_477 = arith.mulf %broadcast_in_dim3A_469, %unpack3A_474 : vector<16xf32>
        %add3A_478 = arith.addf %add3A_466, %mul3A_477 : vector<16xf32>
        %slice3A_479 = vector.extract_strided_slice %get3A_434 {offsets = [4], sizes = [1], strides = [1]} : vector<16xf32> to vector<1xf32>
        %squeeze3A_480 = vector.extract %slice3A_479[0] : f32 from vector<1xf32>
        %broadcast_in_dim3A_481 = vector.broadcast %squeeze3A_480 : f32 to vector<16xf32>
        %get3A_482 = arith.index_cast %scan3A_423 : i32 to index
        %get3A_483 = arith.constant 128 : index
        %get3A_484 = tpu.vector_load %arg13[%get3A_482, %get3A_483] {strides = array<i32>} : memref<16x2048xbf16, #tpu.memory_space<vmem>>, vector<32xbf16>,
        %unpack3A_485 = tpu.unpack_subelements %get3A_484, 0 {pack_format = #tpu.pack_format<interleaved>} : vector<32xbf16> -> vector<16xf32>
        %unpack3A_486 = tpu.unpack_subelements %get3A_484, 1 {pack_format = #tpu.pack_format<interleaved>} : vector<32xbf16> -> vector<16xf32>
        %mul3A_487 = arith.mulf %broadcast_in_dim3A_481, %unpack3A_485 : vector<16xf32>
        %add3A_488 = arith.addf %add3A_476, %mul3A_487 : vector<16xf32>
        %mul3A_489 = arith.mulf %broadcast_in_dim3A_481, %unpack3A_486 : vector<16xf32>
        %add3A_490 = arith.addf %add3A_478, %mul3A_489 : vector<16xf32>
        %slice3A_491 = vector.extract_strided_slice %get3A_434 {offsets = [5], sizes = [1], strides = [1]} : vector<16xf32> to vector<1xf32>
        %squeeze3A_492 = vector.extract %slice3A_491[0] : f32 from vector<1xf32>
        %broadcast_in_dim3A_493 = vector.broadcast %squeeze3A_492 : f32 to vector<16xf32>
        %get3A_494 = arith.index_cast %scan3A_423 : i32 to index
        %get3A_495 = arith.constant 160 : index
        %get3A_496 = tpu.vector_load %arg13[%get3A_494, %get3A_495] {strides = array<i32>} : memref<16x2048xbf16, #tpu.memory_space<vmem>>, vector<32xbf16>,
        %unpack3A_497 = tpu.unpack_subelements %get3A_496, 0 {pack_format = #tpu.pack_format<interleaved>} : vector<32xbf16> -> vector<16xf32>
        %unpack3A_498 = tpu.unpack_subelements %get3A_496, 1 {pack_format = #tpu.pack_format<interleaved>} : vector<32xbf16> -> vector<16xf32>
        %mul3A_499 = arith.mulf %broadcast_in_dim3A_493, %unpack3A_497 : vector<16xf32>
        %add3A_500 = arith.addf %add3A_488, %mul3A_499 : vector<16xf32>
        %mul3A_501 = arith.mulf %broadcast_in_dim3A_493, %unpack3A_498 : vector<16xf32>
        %add3A_502 = arith.addf %add3A_490, %mul3A_501 : vector<16xf32>
        %slice3A_503 = vector.extract_strided_slice %get3A_434 {offsets = [6], sizes = [1], strides = [1]} : vector<16xf32> to vector<1xf32>
        %squeeze3A_504 = vector.extract %slice3A_503[0] : f32 from vector<1xf32>
        %broadcast_in_dim3A_505 = vector.broadcast %squeeze3A_504 : f32 to vector<16xf32>
        %get3A_506 = arith.index_cast %scan3A_423 : i32 to index
        %get3A_507 = arith.constant 192 : index
        %get3A_508 = tpu.vector_load %arg13[%get3A_506, %get3A_507] {strides = array<i32>} : memref<16x2048xbf16, #tpu.memory_space<vmem>>, vector<32xbf16>,
        %unpack3A_509 = tpu.unpack_subelements %get3A_508, 0 {pack_format = #tpu.pack_format<interleaved>} : vector<32xbf16> -> vector<16xf32>
        %unpack3A_510 = tpu.unpack_subelements %get3A_508, 1 {pack_format = #tpu.pack_format<interleaved>} : vector<32xbf16> -> vector<16xf32>
        %mul3A_511 = arith.mulf %broadcast_in_dim3A_505, %unpack3A_509 : vector<16xf32>
        %add3A_512 = arith.addf %add3A_500, %mul3A_511 : vector<16xf32>
        %mul3A_513 = arith.mulf %broadcast_in_dim3A_505, %unpack3A_510 : vector<16xf32>
        %add3A_514 = arith.addf %add3A_502, %mul3A_513 : vector<16xf32>
        %slice3A_515 = vector.extract_strided_slice %get3A_434 {offsets = [7], sizes = [1], strides = [1]} : vector<16xf32> to vector<1xf32>
        %squeeze3A_516 = vector.extract %slice3A_515[0] : f32 from vector<1xf32>
        %broadcast_in_dim3A_517 = vector.broadcast %squeeze3A_516 : f32 to vector<16xf32>
        %get3A_518 = arith.index_cast %scan3A_423 : i32 to index
        %get3A_519 = arith.constant 224 : index
        %get3A_520 = tpu.vector_load %arg13[%get3A_518, %get3A_519] {strides = array<i32>} : memref<16x2048xbf16, #tpu.memory_space<vmem>>, vector<32xbf16>,
        %unpack3A_521 = tpu.unpack_subelements %get3A_520, 0 {pack_format = #tpu.pack_format<interleaved>} : vector<32xbf16> -> vector<16xf32>
        %unpack3A_522 = tpu.unpack_subelements %get3A_520, 1 {pack_format = #tpu.pack_format<interleaved>} : vector<32xbf16> -> vector<16xf32>
        %mul3A_523 = arith.mulf %broadcast_in_dim3A_517, %unpack3A_521 : vector<16xf32>
        %add3A_524 = arith.addf %add3A_512, %mul3A_523 : vector<16xf32>
        %mul3A_525 = arith.mulf %broadcast_in_dim3A_517, %unpack3A_522 : vector<16xf32>
        %add3A_526 = arith.addf %add3A_514, %mul3A_525 : vector<16xf32>
        %slice3A_527 = vector.extract_strided_slice %get3A_434 {offsets = [8], sizes = [1], strides = [1]} : vector<16xf32> to vector<1xf32>
        %squeeze3A_528 = vector.extract %slice3A_527[0] : f32 from vector<1xf32>
        %broadcast_in_dim3A_529 = vector.broadcast %squeeze3A_528 : f32 to vector<16xf32>
        %get3A_530 = arith.index_cast %scan3A_423 : i32 to index
        %get3A_531 = arith.constant 256 : index
        %get3A_532 = tpu.vector_load %arg13[%get3A_530, %get3A_531] {strides = array<i32>} : memref<16x2048xbf16, #tpu.memory_space<vmem>>, vector<32xbf16>,
        %unpack3A_533 = tpu.unpack_subelements %get3A_532, 0 {pack_format = #tpu.pack_format<interleaved>} : vector<32xbf16> -> vector<16xf32>
        %unpack3A_534 = tpu.unpack_subelements %get3A_532, 1 {pack_format = #tpu.pack_format<interleaved>} : vector<32xbf16> -> vector<16xf32>
        %mul3A_535 = arith.mulf %broadcast_in_dim3A_529, %unpack3A_533 : vector<16xf32>
        %add3A_536 = arith.addf %add3A_524, %mul3A_535 : vector<16xf32>
        %mul3A_537 = arith.mulf %broadcast_in_dim3A_529, %unpack3A_534 : vector<16xf32>
        %add3A_538 = arith.addf %add3A_526, %mul3A_537 : vector<16xf32>
        %slice3A_539 = vector.extract_strided_slice %get3A_434 {offsets = [9], sizes = [1], strides = [1]} : vector<16xf32> to vector<1xf32>
        %squeeze3A_540 = vector.extract %slice3A_539[0] : f32 from vector<1xf32>
        %broadcast_in_dim3A_541 = vector.broadcast %squeeze3A_540 : f32 to vector<16xf32>
        %get3A_542 = arith.index_cast %scan3A_423 : i32 to index
        %get3A_543 = arith.constant 288 : index
        %get3A_544 = tpu.vector_load %arg13[%get3A_542, %get3A_543] {strides = array<i32>} : memref<16x2048xbf16, #tpu.memory_space<vmem>>, vector<32xbf16>,
        %unpack3A_545 = tpu.unpack_subelements %get3A_544, 0 {pack_format = #tpu.pack_format<interleaved>} : vector<32xbf16> -> vector<16xf32>
        %unpack3A_546 = tpu.unpack_subelements %get3A_544, 1 {pack_format = #tpu.pack_format<interleaved>} : vector<32xbf16> -> vector<16xf32>
        %mul3A_547 = arith.mulf %broadcast_in_dim3A_541, %unpack3A_545 : vector<16xf32>
        %add3A_548 = arith.addf %add3A_536, %mul3A_547 : vector<16xf32>
        %mul3A_549 = arith.mulf %broadcast_in_dim3A_541, %unpack3A_546 : vector<16xf32>
        %add3A_550 = arith.addf %add3A_538, %mul3A_549 : vector<16xf32>
        %slice3A_551 = vector.extract_strided_slice %get3A_434 {offsets = [10], sizes = [1], strides = [1]} : vector<16xf32> to vector<1xf32>
        %squeeze3A_552 = vector.extract %slice3A_551[0] : f32 from vector<1xf32>
        %broadcast_in_dim3A_553 = vector.broadcast %squeeze3A_552 : f32 to vector<16xf32>
        %get3A_554 = arith.index_cast %scan3A_423 : i32 to index
        %get3A_555 = arith.constant 320 : index
        %get3A_556 = tpu.vector_load %arg13[%get3A_554, %get3A_555] {strides = array<i32>} : memref<16x2048xbf16, #tpu.memory_space<vmem>>, vector<32xbf16>,
        %unpack3A_557 = tpu.unpack_subelements %get3A_556, 0 {pack_format = #tpu.pack_format<interleaved>} : vector<32xbf16> -> vector<16xf32>
        %unpack3A_558 = tpu.unpack_subelements %get3A_556, 1 {pack_format = #tpu.pack_format<interleaved>} : vector<32xbf16> -> vector<16xf32>
        %mul3A_559 = arith.mulf %broadcast_in_dim3A_553, %unpack3A_557 : vector<16xf32>
        %add3A_560 = arith.addf %add3A_548, %mul3A_559 : vector<16xf32>
        %mul3A_561 = arith.mulf %broadcast_in_dim3A_553, %unpack3A_558 : vector<16xf32>
        %add3A_562 = arith.addf %add3A_550, %mul3A_561 : vector<16xf32>
        %slice3A_563 = vector.extract_strided_slice %get3A_434 {offsets = [11], sizes = [1], strides = [1]} : vector<16xf32> to vector<1xf32>
        %squeeze3A_564 = vector.extract %slice3A_563[0] : f32 from vector<1xf32>
        %broadcast_in_dim3A_565 = vector.broadcast %squeeze3A_564 : f32 to vector<16xf32>
        %get3A_566 = arith.index_cast %scan3A_423 : i32 to index
        %get3A_567 = arith.constant 352 : index
        %get3A_568 = tpu.vector_load %arg13[%get3A_566, %get3A_567] {strides = array<i32>} : memref<16x2048xbf16, #tpu.memory_space<vmem>>, vector<32xbf16>,
        %unpack3A_569 = tpu.unpack_subelements %get3A_568, 0 {pack_format = #tpu.pack_format<interleaved>} : vector<32xbf16> -> vector<16xf32>
        %unpack3A_570 = tpu.unpack_subelements %get3A_568, 1 {pack_format = #tpu.pack_format<interleaved>} : vector<32xbf16> -> vector<16xf32>
        %mul3A_571 = arith.mulf %broadcast_in_dim3A_565, %unpack3A_569 : vector<16xf32>
        %add3A_572 = arith.addf %add3A_560, %mul3A_571 : vector<16xf32>
        %mul3A_573 = arith.mulf %broadcast_in_dim3A_565, %unpack3A_570 : vector<16xf32>
        %add3A_574 = arith.addf %add3A_562, %mul3A_573 : vector<16xf32>
        %slice3A_575 = vector.extract_strided_slice %get3A_434 {offsets = [12], sizes = [1], strides = [1]} : vector<16xf32> to vector<1xf32>
        %squeeze3A_576 = vector.extract %slice3A_575[0] : f32 from vector<1xf32>
        %broadcast_in_dim3A_577 = vector.broadcast %squeeze3A_576 : f32 to vector<16xf32>
        %get3A_578 = arith.index_cast %scan3A_423 : i32 to index
        %get3A_579 = arith.constant 384 : index
        %get3A_580 = tpu.vector_load %arg13[%get3A_578, %get3A_579] {strides = array<i32>} : memref<16x2048xbf16, #tpu.memory_space<vmem>>, vector<32xbf16>,
        %unpack3A_581 = tpu.unpack_subelements %get3A_580, 0 {pack_format = #tpu.pack_format<interleaved>} : vector<32xbf16> -> vector<16xf32>
        %unpack3A_582 = tpu.unpack_subelements %get3A_580, 1 {pack_format = #tpu.pack_format<interleaved>} : vector<32xbf16> -> vector<16xf32>
        %mul3A_583 = arith.mulf %broadcast_in_dim3A_577, %unpack3A_581 : vector<16xf32>
        %add3A_584 = arith.addf %add3A_572, %mul3A_583 : vector<16xf32>
        %mul3A_585 = arith.mulf %broadcast_in_dim3A_577, %unpack3A_582 : vector<16xf32>
        %add3A_586 = arith.addf %add3A_574, %mul3A_585 : vector<16xf32>
        %slice3A_587 = vector.extract_strided_slice %get3A_434 {offsets = [13], sizes = [1], strides = [1]} : vector<16xf32> to vector<1xf32>
        %squeeze3A_588 = vector.extract %slice3A_587[0] : f32 from vector<1xf32>
        %broadcast_in_dim3A_589 = vector.broadcast %squeeze3A_588 : f32 to vector<16xf32>
        %get3A_590 = arith.index_cast %scan3A_423 : i32 to index
        %get3A_591 = arith.constant 416 : index
        %get3A_592 = tpu.vector_load %arg13[%get3A_590, %get3A_591] {strides = array<i32>} : memref<16x2048xbf16, #tpu.memory_space<vmem>>, vector<32xbf16>,
        %unpack3A_593 = tpu.unpack_subelements %get3A_592, 0 {pack_format = #tpu.pack_format<interleaved>} : vector<32xbf16> -> vector<16xf32>
        %unpack3A_594 = tpu.unpack_subelements %get3A_592, 1 {pack_format = #tpu.pack_format<interleaved>} : vector<32xbf16> -> vector<16xf32>
        %mul3A_595 = arith.mulf %broadcast_in_dim3A_589, %unpack3A_593 : vector<16xf32>
        %add3A_596 = arith.addf %add3A_584, %mul3A_595 : vector<16xf32>
        %mul3A_597 = arith.mulf %broadcast_in_dim3A_589, %unpack3A_594 : vector<16xf32>
        %add3A_598 = arith.addf %add3A_586, %mul3A_597 : vector<16xf32>
        %slice3A_599 = vector.extract_strided_slice %get3A_434 {offsets = [14], sizes = [1], strides = [1]} : vector<16xf32> to vector<1xf32>
        %squeeze3A_600 = vector.extract %slice3A_599[0] : f32 from vector<1xf32>
        %broadcast_in_dim3A_601 = vector.broadcast %squeeze3A_600 : f32 to vector<16xf32>
        %get3A_602 = arith.index_cast %scan3A_423 : i32 to index
        %get3A_603 = arith.constant 448 : index
        %get3A_604 = tpu.vector_load %arg13[%get3A_602, %get3A_603] {strides = array<i32>} : memref<16x2048xbf16, #tpu.memory_space<vmem>>, vector<32xbf16>,
        %unpack3A_605 = tpu.unpack_subelements %get3A_604, 0 {pack_format = #tpu.pack_format<interleaved>} : vector<32xbf16> -> vector<16xf32>
        %unpack3A_606 = tpu.unpack_subelements %get3A_604, 1 {pack_format = #tpu.pack_format<interleaved>} : vector<32xbf16> -> vector<16xf32>
        %mul3A_607 = arith.mulf %broadcast_in_dim3A_601, %unpack3A_605 : vector<16xf32>
        %add3A_608 = arith.addf %add3A_596, %mul3A_607 : vector<16xf32>
        %mul3A_609 = arith.mulf %broadcast_in_dim3A_601, %unpack3A_606 : vector<16xf32>
        %add3A_610 = arith.addf %add3A_598, %mul3A_609 : vector<16xf32>
        %slice3A_611 = vector.extract_strided_slice %get3A_434 {offsets = [15], sizes = [1], strides = [1]} : vector<16xf32> to vector<1xf32>
        %squeeze3A_612 = vector.extract %slice3A_611[0] : f32 from vector<1xf32>
        %broadcast_in_dim3A_613 = vector.broadcast %squeeze3A_612 : f32 to vector<16xf32>
        %get3A_614 = arith.index_cast %scan3A_423 : i32 to index
        %get3A_615 = arith.constant 480 : index
        %get3A_616 = tpu.vector_load %arg13[%get3A_614, %get3A_615] {strides = array<i32>} : memref<16x2048xbf16, #tpu.memory_space<vmem>>, vector<32xbf16>,
        %unpack3A_617 = tpu.unpack_subelements %get3A_616, 0 {pack_format = #tpu.pack_format<interleaved>} : vector<32xbf16> -> vector<16xf32>
        %unpack3A_618 = tpu.unpack_subelements %get3A_616, 1 {pack_format = #tpu.pack_format<interleaved>} : vector<32xbf16> -> vector<16xf32>
        %mul3A_619 = arith.mulf %broadcast_in_dim3A_613, %unpack3A_617 : vector<16xf32>
        %add3A_620 = arith.addf %add3A_608, %mul3A_619 : vector<16xf32>
        %mul3A_621 = arith.mulf %broadcast_in_dim3A_613, %unpack3A_618 : vector<16xf32>
        %add3A_622 = arith.addf %add3A_610, %mul3A_621 : vector<16xf32>
        %get3A_623 = arith.index_cast %add3A_426 : i32 to index
        %get3A_624 = arith.constant 16 : index
        %get3A_625 = tpu.vector_load %arg9[%get3A_623, %get3A_624] {strides = array<i32>} : memref<256x64xf32, #tpu.memory_space<vmem>>, vector<16xf32>,
        %slice3A_626 = vector.extract_strided_slice %get3A_625 {offsets = [0], sizes = [1], strides = [1]} : vector<16xf32> to vector<1xf32>
        %squeeze3A_627 = vector.extract %slice3A_626[0] : f32 from vector<1xf32>
        %broadcast_in_dim3A_628 = vector.broadcast %squeeze3A_627 : f32 to vector<16xf32>
        %get3A_629 = arith.index_cast %scan3A_423 : i32 to index
        %get3A_630 = arith.constant 512 : index
        %get3A_631 = tpu.vector_load %arg13[%get3A_629, %get3A_630] {strides = array<i32>} : memref<16x2048xbf16, #tpu.memory_space<vmem>>, vector<32xbf16>,
        %unpack3A_632 = tpu.unpack_subelements %get3A_631, 0 {pack_format = #tpu.pack_format<interleaved>} : vector<32xbf16> -> vector<16xf32>
        %unpack3A_633 = tpu.unpack_subelements %get3A_631, 1 {pack_format = #tpu.pack_format<interleaved>} : vector<32xbf16> -> vector<16xf32>
        %mul3A_634 = arith.mulf %broadcast_in_dim3A_628, %unpack3A_632 : vector<16xf32>
        %add3A_635 = arith.addf %add3A_620, %mul3A_634 : vector<16xf32>
        %mul3A_636 = arith.mulf %broadcast_in_dim3A_628, %unpack3A_633 : vector<16xf32>
        %add3A_637 = arith.addf %add3A_622, %mul3A_636 : vector<16xf32>
        %slice3A_638 = vector.extract_strided_slice %get3A_625 {offsets = [1], sizes = [1], strides = [1]} : vector<16xf32> to vector<1xf32>
        %squeeze3A_639 = vector.extract %slice3A_638[0] : f32 from vector<1xf32>
        %broadcast_in_dim3A_640 = vector.broadcast %squeeze3A_639 : f32 to vector<16xf32>
        %get3A_641 = arith.index_cast %scan3A_423 : i32 to index
        %get3A_642 = arith.constant 544 : index
        %get3A_643 = tpu.vector_load %arg13[%get3A_641, %get3A_642] {strides = array<i32>} : memref<16x2048xbf16, #tpu.memory_space<vmem>>, vector<32xbf16>,
        %unpack3A_644 = tpu.unpack_subelements %get3A_643, 0 {pack_format = #tpu.pack_format<interleaved>} : vector<32xbf16> -> vector<16xf32>
        %unpack3A_645 = tpu.unpack_subelements %get3A_643, 1 {pack_format = #tpu.pack_format<interleaved>} : vector<32xbf16> -> vector<16xf32>
        %mul3A_646 = arith.mulf %broadcast_in_dim3A_640, %unpack3A_644 : vector<16xf32>
        %add3A_647 = arith.addf %add3A_635, %mul3A_646 : vector<16xf32>
        %mul3A_648 = arith.mulf %broadcast_in_dim3A_640, %unpack3A_645 : vector<16xf32>
        %add3A_649 = arith.addf %add3A_637, %mul3A_648 : vector<16xf32>
        %slice3A_650 = vector.extract_strided_slice %get3A_625 {offsets = [2], sizes = [1], strides = [1]} : vector<16xf32> to vector<1xf32>
        %squeeze3A_651 = vector.extract %slice3A_650[0] : f32 from vector<1xf32>
        %broadcast_in_dim3A_652 = vector.broadcast %squeeze3A_651 : f32 to vector<16xf32>
        %get3A_653 = arith.index_cast %scan3A_423 : i32 to index
        %get3A_654 = arith.constant 576 : index
        %get3A_655 = tpu.vector_load %arg13[%get3A_653, %get3A_654] {strides = array<i32>} : memref<16x2048xbf16, #tpu.memory_space<vmem>>, vector<32xbf16>,
        %unpack3A_656 = tpu.unpack_subelements %get3A_655, 0 {pack_format = #tpu.pack_format<interleaved>} : vector<32xbf16> -> vector<16xf32>
        %unpack3A_657 = tpu.unpack_subelements %get3A_655, 1 {pack_format = #tpu.pack_format<interleaved>} : vector<32xbf16> -> vector<16xf32>
        %mul3A_658 = arith.mulf %broadcast_in_dim3A_652, %unpack3A_656 : vector<16xf32>
        %add3A_659 = arith.addf %add3A_647, %mul3A_658 : vector<16xf32>
        %mul3A_660 = arith.mulf %broadcast_in_dim3A_652, %unpack3A_657 : vector<16xf32>
        %add3A_661 = arith.addf %add3A_649, %mul3A_660 : vector<16xf32>
        %slice3A_662 = vector.extract_strided_slice %get3A_625 {offsets = [3], sizes = [1], strides = [1]} : vector<16xf32> to vector<1xf32>
        %squeeze3A_663 = vector.extract %slice3A_662[0] : f32 from vector<1xf32>
        %broadcast_in_dim3A_664 = vector.broadcast %squeeze3A_663 : f32 to vector<16xf32>
        %get3A_665 = arith.index_cast %scan3A_423 : i32 to index
        %get3A_666 = arith.constant 608 : index
        %get3A_667 = tpu.vector_load %arg13[%get3A_665, %get3A_666] {strides = array<i32>} : memref<16x2048xbf16, #tpu.memory_space<vmem>>, vector<32xbf16>,
        %unpack3A_668 = tpu.unpack_subelements %get3A_667, 0 {pack_format = #tpu.pack_format<interleaved>} : vector<32xbf16> -> vector<16xf32>
        %unpack3A_669 = tpu.unpack_subelements %get3A_667, 1 {pack_format = #tpu.pack_format<interleaved>} : vector<32xbf16> -> vector<16xf32>
        %mul3A_670 = arith.mulf %broadcast_in_dim3A_664, %unpack3A_668 : vector<16xf32>
        %add3A_671 = arith.addf %add3A_659, %mul3A_670 : vector<16xf32>
        %mul3A_672 = arith.mulf %broadcast_in_dim3A_664, %unpack3A_669 : vector<16xf32>
        %add3A_673 = arith.addf %add3A_661, %mul3A_672 : vector<16xf32>
        %slice3A_674 = vector.extract_strided_slice %get3A_625 {offsets = [4], sizes = [1], strides = [1]} : vector<16xf32> to vector<1xf32>
        %squeeze3A_675 = vector.extract %slice3A_674[0] : f32 from vector<1xf32>
        %broadcast_in_dim3A_676 = vector.broadcast %squeeze3A_675 : f32 to vector<16xf32>
        %get3A_677 = arith.index_cast %scan3A_423 : i32 to index
        %get3A_678 = arith.constant 640 : index
        %get3A_679 = tpu.vector_load %arg13[%get3A_677, %get3A_678] {strides = array<i32>} : memref<16x2048xbf16, #tpu.memory_space<vmem>>, vector<32xbf16>,
        %unpack3A_680 = tpu.unpack_subelements %get3A_679, 0 {pack_format = #tpu.pack_format<interleaved>} : vector<32xbf16> -> vector<16xf32>
        %unpack3A_681 = tpu.unpack_subelements %get3A_679, 1 {pack_format = #tpu.pack_format<interleaved>} : vector<32xbf16> -> vector<16xf32>
        %mul3A_682 = arith.mulf %broadcast_in_dim3A_676, %unpack3A_680 : vector<16xf32>
        %add3A_683 = arith.addf %add3A_671, %mul3A_682 : vector<16xf32>
        %mul3A_684 = arith.mulf %broadcast_in_dim3A_676, %unpack3A_681 : vector<16xf32>
        %add3A_685 = arith.addf %add3A_673, %mul3A_684 : vector<16xf32>
        %slice3A_686 = vector.extract_strided_slice %get3A_625 {offsets = [5], sizes = [1], strides = [1]} : vector<16xf32> to vector<1xf32>
        %squeeze3A_687 = vector.extract %slice3A_686[0] : f32 from vector<1xf32>
        %broadcast_in_dim3A_688 = vector.broadcast %squeeze3A_687 : f32 to vector<16xf32>
        %get3A_689 = arith.index_cast %scan3A_423 : i32 to index
        %get3A_690 = arith.constant 672 : index
        %get3A_691 = tpu.vector_load %arg13[%get3A_689, %get3A_690] {strides = array<i32>} : memref<16x2048xbf16, #tpu.memory_space<vmem>>, vector<32xbf16>,
        %unpack3A_692 = tpu.unpack_subelements %get3A_691, 0 {pack_format = #tpu.pack_format<interleaved>} : vector<32xbf16> -> vector<16xf32>
        %unpack3A_693 = tpu.unpack_subelements %get3A_691, 1 {pack_format = #tpu.pack_format<interleaved>} : vector<32xbf16> -> vector<16xf32>
        %mul3A_694 = arith.mulf %broadcast_in_dim3A_688, %unpack3A_692 : vector<16xf32>
        %add3A_695 = arith.addf %add3A_683, %mul3A_694 : vector<16xf32>
        %mul3A_696 = arith.mulf %broadcast_in_dim3A_688, %unpack3A_693 : vector<16xf32>
        %add3A_697 = arith.addf %add3A_685, %mul3A_696 : vector<16xf32>
        %slice3A_698 = vector.extract_strided_slice %get3A_625 {offsets = [6], sizes = [1], strides = [1]} : vector<16xf32> to vector<1xf32>
        %squeeze3A_699 = vector.extract %slice3A_698[0] : f32 from vector<1xf32>
        %broadcast_in_dim3A_700 = vector.broadcast %squeeze3A_699 : f32 to vector<16xf32>
        %get3A_701 = arith.index_cast %scan3A_423 : i32 to index
        %get3A_702 = arith.constant 704 : index
        %get3A_703 = tpu.vector_load %arg13[%get3A_701, %get3A_702] {strides = array<i32>} : memref<16x2048xbf16, #tpu.memory_space<vmem>>, vector<32xbf16>,
        %unpack3A_704 = tpu.unpack_subelements %get3A_703, 0 {pack_format = #tpu.pack_format<interleaved>} : vector<32xbf16> -> vector<16xf32>
        %unpack3A_705 = tpu.unpack_subelements %get3A_703, 1 {pack_format = #tpu.pack_format<interleaved>} : vector<32xbf16> -> vector<16xf32>
        %mul3A_706 = arith.mulf %broadcast_in_dim3A_700, %unpack3A_704 : vector<16xf32>
        %add3A_707 = arith.addf %add3A_695, %mul3A_706 : vector<16xf32>
        %mul3A_708 = arith.mulf %broadcast_in_dim3A_700, %unpack3A_705 : vector<16xf32>
        %add3A_709 = arith.addf %add3A_697, %mul3A_708 : vector<16xf32>
        %slice3A_710 = vector.extract_strided_slice %get3A_625 {offsets = [7], sizes = [1], strides = [1]} : vector<16xf32> to vector<1xf32>
        %squeeze3A_711 = vector.extract %slice3A_710[0] : f32 from vector<1xf32>
        %broadcast_in_dim3A_712 = vector.broadcast %squeeze3A_711 : f32 to vector<16xf32>
        %get3A_713 = arith.index_cast %scan3A_423 : i32 to index
        %get3A_714 = arith.constant 736 : index
        %get3A_715 = tpu.vector_load %arg13[%get3A_713, %get3A_714] {strides = array<i32>} : memref<16x2048xbf16, #tpu.memory_space<vmem>>, vector<32xbf16>,
        %unpack3A_716 = tpu.unpack_subelements %get3A_715, 0 {pack_format = #tpu.pack_format<interleaved>} : vector<32xbf16> -> vector<16xf32>
        %unpack3A_717 = tpu.unpack_subelements %get3A_715, 1 {pack_format = #tpu.pack_format<interleaved>} : vector<32xbf16> -> vector<16xf32>
        %mul3A_718 = arith.mulf %broadcast_in_dim3A_712, %unpack3A_716 : vector<16xf32>
        %add3A_719 = arith.addf %add3A_707, %mul3A_718 : vector<16xf32>
        %mul3A_720 = arith.mulf %broadcast_in_dim3A_712, %unpack3A_717 : vector<16xf32>
        %add3A_721 = arith.addf %add3A_709, %mul3A_720 : vector<16xf32>
        %slice3A_722 = vector.extract_strided_slice %get3A_625 {offsets = [8], sizes = [1], strides = [1]} : vector<16xf32> to vector<1xf32>
        %squeeze3A_723 = vector.extract %slice3A_722[0] : f32 from vector<1xf32>
        %broadcast_in_dim3A_724 = vector.broadcast %squeeze3A_723 : f32 to vector<16xf32>
        %get3A_725 = arith.index_cast %scan3A_423 : i32 to index
        %get3A_726 = arith.constant 768 : index
        %get3A_727 = tpu.vector_load %arg13[%get3A_725, %get3A_726] {strides = array<i32>} : memref<16x2048xbf16, #tpu.memory_space<vmem>>, vector<32xbf16>,
        %unpack3A_728 = tpu.unpack_subelements %get3A_727, 0 {pack_format = #tpu.pack_format<interleaved>} : vector<32xbf16> -> vector<16xf32>
        %unpack3A_729 = tpu.unpack_subelements %get3A_727, 1 {pack_format = #tpu.pack_format<interleaved>} : vector<32xbf16> -> vector<16xf32>
        %mul3A_730 = arith.mulf %broadcast_in_dim3A_724, %unpack3A_728 : vector<16xf32>
        %add3A_731 = arith.addf %add3A_719, %mul3A_730 : vector<16xf32>
        %mul3A_732 = arith.mulf %broadcast_in_dim3A_724, %unpack3A_729 : vector<16xf32>
        %add3A_733 = arith.addf %add3A_721, %mul3A_732 : vector<16xf32>
        %slice3A_734 = vector.extract_strided_slice %get3A_625 {offsets = [9], sizes = [1], strides = [1]} : vector<16xf32> to vector<1xf32>
        %squeeze3A_735 = vector.extract %slice3A_734[0] : f32 from vector<1xf32>
        %broadcast_in_dim3A_736 = vector.broadcast %squeeze3A_735 : f32 to vector<16xf32>
        %get3A_737 = arith.index_cast %scan3A_423 : i32 to index
        %get3A_738 = arith.constant 800 : index
        %get3A_739 = tpu.vector_load %arg13[%get3A_737, %get3A_738] {strides = array<i32>} : memref<16x2048xbf16, #tpu.memory_space<vmem>>, vector<32xbf16>,
        %unpack3A_740 = tpu.unpack_subelements %get3A_739, 0 {pack_format = #tpu.pack_format<interleaved>} : vector<32xbf16> -> vector<16xf32>
        %unpack3A_741 = tpu.unpack_subelements %get3A_739, 1 {pack_format = #tpu.pack_format<interleaved>} : vector<32xbf16> -> vector<16xf32>
        %mul3A_742 = arith.mulf %broadcast_in_dim3A_736, %unpack3A_740 : vector<16xf32>
        %add3A_743 = arith.addf %add3A_731, %mul3A_742 : vector<16xf32>
        %mul3A_744 = arith.mulf %broadcast_in_dim3A_736, %unpack3A_741 : vector<16xf32>
        %add3A_745 = arith.addf %add3A_733, %mul3A_744 : vector<16xf32>
        %slice3A_746 = vector.extract_strided_slice %get3A_625 {offsets = [10], sizes = [1], strides = [1]} : vector<16xf32> to vector<1xf32>
        %squeeze3A_747 = vector.extract %slice3A_746[0] : f32 from vector<1xf32>
        %broadcast_in_dim3A_748 = vector.broadcast %squeeze3A_747 : f32 to vector<16xf32>
        %get3A_749 = arith.index_cast %scan3A_423 : i32 to index
        %get3A_750 = arith.constant 832 : index
        %get3A_751 = tpu.vector_load %arg13[%get3A_749, %get3A_750] {strides = array<i32>} : memref<16x2048xbf16, #tpu.memory_space<vmem>>, vector<32xbf16>,
        %unpack3A_752 = tpu.unpack_subelements %get3A_751, 0 {pack_format = #tpu.pack_format<interleaved>} : vector<32xbf16> -> vector<16xf32>
        %unpack3A_753 = tpu.unpack_subelements %get3A_751, 1 {pack_format = #tpu.pack_format<interleaved>} : vector<32xbf16> -> vector<16xf32>
        %mul3A_754 = arith.mulf %broadcast_in_dim3A_748, %unpack3A_752 : vector<16xf32>
        %add3A_755 = arith.addf %add3A_743, %mul3A_754 : vector<16xf32>
        %mul3A_756 = arith.mulf %broadcast_in_dim3A_748, %unpack3A_753 : vector<16xf32>
        %add3A_757 = arith.addf %add3A_745, %mul3A_756 : vector<16xf32>
        %slice3A_758 = vector.extract_strided_slice %get3A_625 {offsets = [11], sizes = [1], strides = [1]} : vector<16xf32> to vector<1xf32>
        %squeeze3A_759 = vector.extract %slice3A_758[0] : f32 from vector<1xf32>
        %broadcast_in_dim3A_760 = vector.broadcast %squeeze3A_759 : f32 to vector<16xf32>
        %get3A_761 = arith.index_cast %scan3A_423 : i32 to index
        %get3A_762 = arith.constant 864 : index
        %get3A_763 = tpu.vector_load %arg13[%get3A_761, %get3A_762] {strides = array<i32>} : memref<16x2048xbf16, #tpu.memory_space<vmem>>, vector<32xbf16>,
        %unpack3A_764 = tpu.unpack_subelements %get3A_763, 0 {pack_format = #tpu.pack_format<interleaved>} : vector<32xbf16> -> vector<16xf32>
        %unpack3A_765 = tpu.unpack_subelements %get3A_763, 1 {pack_format = #tpu.pack_format<interleaved>} : vector<32xbf16> -> vector<16xf32>
        %mul3A_766 = arith.mulf %broadcast_in_dim3A_760, %unpack3A_764 : vector<16xf32>
        %add3A_767 = arith.addf %add3A_755, %mul3A_766 : vector<16xf32>
        %mul3A_768 = arith.mulf %broadcast_in_dim3A_760, %unpack3A_765 : vector<16xf32>
        %add3A_769 = arith.addf %add3A_757, %mul3A_768 : vector<16xf32>
        %slice3A_770 = vector.extract_strided_slice %get3A_625 {offsets = [12], sizes = [1], strides = [1]} : vector<16xf32> to vector<1xf32>
        %squeeze3A_771 = vector.extract %slice3A_770[0] : f32 from vector<1xf32>
        %broadcast_in_dim3A_772 = vector.broadcast %squeeze3A_771 : f32 to vector<16xf32>
        %get3A_773 = arith.index_cast %scan3A_423 : i32 to index
        %get3A_774 = arith.constant 896 : index
        %get3A_775 = tpu.vector_load %arg13[%get3A_773, %get3A_774] {strides = array<i32>} : memref<16x2048xbf16, #tpu.memory_space<vmem>>, vector<32xbf16>,
        %unpack3A_776 = tpu.unpack_subelements %get3A_775, 0 {pack_format = #tpu.pack_format<interleaved>} : vector<32xbf16> -> vector<16xf32>
        %unpack3A_777 = tpu.unpack_subelements %get3A_775, 1 {pack_format = #tpu.pack_format<interleaved>} : vector<32xbf16> -> vector<16xf32>
        %mul3A_778 = arith.mulf %broadcast_in_dim3A_772, %unpack3A_776 : vector<16xf32>
        %add3A_779 = arith.addf %add3A_767, %mul3A_778 : vector<16xf32>
        %mul3A_780 = arith.mulf %broadcast_in_dim3A_772, %unpack3A_777 : vector<16xf32>
        %add3A_781 = arith.addf %add3A_769, %mul3A_780 : vector<16xf32>
        %slice3A_782 = vector.extract_strided_slice %get3A_625 {offsets = [13], sizes = [1], strides = [1]} : vector<16xf32> to vector<1xf32>
        %squeeze3A_783 = vector.extract %slice3A_782[0] : f32 from vector<1xf32>
        %broadcast_in_dim3A_784 = vector.broadcast %squeeze3A_783 : f32 to vector<16xf32>
        %get3A_785 = arith.index_cast %scan3A_423 : i32 to index
        %get3A_786 = arith.constant 928 : index
        %get3A_787 = tpu.vector_load %arg13[%get3A_785, %get3A_786] {strides = array<i32>} : memref<16x2048xbf16, #tpu.memory_space<vmem>>, vector<32xbf16>,
        %unpack3A_788 = tpu.unpack_subelements %get3A_787, 0 {pack_format = #tpu.pack_format<interleaved>} : vector<32xbf16> -> vector<16xf32>
        %unpack3A_789 = tpu.unpack_subelements %get3A_787, 1 {pack_format = #tpu.pack_format<interleaved>} : vector<32xbf16> -> vector<16xf32>
        %mul3A_790 = arith.mulf %broadcast_in_dim3A_784, %unpack3A_788 : vector<16xf32>
        %add3A_791 = arith.addf %add3A_779, %mul3A_790 : vector<16xf32>
        %mul3A_792 = arith.mulf %broadcast_in_dim3A_784, %unpack3A_789 : vector<16xf32>
        %add3A_793 = arith.addf %add3A_781, %mul3A_792 : vector<16xf32>
        %slice3A_794 = vector.extract_strided_slice %get3A_625 {offsets = [14], sizes = [1], strides = [1]} : vector<16xf32> to vector<1xf32>
        %squeeze3A_795 = vector.extract %slice3A_794[0] : f32 from vector<1xf32>
        %broadcast_in_dim3A_796 = vector.broadcast %squeeze3A_795 : f32 to vector<16xf32>
        %get3A_797 = arith.index_cast %scan3A_423 : i32 to index
        %get3A_798 = arith.constant 960 : index
        %get3A_799 = tpu.vector_load %arg13[%get3A_797, %get3A_798] {strides = array<i32>} : memref<16x2048xbf16, #tpu.memory_space<vmem>>, vector<32xbf16>,
        %unpack3A_800 = tpu.unpack_subelements %get3A_799, 0 {pack_format = #tpu.pack_format<interleaved>} : vector<32xbf16> -> vector<16xf32>
        %unpack3A_801 = tpu.unpack_subelements %get3A_799, 1 {pack_format = #tpu.pack_format<interleaved>} : vector<32xbf16> -> vector<16xf32>
        %mul3A_802 = arith.mulf %broadcast_in_dim3A_796, %unpack3A_800 : vector<16xf32>
        %add3A_803 = arith.addf %add3A_791, %mul3A_802 : vector<16xf32>
        %mul3A_804 = arith.mulf %broadcast_in_dim3A_796, %unpack3A_801 : vector<16xf32>
        %add3A_805 = arith.addf %add3A_793, %mul3A_804 : vector<16xf32>
        %slice3A_806 = vector.extract_strided_slice %get3A_625 {offsets = [15], sizes = [1], strides = [1]} : vector<16xf32> to vector<1xf32>
        %squeeze3A_807 = vector.extract %slice3A_806[0] : f32 from vector<1xf32>
        %broadcast_in_dim3A_808 = vector.broadcast %squeeze3A_807 : f32 to vector<16xf32>
        %get3A_809 = arith.index_cast %scan3A_423 : i32 to index
        %get3A_810 = arith.constant 992 : index
        %get3A_811 = tpu.vector_load %arg13[%get3A_809, %get3A_810] {strides = array<i32>} : memref<16x2048xbf16, #tpu.memory_space<vmem>>, vector<32xbf16>,
        %unpack3A_812 = tpu.unpack_subelements %get3A_811, 0 {pack_format = #tpu.pack_format<interleaved>} : vector<32xbf16> -> vector<16xf32>
        %unpack3A_813 = tpu.unpack_subelements %get3A_811, 1 {pack_format = #tpu.pack_format<interleaved>} : vector<32xbf16> -> vector<16xf32>
        %mul3A_814 = arith.mulf %broadcast_in_dim3A_808, %unpack3A_812 : vector<16xf32>
        %add3A_815 = arith.addf %add3A_803, %mul3A_814 : vector<16xf32>
        %mul3A_816 = arith.mulf %broadcast_in_dim3A_808, %unpack3A_813 : vector<16xf32>
        %add3A_817 = arith.addf %add3A_805, %mul3A_816 : vector<16xf32>
        %get3A_818 = arith.index_cast %add3A_426 : i32 to index
        %get3A_819 = arith.constant 32 : index
        %get3A_820 = tpu.vector_load %arg9[%get3A_818, %get3A_819] {strides = array<i32>} : memref<256x64xf32, #tpu.memory_space<vmem>>, vector<16xf32>,
        %slice3A_821 = vector.extract_strided_slice %get3A_820 {offsets = [0], sizes = [1], strides = [1]} : vector<16xf32> to vector<1xf32>
        %squeeze3A_822 = vector.extract %slice3A_821[0] : f32 from vector<1xf32>
        %broadcast_in_dim3A_823 = vector.broadcast %squeeze3A_822 : f32 to vector<16xf32>
        %get3A_824 = arith.index_cast %scan3A_423 : i32 to index
        %get3A_825 = arith.constant 1024 : index
        %get3A_826 = tpu.vector_load %arg13[%get3A_824, %get3A_825] {strides = array<i32>} : memref<16x2048xbf16, #tpu.memory_space<vmem>>, vector<32xbf16>,
        %unpack3A_827 = tpu.unpack_subelements %get3A_826, 0 {pack_format = #tpu.pack_format<interleaved>} : vector<32xbf16> -> vector<16xf32>
        %unpack3A_828 = tpu.unpack_subelements %get3A_826, 1 {pack_format = #tpu.pack_format<interleaved>} : vector<32xbf16> -> vector<16xf32>
        %mul3A_829 = arith.mulf %broadcast_in_dim3A_823, %unpack3A_827 : vector<16xf32>
        %add3A_830 = arith.addf %add3A_815, %mul3A_829 : vector<16xf32>
        %mul3A_831 = arith.mulf %broadcast_in_dim3A_823, %unpack3A_828 : vector<16xf32>
        %add3A_832 = arith.addf %add3A_817, %mul3A_831 : vector<16xf32>
        %slice3A_833 = vector.extract_strided_slice %get3A_820 {offsets = [1], sizes = [1], strides = [1]} : vector<16xf32> to vector<1xf32>
        %squeeze3A_834 = vector.extract %slice3A_833[0] : f32 from vector<1xf32>
        %broadcast_in_dim3A_835 = vector.broadcast %squeeze3A_834 : f32 to vector<16xf32>
        %get3A_836 = arith.index_cast %scan3A_423 : i32 to index
        %get3A_837 = arith.constant 1056 : index
        %get3A_838 = tpu.vector_load %arg13[%get3A_836, %get3A_837] {strides = array<i32>} : memref<16x2048xbf16, #tpu.memory_space<vmem>>, vector<32xbf16>,
        %unpack3A_839 = tpu.unpack_subelements %get3A_838, 0 {pack_format = #tpu.pack_format<interleaved>} : vector<32xbf16> -> vector<16xf32>
        %unpack3A_840 = tpu.unpack_subelements %get3A_838, 1 {pack_format = #tpu.pack_format<interleaved>} : vector<32xbf16> -> vector<16xf32>
        %mul3A_841 = arith.mulf %broadcast_in_dim3A_835, %unpack3A_839 : vector<16xf32>
        %add3A_842 = arith.addf %add3A_830, %mul3A_841 : vector<16xf32>
        %mul3A_843 = arith.mulf %broadcast_in_dim3A_835, %unpack3A_840 : vector<16xf32>
        %add3A_844 = arith.addf %add3A_832, %mul3A_843 : vector<16xf32>
        %slice3A_845 = vector.extract_strided_slice %get3A_820 {offsets = [2], sizes = [1], strides = [1]} : vector<16xf32> to vector<1xf32>
        %squeeze3A_846 = vector.extract %slice3A_845[0] : f32 from vector<1xf32>
        %broadcast_in_dim3A_847 = vector.broadcast %squeeze3A_846 : f32 to vector<16xf32>
        %get3A_848 = arith.index_cast %scan3A_423 : i32 to index
        %get3A_849 = arith.constant 1088 : index
        %get3A_850 = tpu.vector_load %arg13[%get3A_848, %get3A_849] {strides = array<i32>} : memref<16x2048xbf16, #tpu.memory_space<vmem>>, vector<32xbf16>,
        %unpack3A_851 = tpu.unpack_subelements %get3A_850, 0 {pack_format = #tpu.pack_format<interleaved>} : vector<32xbf16> -> vector<16xf32>
        %unpack3A_852 = tpu.unpack_subelements %get3A_850, 1 {pack_format = #tpu.pack_format<interleaved>} : vector<32xbf16> -> vector<16xf32>
        %mul3A_853 = arith.mulf %broadcast_in_dim3A_847, %unpack3A_851 : vector<16xf32>
        %add3A_854 = arith.addf %add3A_842, %mul3A_853 : vector<16xf32>
        %mul3A_855 = arith.mulf %broadcast_in_dim3A_847, %unpack3A_852 : vector<16xf32>
        %add3A_856 = arith.addf %add3A_844, %mul3A_855 : vector<16xf32>
        %slice3A_857 = vector.extract_strided_slice %get3A_820 {offsets = [3], sizes = [1], strides = [1]} : vector<16xf32> to vector<1xf32>
        %squeeze3A_858 = vector.extract %slice3A_857[0] : f32 from vector<1xf32>
        %broadcast_in_dim3A_859 = vector.broadcast %squeeze3A_858 : f32 to vector<16xf32>
        %get3A_860 = arith.index_cast %scan3A_423 : i32 to index
        %get3A_861 = arith.constant 1120 : index
        %get3A_862 = tpu.vector_load %arg13[%get3A_860, %get3A_861] {strides = array<i32>} : memref<16x2048xbf16, #tpu.memory_space<vmem>>, vector<32xbf16>,
        %unpack3A_863 = tpu.unpack_subelements %get3A_862, 0 {pack_format = #tpu.pack_format<interleaved>} : vector<32xbf16> -> vector<16xf32>
        %unpack3A_864 = tpu.unpack_subelements %get3A_862, 1 {pack_format = #tpu.pack_format<interleaved>} : vector<32xbf16> -> vector<16xf32>
        %mul3A_865 = arith.mulf %broadcast_in_dim3A_859, %unpack3A_863 : vector<16xf32>
        %add3A_866 = arith.addf %add3A_854, %mul3A_865 : vector<16xf32>
        %mul3A_867 = arith.mulf %broadcast_in_dim3A_859, %unpack3A_864 : vector<16xf32>
        %add3A_868 = arith.addf %add3A_856, %mul3A_867 : vector<16xf32>
        %slice3A_869 = vector.extract_strided_slice %get3A_820 {offsets = [4], sizes = [1], strides = [1]} : vector<16xf32> to vector<1xf32>
        %squeeze3A_870 = vector.extract %slice3A_869[0] : f32 from vector<1xf32>
        %broadcast_in_dim3A_871 = vector.broadcast %squeeze3A_870 : f32 to vector<16xf32>
        %get3A_872 = arith.index_cast %scan3A_423 : i32 to index
        %get3A_873 = arith.constant 1152 : index
        %get3A_874 = tpu.vector_load %arg13[%get3A_872, %get3A_873] {strides = array<i32>} : memref<16x2048xbf16, #tpu.memory_space<vmem>>, vector<32xbf16>,
        %unpack3A_875 = tpu.unpack_subelements %get3A_874, 0 {pack_format = #tpu.pack_format<interleaved>} : vector<32xbf16> -> vector<16xf32>
        %unpack3A_876 = tpu.unpack_subelements %get3A_874, 1 {pack_format = #tpu.pack_format<interleaved>} : vector<32xbf16> -> vector<16xf32>
        %mul3A_877 = arith.mulf %broadcast_in_dim3A_871, %unpack3A_875 : vector<16xf32>
        %add3A_878 = arith.addf %add3A_866, %mul3A_877 : vector<16xf32>
        %mul3A_879 = arith.mulf %broadcast_in_dim3A_871, %unpack3A_876 : vector<16xf32>
        %add3A_880 = arith.addf %add3A_868, %mul3A_879 : vector<16xf32>
        %slice3A_881 = vector.extract_strided_slice %get3A_820 {offsets = [5], sizes = [1], strides = [1]} : vector<16xf32> to vector<1xf32>
        %squeeze3A_882 = vector.extract %slice3A_881[0] : f32 from vector<1xf32>
        %broadcast_in_dim3A_883 = vector.broadcast %squeeze3A_882 : f32 to vector<16xf32>
        %get3A_884 = arith.index_cast %scan3A_423 : i32 to index
        %get3A_885 = arith.constant 1184 : index
        %get3A_886 = tpu.vector_load %arg13[%get3A_884, %get3A_885] {strides = array<i32>} : memref<16x2048xbf16, #tpu.memory_space<vmem>>, vector<32xbf16>,
        %unpack3A_887 = tpu.unpack_subelements %get3A_886, 0 {pack_format = #tpu.pack_format<interleaved>} : vector<32xbf16> -> vector<16xf32>
        %unpack3A_888 = tpu.unpack_subelements %get3A_886, 1 {pack_format = #tpu.pack_format<interleaved>} : vector<32xbf16> -> vector<16xf32>
        %mul3A_889 = arith.mulf %broadcast_in_dim3A_883, %unpack3A_887 : vector<16xf32>
        %add3A_890 = arith.addf %add3A_878, %mul3A_889 : vector<16xf32>
        %mul3A_891 = arith.mulf %broadcast_in_dim3A_883, %unpack3A_888 : vector<16xf32>
        %add3A_892 = arith.addf %add3A_880, %mul3A_891 : vector<16xf32>
        %slice3A_893 = vector.extract_strided_slice %get3A_820 {offsets = [6], sizes = [1], strides = [1]} : vector<16xf32> to vector<1xf32>
        %squeeze3A_894 = vector.extract %slice3A_893[0] : f32 from vector<1xf32>
        %broadcast_in_dim3A_895 = vector.broadcast %squeeze3A_894 : f32 to vector<16xf32>
        %get3A_896 = arith.index_cast %scan3A_423 : i32 to index
        %get3A_897 = arith.constant 1216 : index
        %get3A_898 = tpu.vector_load %arg13[%get3A_896, %get3A_897] {strides = array<i32>} : memref<16x2048xbf16, #tpu.memory_space<vmem>>, vector<32xbf16>,
        %unpack3A_899 = tpu.unpack_subelements %get3A_898, 0 {pack_format = #tpu.pack_format<interleaved>} : vector<32xbf16> -> vector<16xf32>
        %unpack3A_900 = tpu.unpack_subelements %get3A_898, 1 {pack_format = #tpu.pack_format<interleaved>} : vector<32xbf16> -> vector<16xf32>
        %mul3A_901 = arith.mulf %broadcast_in_dim3A_895, %unpack3A_899 : vector<16xf32>
        %add3A_902 = arith.addf %add3A_890, %mul3A_901 : vector<16xf32>
        %mul3A_903 = arith.mulf %broadcast_in_dim3A_895, %unpack3A_900 : vector<16xf32>
        %add3A_904 = arith.addf %add3A_892, %mul3A_903 : vector<16xf32>
        %slice3A_905 = vector.extract_strided_slice %get3A_820 {offsets = [7], sizes = [1], strides = [1]} : vector<16xf32> to vector<1xf32>
        %squeeze3A_906 = vector.extract %slice3A_905[0] : f32 from vector<1xf32>
        %broadcast_in_dim3A_907 = vector.broadcast %squeeze3A_906 : f32 to vector<16xf32>
        %get3A_908 = arith.index_cast %scan3A_423 : i32 to index
        %get3A_909 = arith.constant 1248 : index
        %get3A_910 = tpu.vector_load %arg13[%get3A_908, %get3A_909] {strides = array<i32>} : memref<16x2048xbf16, #tpu.memory_space<vmem>>, vector<32xbf16>,
        %unpack3A_911 = tpu.unpack_subelements %get3A_910, 0 {pack_format = #tpu.pack_format<interleaved>} : vector<32xbf16> -> vector<16xf32>
        %unpack3A_912 = tpu.unpack_subelements %get3A_910, 1 {pack_format = #tpu.pack_format<interleaved>} : vector<32xbf16> -> vector<16xf32>
        %mul3A_913 = arith.mulf %broadcast_in_dim3A_907, %unpack3A_911 : vector<16xf32>
        %add3A_914 = arith.addf %add3A_902, %mul3A_913 : vector<16xf32>
        %mul3A_915 = arith.mulf %broadcast_in_dim3A_907, %unpack3A_912 : vector<16xf32>
        %add3A_916 = arith.addf %add3A_904, %mul3A_915 : vector<16xf32>
        %slice3A_917 = vector.extract_strided_slice %get3A_820 {offsets = [8], sizes = [1], strides = [1]} : vector<16xf32> to vector<1xf32>
        %squeeze3A_918 = vector.extract %slice3A_917[0] : f32 from vector<1xf32>
        %broadcast_in_dim3A_919 = vector.broadcast %squeeze3A_918 : f32 to vector<16xf32>
        %get3A_920 = arith.index_cast %scan3A_423 : i32 to index
        %get3A_921 = arith.constant 1280 : index
        %get3A_922 = tpu.vector_load %arg13[%get3A_920, %get3A_921] {strides = array<i32>} : memref<16x2048xbf16, #tpu.memory_space<vmem>>, vector<32xbf16>,
        %unpack3A_923 = tpu.unpack_subelements %get3A_922, 0 {pack_format = #tpu.pack_format<interleaved>} : vector<32xbf16> -> vector<16xf32>
        %unpack3A_924 = tpu.unpack_subelements %get3A_922, 1 {pack_format = #tpu.pack_format<interleaved>} : vector<32xbf16> -> vector<16xf32>
        %mul3A_925 = arith.mulf %broadcast_in_dim3A_919, %unpack3A_923 : vector<16xf32>
        %add3A_926 = arith.addf %add3A_914, %mul3A_925 : vector<16xf32>
        %mul3A_927 = arith.mulf %broadcast_in_dim3A_919, %unpack3A_924 : vector<16xf32>
        %add3A_928 = arith.addf %add3A_916, %mul3A_927 : vector<16xf32>
        %slice3A_929 = vector.extract_strided_slice %get3A_820 {offsets = [9], sizes = [1], strides = [1]} : vector<16xf32> to vector<1xf32>
        %squeeze3A_930 = vector.extract %slice3A_929[0] : f32 from vector<1xf32>
        %broadcast_in_dim3A_931 = vector.broadcast %squeeze3A_930 : f32 to vector<16xf32>
        %get3A_932 = arith.index_cast %scan3A_423 : i32 to index
        %get3A_933 = arith.constant 1312 : index
        %get3A_934 = tpu.vector_load %arg13[%get3A_932, %get3A_933] {strides = array<i32>} : memref<16x2048xbf16, #tpu.memory_space<vmem>>, vector<32xbf16>,
        %unpack3A_935 = tpu.unpack_subelements %get3A_934, 0 {pack_format = #tpu.pack_format<interleaved>} : vector<32xbf16> -> vector<16xf32>
        %unpack3A_936 = tpu.unpack_subelements %get3A_934, 1 {pack_format = #tpu.pack_format<interleaved>} : vector<32xbf16> -> vector<16xf32>
        %mul3A_937 = arith.mulf %broadcast_in_dim3A_931, %unpack3A_935 : vector<16xf32>
        %add3A_938 = arith.addf %add3A_926, %mul3A_937 : vector<16xf32>
        %mul3A_939 = arith.mulf %broadcast_in_dim3A_931, %unpack3A_936 : vector<16xf32>
        %add3A_940 = arith.addf %add3A_928, %mul3A_939 : vector<16xf32>
        %slice3A_941 = vector.extract_strided_slice %get3A_820 {offsets = [10], sizes = [1], strides = [1]} : vector<16xf32> to vector<1xf32>
        %squeeze3A_942 = vector.extract %slice3A_941[0] : f32 from vector<1xf32>
        %broadcast_in_dim3A_943 = vector.broadcast %squeeze3A_942 : f32 to vector<16xf32>
        %get3A_944 = arith.index_cast %scan3A_423 : i32 to index
        %get3A_945 = arith.constant 1344 : index
        %get3A_946 = tpu.vector_load %arg13[%get3A_944, %get3A_945] {strides = array<i32>} : memref<16x2048xbf16, #tpu.memory_space<vmem>>, vector<32xbf16>,
        %unpack3A_947 = tpu.unpack_subelements %get3A_946, 0 {pack_format = #tpu.pack_format<interleaved>} : vector<32xbf16> -> vector<16xf32>
        %unpack3A_948 = tpu.unpack_subelements %get3A_946, 1 {pack_format = #tpu.pack_format<interleaved>} : vector<32xbf16> -> vector<16xf32>
        %mul3A_949 = arith.mulf %broadcast_in_dim3A_943, %unpack3A_947 : vector<16xf32>
        %add3A_950 = arith.addf %add3A_938, %mul3A_949 : vector<16xf32>
        %mul3A_951 = arith.mulf %broadcast_in_dim3A_943, %unpack3A_948 : vector<16xf32>
        %add3A_952 = arith.addf %add3A_940, %mul3A_951 : vector<16xf32>
        %slice3A_953 = vector.extract_strided_slice %get3A_820 {offsets = [11], sizes = [1], strides = [1]} : vector<16xf32> to vector<1xf32>
        %squeeze3A_954 = vector.extract %slice3A_953[0] : f32 from vector<1xf32>
        %broadcast_in_dim3A_955 = vector.broadcast %squeeze3A_954 : f32 to vector<16xf32>
        %get3A_956 = arith.index_cast %scan3A_423 : i32 to index
        %get3A_957 = arith.constant 1376 : index
        %get3A_958 = tpu.vector_load %arg13[%get3A_956, %get3A_957] {strides = array<i32>} : memref<16x2048xbf16, #tpu.memory_space<vmem>>, vector<32xbf16>,
        %unpack3A_959 = tpu.unpack_subelements %get3A_958, 0 {pack_format = #tpu.pack_format<interleaved>} : vector<32xbf16> -> vector<16xf32>
        %unpack3A_960 = tpu.unpack_subelements %get3A_958, 1 {pack_format = #tpu.pack_format<interleaved>} : vector<32xbf16> -> vector<16xf32>
        %mul3A_961 = arith.mulf %broadcast_in_dim3A_955, %unpack3A_959 : vector<16xf32>
        %add3A_962 = arith.addf %add3A_950, %mul3A_961 : vector<16xf32>
        %mul3A_963 = arith.mulf %broadcast_in_dim3A_955, %unpack3A_960 : vector<16xf32>
        %add3A_964 = arith.addf %add3A_952, %mul3A_963 : vector<16xf32>
        %slice3A_965 = vector.extract_strided_slice %get3A_820 {offsets = [12], sizes = [1], strides = [1]} : vector<16xf32> to vector<1xf32>
        %squeeze3A_966 = vector.extract %slice3A_965[0] : f32 from vector<1xf32>
        %broadcast_in_dim3A_967 = vector.broadcast %squeeze3A_966 : f32 to vector<16xf32>
        %get3A_968 = arith.index_cast %scan3A_423 : i32 to index
        %get3A_969 = arith.constant 1408 : index
        %get3A_970 = tpu.vector_load %arg13[%get3A_968, %get3A_969] {strides = array<i32>} : memref<16x2048xbf16, #tpu.memory_space<vmem>>, vector<32xbf16>,
        %unpack3A_971 = tpu.unpack_subelements %get3A_970, 0 {pack_format = #tpu.pack_format<interleaved>} : vector<32xbf16> -> vector<16xf32>
        %unpack3A_972 = tpu.unpack_subelements %get3A_970, 1 {pack_format = #tpu.pack_format<interleaved>} : vector<32xbf16> -> vector<16xf32>
        %mul3A_973 = arith.mulf %broadcast_in_dim3A_967, %unpack3A_971 : vector<16xf32>
        %add3A_974 = arith.addf %add3A_962, %mul3A_973 : vector<16xf32>
        %mul3A_975 = arith.mulf %broadcast_in_dim3A_967, %unpack3A_972 : vector<16xf32>
        %add3A_976 = arith.addf %add3A_964, %mul3A_975 : vector<16xf32>
        %slice3A_977 = vector.extract_strided_slice %get3A_820 {offsets = [13], sizes = [1], strides = [1]} : vector<16xf32> to vector<1xf32>
        %squeeze3A_978 = vector.extract %slice3A_977[0] : f32 from vector<1xf32>
        %broadcast_in_dim3A_979 = vector.broadcast %squeeze3A_978 : f32 to vector<16xf32>
        %get3A_980 = arith.index_cast %scan3A_423 : i32 to index
        %get3A_981 = arith.constant 1440 : index
        %get3A_982 = tpu.vector_load %arg13[%get3A_980, %get3A_981] {strides = array<i32>} : memref<16x2048xbf16, #tpu.memory_space<vmem>>, vector<32xbf16>,
        %unpack3A_983 = tpu.unpack_subelements %get3A_982, 0 {pack_format = #tpu.pack_format<interleaved>} : vector<32xbf16> -> vector<16xf32>
        %unpack3A_984 = tpu.unpack_subelements %get3A_982, 1 {pack_format = #tpu.pack_format<interleaved>} : vector<32xbf16> -> vector<16xf32>
        %mul3A_985 = arith.mulf %broadcast_in_dim3A_979, %unpack3A_983 : vector<16xf32>
        %add3A_986 = arith.addf %add3A_974, %mul3A_985 : vector<16xf32>
        %mul3A_987 = arith.mulf %broadcast_in_dim3A_979, %unpack3A_984 : vector<16xf32>
        %add3A_988 = arith.addf %add3A_976, %mul3A_987 : vector<16xf32>
        %slice3A_989 = vector.extract_strided_slice %get3A_820 {offsets = [14], sizes = [1], strides = [1]} : vector<16xf32> to vector<1xf32>
        %squeeze3A_990 = vector.extract %slice3A_989[0] : f32 from vector<1xf32>
        %broadcast_in_dim3A_991 = vector.broadcast %squeeze3A_990 : f32 to vector<16xf32>
        %get3A_992 = arith.index_cast %scan3A_423 : i32 to index
        %get3A_993 = arith.constant 1472 : index
        %get3A_994 = tpu.vector_load %arg13[%get3A_992, %get3A_993] {strides = array<i32>} : memref<16x2048xbf16, #tpu.memory_space<vmem>>, vector<32xbf16>,
        %unpack3A_995 = tpu.unpack_subelements %get3A_994, 0 {pack_format = #tpu.pack_format<interleaved>} : vector<32xbf16> -> vector<16xf32>
        %unpack3A_996 = tpu.unpack_subelements %get3A_994, 1 {pack_format = #tpu.pack_format<interleaved>} : vector<32xbf16> -> vector<16xf32>
        %mul3A_997 = arith.mulf %broadcast_in_dim3A_991, %unpack3A_995 : vector<16xf32>
        %add3A_998 = arith.addf %add3A_986, %mul3A_997 : vector<16xf32>
        %mul3A_999 = arith.mulf %broadcast_in_dim3A_991, %unpack3A_996 : vector<16xf32>
        %add3A_1000 = arith.addf %add3A_988, %mul3A_999 : vector<16xf32>
        %slice3A_1001 = vector.extract_strided_slice %get3A_820 {offsets = [15], sizes = [1], strides = [1]} : vector<16xf32> to vector<1xf32>
        %squeeze3A_1002 = vector.extract %slice3A_1001[0] : f32 from vector<1xf32>
        %broadcast_in_dim3A_1003 = vector.broadcast %squeeze3A_1002 : f32 to vector<16xf32>
        %get3A_1004 = arith.index_cast %scan3A_423 : i32 to index
        %get3A_1005 = arith.constant 1504 : index
        %get3A_1006 = tpu.vector_load %arg13[%get3A_1004, %get3A_1005] {strides = array<i32>} : memref<16x2048xbf16, #tpu.memory_space<vmem>>, vector<32xbf16>,
        %unpack3A_1007 = tpu.unpack_subelements %get3A_1006, 0 {pack_format = #tpu.pack_format<interleaved>} : vector<32xbf16> -> vector<16xf32>
        %unpack3A_1008 = tpu.unpack_subelements %get3A_1006, 1 {pack_format = #tpu.pack_format<interleaved>} : vector<32xbf16> -> vector<16xf32>
        %mul3A_1009 = arith.mulf %broadcast_in_dim3A_1003, %unpack3A_1007 : vector<16xf32>
        %add3A_1010 = arith.addf %add3A_998, %mul3A_1009 : vector<16xf32>
        %mul3A_1011 = arith.mulf %broadcast_in_dim3A_1003, %unpack3A_1008 : vector<16xf32>
        %add3A_1012 = arith.addf %add3A_1000, %mul3A_1011 : vector<16xf32>
        %get3A_1013 = arith.index_cast %add3A_426 : i32 to index
        %get3A_1014 = arith.constant 48 : index
        %get3A_1015 = tpu.vector_load %arg9[%get3A_1013, %get3A_1014] {strides = array<i32>} : memref<256x64xf32, #tpu.memory_space<vmem>>, vector<16xf32>,
        %slice3A_1016 = vector.extract_strided_slice %get3A_1015 {offsets = [0], sizes = [1], strides = [1]} : vector<16xf32> to vector<1xf32>
        %squeeze3A_1017 = vector.extract %slice3A_1016[0] : f32 from vector<1xf32>
        %broadcast_in_dim3A_1018 = vector.broadcast %squeeze3A_1017 : f32 to vector<16xf32>
        %get3A_1019 = arith.index_cast %scan3A_423 : i32 to index
        %get3A_1020 = arith.constant 1536 : index
        %get3A_1021 = tpu.vector_load %arg13[%get3A_1019, %get3A_1020] {strides = array<i32>} : memref<16x2048xbf16, #tpu.memory_space<vmem>>, vector<32xbf16>,
        %unpack3A_1022 = tpu.unpack_subelements %get3A_1021, 0 {pack_format = #tpu.pack_format<interleaved>} : vector<32xbf16> -> vector<16xf32>
        %unpack3A_1023 = tpu.unpack_subelements %get3A_1021, 1 {pack_format = #tpu.pack_format<interleaved>} : vector<32xbf16> -> vector<16xf32>
        %mul3A_1024 = arith.mulf %broadcast_in_dim3A_1018, %unpack3A_1022 : vector<16xf32>
        %add3A_1025 = arith.addf %add3A_1010, %mul3A_1024 : vector<16xf32>
        %mul3A_1026 = arith.mulf %broadcast_in_dim3A_1018, %unpack3A_1023 : vector<16xf32>
        %add3A_1027 = arith.addf %add3A_1012, %mul3A_1026 : vector<16xf32>
        %slice3A_1028 = vector.extract_strided_slice %get3A_1015 {offsets = [1], sizes = [1], strides = [1]} : vector<16xf32> to vector<1xf32>
        %squeeze3A_1029 = vector.extract %slice3A_1028[0] : f32 from vector<1xf32>
        %broadcast_in_dim3A_1030 = vector.broadcast %squeeze3A_1029 : f32 to vector<16xf32>
        %get3A_1031 = arith.index_cast %scan3A_423 : i32 to index
        %get3A_1032 = arith.constant 1568 : index
        %get3A_1033 = tpu.vector_load %arg13[%get3A_1031, %get3A_1032] {strides = array<i32>} : memref<16x2048xbf16, #tpu.memory_space<vmem>>, vector<32xbf16>,
        %unpack3A_1034 = tpu.unpack_subelements %get3A_1033, 0 {pack_format = #tpu.pack_format<interleaved>} : vector<32xbf16> -> vector<16xf32>
        %unpack3A_1035 = tpu.unpack_subelements %get3A_1033, 1 {pack_format = #tpu.pack_format<interleaved>} : vector<32xbf16> -> vector<16xf32>
        %mul3A_1036 = arith.mulf %broadcast_in_dim3A_1030, %unpack3A_1034 : vector<16xf32>
        %add3A_1037 = arith.addf %add3A_1025, %mul3A_1036 : vector<16xf32>
        %mul3A_1038 = arith.mulf %broadcast_in_dim3A_1030, %unpack3A_1035 : vector<16xf32>
        %add3A_1039 = arith.addf %add3A_1027, %mul3A_1038 : vector<16xf32>
        %slice3A_1040 = vector.extract_strided_slice %get3A_1015 {offsets = [2], sizes = [1], strides = [1]} : vector<16xf32> to vector<1xf32>
        %squeeze3A_1041 = vector.extract %slice3A_1040[0] : f32 from vector<1xf32>
        %broadcast_in_dim3A_1042 = vector.broadcast %squeeze3A_1041 : f32 to vector<16xf32>
        %get3A_1043 = arith.index_cast %scan3A_423 : i32 to index
        %get3A_1044 = arith.constant 1600 : index
        %get3A_1045 = tpu.vector_load %arg13[%get3A_1043, %get3A_1044] {strides = array<i32>} : memref<16x2048xbf16, #tpu.memory_space<vmem>>, vector<32xbf16>,
        %unpack3A_1046 = tpu.unpack_subelements %get3A_1045, 0 {pack_format = #tpu.pack_format<interleaved>} : vector<32xbf16> -> vector<16xf32>
        %unpack3A_1047 = tpu.unpack_subelements %get3A_1045, 1 {pack_format = #tpu.pack_format<interleaved>} : vector<32xbf16> -> vector<16xf32>
        %mul3A_1048 = arith.mulf %broadcast_in_dim3A_1042, %unpack3A_1046 : vector<16xf32>
        %add3A_1049 = arith.addf %add3A_1037, %mul3A_1048 : vector<16xf32>
        %mul3A_1050 = arith.mulf %broadcast_in_dim3A_1042, %unpack3A_1047 : vector<16xf32>
        %add3A_1051 = arith.addf %add3A_1039, %mul3A_1050 : vector<16xf32>
        %slice3A_1052 = vector.extract_strided_slice %get3A_1015 {offsets = [3], sizes = [1], strides = [1]} : vector<16xf32> to vector<1xf32>
        %squeeze3A_1053 = vector.extract %slice3A_1052[0] : f32 from vector<1xf32>
        %broadcast_in_dim3A_1054 = vector.broadcast %squeeze3A_1053 : f32 to vector<16xf32>
        %get3A_1055 = arith.index_cast %scan3A_423 : i32 to index
        %get3A_1056 = arith.constant 1632 : index
        %get3A_1057 = tpu.vector_load %arg13[%get3A_1055, %get3A_1056] {strides = array<i32>} : memref<16x2048xbf16, #tpu.memory_space<vmem>>, vector<32xbf16>,
        %unpack3A_1058 = tpu.unpack_subelements %get3A_1057, 0 {pack_format = #tpu.pack_format<interleaved>} : vector<32xbf16> -> vector<16xf32>
        %unpack3A_1059 = tpu.unpack_subelements %get3A_1057, 1 {pack_format = #tpu.pack_format<interleaved>} : vector<32xbf16> -> vector<16xf32>
        %mul3A_1060 = arith.mulf %broadcast_in_dim3A_1054, %unpack3A_1058 : vector<16xf32>
        %add3A_1061 = arith.addf %add3A_1049, %mul3A_1060 : vector<16xf32>
        %mul3A_1062 = arith.mulf %broadcast_in_dim3A_1054, %unpack3A_1059 : vector<16xf32>
        %add3A_1063 = arith.addf %add3A_1051, %mul3A_1062 : vector<16xf32>
        %slice3A_1064 = vector.extract_strided_slice %get3A_1015 {offsets = [4], sizes = [1], strides = [1]} : vector<16xf32> to vector<1xf32>
        %squeeze3A_1065 = vector.extract %slice3A_1064[0] : f32 from vector<1xf32>
        %broadcast_in_dim3A_1066 = vector.broadcast %squeeze3A_1065 : f32 to vector<16xf32>
        %get3A_1067 = arith.index_cast %scan3A_423 : i32 to index
        %get3A_1068 = arith.constant 1664 : index
        %get3A_1069 = tpu.vector_load %arg13[%get3A_1067, %get3A_1068] {strides = array<i32>} : memref<16x2048xbf16, #tpu.memory_space<vmem>>, vector<32xbf16>,
        %unpack3A_1070 = tpu.unpack_subelements %get3A_1069, 0 {pack_format = #tpu.pack_format<interleaved>} : vector<32xbf16> -> vector<16xf32>
        %unpack3A_1071 = tpu.unpack_subelements %get3A_1069, 1 {pack_format = #tpu.pack_format<interleaved>} : vector<32xbf16> -> vector<16xf32>
        %mul3A_1072 = arith.mulf %broadcast_in_dim3A_1066, %unpack3A_1070 : vector<16xf32>
        %add3A_1073 = arith.addf %add3A_1061, %mul3A_1072 : vector<16xf32>
        %mul3A_1074 = arith.mulf %broadcast_in_dim3A_1066, %unpack3A_1071 : vector<16xf32>
        %add3A_1075 = arith.addf %add3A_1063, %mul3A_1074 : vector<16xf32>
        %slice3A_1076 = vector.extract_strided_slice %get3A_1015 {offsets = [5], sizes = [1], strides = [1]} : vector<16xf32> to vector<1xf32>
        %squeeze3A_1077 = vector.extract %slice3A_1076[0] : f32 from vector<1xf32>
        %broadcast_in_dim3A_1078 = vector.broadcast %squeeze3A_1077 : f32 to vector<16xf32>
        %get3A_1079 = arith.index_cast %scan3A_423 : i32 to index
        %get3A_1080 = arith.constant 1696 : index
        %get3A_1081 = tpu.vector_load %arg13[%get3A_1079, %get3A_1080] {strides = array<i32>} : memref<16x2048xbf16, #tpu.memory_space<vmem>>, vector<32xbf16>,
        %unpack3A_1082 = tpu.unpack_subelements %get3A_1081, 0 {pack_format = #tpu.pack_format<interleaved>} : vector<32xbf16> -> vector<16xf32>
        %unpack3A_1083 = tpu.unpack_subelements %get3A_1081, 1 {pack_format = #tpu.pack_format<interleaved>} : vector<32xbf16> -> vector<16xf32>
        %mul3A_1084 = arith.mulf %broadcast_in_dim3A_1078, %unpack3A_1082 : vector<16xf32>
        %add3A_1085 = arith.addf %add3A_1073, %mul3A_1084 : vector<16xf32>
        %mul3A_1086 = arith.mulf %broadcast_in_dim3A_1078, %unpack3A_1083 : vector<16xf32>
        %add3A_1087 = arith.addf %add3A_1075, %mul3A_1086 : vector<16xf32>
        %slice3A_1088 = vector.extract_strided_slice %get3A_1015 {offsets = [6], sizes = [1], strides = [1]} : vector<16xf32> to vector<1xf32>
        %squeeze3A_1089 = vector.extract %slice3A_1088[0] : f32 from vector<1xf32>
        %broadcast_in_dim3A_1090 = vector.broadcast %squeeze3A_1089 : f32 to vector<16xf32>
        %get3A_1091 = arith.index_cast %scan3A_423 : i32 to index
        %get3A_1092 = arith.constant 1728 : index
        %get3A_1093 = tpu.vector_load %arg13[%get3A_1091, %get3A_1092] {strides = array<i32>} : memref<16x2048xbf16, #tpu.memory_space<vmem>>, vector<32xbf16>,
        %unpack3A_1094 = tpu.unpack_subelements %get3A_1093, 0 {pack_format = #tpu.pack_format<interleaved>} : vector<32xbf16> -> vector<16xf32>
        %unpack3A_1095 = tpu.unpack_subelements %get3A_1093, 1 {pack_format = #tpu.pack_format<interleaved>} : vector<32xbf16> -> vector<16xf32>
        %mul3A_1096 = arith.mulf %broadcast_in_dim3A_1090, %unpack3A_1094 : vector<16xf32>
        %add3A_1097 = arith.addf %add3A_1085, %mul3A_1096 : vector<16xf32>
        %mul3A_1098 = arith.mulf %broadcast_in_dim3A_1090, %unpack3A_1095 : vector<16xf32>
        %add3A_1099 = arith.addf %add3A_1087, %mul3A_1098 : vector<16xf32>
        %slice3A_1100 = vector.extract_strided_slice %get3A_1015 {offsets = [7], sizes = [1], strides = [1]} : vector<16xf32> to vector<1xf32>
        %squeeze3A_1101 = vector.extract %slice3A_1100[0] : f32 from vector<1xf32>
        %broadcast_in_dim3A_1102 = vector.broadcast %squeeze3A_1101 : f32 to vector<16xf32>
        %get3A_1103 = arith.index_cast %scan3A_423 : i32 to index
        %get3A_1104 = arith.constant 1760 : index
        %get3A_1105 = tpu.vector_load %arg13[%get3A_1103, %get3A_1104] {strides = array<i32>} : memref<16x2048xbf16, #tpu.memory_space<vmem>>, vector<32xbf16>,
        %unpack3A_1106 = tpu.unpack_subelements %get3A_1105, 0 {pack_format = #tpu.pack_format<interleaved>} : vector<32xbf16> -> vector<16xf32>
        %unpack3A_1107 = tpu.unpack_subelements %get3A_1105, 1 {pack_format = #tpu.pack_format<interleaved>} : vector<32xbf16> -> vector<16xf32>
        %mul3A_1108 = arith.mulf %broadcast_in_dim3A_1102, %unpack3A_1106 : vector<16xf32>
        %add3A_1109 = arith.addf %add3A_1097, %mul3A_1108 : vector<16xf32>
        %mul3A_1110 = arith.mulf %broadcast_in_dim3A_1102, %unpack3A_1107 : vector<16xf32>
        %add3A_1111 = arith.addf %add3A_1099, %mul3A_1110 : vector<16xf32>
        %slice3A_1112 = vector.extract_strided_slice %get3A_1015 {offsets = [8], sizes = [1], strides = [1]} : vector<16xf32> to vector<1xf32>
        %squeeze3A_1113 = vector.extract %slice3A_1112[0] : f32 from vector<1xf32>
        %broadcast_in_dim3A_1114 = vector.broadcast %squeeze3A_1113 : f32 to vector<16xf32>
        %get3A_1115 = arith.index_cast %scan3A_423 : i32 to index
        %get3A_1116 = arith.constant 1792 : index
        %get3A_1117 = tpu.vector_load %arg13[%get3A_1115, %get3A_1116] {strides = array<i32>} : memref<16x2048xbf16, #tpu.memory_space<vmem>>, vector<32xbf16>,
        %unpack3A_1118 = tpu.unpack_subelements %get3A_1117, 0 {pack_format = #tpu.pack_format<interleaved>} : vector<32xbf16> -> vector<16xf32>
        %unpack3A_1119 = tpu.unpack_subelements %get3A_1117, 1 {pack_format = #tpu.pack_format<interleaved>} : vector<32xbf16> -> vector<16xf32>
        %mul3A_1120 = arith.mulf %broadcast_in_dim3A_1114, %unpack3A_1118 : vector<16xf32>
        %add3A_1121 = arith.addf %add3A_1109, %mul3A_1120 : vector<16xf32>
        %mul3A_1122 = arith.mulf %broadcast_in_dim3A_1114, %unpack3A_1119 : vector<16xf32>
        %add3A_1123 = arith.addf %add3A_1111, %mul3A_1122 : vector<16xf32>
        %slice3A_1124 = vector.extract_strided_slice %get3A_1015 {offsets = [9], sizes = [1], strides = [1]} : vector<16xf32> to vector<1xf32>
        %squeeze3A_1125 = vector.extract %slice3A_1124[0] : f32 from vector<1xf32>
        %broadcast_in_dim3A_1126 = vector.broadcast %squeeze3A_1125 : f32 to vector<16xf32>
        %get3A_1127 = arith.index_cast %scan3A_423 : i32 to index
        %get3A_1128 = arith.constant 1824 : index
        %get3A_1129 = tpu.vector_load %arg13[%get3A_1127, %get3A_1128] {strides = array<i32>} : memref<16x2048xbf16, #tpu.memory_space<vmem>>, vector<32xbf16>,
        %unpack3A_1130 = tpu.unpack_subelements %get3A_1129, 0 {pack_format = #tpu.pack_format<interleaved>} : vector<32xbf16> -> vector<16xf32>
        %unpack3A_1131 = tpu.unpack_subelements %get3A_1129, 1 {pack_format = #tpu.pack_format<interleaved>} : vector<32xbf16> -> vector<16xf32>
        %mul3A_1132 = arith.mulf %broadcast_in_dim3A_1126, %unpack3A_1130 : vector<16xf32>
        %add3A_1133 = arith.addf %add3A_1121, %mul3A_1132 : vector<16xf32>
        %mul3A_1134 = arith.mulf %broadcast_in_dim3A_1126, %unpack3A_1131 : vector<16xf32>
        %add3A_1135 = arith.addf %add3A_1123, %mul3A_1134 : vector<16xf32>
        %slice3A_1136 = vector.extract_strided_slice %get3A_1015 {offsets = [10], sizes = [1], strides = [1]} : vector<16xf32> to vector<1xf32>
        %squeeze3A_1137 = vector.extract %slice3A_1136[0] : f32 from vector<1xf32>
        %broadcast_in_dim3A_1138 = vector.broadcast %squeeze3A_1137 : f32 to vector<16xf32>
        %get3A_1139 = arith.index_cast %scan3A_423 : i32 to index
        %get3A_1140 = arith.constant 1856 : index
        %get3A_1141 = tpu.vector_load %arg13[%get3A_1139, %get3A_1140] {strides = array<i32>} : memref<16x2048xbf16, #tpu.memory_space<vmem>>, vector<32xbf16>,
        %unpack3A_1142 = tpu.unpack_subelements %get3A_1141, 0 {pack_format = #tpu.pack_format<interleaved>} : vector<32xbf16> -> vector<16xf32>
        %unpack3A_1143 = tpu.unpack_subelements %get3A_1141, 1 {pack_format = #tpu.pack_format<interleaved>} : vector<32xbf16> -> vector<16xf32>
        %mul3A_1144 = arith.mulf %broadcast_in_dim3A_1138, %unpack3A_1142 : vector<16xf32>
        %add3A_1145 = arith.addf %add3A_1133, %mul3A_1144 : vector<16xf32>
        %mul3A_1146 = arith.mulf %broadcast_in_dim3A_1138, %unpack3A_1143 : vector<16xf32>
        %add3A_1147 = arith.addf %add3A_1135, %mul3A_1146 : vector<16xf32>
        %slice3A_1148 = vector.extract_strided_slice %get3A_1015 {offsets = [11], sizes = [1], strides = [1]} : vector<16xf32> to vector<1xf32>
        %squeeze3A_1149 = vector.extract %slice3A_1148[0] : f32 from vector<1xf32>
        %broadcast_in_dim3A_1150 = vector.broadcast %squeeze3A_1149 : f32 to vector<16xf32>
        %get3A_1151 = arith.index_cast %scan3A_423 : i32 to index
        %get3A_1152 = arith.constant 1888 : index
        %get3A_1153 = tpu.vector_load %arg13[%get3A_1151, %get3A_1152] {strides = array<i32>} : memref<16x2048xbf16, #tpu.memory_space<vmem>>, vector<32xbf16>,
        %unpack3A_1154 = tpu.unpack_subelements %get3A_1153, 0 {pack_format = #tpu.pack_format<interleaved>} : vector<32xbf16> -> vector<16xf32>
        %unpack3A_1155 = tpu.unpack_subelements %get3A_1153, 1 {pack_format = #tpu.pack_format<interleaved>} : vector<32xbf16> -> vector<16xf32>
        %mul3A_1156 = arith.mulf %broadcast_in_dim3A_1150, %unpack3A_1154 : vector<16xf32>
        %add3A_1157 = arith.addf %add3A_1145, %mul3A_1156 : vector<16xf32>
        %mul3A_1158 = arith.mulf %broadcast_in_dim3A_1150, %unpack3A_1155 : vector<16xf32>
        %add3A_1159 = arith.addf %add3A_1147, %mul3A_1158 : vector<16xf32>
        %slice3A_1160 = vector.extract_strided_slice %get3A_1015 {offsets = [12], sizes = [1], strides = [1]} : vector<16xf32> to vector<1xf32>
        %squeeze3A_1161 = vector.extract %slice3A_1160[0] : f32 from vector<1xf32>
        %broadcast_in_dim3A_1162 = vector.broadcast %squeeze3A_1161 : f32 to vector<16xf32>
        %get3A_1163 = arith.index_cast %scan3A_423 : i32 to index
        %get3A_1164 = arith.constant 1920 : index
        %get3A_1165 = tpu.vector_load %arg13[%get3A_1163, %get3A_1164] {strides = array<i32>} : memref<16x2048xbf16, #tpu.memory_space<vmem>>, vector<32xbf16>,
        %unpack3A_1166 = tpu.unpack_subelements %get3A_1165, 0 {pack_format = #tpu.pack_format<interleaved>} : vector<32xbf16> -> vector<16xf32>
        %unpack3A_1167 = tpu.unpack_subelements %get3A_1165, 1 {pack_format = #tpu.pack_format<interleaved>} : vector<32xbf16> -> vector<16xf32>
        %mul3A_1168 = arith.mulf %broadcast_in_dim3A_1162, %unpack3A_1166 : vector<16xf32>
        %add3A_1169 = arith.addf %add3A_1157, %mul3A_1168 : vector<16xf32>
        %mul3A_1170 = arith.mulf %broadcast_in_dim3A_1162, %unpack3A_1167 : vector<16xf32>
        %add3A_1171 = arith.addf %add3A_1159, %mul3A_1170 : vector<16xf32>
        %slice3A_1172 = vector.extract_strided_slice %get3A_1015 {offsets = [13], sizes = [1], strides = [1]} : vector<16xf32> to vector<1xf32>
        %squeeze3A_1173 = vector.extract %slice3A_1172[0] : f32 from vector<1xf32>
        %broadcast_in_dim3A_1174 = vector.broadcast %squeeze3A_1173 : f32 to vector<16xf32>
        %get3A_1175 = arith.index_cast %scan3A_423 : i32 to index
        %get3A_1176 = arith.constant 1952 : index
        %get3A_1177 = tpu.vector_load %arg13[%get3A_1175, %get3A_1176] {strides = array<i32>} : memref<16x2048xbf16, #tpu.memory_space<vmem>>, vector<32xbf16>,
        %unpack3A_1178 = tpu.unpack_subelements %get3A_1177, 0 {pack_format = #tpu.pack_format<interleaved>} : vector<32xbf16> -> vector<16xf32>
        %unpack3A_1179 = tpu.unpack_subelements %get3A_1177, 1 {pack_format = #tpu.pack_format<interleaved>} : vector<32xbf16> -> vector<16xf32>
        %mul3A_1180 = arith.mulf %broadcast_in_dim3A_1174, %unpack3A_1178 : vector<16xf32>
        %add3A_1181 = arith.addf %add3A_1169, %mul3A_1180 : vector<16xf32>
        %mul3A_1182 = arith.mulf %broadcast_in_dim3A_1174, %unpack3A_1179 : vector<16xf32>
        %add3A_1183 = arith.addf %add3A_1171, %mul3A_1182 : vector<16xf32>
        %slice3A_1184 = vector.extract_strided_slice %get3A_1015 {offsets = [14], sizes = [1], strides = [1]} : vector<16xf32> to vector<1xf32>
        %squeeze3A_1185 = vector.extract %slice3A_1184[0] : f32 from vector<1xf32>
        %broadcast_in_dim3A_1186 = vector.broadcast %squeeze3A_1185 : f32 to vector<16xf32>
        %get3A_1187 = arith.index_cast %scan3A_423 : i32 to index
        %get3A_1188 = arith.constant 1984 : index
        %get3A_1189 = tpu.vector_load %arg13[%get3A_1187, %get3A_1188] {strides = array<i32>} : memref<16x2048xbf16, #tpu.memory_space<vmem>>, vector<32xbf16>,
        %unpack3A_1190 = tpu.unpack_subelements %get3A_1189, 0 {pack_format = #tpu.pack_format<interleaved>} : vector<32xbf16> -> vector<16xf32>
        %unpack3A_1191 = tpu.unpack_subelements %get3A_1189, 1 {pack_format = #tpu.pack_format<interleaved>} : vector<32xbf16> -> vector<16xf32>
        %mul3A_1192 = arith.mulf %broadcast_in_dim3A_1186, %unpack3A_1190 : vector<16xf32>
        %add3A_1193 = arith.addf %add3A_1181, %mul3A_1192 : vector<16xf32>
        %mul3A_1194 = arith.mulf %broadcast_in_dim3A_1186, %unpack3A_1191 : vector<16xf32>
        %add3A_1195 = arith.addf %add3A_1183, %mul3A_1194 : vector<16xf32>
        %slice3A_1196 = vector.extract_strided_slice %get3A_1015 {offsets = [15], sizes = [1], strides = [1]} : vector<16xf32> to vector<1xf32>
        %squeeze3A_1197 = vector.extract %slice3A_1196[0] : f32 from vector<1xf32>
        %broadcast_in_dim3A_1198 = vector.broadcast %squeeze3A_1197 : f32 to vector<16xf32>
        %get3A_1199 = arith.index_cast %scan3A_423 : i32 to index
        %get3A_1200 = arith.constant 2016 : index
        %get3A_1201 = tpu.vector_load %arg13[%get3A_1199, %get3A_1200] {strides = array<i32>} : memref<16x2048xbf16, #tpu.memory_space<vmem>>, vector<32xbf16>,
        %unpack3A_1202 = tpu.unpack_subelements %get3A_1201, 0 {pack_format = #tpu.pack_format<interleaved>} : vector<32xbf16> -> vector<16xf32>
        %unpack3A_1203 = tpu.unpack_subelements %get3A_1201, 1 {pack_format = #tpu.pack_format<interleaved>} : vector<32xbf16> -> vector<16xf32>
        %mul3A_1204 = arith.mulf %broadcast_in_dim3A_1198, %unpack3A_1202 : vector<16xf32>
        %add3A_1205 = arith.addf %add3A_1193, %mul3A_1204 : vector<16xf32>
        %mul3A_1206 = arith.mulf %broadcast_in_dim3A_1198, %unpack3A_1203 : vector<16xf32>
        %add3A_1207 = arith.addf %add3A_1195, %mul3A_1206 : vector<16xf32>
        %swap3A = arith.index_cast %add3A_426 : i32 to index
        %swap3A_1208 = arith.constant 0 : index
        %swap3A_1209 = tpu.vector_load %arg12[%swap3A, %swap3A_1208] {strides = array<i32>} : memref<256x32xf32, #tpu.memory_space<vmem>>, vector<16xf32>,
        tpu.vector_store %arg12[%swap3A, %swap3A_1208], %add3A_1205 {strides = array<i32>} : memref<256x32xf32, #tpu.memory_space<vmem>>, vector<16xf32>,
        %swap3A_1210 = arith.index_cast %add3A_426 : i32 to index
        %swap3A_1211 = arith.constant 16 : index
        %swap3A_1212 = tpu.vector_load %arg12[%swap3A_1210, %swap3A_1211] {strides = array<i32>} : memref<256x32xf32, #tpu.memory_space<vmem>>, vector<16xf32>,
        tpu.vector_store %arg12[%swap3A_1210, %swap3A_1211], %add3A_1207 {strides = array<i32>} : memref<256x32xf32, #tpu.memory_space<vmem>>, vector<16xf32>,
      }
      %scan3A_353 = arith.constant 16 : i32
      %add3A_354 = arith.constant 2 : i32
      %add3A_355 = arith.addi %add3A_310, %add3A_354 : i32
      %lt3A_356 = arith.constant 16 : i32
      %lt3A_357 = arith.cmpi slt, %add3A_355, %lt3A_356 : i32
      %convert_element_type3A = arith.extui %lt3A_357 : i1 to i32
      %cond3A = arith.constant 0 : i32
      %cond3A_358 = arith.cmpi ne, %convert_element_type3A, %cond3A : i32
      scf.if %cond3A_358 {
        %jit3A_423 = arith.constant 8 : i32
        %div3A_424 = arith.divsi %add3A_355, %jit3A_423 : i32
        %sign3A_425 = arith.constant 0 : i32
        %sign3A_426 = arith.cmpi sgt, %add3A_355, %sign3A_425 : i32
        %sign3A_427 = arith.extui %sign3A_426 : i1 to i32
        %sign3A_428 = arith.constant 0 : i32
        %sign3A_429 = arith.cmpi slt, %add3A_355, %sign3A_428 : i32
        %sign3A_430 = arith.extui %sign3A_429 : i1 to i32
        %sign3A_431 = arith.subi %sign3A_427, %sign3A_430 : i32
        %sign3A_432 = arith.constant 0 : i32
        %sign3A_433 = arith.cmpi sgt, %jit3A_423, %sign3A_432 : i32
        %sign3A_434 = arith.extui %sign3A_433 : i1 to i32
        %sign3A_435 = arith.constant 0 : i32
        %sign3A_436 = arith.cmpi slt, %jit3A_423, %sign3A_435 : i32
        %sign3A_437 = arith.extui %sign3A_436 : i1 to i32
        %sign3A_438 = arith.subi %sign3A_434, %sign3A_437 : i32
        %ne3A_439 = arith.cmpi ne, %sign3A_431, %sign3A_438 : i32
        %rem3A_440 = arith.remsi %add3A_355, %jit3A_423 : i32
        %ne3A_441 = arith.constant 0 : i32
        %ne3A_442 = arith.cmpi ne, %rem3A_440, %ne3A_441 : i32
        %and3A_443 = arith.andi %ne3A_439, %ne3A_442 : i1
        %sub3A_444 = arith.constant 1 : i32
        %sub3A_445 = arith.subi %div3A_424, %sub3A_444 : i32
        %select_n3A_446 = arith.select %and3A_443, %sub3A_445, %div3A_424 : i32
        %jit3A_447 = arith.constant 8 : i32
        %eq3A_448 = arith.constant 0 : i32
        %eq3A_449 = arith.cmpi eq, %jit3A_447, %eq3A_448 : i32
        %jit3A_450 = arith.constant 1 : i32
        %select_n3A_451 = arith.select %eq3A_449, %jit3A_450, %jit3A_447 : i32
        %rem3A_452 = arith.remsi %add3A_355, %select_n3A_451 : i32
        %ne3A_453 = arith.constant 0 : i32
        %ne3A_454 = arith.cmpi ne, %rem3A_452, %ne3A_453 : i32
        %lt3A_455 = arith.constant 0 : i32
        %lt3A_456 = arith.cmpi slt, %rem3A_452, %lt3A_455 : i32
        %lt3A_457 = arith.constant 0 : i32
        %lt3A_458 = arith.cmpi slt, %select_n3A_451, %lt3A_457 : i32
        %ne3A_459 = arith.xori %lt3A_456, %lt3A_458 : i1
        %and3A_460 = arith.andi %ne3A_459, %ne3A_454 : i1
        %add3A_461 = arith.addi %rem3A_452, %select_n3A_451 : i32
        %select_n3A_462 = arith.select %and3A_460, %add3A_461, %rem3A_452 : i32
        %mul3A_463 = arith.constant 16 : i32
        %mul3A_464 = arith.muli %select_n3A_462, %mul3A_463 : i32
        %dma_start3A_465 = tpu.memref_slice %arg17[%select_n3A_446, %mul3A_464] : memref<2x128xi32, #tpu.memory_space<vmem>> -> memref<1x16xi32, #tpu.memory_space<vmem>>
        %dma_start3A_466 = tpu.memref_squeeze %dma_start3A_465 : memref<1x16xi32, #tpu.memory_space<vmem>> -> memref<16xi32, #tpu.memory_space<vmem>>
        %dma_start3A_467 = arith.constant 0 : i32
        %dma_start3A_468 = arith.constant 0 : i32
        %dma_start3A_469 = tpu.memref_slice %arg7[%dma_start3A_467, %dma_start3A_468] : memref<1000x2048xbf16, #tpu.memory_space<hbm>> -> memref<1000x2048xbf16, #tpu.memory_space<hbm>>
        tpu.enqueue_indirect_dma source(%dma_start3A_469 : memref<1000x2048xbf16, #tpu.memory_space<hbm>>) target(%arg13 : memref<16x2048xbf16, #tpu.memory_space<vmem>>) offsets(%dma_start3A_466 : memref<16xi32, #tpu.memory_space<vmem>>) semaphore(%arg19 : memref<!tpu.dma_semaphore, #tpu.memory_space<semaphore_mem>>)
      } else {
      }
      %mul3A_359 = arith.constant 2 : i32
      %mul3A_360 = arith.muli %scan3A_306, %mul3A_359 : i32
      %add3A_361 = arith.constant 1 : i32
      %add3A_362 = arith.addi %mul3A_360, %add3A_361 : i32
      %jit3A_363 = arith.constant 8 : i32
      %div3A_364 = arith.divsi %add3A_362, %jit3A_363 : i32
      %sign3A_365 = arith.constant 0 : i32
      %sign3A_366 = arith.cmpi sgt, %add3A_362, %sign3A_365 : i32
      %sign3A_367 = arith.extui %sign3A_366 : i1 to i32
      %sign3A_368 = arith.constant 0 : i32
      %sign3A_369 = arith.cmpi slt, %add3A_362, %sign3A_368 : i32
      %sign3A_370 = arith.extui %sign3A_369 : i1 to i32
      %sign3A_371 = arith.subi %sign3A_367, %sign3A_370 : i32
      %sign3A_372 = arith.constant 0 : i32
      %sign3A_373 = arith.cmpi sgt, %jit3A_363, %sign3A_372 : i32
      %sign3A_374 = arith.extui %sign3A_373 : i1 to i32
      %sign3A_375 = arith.constant 0 : i32
      %sign3A_376 = arith.cmpi slt, %jit3A_363, %sign3A_375 : i32
      %sign3A_377 = arith.extui %sign3A_376 : i1 to i32
      %sign3A_378 = arith.subi %sign3A_374, %sign3A_377 : i32
      %ne3A_379 = arith.cmpi ne, %sign3A_371, %sign3A_378 : i32
      %rem3A_380 = arith.remsi %add3A_362, %jit3A_363 : i32
      %ne3A_381 = arith.constant 0 : i32
      %ne3A_382 = arith.cmpi ne, %rem3A_380, %ne3A_381 : i32
      %and3A_383 = arith.andi %ne3A_379, %ne3A_382 : i1
      %sub3A_384 = arith.constant 1 : i32
      %sub3A_385 = arith.subi %div3A_364, %sub3A_384 : i32
      %select_n3A_386 = arith.select %and3A_383, %sub3A_385, %div3A_364 : i32
      %jit3A_387 = arith.constant 8 : i32
      %eq3A_388 = arith.constant 0 : i32
      %eq3A_389 = arith.cmpi eq, %jit3A_387, %eq3A_388 : i32
      %jit3A_390 = arith.constant 1 : i32
      %select_n3A_391 = arith.select %eq3A_389, %jit3A_390, %jit3A_387 : i32
      %rem3A_392 = arith.remsi %add3A_362, %select_n3A_391 : i32
      %ne3A_393 = arith.constant 0 : i32
      %ne3A_394 = arith.cmpi ne, %rem3A_392, %ne3A_393 : i32
      %lt3A_395 = arith.constant 0 : i32
      %lt3A_396 = arith.cmpi slt, %rem3A_392, %lt3A_395 : i32
      %lt3A_397 = arith.constant 0 : i32
      %lt3A_398 = arith.cmpi slt, %select_n3A_391, %lt3A_397 : i32
      %ne3A_399 = arith.xori %lt3A_396, %lt3A_398 : i1
      %and3A_400 = arith.andi %ne3A_399, %ne3A_394 : i1
      %add3A_401 = arith.addi %rem3A_392, %select_n3A_391 : i32
      %select_n3A_402 = arith.select %and3A_400, %add3A_401, %rem3A_392 : i32
      %mul3A_403 = arith.constant 16 : i32
      %mul3A_404 = arith.muli %select_n3A_402, %mul3A_403 : i32
      %dma_wait3A_405 = tpu.memref_slice %arg17[%select_n3A_386, %mul3A_404] : memref<2x128xi32, #tpu.memory_space<vmem>> -> memref<1x16xi32, #tpu.memory_space<vmem>>
      %dma_wait3A_406 = tpu.memref_squeeze %dma_wait3A_405 : memref<1x16xi32, #tpu.memory_space<vmem>> -> memref<16xi32, #tpu.memory_space<vmem>>
      %dma_wait3A_407 = arith.constant 0 : i32
      %dma_wait3A_408 = arith.constant 0 : i32
      %dma_wait3A_409 = tpu.memref_slice %arg7[%dma_wait3A_407, %dma_wait3A_408] : memref<1000x2048xbf16, #tpu.memory_space<hbm>> -> memref<1000x2048xbf16, #tpu.memory_space<hbm>>
      tpu.wait_indirect_dma semaphore(%arg20 : memref<!tpu.dma_semaphore, #tpu.memory_space<semaphore_mem>>) src(%dma_wait3A_409 : memref<1000x2048xbf16, #tpu.memory_space<hbm>>) dst(%arg14 : memref<16x2048xbf16, #tpu.memory_space<vmem>>)
      %scan3A_410 = arith.constant 0 : i32
      %scan3A_411 = arith.constant 0 : i32
      %scan3A_412 = arith.constant 16 : i32
      %scan3A_413 = arith.addi %scan3A_411, %scan3A_412 : i32
      %scan3A_414 = arith.constant 1 : i32
      scf.for %scan3A_423 = %scan3A_411 to %scan3A_413 step %scan3A_414  : i32 {
        %mul3A_424 = arith.constant 16 : i32
        %mul3A_425 = arith.muli %add3A_362, %mul3A_424 : i32
        %add3A_426 = arith.addi %mul3A_425, %scan3A_423 : i32
        %get3A = arith.index_cast %add3A_426 : i32 to index
        %get3A_427 = arith.constant 0 : index
        %get3A_428 = tpu.vector_load %arg11[%get3A, %get3A_427] {strides = array<i32>} : memref<256x32xf32, #tpu.memory_space<vmem>>, vector<16xf32>,
        %get3A_429 = arith.index_cast %add3A_426 : i32 to index
        %get3A_430 = arith.constant 16 : index
        %get3A_431 = tpu.vector_load %arg11[%get3A_429, %get3A_430] {strides = array<i32>} : memref<256x32xf32, #tpu.memory_space<vmem>>, vector<16xf32>,
        %get3A_432 = arith.index_cast %add3A_426 : i32 to index
        %get3A_433 = arith.constant 0 : index
        %get3A_434 = tpu.vector_load %arg9[%get3A_432, %get3A_433] {strides = array<i32>} : memref<256x64xf32, #tpu.memory_space<vmem>>, vector<16xf32>,
        %slice3A = vector.extract_strided_slice %get3A_434 {offsets = [0], sizes = [1], strides = [1]} : vector<16xf32> to vector<1xf32>
        %squeeze3A = vector.extract %slice3A[0] : f32 from vector<1xf32>
        %broadcast_in_dim3A = vector.broadcast %squeeze3A : f32 to vector<16xf32>
        %get3A_435 = arith.index_cast %scan3A_423 : i32 to index
        %get3A_436 = arith.constant 0 : index
        %get3A_437 = tpu.vector_load %arg14[%get3A_435, %get3A_436] {strides = array<i32>} : memref<16x2048xbf16, #tpu.memory_space<vmem>>, vector<32xbf16>,
        %unpack3A = tpu.unpack_subelements %get3A_437, 0 {pack_format = #tpu.pack_format<interleaved>} : vector<32xbf16> -> vector<16xf32>
        %unpack3A_438 = tpu.unpack_subelements %get3A_437, 1 {pack_format = #tpu.pack_format<interleaved>} : vector<32xbf16> -> vector<16xf32>
        %mul3A_439 = arith.mulf %broadcast_in_dim3A, %unpack3A : vector<16xf32>
        %add3A_440 = arith.addf %get3A_428, %mul3A_439 : vector<16xf32>
        %mul3A_441 = arith.mulf %broadcast_in_dim3A, %unpack3A_438 : vector<16xf32>
        %add3A_442 = arith.addf %get3A_431, %mul3A_441 : vector<16xf32>
        %slice3A_443 = vector.extract_strided_slice %get3A_434 {offsets = [1], sizes = [1], strides = [1]} : vector<16xf32> to vector<1xf32>
        %squeeze3A_444 = vector.extract %slice3A_443[0] : f32 from vector<1xf32>
        %broadcast_in_dim3A_445 = vector.broadcast %squeeze3A_444 : f32 to vector<16xf32>
        %get3A_446 = arith.index_cast %scan3A_423 : i32 to index
        %get3A_447 = arith.constant 32 : index
        %get3A_448 = tpu.vector_load %arg14[%get3A_446, %get3A_447] {strides = array<i32>} : memref<16x2048xbf16, #tpu.memory_space<vmem>>, vector<32xbf16>,
        %unpack3A_449 = tpu.unpack_subelements %get3A_448, 0 {pack_format = #tpu.pack_format<interleaved>} : vector<32xbf16> -> vector<16xf32>
        %unpack3A_450 = tpu.unpack_subelements %get3A_448, 1 {pack_format = #tpu.pack_format<interleaved>} : vector<32xbf16> -> vector<16xf32>
        %mul3A_451 = arith.mulf %broadcast_in_dim3A_445, %unpack3A_449 : vector<16xf32>
        %add3A_452 = arith.addf %add3A_440, %mul3A_451 : vector<16xf32>
        %mul3A_453 = arith.mulf %broadcast_in_dim3A_445, %unpack3A_450 : vector<16xf32>
        %add3A_454 = arith.addf %add3A_442, %mul3A_453 : vector<16xf32>
        %slice3A_455 = vector.extract_strided_slice %get3A_434 {offsets = [2], sizes = [1], strides = [1]} : vector<16xf32> to vector<1xf32>
        %squeeze3A_456 = vector.extract %slice3A_455[0] : f32 from vector<1xf32>
        %broadcast_in_dim3A_457 = vector.broadcast %squeeze3A_456 : f32 to vector<16xf32>
        %get3A_458 = arith.index_cast %scan3A_423 : i32 to index
        %get3A_459 = arith.constant 64 : index
        %get3A_460 = tpu.vector_load %arg14[%get3A_458, %get3A_459] {strides = array<i32>} : memref<16x2048xbf16, #tpu.memory_space<vmem>>, vector<32xbf16>,
        %unpack3A_461 = tpu.unpack_subelements %get3A_460, 0 {pack_format = #tpu.pack_format<interleaved>} : vector<32xbf16> -> vector<16xf32>
        %unpack3A_462 = tpu.unpack_subelements %get3A_460, 1 {pack_format = #tpu.pack_format<interleaved>} : vector<32xbf16> -> vector<16xf32>
        %mul3A_463 = arith.mulf %broadcast_in_dim3A_457, %unpack3A_461 : vector<16xf32>
        %add3A_464 = arith.addf %add3A_452, %mul3A_463 : vector<16xf32>
        %mul3A_465 = arith.mulf %broadcast_in_dim3A_457, %unpack3A_462 : vector<16xf32>
        %add3A_466 = arith.addf %add3A_454, %mul3A_465 : vector<16xf32>
        %slice3A_467 = vector.extract_strided_slice %get3A_434 {offsets = [3], sizes = [1], strides = [1]} : vector<16xf32> to vector<1xf32>
        %squeeze3A_468 = vector.extract %slice3A_467[0] : f32 from vector<1xf32>
        %broadcast_in_dim3A_469 = vector.broadcast %squeeze3A_468 : f32 to vector<16xf32>
        %get3A_470 = arith.index_cast %scan3A_423 : i32 to index
        %get3A_471 = arith.constant 96 : index
        %get3A_472 = tpu.vector_load %arg14[%get3A_470, %get3A_471] {strides = array<i32>} : memref<16x2048xbf16, #tpu.memory_space<vmem>>, vector<32xbf16>,
        %unpack3A_473 = tpu.unpack_subelements %get3A_472, 0 {pack_format = #tpu.pack_format<interleaved>} : vector<32xbf16> -> vector<16xf32>
        %unpack3A_474 = tpu.unpack_subelements %get3A_472, 1 {pack_format = #tpu.pack_format<interleaved>} : vector<32xbf16> -> vector<16xf32>
        %mul3A_475 = arith.mulf %broadcast_in_dim3A_469, %unpack3A_473 : vector<16xf32>
        %add3A_476 = arith.addf %add3A_464, %mul3A_475 : vector<16xf32>
        %mul3A_477 = arith.mulf %broadcast_in_dim3A_469, %unpack3A_474 : vector<16xf32>
        %add3A_478 = arith.addf %add3A_466, %mul3A_477 : vector<16xf32>
        %slice3A_479 = vector.extract_strided_slice %get3A_434 {offsets = [4], sizes = [1], strides = [1]} : vector<16xf32> to vector<1xf32>
        %squeeze3A_480 = vector.extract %slice3A_479[0] : f32 from vector<1xf32>
        %broadcast_in_dim3A_481 = vector.broadcast %squeeze3A_480 : f32 to vector<16xf32>
        %get3A_482 = arith.index_cast %scan3A_423 : i32 to index
        %get3A_483 = arith.constant 128 : index
        %get3A_484 = tpu.vector_load %arg14[%get3A_482, %get3A_483] {strides = array<i32>} : memref<16x2048xbf16, #tpu.memory_space<vmem>>, vector<32xbf16>,
        %unpack3A_485 = tpu.unpack_subelements %get3A_484, 0 {pack_format = #tpu.pack_format<interleaved>} : vector<32xbf16> -> vector<16xf32>
        %unpack3A_486 = tpu.unpack_subelements %get3A_484, 1 {pack_format = #tpu.pack_format<interleaved>} : vector<32xbf16> -> vector<16xf32>
        %mul3A_487 = arith.mulf %broadcast_in_dim3A_481, %unpack3A_485 : vector<16xf32>
        %add3A_488 = arith.addf %add3A_476, %mul3A_487 : vector<16xf32>
        %mul3A_489 = arith.mulf %broadcast_in_dim3A_481, %unpack3A_486 : vector<16xf32>
        %add3A_490 = arith.addf %add3A_478, %mul3A_489 : vector<16xf32>
        %slice3A_491 = vector.extract_strided_slice %get3A_434 {offsets = [5], sizes = [1], strides = [1]} : vector<16xf32> to vector<1xf32>
        %squeeze3A_492 = vector.extract %slice3A_491[0] : f32 from vector<1xf32>
        %broadcast_in_dim3A_493 = vector.broadcast %squeeze3A_492 : f32 to vector<16xf32>
        %get3A_494 = arith.index_cast %scan3A_423 : i32 to index
        %get3A_495 = arith.constant 160 : index
        %get3A_496 = tpu.vector_load %arg14[%get3A_494, %get3A_495] {strides = array<i32>} : memref<16x2048xbf16, #tpu.memory_space<vmem>>, vector<32xbf16>,
        %unpack3A_497 = tpu.unpack_subelements %get3A_496, 0 {pack_format = #tpu.pack_format<interleaved>} : vector<32xbf16> -> vector<16xf32>
        %unpack3A_498 = tpu.unpack_subelements %get3A_496, 1 {pack_format = #tpu.pack_format<interleaved>} : vector<32xbf16> -> vector<16xf32>
        %mul3A_499 = arith.mulf %broadcast_in_dim3A_493, %unpack3A_497 : vector<16xf32>
        %add3A_500 = arith.addf %add3A_488, %mul3A_499 : vector<16xf32>
        %mul3A_501 = arith.mulf %broadcast_in_dim3A_493, %unpack3A_498 : vector<16xf32>
        %add3A_502 = arith.addf %add3A_490, %mul3A_501 : vector<16xf32>
        %slice3A_503 = vector.extract_strided_slice %get3A_434 {offsets = [6], sizes = [1], strides = [1]} : vector<16xf32> to vector<1xf32>
        %squeeze3A_504 = vector.extract %slice3A_503[0] : f32 from vector<1xf32>
        %broadcast_in_dim3A_505 = vector.broadcast %squeeze3A_504 : f32 to vector<16xf32>
        %get3A_506 = arith.index_cast %scan3A_423 : i32 to index
        %get3A_507 = arith.constant 192 : index
        %get3A_508 = tpu.vector_load %arg14[%get3A_506, %get3A_507] {strides = array<i32>} : memref<16x2048xbf16, #tpu.memory_space<vmem>>, vector<32xbf16>,
        %unpack3A_509 = tpu.unpack_subelements %get3A_508, 0 {pack_format = #tpu.pack_format<interleaved>} : vector<32xbf16> -> vector<16xf32>
        %unpack3A_510 = tpu.unpack_subelements %get3A_508, 1 {pack_format = #tpu.pack_format<interleaved>} : vector<32xbf16> -> vector<16xf32>
        %mul3A_511 = arith.mulf %broadcast_in_dim3A_505, %unpack3A_509 : vector<16xf32>
        %add3A_512 = arith.addf %add3A_500, %mul3A_511 : vector<16xf32>
        %mul3A_513 = arith.mulf %broadcast_in_dim3A_505, %unpack3A_510 : vector<16xf32>
        %add3A_514 = arith.addf %add3A_502, %mul3A_513 : vector<16xf32>
        %slice3A_515 = vector.extract_strided_slice %get3A_434 {offsets = [7], sizes = [1], strides = [1]} : vector<16xf32> to vector<1xf32>
        %squeeze3A_516 = vector.extract %slice3A_515[0] : f32 from vector<1xf32>
        %broadcast_in_dim3A_517 = vector.broadcast %squeeze3A_516 : f32 to vector<16xf32>
        %get3A_518 = arith.index_cast %scan3A_423 : i32 to index
        %get3A_519 = arith.constant 224 : index
        %get3A_520 = tpu.vector_load %arg14[%get3A_518, %get3A_519] {strides = array<i32>} : memref<16x2048xbf16, #tpu.memory_space<vmem>>, vector<32xbf16>,
        %unpack3A_521 = tpu.unpack_subelements %get3A_520, 0 {pack_format = #tpu.pack_format<interleaved>} : vector<32xbf16> -> vector<16xf32>
        %unpack3A_522 = tpu.unpack_subelements %get3A_520, 1 {pack_format = #tpu.pack_format<interleaved>} : vector<32xbf16> -> vector<16xf32>
        %mul3A_523 = arith.mulf %broadcast_in_dim3A_517, %unpack3A_521 : vector<16xf32>
        %add3A_524 = arith.addf %add3A_512, %mul3A_523 : vector<16xf32>
        %mul3A_525 = arith.mulf %broadcast_in_dim3A_517, %unpack3A_522 : vector<16xf32>
        %add3A_526 = arith.addf %add3A_514, %mul3A_525 : vector<16xf32>
        %slice3A_527 = vector.extract_strided_slice %get3A_434 {offsets = [8], sizes = [1], strides = [1]} : vector<16xf32> to vector<1xf32>
        %squeeze3A_528 = vector.extract %slice3A_527[0] : f32 from vector<1xf32>
        %broadcast_in_dim3A_529 = vector.broadcast %squeeze3A_528 : f32 to vector<16xf32>
        %get3A_530 = arith.index_cast %scan3A_423 : i32 to index
        %get3A_531 = arith.constant 256 : index
        %get3A_532 = tpu.vector_load %arg14[%get3A_530, %get3A_531] {strides = array<i32>} : memref<16x2048xbf16, #tpu.memory_space<vmem>>, vector<32xbf16>,
        %unpack3A_533 = tpu.unpack_subelements %get3A_532, 0 {pack_format = #tpu.pack_format<interleaved>} : vector<32xbf16> -> vector<16xf32>
        %unpack3A_534 = tpu.unpack_subelements %get3A_532, 1 {pack_format = #tpu.pack_format<interleaved>} : vector<32xbf16> -> vector<16xf32>
        %mul3A_535 = arith.mulf %broadcast_in_dim3A_529, %unpack3A_533 : vector<16xf32>
        %add3A_536 = arith.addf %add3A_524, %mul3A_535 : vector<16xf32>
        %mul3A_537 = arith.mulf %broadcast_in_dim3A_529, %unpack3A_534 : vector<16xf32>
        %add3A_538 = arith.addf %add3A_526, %mul3A_537 : vector<16xf32>
        %slice3A_539 = vector.extract_strided_slice %get3A_434 {offsets = [9], sizes = [1], strides = [1]} : vector<16xf32> to vector<1xf32>
        %squeeze3A_540 = vector.extract %slice3A_539[0] : f32 from vector<1xf32>
        %broadcast_in_dim3A_541 = vector.broadcast %squeeze3A_540 : f32 to vector<16xf32>
        %get3A_542 = arith.index_cast %scan3A_423 : i32 to index
        %get3A_543 = arith.constant 288 : index
        %get3A_544 = tpu.vector_load %arg14[%get3A_542, %get3A_543] {strides = array<i32>} : memref<16x2048xbf16, #tpu.memory_space<vmem>>, vector<32xbf16>,
        %unpack3A_545 = tpu.unpack_subelements %get3A_544, 0 {pack_format = #tpu.pack_format<interleaved>} : vector<32xbf16> -> vector<16xf32>
        %unpack3A_546 = tpu.unpack_subelements %get3A_544, 1 {pack_format = #tpu.pack_format<interleaved>} : vector<32xbf16> -> vector<16xf32>
        %mul3A_547 = arith.mulf %broadcast_in_dim3A_541, %unpack3A_545 : vector<16xf32>
        %add3A_548 = arith.addf %add3A_536, %mul3A_547 : vector<16xf32>
        %mul3A_549 = arith.mulf %broadcast_in_dim3A_541, %unpack3A_546 : vector<16xf32>
        %add3A_550 = arith.addf %add3A_538, %mul3A_549 : vector<16xf32>
        %slice3A_551 = vector.extract_strided_slice %get3A_434 {offsets = [10], sizes = [1], strides = [1]} : vector<16xf32> to vector<1xf32>
        %squeeze3A_552 = vector.extract %slice3A_551[0] : f32 from vector<1xf32>
        %broadcast_in_dim3A_553 = vector.broadcast %squeeze3A_552 : f32 to vector<16xf32>
        %get3A_554 = arith.index_cast %scan3A_423 : i32 to index
        %get3A_555 = arith.constant 320 : index
        %get3A_556 = tpu.vector_load %arg14[%get3A_554, %get3A_555] {strides = array<i32>} : memref<16x2048xbf16, #tpu.memory_space<vmem>>, vector<32xbf16>,
        %unpack3A_557 = tpu.unpack_subelements %get3A_556, 0 {pack_format = #tpu.pack_format<interleaved>} : vector<32xbf16> -> vector<16xf32>
        %unpack3A_558 = tpu.unpack_subelements %get3A_556, 1 {pack_format = #tpu.pack_format<interleaved>} : vector<32xbf16> -> vector<16xf32>
        %mul3A_559 = arith.mulf %broadcast_in_dim3A_553, %unpack3A_557 : vector<16xf32>
        %add3A_560 = arith.addf %add3A_548, %mul3A_559 : vector<16xf32>
        %mul3A_561 = arith.mulf %broadcast_in_dim3A_553, %unpack3A_558 : vector<16xf32>
        %add3A_562 = arith.addf %add3A_550, %mul3A_561 : vector<16xf32>
        %slice3A_563 = vector.extract_strided_slice %get3A_434 {offsets = [11], sizes = [1], strides = [1]} : vector<16xf32> to vector<1xf32>
        %squeeze3A_564 = vector.extract %slice3A_563[0] : f32 from vector<1xf32>
        %broadcast_in_dim3A_565 = vector.broadcast %squeeze3A_564 : f32 to vector<16xf32>
        %get3A_566 = arith.index_cast %scan3A_423 : i32 to index
        %get3A_567 = arith.constant 352 : index
        %get3A_568 = tpu.vector_load %arg14[%get3A_566, %get3A_567] {strides = array<i32>} : memref<16x2048xbf16, #tpu.memory_space<vmem>>, vector<32xbf16>,
        %unpack3A_569 = tpu.unpack_subelements %get3A_568, 0 {pack_format = #tpu.pack_format<interleaved>} : vector<32xbf16> -> vector<16xf32>
        %unpack3A_570 = tpu.unpack_subelements %get3A_568, 1 {pack_format = #tpu.pack_format<interleaved>} : vector<32xbf16> -> vector<16xf32>
        %mul3A_571 = arith.mulf %broadcast_in_dim3A_565, %unpack3A_569 : vector<16xf32>
        %add3A_572 = arith.addf %add3A_560, %mul3A_571 : vector<16xf32>
        %mul3A_573 = arith.mulf %broadcast_in_dim3A_565, %unpack3A_570 : vector<16xf32>
        %add3A_574 = arith.addf %add3A_562, %mul3A_573 : vector<16xf32>
        %slice3A_575 = vector.extract_strided_slice %get3A_434 {offsets = [12], sizes = [1], strides = [1]} : vector<16xf32> to vector<1xf32>
        %squeeze3A_576 = vector.extract %slice3A_575[0] : f32 from vector<1xf32>
        %broadcast_in_dim3A_577 = vector.broadcast %squeeze3A_576 : f32 to vector<16xf32>
        %get3A_578 = arith.index_cast %scan3A_423 : i32 to index
        %get3A_579 = arith.constant 384 : index
        %get3A_580 = tpu.vector_load %arg14[%get3A_578, %get3A_579] {strides = array<i32>} : memref<16x2048xbf16, #tpu.memory_space<vmem>>, vector<32xbf16>,
        %unpack3A_581 = tpu.unpack_subelements %get3A_580, 0 {pack_format = #tpu.pack_format<interleaved>} : vector<32xbf16> -> vector<16xf32>
        %unpack3A_582 = tpu.unpack_subelements %get3A_580, 1 {pack_format = #tpu.pack_format<interleaved>} : vector<32xbf16> -> vector<16xf32>
        %mul3A_583 = arith.mulf %broadcast_in_dim3A_577, %unpack3A_581 : vector<16xf32>
        %add3A_584 = arith.addf %add3A_572, %mul3A_583 : vector<16xf32>
        %mul3A_585 = arith.mulf %broadcast_in_dim3A_577, %unpack3A_582 : vector<16xf32>
        %add3A_586 = arith.addf %add3A_574, %mul3A_585 : vector<16xf32>
        %slice3A_587 = vector.extract_strided_slice %get3A_434 {offsets = [13], sizes = [1], strides = [1]} : vector<16xf32> to vector<1xf32>
        %squeeze3A_588 = vector.extract %slice3A_587[0] : f32 from vector<1xf32>
        %broadcast_in_dim3A_589 = vector.broadcast %squeeze3A_588 : f32 to vector<16xf32>
        %get3A_590 = arith.index_cast %scan3A_423 : i32 to index
        %get3A_591 = arith.constant 416 : index
        %get3A_592 = tpu.vector_load %arg14[%get3A_590, %get3A_591] {strides = array<i32>} : memref<16x2048xbf16, #tpu.memory_space<vmem>>, vector<32xbf16>,
        %unpack3A_593 = tpu.unpack_subelements %get3A_592, 0 {pack_format = #tpu.pack_format<interleaved>} : vector<32xbf16> -> vector<16xf32>
        %unpack3A_594 = tpu.unpack_subelements %get3A_592, 1 {pack_format = #tpu.pack_format<interleaved>} : vector<32xbf16> -> vector<16xf32>
        %mul3A_595 = arith.mulf %broadcast_in_dim3A_589, %unpack3A_593 : vector<16xf32>
        %add3A_596 = arith.addf %add3A_584, %mul3A_595 : vector<16xf32>
        %mul3A_597 = arith.mulf %broadcast_in_dim3A_589, %unpack3A_594 : vector<16xf32>
        %add3A_598 = arith.addf %add3A_586, %mul3A_597 : vector<16xf32>
        %slice3A_599 = vector.extract_strided_slice %get3A_434 {offsets = [14], sizes = [1], strides = [1]} : vector<16xf32> to vector<1xf32>
        %squeeze3A_600 = vector.extract %slice3A_599[0] : f32 from vector<1xf32>
        %broadcast_in_dim3A_601 = vector.broadcast %squeeze3A_600 : f32 to vector<16xf32>
        %get3A_602 = arith.index_cast %scan3A_423 : i32 to index
        %get3A_603 = arith.constant 448 : index
        %get3A_604 = tpu.vector_load %arg14[%get3A_602, %get3A_603] {strides = array<i32>} : memref<16x2048xbf16, #tpu.memory_space<vmem>>, vector<32xbf16>,
        %unpack3A_605 = tpu.unpack_subelements %get3A_604, 0 {pack_format = #tpu.pack_format<interleaved>} : vector<32xbf16> -> vector<16xf32>
        %unpack3A_606 = tpu.unpack_subelements %get3A_604, 1 {pack_format = #tpu.pack_format<interleaved>} : vector<32xbf16> -> vector<16xf32>
        %mul3A_607 = arith.mulf %broadcast_in_dim3A_601, %unpack3A_605 : vector<16xf32>
        %add3A_608 = arith.addf %add3A_596, %mul3A_607 : vector<16xf32>
        %mul3A_609 = arith.mulf %broadcast_in_dim3A_601, %unpack3A_606 : vector<16xf32>
        %add3A_610 = arith.addf %add3A_598, %mul3A_609 : vector<16xf32>
        %slice3A_611 = vector.extract_strided_slice %get3A_434 {offsets = [15], sizes = [1], strides = [1]} : vector<16xf32> to vector<1xf32>
        %squeeze3A_612 = vector.extract %slice3A_611[0] : f32 from vector<1xf32>
        %broadcast_in_dim3A_613 = vector.broadcast %squeeze3A_612 : f32 to vector<16xf32>
        %get3A_614 = arith.index_cast %scan3A_423 : i32 to index
        %get3A_615 = arith.constant 480 : index
        %get3A_616 = tpu.vector_load %arg14[%get3A_614, %get3A_615] {strides = array<i32>} : memref<16x2048xbf16, #tpu.memory_space<vmem>>, vector<32xbf16>,
        %unpack3A_617 = tpu.unpack_subelements %get3A_616, 0 {pack_format = #tpu.pack_format<interleaved>} : vector<32xbf16> -> vector<16xf32>
        %unpack3A_618 = tpu.unpack_subelements %get3A_616, 1 {pack_format = #tpu.pack_format<interleaved>} : vector<32xbf16> -> vector<16xf32>
        %mul3A_619 = arith.mulf %broadcast_in_dim3A_613, %unpack3A_617 : vector<16xf32>
        %add3A_620 = arith.addf %add3A_608, %mul3A_619 : vector<16xf32>
        %mul3A_621 = arith.mulf %broadcast_in_dim3A_613, %unpack3A_618 : vector<16xf32>
        %add3A_622 = arith.addf %add3A_610, %mul3A_621 : vector<16xf32>
        %get3A_623 = arith.index_cast %add3A_426 : i32 to index
        %get3A_624 = arith.constant 16 : index
        %get3A_625 = tpu.vector_load %arg9[%get3A_623, %get3A_624] {strides = array<i32>} : memref<256x64xf32, #tpu.memory_space<vmem>>, vector<16xf32>,
        %slice3A_626 = vector.extract_strided_slice %get3A_625 {offsets = [0], sizes = [1], strides = [1]} : vector<16xf32> to vector<1xf32>
        %squeeze3A_627 = vector.extract %slice3A_626[0] : f32 from vector<1xf32>
        %broadcast_in_dim3A_628 = vector.broadcast %squeeze3A_627 : f32 to vector<16xf32>
        %get3A_629 = arith.index_cast %scan3A_423 : i32 to index
        %get3A_630 = arith.constant 512 : index
        %get3A_631 = tpu.vector_load %arg14[%get3A_629, %get3A_630] {strides = array<i32>} : memref<16x2048xbf16, #tpu.memory_space<vmem>>, vector<32xbf16>,
        %unpack3A_632 = tpu.unpack_subelements %get3A_631, 0 {pack_format = #tpu.pack_format<interleaved>} : vector<32xbf16> -> vector<16xf32>
        %unpack3A_633 = tpu.unpack_subelements %get3A_631, 1 {pack_format = #tpu.pack_format<interleaved>} : vector<32xbf16> -> vector<16xf32>
        %mul3A_634 = arith.mulf %broadcast_in_dim3A_628, %unpack3A_632 : vector<16xf32>
        %add3A_635 = arith.addf %add3A_620, %mul3A_634 : vector<16xf32>
        %mul3A_636 = arith.mulf %broadcast_in_dim3A_628, %unpack3A_633 : vector<16xf32>
        %add3A_637 = arith.addf %add3A_622, %mul3A_636 : vector<16xf32>
        %slice3A_638 = vector.extract_strided_slice %get3A_625 {offsets = [1], sizes = [1], strides = [1]} : vector<16xf32> to vector<1xf32>
        %squeeze3A_639 = vector.extract %slice3A_638[0] : f32 from vector<1xf32>
        %broadcast_in_dim3A_640 = vector.broadcast %squeeze3A_639 : f32 to vector<16xf32>
        %get3A_641 = arith.index_cast %scan3A_423 : i32 to index
        %get3A_642 = arith.constant 544 : index
        %get3A_643 = tpu.vector_load %arg14[%get3A_641, %get3A_642] {strides = array<i32>} : memref<16x2048xbf16, #tpu.memory_space<vmem>>, vector<32xbf16>,
        %unpack3A_644 = tpu.unpack_subelements %get3A_643, 0 {pack_format = #tpu.pack_format<interleaved>} : vector<32xbf16> -> vector<16xf32>
        %unpack3A_645 = tpu.unpack_subelements %get3A_643, 1 {pack_format = #tpu.pack_format<interleaved>} : vector<32xbf16> -> vector<16xf32>
        %mul3A_646 = arith.mulf %broadcast_in_dim3A_640, %unpack3A_644 : vector<16xf32>
        %add3A_647 = arith.addf %add3A_635, %mul3A_646 : vector<16xf32>
        %mul3A_648 = arith.mulf %broadcast_in_dim3A_640, %unpack3A_645 : vector<16xf32>
        %add3A_649 = arith.addf %add3A_637, %mul3A_648 : vector<16xf32>
        %slice3A_650 = vector.extract_strided_slice %get3A_625 {offsets = [2], sizes = [1], strides = [1]} : vector<16xf32> to vector<1xf32>
        %squeeze3A_651 = vector.extract %slice3A_650[0] : f32 from vector<1xf32>
        %broadcast_in_dim3A_652 = vector.broadcast %squeeze3A_651 : f32 to vector<16xf32>
        %get3A_653 = arith.index_cast %scan3A_423 : i32 to index
        %get3A_654 = arith.constant 576 : index
        %get3A_655 = tpu.vector_load %arg14[%get3A_653, %get3A_654] {strides = array<i32>} : memref<16x2048xbf16, #tpu.memory_space<vmem>>, vector<32xbf16>,
        %unpack3A_656 = tpu.unpack_subelements %get3A_655, 0 {pack_format = #tpu.pack_format<interleaved>} : vector<32xbf16> -> vector<16xf32>
        %unpack3A_657 = tpu.unpack_subelements %get3A_655, 1 {pack_format = #tpu.pack_format<interleaved>} : vector<32xbf16> -> vector<16xf32>
        %mul3A_658 = arith.mulf %broadcast_in_dim3A_652, %unpack3A_656 : vector<16xf32>
        %add3A_659 = arith.addf %add3A_647, %mul3A_658 : vector<16xf32>
        %mul3A_660 = arith.mulf %broadcast_in_dim3A_652, %unpack3A_657 : vector<16xf32>
        %add3A_661 = arith.addf %add3A_649, %mul3A_660 : vector<16xf32>
        %slice3A_662 = vector.extract_strided_slice %get3A_625 {offsets = [3], sizes = [1], strides = [1]} : vector<16xf32> to vector<1xf32>
        %squeeze3A_663 = vector.extract %slice3A_662[0] : f32 from vector<1xf32>
        %broadcast_in_dim3A_664 = vector.broadcast %squeeze3A_663 : f32 to vector<16xf32>
        %get3A_665 = arith.index_cast %scan3A_423 : i32 to index
        %get3A_666 = arith.constant 608 : index
        %get3A_667 = tpu.vector_load %arg14[%get3A_665, %get3A_666] {strides = array<i32>} : memref<16x2048xbf16, #tpu.memory_space<vmem>>, vector<32xbf16>,
        %unpack3A_668 = tpu.unpack_subelements %get3A_667, 0 {pack_format = #tpu.pack_format<interleaved>} : vector<32xbf16> -> vector<16xf32>
        %unpack3A_669 = tpu.unpack_subelements %get3A_667, 1 {pack_format = #tpu.pack_format<interleaved>} : vector<32xbf16> -> vector<16xf32>
        %mul3A_670 = arith.mulf %broadcast_in_dim3A_664, %unpack3A_668 : vector<16xf32>
        %add3A_671 = arith.addf %add3A_659, %mul3A_670 : vector<16xf32>
        %mul3A_672 = arith.mulf %broadcast_in_dim3A_664, %unpack3A_669 : vector<16xf32>
        %add3A_673 = arith.addf %add3A_661, %mul3A_672 : vector<16xf32>
        %slice3A_674 = vector.extract_strided_slice %get3A_625 {offsets = [4], sizes = [1], strides = [1]} : vector<16xf32> to vector<1xf32>
        %squeeze3A_675 = vector.extract %slice3A_674[0] : f32 from vector<1xf32>
        %broadcast_in_dim3A_676 = vector.broadcast %squeeze3A_675 : f32 to vector<16xf32>
        %get3A_677 = arith.index_cast %scan3A_423 : i32 to index
        %get3A_678 = arith.constant 640 : index
        %get3A_679 = tpu.vector_load %arg14[%get3A_677, %get3A_678] {strides = array<i32>} : memref<16x2048xbf16, #tpu.memory_space<vmem>>, vector<32xbf16>,
        %unpack3A_680 = tpu.unpack_subelements %get3A_679, 0 {pack_format = #tpu.pack_format<interleaved>} : vector<32xbf16> -> vector<16xf32>
        %unpack3A_681 = tpu.unpack_subelements %get3A_679, 1 {pack_format = #tpu.pack_format<interleaved>} : vector<32xbf16> -> vector<16xf32>
        %mul3A_682 = arith.mulf %broadcast_in_dim3A_676, %unpack3A_680 : vector<16xf32>
        %add3A_683 = arith.addf %add3A_671, %mul3A_682 : vector<16xf32>
        %mul3A_684 = arith.mulf %broadcast_in_dim3A_676, %unpack3A_681 : vector<16xf32>
        %add3A_685 = arith.addf %add3A_673, %mul3A_684 : vector<16xf32>
        %slice3A_686 = vector.extract_strided_slice %get3A_625 {offsets = [5], sizes = [1], strides = [1]} : vector<16xf32> to vector<1xf32>
        %squeeze3A_687 = vector.extract %slice3A_686[0] : f32 from vector<1xf32>
        %broadcast_in_dim3A_688 = vector.broadcast %squeeze3A_687 : f32 to vector<16xf32>
        %get3A_689 = arith.index_cast %scan3A_423 : i32 to index
        %get3A_690 = arith.constant 672 : index
        %get3A_691 = tpu.vector_load %arg14[%get3A_689, %get3A_690] {strides = array<i32>} : memref<16x2048xbf16, #tpu.memory_space<vmem>>, vector<32xbf16>,
        %unpack3A_692 = tpu.unpack_subelements %get3A_691, 0 {pack_format = #tpu.pack_format<interleaved>} : vector<32xbf16> -> vector<16xf32>
        %unpack3A_693 = tpu.unpack_subelements %get3A_691, 1 {pack_format = #tpu.pack_format<interleaved>} : vector<32xbf16> -> vector<16xf32>
        %mul3A_694 = arith.mulf %broadcast_in_dim3A_688, %unpack3A_692 : vector<16xf32>
        %add3A_695 = arith.addf %add3A_683, %mul3A_694 : vector<16xf32>
        %mul3A_696 = arith.mulf %broadcast_in_dim3A_688, %unpack3A_693 : vector<16xf32>
        %add3A_697 = arith.addf %add3A_685, %mul3A_696 : vector<16xf32>
        %slice3A_698 = vector.extract_strided_slice %get3A_625 {offsets = [6], sizes = [1], strides = [1]} : vector<16xf32> to vector<1xf32>
        %squeeze3A_699 = vector.extract %slice3A_698[0] : f32 from vector<1xf32>
        %broadcast_in_dim3A_700 = vector.broadcast %squeeze3A_699 : f32 to vector<16xf32>
        %get3A_701 = arith.index_cast %scan3A_423 : i32 to index
        %get3A_702 = arith.constant 704 : index
        %get3A_703 = tpu.vector_load %arg14[%get3A_701, %get3A_702] {strides = array<i32>} : memref<16x2048xbf16, #tpu.memory_space<vmem>>, vector<32xbf16>,
        %unpack3A_704 = tpu.unpack_subelements %get3A_703, 0 {pack_format = #tpu.pack_format<interleaved>} : vector<32xbf16> -> vector<16xf32>
        %unpack3A_705 = tpu.unpack_subelements %get3A_703, 1 {pack_format = #tpu.pack_format<interleaved>} : vector<32xbf16> -> vector<16xf32>
        %mul3A_706 = arith.mulf %broadcast_in_dim3A_700, %unpack3A_704 : vector<16xf32>
        %add3A_707 = arith.addf %add3A_695, %mul3A_706 : vector<16xf32>
        %mul3A_708 = arith.mulf %broadcast_in_dim3A_700, %unpack3A_705 : vector<16xf32>
        %add3A_709 = arith.addf %add3A_697, %mul3A_708 : vector<16xf32>
        %slice3A_710 = vector.extract_strided_slice %get3A_625 {offsets = [7], sizes = [1], strides = [1]} : vector<16xf32> to vector<1xf32>
        %squeeze3A_711 = vector.extract %slice3A_710[0] : f32 from vector<1xf32>
        %broadcast_in_dim3A_712 = vector.broadcast %squeeze3A_711 : f32 to vector<16xf32>
        %get3A_713 = arith.index_cast %scan3A_423 : i32 to index
        %get3A_714 = arith.constant 736 : index
        %get3A_715 = tpu.vector_load %arg14[%get3A_713, %get3A_714] {strides = array<i32>} : memref<16x2048xbf16, #tpu.memory_space<vmem>>, vector<32xbf16>,
        %unpack3A_716 = tpu.unpack_subelements %get3A_715, 0 {pack_format = #tpu.pack_format<interleaved>} : vector<32xbf16> -> vector<16xf32>
        %unpack3A_717 = tpu.unpack_subelements %get3A_715, 1 {pack_format = #tpu.pack_format<interleaved>} : vector<32xbf16> -> vector<16xf32>
        %mul3A_718 = arith.mulf %broadcast_in_dim3A_712, %unpack3A_716 : vector<16xf32>
        %add3A_719 = arith.addf %add3A_707, %mul3A_718 : vector<16xf32>
        %mul3A_720 = arith.mulf %broadcast_in_dim3A_712, %unpack3A_717 : vector<16xf32>
        %add3A_721 = arith.addf %add3A_709, %mul3A_720 : vector<16xf32>
        %slice3A_722 = vector.extract_strided_slice %get3A_625 {offsets = [8], sizes = [1], strides = [1]} : vector<16xf32> to vector<1xf32>
        %squeeze3A_723 = vector.extract %slice3A_722[0] : f32 from vector<1xf32>
        %broadcast_in_dim3A_724 = vector.broadcast %squeeze3A_723 : f32 to vector<16xf32>
        %get3A_725 = arith.index_cast %scan3A_423 : i32 to index
        %get3A_726 = arith.constant 768 : index
        %get3A_727 = tpu.vector_load %arg14[%get3A_725, %get3A_726] {strides = array<i32>} : memref<16x2048xbf16, #tpu.memory_space<vmem>>, vector<32xbf16>,
        %unpack3A_728 = tpu.unpack_subelements %get3A_727, 0 {pack_format = #tpu.pack_format<interleaved>} : vector<32xbf16> -> vector<16xf32>
        %unpack3A_729 = tpu.unpack_subelements %get3A_727, 1 {pack_format = #tpu.pack_format<interleaved>} : vector<32xbf16> -> vector<16xf32>
        %mul3A_730 = arith.mulf %broadcast_in_dim3A_724, %unpack3A_728 : vector<16xf32>
        %add3A_731 = arith.addf %add3A_719, %mul3A_730 : vector<16xf32>
        %mul3A_732 = arith.mulf %broadcast_in_dim3A_724, %unpack3A_729 : vector<16xf32>
        %add3A_733 = arith.addf %add3A_721, %mul3A_732 : vector<16xf32>
        %slice3A_734 = vector.extract_strided_slice %get3A_625 {offsets = [9], sizes = [1], strides = [1]} : vector<16xf32> to vector<1xf32>
        %squeeze3A_735 = vector.extract %slice3A_734[0] : f32 from vector<1xf32>
        %broadcast_in_dim3A_736 = vector.broadcast %squeeze3A_735 : f32 to vector<16xf32>
        %get3A_737 = arith.index_cast %scan3A_423 : i32 to index
        %get3A_738 = arith.constant 800 : index
        %get3A_739 = tpu.vector_load %arg14[%get3A_737, %get3A_738] {strides = array<i32>} : memref<16x2048xbf16, #tpu.memory_space<vmem>>, vector<32xbf16>,
        %unpack3A_740 = tpu.unpack_subelements %get3A_739, 0 {pack_format = #tpu.pack_format<interleaved>} : vector<32xbf16> -> vector<16xf32>
        %unpack3A_741 = tpu.unpack_subelements %get3A_739, 1 {pack_format = #tpu.pack_format<interleaved>} : vector<32xbf16> -> vector<16xf32>
        %mul3A_742 = arith.mulf %broadcast_in_dim3A_736, %unpack3A_740 : vector<16xf32>
        %add3A_743 = arith.addf %add3A_731, %mul3A_742 : vector<16xf32>
        %mul3A_744 = arith.mulf %broadcast_in_dim3A_736, %unpack3A_741 : vector<16xf32>
        %add3A_745 = arith.addf %add3A_733, %mul3A_744 : vector<16xf32>
        %slice3A_746 = vector.extract_strided_slice %get3A_625 {offsets = [10], sizes = [1], strides = [1]} : vector<16xf32> to vector<1xf32>
        %squeeze3A_747 = vector.extract %slice3A_746[0] : f32 from vector<1xf32>
        %broadcast_in_dim3A_748 = vector.broadcast %squeeze3A_747 : f32 to vector<16xf32>
        %get3A_749 = arith.index_cast %scan3A_423 : i32 to index
        %get3A_750 = arith.constant 832 : index
        %get3A_751 = tpu.vector_load %arg14[%get3A_749, %get3A_750] {strides = array<i32>} : memref<16x2048xbf16, #tpu.memory_space<vmem>>, vector<32xbf16>,
        %unpack3A_752 = tpu.unpack_subelements %get3A_751, 0 {pack_format = #tpu.pack_format<interleaved>} : vector<32xbf16> -> vector<16xf32>
        %unpack3A_753 = tpu.unpack_subelements %get3A_751, 1 {pack_format = #tpu.pack_format<interleaved>} : vector<32xbf16> -> vector<16xf32>
        %mul3A_754 = arith.mulf %broadcast_in_dim3A_748, %unpack3A_752 : vector<16xf32>
        %add3A_755 = arith.addf %add3A_743, %mul3A_754 : vector<16xf32>
        %mul3A_756 = arith.mulf %broadcast_in_dim3A_748, %unpack3A_753 : vector<16xf32>
        %add3A_757 = arith.addf %add3A_745, %mul3A_756 : vector<16xf32>
        %slice3A_758 = vector.extract_strided_slice %get3A_625 {offsets = [11], sizes = [1], strides = [1]} : vector<16xf32> to vector<1xf32>
        %squeeze3A_759 = vector.extract %slice3A_758[0] : f32 from vector<1xf32>
        %broadcast_in_dim3A_760 = vector.broadcast %squeeze3A_759 : f32 to vector<16xf32>
        %get3A_761 = arith.index_cast %scan3A_423 : i32 to index
        %get3A_762 = arith.constant 864 : index
        %get3A_763 = tpu.vector_load %arg14[%get3A_761, %get3A_762] {strides = array<i32>} : memref<16x2048xbf16, #tpu.memory_space<vmem>>, vector<32xbf16>,
        %unpack3A_764 = tpu.unpack_subelements %get3A_763, 0 {pack_format = #tpu.pack_format<interleaved>} : vector<32xbf16> -> vector<16xf32>
        %unpack3A_765 = tpu.unpack_subelements %get3A_763, 1 {pack_format = #tpu.pack_format<interleaved>} : vector<32xbf16> -> vector<16xf32>
        %mul3A_766 = arith.mulf %broadcast_in_dim3A_760, %unpack3A_764 : vector<16xf32>
        %add3A_767 = arith.addf %add3A_755, %mul3A_766 : vector<16xf32>
        %mul3A_768 = arith.mulf %broadcast_in_dim3A_760, %unpack3A_765 : vector<16xf32>
        %add3A_769 = arith.addf %add3A_757, %mul3A_768 : vector<16xf32>
        %slice3A_770 = vector.extract_strided_slice %get3A_625 {offsets = [12], sizes = [1], strides = [1]} : vector<16xf32> to vector<1xf32>
        %squeeze3A_771 = vector.extract %slice3A_770[0] : f32 from vector<1xf32>
        %broadcast_in_dim3A_772 = vector.broadcast %squeeze3A_771 : f32 to vector<16xf32>
        %get3A_773 = arith.index_cast %scan3A_423 : i32 to index
        %get3A_774 = arith.constant 896 : index
        %get3A_775 = tpu.vector_load %arg14[%get3A_773, %get3A_774] {strides = array<i32>} : memref<16x2048xbf16, #tpu.memory_space<vmem>>, vector<32xbf16>,
        %unpack3A_776 = tpu.unpack_subelements %get3A_775, 0 {pack_format = #tpu.pack_format<interleaved>} : vector<32xbf16> -> vector<16xf32>
        %unpack3A_777 = tpu.unpack_subelements %get3A_775, 1 {pack_format = #tpu.pack_format<interleaved>} : vector<32xbf16> -> vector<16xf32>
        %mul3A_778 = arith.mulf %broadcast_in_dim3A_772, %unpack3A_776 : vector<16xf32>
        %add3A_779 = arith.addf %add3A_767, %mul3A_778 : vector<16xf32>
        %mul3A_780 = arith.mulf %broadcast_in_dim3A_772, %unpack3A_777 : vector<16xf32>
        %add3A_781 = arith.addf %add3A_769, %mul3A_780 : vector<16xf32>
        %slice3A_782 = vector.extract_strided_slice %get3A_625 {offsets = [13], sizes = [1], strides = [1]} : vector<16xf32> to vector<1xf32>
        %squeeze3A_783 = vector.extract %slice3A_782[0] : f32 from vector<1xf32>
        %broadcast_in_dim3A_784 = vector.broadcast %squeeze3A_783 : f32 to vector<16xf32>
        %get3A_785 = arith.index_cast %scan3A_423 : i32 to index
        %get3A_786 = arith.constant 928 : index
        %get3A_787 = tpu.vector_load %arg14[%get3A_785, %get3A_786] {strides = array<i32>} : memref<16x2048xbf16, #tpu.memory_space<vmem>>, vector<32xbf16>,
        %unpack3A_788 = tpu.unpack_subelements %get3A_787, 0 {pack_format = #tpu.pack_format<interleaved>} : vector<32xbf16> -> vector<16xf32>
        %unpack3A_789 = tpu.unpack_subelements %get3A_787, 1 {pack_format = #tpu.pack_format<interleaved>} : vector<32xbf16> -> vector<16xf32>
        %mul3A_790 = arith.mulf %broadcast_in_dim3A_784, %unpack3A_788 : vector<16xf32>
        %add3A_791 = arith.addf %add3A_779, %mul3A_790 : vector<16xf32>
        %mul3A_792 = arith.mulf %broadcast_in_dim3A_784, %unpack3A_789 : vector<16xf32>
        %add3A_793 = arith.addf %add3A_781, %mul3A_792 : vector<16xf32>
        %slice3A_794 = vector.extract_strided_slice %get3A_625 {offsets = [14], sizes = [1], strides = [1]} : vector<16xf32> to vector<1xf32>
        %squeeze3A_795 = vector.extract %slice3A_794[0] : f32 from vector<1xf32>
        %broadcast_in_dim3A_796 = vector.broadcast %squeeze3A_795 : f32 to vector<16xf32>
        %get3A_797 = arith.index_cast %scan3A_423 : i32 to index
        %get3A_798 = arith.constant 960 : index
        %get3A_799 = tpu.vector_load %arg14[%get3A_797, %get3A_798] {strides = array<i32>} : memref<16x2048xbf16, #tpu.memory_space<vmem>>, vector<32xbf16>,
        %unpack3A_800 = tpu.unpack_subelements %get3A_799, 0 {pack_format = #tpu.pack_format<interleaved>} : vector<32xbf16> -> vector<16xf32>
        %unpack3A_801 = tpu.unpack_subelements %get3A_799, 1 {pack_format = #tpu.pack_format<interleaved>} : vector<32xbf16> -> vector<16xf32>
        %mul3A_802 = arith.mulf %broadcast_in_dim3A_796, %unpack3A_800 : vector<16xf32>
        %add3A_803 = arith.addf %add3A_791, %mul3A_802 : vector<16xf32>
        %mul3A_804 = arith.mulf %broadcast_in_dim3A_796, %unpack3A_801 : vector<16xf32>
        %add3A_805 = arith.addf %add3A_793, %mul3A_804 : vector<16xf32>
        %slice3A_806 = vector.extract_strided_slice %get3A_625 {offsets = [15], sizes = [1], strides = [1]} : vector<16xf32> to vector<1xf32>
        %squeeze3A_807 = vector.extract %slice3A_806[0] : f32 from vector<1xf32>
        %broadcast_in_dim3A_808 = vector.broadcast %squeeze3A_807 : f32 to vector<16xf32>
        %get3A_809 = arith.index_cast %scan3A_423 : i32 to index
        %get3A_810 = arith.constant 992 : index
        %get3A_811 = tpu.vector_load %arg14[%get3A_809, %get3A_810] {strides = array<i32>} : memref<16x2048xbf16, #tpu.memory_space<vmem>>, vector<32xbf16>,
        %unpack3A_812 = tpu.unpack_subelements %get3A_811, 0 {pack_format = #tpu.pack_format<interleaved>} : vector<32xbf16> -> vector<16xf32>
        %unpack3A_813 = tpu.unpack_subelements %get3A_811, 1 {pack_format = #tpu.pack_format<interleaved>} : vector<32xbf16> -> vector<16xf32>
        %mul3A_814 = arith.mulf %broadcast_in_dim3A_808, %unpack3A_812 : vector<16xf32>
        %add3A_815 = arith.addf %add3A_803, %mul3A_814 : vector<16xf32>
        %mul3A_816 = arith.mulf %broadcast_in_dim3A_808, %unpack3A_813 : vector<16xf32>
        %add3A_817 = arith.addf %add3A_805, %mul3A_816 : vector<16xf32>
        %get3A_818 = arith.index_cast %add3A_426 : i32 to index
        %get3A_819 = arith.constant 32 : index
        %get3A_820 = tpu.vector_load %arg9[%get3A_818, %get3A_819] {strides = array<i32>} : memref<256x64xf32, #tpu.memory_space<vmem>>, vector<16xf32>,
        %slice3A_821 = vector.extract_strided_slice %get3A_820 {offsets = [0], sizes = [1], strides = [1]} : vector<16xf32> to vector<1xf32>
        %squeeze3A_822 = vector.extract %slice3A_821[0] : f32 from vector<1xf32>
        %broadcast_in_dim3A_823 = vector.broadcast %squeeze3A_822 : f32 to vector<16xf32>
        %get3A_824 = arith.index_cast %scan3A_423 : i32 to index
        %get3A_825 = arith.constant 1024 : index
        %get3A_826 = tpu.vector_load %arg14[%get3A_824, %get3A_825] {strides = array<i32>} : memref<16x2048xbf16, #tpu.memory_space<vmem>>, vector<32xbf16>,
        %unpack3A_827 = tpu.unpack_subelements %get3A_826, 0 {pack_format = #tpu.pack_format<interleaved>} : vector<32xbf16> -> vector<16xf32>
        %unpack3A_828 = tpu.unpack_subelements %get3A_826, 1 {pack_format = #tpu.pack_format<interleaved>} : vector<32xbf16> -> vector<16xf32>
        %mul3A_829 = arith.mulf %broadcast_in_dim3A_823, %unpack3A_827 : vector<16xf32>
        %add3A_830 = arith.addf %add3A_815, %mul3A_829 : vector<16xf32>
        %mul3A_831 = arith.mulf %broadcast_in_dim3A_823, %unpack3A_828 : vector<16xf32>
        %add3A_832 = arith.addf %add3A_817, %mul3A_831 : vector<16xf32>
        %slice3A_833 = vector.extract_strided_slice %get3A_820 {offsets = [1], sizes = [1], strides = [1]} : vector<16xf32> to vector<1xf32>
        %squeeze3A_834 = vector.extract %slice3A_833[0] : f32 from vector<1xf32>
        %broadcast_in_dim3A_835 = vector.broadcast %squeeze3A_834 : f32 to vector<16xf32>
        %get3A_836 = arith.index_cast %scan3A_423 : i32 to index
        %get3A_837 = arith.constant 1056 : index
        %get3A_838 = tpu.vector_load %arg14[%get3A_836, %get3A_837] {strides = array<i32>} : memref<16x2048xbf16, #tpu.memory_space<vmem>>, vector<32xbf16>,
        %unpack3A_839 = tpu.unpack_subelements %get3A_838, 0 {pack_format = #tpu.pack_format<interleaved>} : vector<32xbf16> -> vector<16xf32>
        %unpack3A_840 = tpu.unpack_subelements %get3A_838, 1 {pack_format = #tpu.pack_format<interleaved>} : vector<32xbf16> -> vector<16xf32>
        %mul3A_841 = arith.mulf %broadcast_in_dim3A_835, %unpack3A_839 : vector<16xf32>
        %add3A_842 = arith.addf %add3A_830, %mul3A_841 : vector<16xf32>
        %mul3A_843 = arith.mulf %broadcast_in_dim3A_835, %unpack3A_840 : vector<16xf32>
        %add3A_844 = arith.addf %add3A_832, %mul3A_843 : vector<16xf32>
        %slice3A_845 = vector.extract_strided_slice %get3A_820 {offsets = [2], sizes = [1], strides = [1]} : vector<16xf32> to vector<1xf32>
        %squeeze3A_846 = vector.extract %slice3A_845[0] : f32 from vector<1xf32>
        %broadcast_in_dim3A_847 = vector.broadcast %squeeze3A_846 : f32 to vector<16xf32>
        %get3A_848 = arith.index_cast %scan3A_423 : i32 to index
        %get3A_849 = arith.constant 1088 : index
        %get3A_850 = tpu.vector_load %arg14[%get3A_848, %get3A_849] {strides = array<i32>} : memref<16x2048xbf16, #tpu.memory_space<vmem>>, vector<32xbf16>,
        %unpack3A_851 = tpu.unpack_subelements %get3A_850, 0 {pack_format = #tpu.pack_format<interleaved>} : vector<32xbf16> -> vector<16xf32>
        %unpack3A_852 = tpu.unpack_subelements %get3A_850, 1 {pack_format = #tpu.pack_format<interleaved>} : vector<32xbf16> -> vector<16xf32>
        %mul3A_853 = arith.mulf %broadcast_in_dim3A_847, %unpack3A_851 : vector<16xf32>
        %add3A_854 = arith.addf %add3A_842, %mul3A_853 : vector<16xf32>
        %mul3A_855 = arith.mulf %broadcast_in_dim3A_847, %unpack3A_852 : vector<16xf32>
        %add3A_856 = arith.addf %add3A_844, %mul3A_855 : vector<16xf32>
        %slice3A_857 = vector.extract_strided_slice %get3A_820 {offsets = [3], sizes = [1], strides = [1]} : vector<16xf32> to vector<1xf32>
        %squeeze3A_858 = vector.extract %slice3A_857[0] : f32 from vector<1xf32>
        %broadcast_in_dim3A_859 = vector.broadcast %squeeze3A_858 : f32 to vector<16xf32>
        %get3A_860 = arith.index_cast %scan3A_423 : i32 to index
        %get3A_861 = arith.constant 1120 : index
        %get3A_862 = tpu.vector_load %arg14[%get3A_860, %get3A_861] {strides = array<i32>} : memref<16x2048xbf16, #tpu.memory_space<vmem>>, vector<32xbf16>,
        %unpack3A_863 = tpu.unpack_subelements %get3A_862, 0 {pack_format = #tpu.pack_format<interleaved>} : vector<32xbf16> -> vector<16xf32>
        %unpack3A_864 = tpu.unpack_subelements %get3A_862, 1 {pack_format = #tpu.pack_format<interleaved>} : vector<32xbf16> -> vector<16xf32>
        %mul3A_865 = arith.mulf %broadcast_in_dim3A_859, %unpack3A_863 : vector<16xf32>
        %add3A_866 = arith.addf %add3A_854, %mul3A_865 : vector<16xf32>
        %mul3A_867 = arith.mulf %broadcast_in_dim3A_859, %unpack3A_864 : vector<16xf32>
        %add3A_868 = arith.addf %add3A_856, %mul3A_867 : vector<16xf32>
        %slice3A_869 = vector.extract_strided_slice %get3A_820 {offsets = [4], sizes = [1], strides = [1]} : vector<16xf32> to vector<1xf32>
        %squeeze3A_870 = vector.extract %slice3A_869[0] : f32 from vector<1xf32>
        %broadcast_in_dim3A_871 = vector.broadcast %squeeze3A_870 : f32 to vector<16xf32>
        %get3A_872 = arith.index_cast %scan3A_423 : i32 to index
        %get3A_873 = arith.constant 1152 : index
        %get3A_874 = tpu.vector_load %arg14[%get3A_872, %get3A_873] {strides = array<i32>} : memref<16x2048xbf16, #tpu.memory_space<vmem>>, vector<32xbf16>,
        %unpack3A_875 = tpu.unpack_subelements %get3A_874, 0 {pack_format = #tpu.pack_format<interleaved>} : vector<32xbf16> -> vector<16xf32>
        %unpack3A_876 = tpu.unpack_subelements %get3A_874, 1 {pack_format = #tpu.pack_format<interleaved>} : vector<32xbf16> -> vector<16xf32>
        %mul3A_877 = arith.mulf %broadcast_in_dim3A_871, %unpack3A_875 : vector<16xf32>
        %add3A_878 = arith.addf %add3A_866, %mul3A_877 : vector<16xf32>
        %mul3A_879 = arith.mulf %broadcast_in_dim3A_871, %unpack3A_876 : vector<16xf32>
        %add3A_880 = arith.addf %add3A_868, %mul3A_879 : vector<16xf32>
        %slice3A_881 = vector.extract_strided_slice %get3A_820 {offsets = [5], sizes = [1], strides = [1]} : vector<16xf32> to vector<1xf32>
        %squeeze3A_882 = vector.extract %slice3A_881[0] : f32 from vector<1xf32>
        %broadcast_in_dim3A_883 = vector.broadcast %squeeze3A_882 : f32 to vector<16xf32>
        %get3A_884 = arith.index_cast %scan3A_423 : i32 to index
        %get3A_885 = arith.constant 1184 : index
        %get3A_886 = tpu.vector_load %arg14[%get3A_884, %get3A_885] {strides = array<i32>} : memref<16x2048xbf16, #tpu.memory_space<vmem>>, vector<32xbf16>,
        %unpack3A_887 = tpu.unpack_subelements %get3A_886, 0 {pack_format = #tpu.pack_format<interleaved>} : vector<32xbf16> -> vector<16xf32>
        %unpack3A_888 = tpu.unpack_subelements %get3A_886, 1 {pack_format = #tpu.pack_format<interleaved>} : vector<32xbf16> -> vector<16xf32>
        %mul3A_889 = arith.mulf %broadcast_in_dim3A_883, %unpack3A_887 : vector<16xf32>
        %add3A_890 = arith.addf %add3A_878, %mul3A_889 : vector<16xf32>
        %mul3A_891 = arith.mulf %broadcast_in_dim3A_883, %unpack3A_888 : vector<16xf32>
        %add3A_892 = arith.addf %add3A_880, %mul3A_891 : vector<16xf32>
        %slice3A_893 = vector.extract_strided_slice %get3A_820 {offsets = [6], sizes = [1], strides = [1]} : vector<16xf32> to vector<1xf32>
        %squeeze3A_894 = vector.extract %slice3A_893[0] : f32 from vector<1xf32>
        %broadcast_in_dim3A_895 = vector.broadcast %squeeze3A_894 : f32 to vector<16xf32>
        %get3A_896 = arith.index_cast %scan3A_423 : i32 to index
        %get3A_897 = arith.constant 1216 : index
        %get3A_898 = tpu.vector_load %arg14[%get3A_896, %get3A_897] {strides = array<i32>} : memref<16x2048xbf16, #tpu.memory_space<vmem>>, vector<32xbf16>,
        %unpack3A_899 = tpu.unpack_subelements %get3A_898, 0 {pack_format = #tpu.pack_format<interleaved>} : vector<32xbf16> -> vector<16xf32>
        %unpack3A_900 = tpu.unpack_subelements %get3A_898, 1 {pack_format = #tpu.pack_format<interleaved>} : vector<32xbf16> -> vector<16xf32>
        %mul3A_901 = arith.mulf %broadcast_in_dim3A_895, %unpack3A_899 : vector<16xf32>
        %add3A_902 = arith.addf %add3A_890, %mul3A_901 : vector<16xf32>
        %mul3A_903 = arith.mulf %broadcast_in_dim3A_895, %unpack3A_900 : vector<16xf32>
        %add3A_904 = arith.addf %add3A_892, %mul3A_903 : vector<16xf32>
        %slice3A_905 = vector.extract_strided_slice %get3A_820 {offsets = [7], sizes = [1], strides = [1]} : vector<16xf32> to vector<1xf32>
        %squeeze3A_906 = vector.extract %slice3A_905[0] : f32 from vector<1xf32>
        %broadcast_in_dim3A_907 = vector.broadcast %squeeze3A_906 : f32 to vector<16xf32>
        %get3A_908 = arith.index_cast %scan3A_423 : i32 to index
        %get3A_909 = arith.constant 1248 : index
        %get3A_910 = tpu.vector_load %arg14[%get3A_908, %get3A_909] {strides = array<i32>} : memref<16x2048xbf16, #tpu.memory_space<vmem>>, vector<32xbf16>,
        %unpack3A_911 = tpu.unpack_subelements %get3A_910, 0 {pack_format = #tpu.pack_format<interleaved>} : vector<32xbf16> -> vector<16xf32>
        %unpack3A_912 = tpu.unpack_subelements %get3A_910, 1 {pack_format = #tpu.pack_format<interleaved>} : vector<32xbf16> -> vector<16xf32>
        %mul3A_913 = arith.mulf %broadcast_in_dim3A_907, %unpack3A_911 : vector<16xf32>
        %add3A_914 = arith.addf %add3A_902, %mul3A_913 : vector<16xf32>
        %mul3A_915 = arith.mulf %broadcast_in_dim3A_907, %unpack3A_912 : vector<16xf32>
        %add3A_916 = arith.addf %add3A_904, %mul3A_915 : vector<16xf32>
        %slice3A_917 = vector.extract_strided_slice %get3A_820 {offsets = [8], sizes = [1], strides = [1]} : vector<16xf32> to vector<1xf32>
        %squeeze3A_918 = vector.extract %slice3A_917[0] : f32 from vector<1xf32>
        %broadcast_in_dim3A_919 = vector.broadcast %squeeze3A_918 : f32 to vector<16xf32>
        %get3A_920 = arith.index_cast %scan3A_423 : i32 to index
        %get3A_921 = arith.constant 1280 : index
        %get3A_922 = tpu.vector_load %arg14[%get3A_920, %get3A_921] {strides = array<i32>} : memref<16x2048xbf16, #tpu.memory_space<vmem>>, vector<32xbf16>,
        %unpack3A_923 = tpu.unpack_subelements %get3A_922, 0 {pack_format = #tpu.pack_format<interleaved>} : vector<32xbf16> -> vector<16xf32>
        %unpack3A_924 = tpu.unpack_subelements %get3A_922, 1 {pack_format = #tpu.pack_format<interleaved>} : vector<32xbf16> -> vector<16xf32>
        %mul3A_925 = arith.mulf %broadcast_in_dim3A_919, %unpack3A_923 : vector<16xf32>
        %add3A_926 = arith.addf %add3A_914, %mul3A_925 : vector<16xf32>
        %mul3A_927 = arith.mulf %broadcast_in_dim3A_919, %unpack3A_924 : vector<16xf32>
        %add3A_928 = arith.addf %add3A_916, %mul3A_927 : vector<16xf32>
        %slice3A_929 = vector.extract_strided_slice %get3A_820 {offsets = [9], sizes = [1], strides = [1]} : vector<16xf32> to vector<1xf32>
        %squeeze3A_930 = vector.extract %slice3A_929[0] : f32 from vector<1xf32>
        %broadcast_in_dim3A_931 = vector.broadcast %squeeze3A_930 : f32 to vector<16xf32>
        %get3A_932 = arith.index_cast %scan3A_423 : i32 to index
        %get3A_933 = arith.constant 1312 : index
        %get3A_934 = tpu.vector_load %arg14[%get3A_932, %get3A_933] {strides = array<i32>} : memref<16x2048xbf16, #tpu.memory_space<vmem>>, vector<32xbf16>,
        %unpack3A_935 = tpu.unpack_subelements %get3A_934, 0 {pack_format = #tpu.pack_format<interleaved>} : vector<32xbf16> -> vector<16xf32>
        %unpack3A_936 = tpu.unpack_subelements %get3A_934, 1 {pack_format = #tpu.pack_format<interleaved>} : vector<32xbf16> -> vector<16xf32>
        %mul3A_937 = arith.mulf %broadcast_in_dim3A_931, %unpack3A_935 : vector<16xf32>
        %add3A_938 = arith.addf %add3A_926, %mul3A_937 : vector<16xf32>
        %mul3A_939 = arith.mulf %broadcast_in_dim3A_931, %unpack3A_936 : vector<16xf32>
        %add3A_940 = arith.addf %add3A_928, %mul3A_939 : vector<16xf32>
        %slice3A_941 = vector.extract_strided_slice %get3A_820 {offsets = [10], sizes = [1], strides = [1]} : vector<16xf32> to vector<1xf32>
        %squeeze3A_942 = vector.extract %slice3A_941[0] : f32 from vector<1xf32>
        %broadcast_in_dim3A_943 = vector.broadcast %squeeze3A_942 : f32 to vector<16xf32>
        %get3A_944 = arith.index_cast %scan3A_423 : i32 to index
        %get3A_945 = arith.constant 1344 : index
        %get3A_946 = tpu.vector_load %arg14[%get3A_944, %get3A_945] {strides = array<i32>} : memref<16x2048xbf16, #tpu.memory_space<vmem>>, vector<32xbf16>,
        %unpack3A_947 = tpu.unpack_subelements %get3A_946, 0 {pack_format = #tpu.pack_format<interleaved>} : vector<32xbf16> -> vector<16xf32>
        %unpack3A_948 = tpu.unpack_subelements %get3A_946, 1 {pack_format = #tpu.pack_format<interleaved>} : vector<32xbf16> -> vector<16xf32>
        %mul3A_949 = arith.mulf %broadcast_in_dim3A_943, %unpack3A_947 : vector<16xf32>
        %add3A_950 = arith.addf %add3A_938, %mul3A_949 : vector<16xf32>
        %mul3A_951 = arith.mulf %broadcast_in_dim3A_943, %unpack3A_948 : vector<16xf32>
        %add3A_952 = arith.addf %add3A_940, %mul3A_951 : vector<16xf32>
        %slice3A_953 = vector.extract_strided_slice %get3A_820 {offsets = [11], sizes = [1], strides = [1]} : vector<16xf32> to vector<1xf32>
        %squeeze3A_954 = vector.extract %slice3A_953[0] : f32 from vector<1xf32>
        %broadcast_in_dim3A_955 = vector.broadcast %squeeze3A_954 : f32 to vector<16xf32>
        %get3A_956 = arith.index_cast %scan3A_423 : i32 to index
        %get3A_957 = arith.constant 1376 : index
        %get3A_958 = tpu.vector_load %arg14[%get3A_956, %get3A_957] {strides = array<i32>} : memref<16x2048xbf16, #tpu.memory_space<vmem>>, vector<32xbf16>,
        %unpack3A_959 = tpu.unpack_subelements %get3A_958, 0 {pack_format = #tpu.pack_format<interleaved>} : vector<32xbf16> -> vector<16xf32>
        %unpack3A_960 = tpu.unpack_subelements %get3A_958, 1 {pack_format = #tpu.pack_format<interleaved>} : vector<32xbf16> -> vector<16xf32>
        %mul3A_961 = arith.mulf %broadcast_in_dim3A_955, %unpack3A_959 : vector<16xf32>
        %add3A_962 = arith.addf %add3A_950, %mul3A_961 : vector<16xf32>
        %mul3A_963 = arith.mulf %broadcast_in_dim3A_955, %unpack3A_960 : vector<16xf32>
        %add3A_964 = arith.addf %add3A_952, %mul3A_963 : vector<16xf32>
        %slice3A_965 = vector.extract_strided_slice %get3A_820 {offsets = [12], sizes = [1], strides = [1]} : vector<16xf32> to vector<1xf32>
        %squeeze3A_966 = vector.extract %slice3A_965[0] : f32 from vector<1xf32>
        %broadcast_in_dim3A_967 = vector.broadcast %squeeze3A_966 : f32 to vector<16xf32>
        %get3A_968 = arith.index_cast %scan3A_423 : i32 to index
        %get3A_969 = arith.constant 1408 : index
        %get3A_970 = tpu.vector_load %arg14[%get3A_968, %get3A_969] {strides = array<i32>} : memref<16x2048xbf16, #tpu.memory_space<vmem>>, vector<32xbf16>,
        %unpack3A_971 = tpu.unpack_subelements %get3A_970, 0 {pack_format = #tpu.pack_format<interleaved>} : vector<32xbf16> -> vector<16xf32>
        %unpack3A_972 = tpu.unpack_subelements %get3A_970, 1 {pack_format = #tpu.pack_format<interleaved>} : vector<32xbf16> -> vector<16xf32>
        %mul3A_973 = arith.mulf %broadcast_in_dim3A_967, %unpack3A_971 : vector<16xf32>
        %add3A_974 = arith.addf %add3A_962, %mul3A_973 : vector<16xf32>
        %mul3A_975 = arith.mulf %broadcast_in_dim3A_967, %unpack3A_972 : vector<16xf32>
        %add3A_976 = arith.addf %add3A_964, %mul3A_975 : vector<16xf32>
        %slice3A_977 = vector.extract_strided_slice %get3A_820 {offsets = [13], sizes = [1], strides = [1]} : vector<16xf32> to vector<1xf32>
        %squeeze3A_978 = vector.extract %slice3A_977[0] : f32 from vector<1xf32>
        %broadcast_in_dim3A_979 = vector.broadcast %squeeze3A_978 : f32 to vector<16xf32>
        %get3A_980 = arith.index_cast %scan3A_423 : i32 to index
        %get3A_981 = arith.constant 1440 : index
        %get3A_982 = tpu.vector_load %arg14[%get3A_980, %get3A_981] {strides = array<i32>} : memref<16x2048xbf16, #tpu.memory_space<vmem>>, vector<32xbf16>,
        %unpack3A_983 = tpu.unpack_subelements %get3A_982, 0 {pack_format = #tpu.pack_format<interleaved>} : vector<32xbf16> -> vector<16xf32>
        %unpack3A_984 = tpu.unpack_subelements %get3A_982, 1 {pack_format = #tpu.pack_format<interleaved>} : vector<32xbf16> -> vector<16xf32>
        %mul3A_985 = arith.mulf %broadcast_in_dim3A_979, %unpack3A_983 : vector<16xf32>
        %add3A_986 = arith.addf %add3A_974, %mul3A_985 : vector<16xf32>
        %mul3A_987 = arith.mulf %broadcast_in_dim3A_979, %unpack3A_984 : vector<16xf32>
        %add3A_988 = arith.addf %add3A_976, %mul3A_987 : vector<16xf32>
        %slice3A_989 = vector.extract_strided_slice %get3A_820 {offsets = [14], sizes = [1], strides = [1]} : vector<16xf32> to vector<1xf32>
        %squeeze3A_990 = vector.extract %slice3A_989[0] : f32 from vector<1xf32>
        %broadcast_in_dim3A_991 = vector.broadcast %squeeze3A_990 : f32 to vector<16xf32>
        %get3A_992 = arith.index_cast %scan3A_423 : i32 to index
        %get3A_993 = arith.constant 1472 : index
        %get3A_994 = tpu.vector_load %arg14[%get3A_992, %get3A_993] {strides = array<i32>} : memref<16x2048xbf16, #tpu.memory_space<vmem>>, vector<32xbf16>,
        %unpack3A_995 = tpu.unpack_subelements %get3A_994, 0 {pack_format = #tpu.pack_format<interleaved>} : vector<32xbf16> -> vector<16xf32>
        %unpack3A_996 = tpu.unpack_subelements %get3A_994, 1 {pack_format = #tpu.pack_format<interleaved>} : vector<32xbf16> -> vector<16xf32>
        %mul3A_997 = arith.mulf %broadcast_in_dim3A_991, %unpack3A_995 : vector<16xf32>
        %add3A_998 = arith.addf %add3A_986, %mul3A_997 : vector<16xf32>
        %mul3A_999 = arith.mulf %broadcast_in_dim3A_991, %unpack3A_996 : vector<16xf32>
        %add3A_1000 = arith.addf %add3A_988, %mul3A_999 : vector<16xf32>
        %slice3A_1001 = vector.extract_strided_slice %get3A_820 {offsets = [15], sizes = [1], strides = [1]} : vector<16xf32> to vector<1xf32>
        %squeeze3A_1002 = vector.extract %slice3A_1001[0] : f32 from vector<1xf32>
        %broadcast_in_dim3A_1003 = vector.broadcast %squeeze3A_1002 : f32 to vector<16xf32>
        %get3A_1004 = arith.index_cast %scan3A_423 : i32 to index
        %get3A_1005 = arith.constant 1504 : index
        %get3A_1006 = tpu.vector_load %arg14[%get3A_1004, %get3A_1005] {strides = array<i32>} : memref<16x2048xbf16, #tpu.memory_space<vmem>>, vector<32xbf16>,
        %unpack3A_1007 = tpu.unpack_subelements %get3A_1006, 0 {pack_format = #tpu.pack_format<interleaved>} : vector<32xbf16> -> vector<16xf32>
        %unpack3A_1008 = tpu.unpack_subelements %get3A_1006, 1 {pack_format = #tpu.pack_format<interleaved>} : vector<32xbf16> -> vector<16xf32>
        %mul3A_1009 = arith.mulf %broadcast_in_dim3A_1003, %unpack3A_1007 : vector<16xf32>
        %add3A_1010 = arith.addf %add3A_998, %mul3A_1009 : vector<16xf32>
        %mul3A_1011 = arith.mulf %broadcast_in_dim3A_1003, %unpack3A_1008 : vector<16xf32>
        %add3A_1012 = arith.addf %add3A_1000, %mul3A_1011 : vector<16xf32>
        %get3A_1013 = arith.index_cast %add3A_426 : i32 to index
        %get3A_1014 = arith.constant 48 : index
        %get3A_1015 = tpu.vector_load %arg9[%get3A_1013, %get3A_1014] {strides = array<i32>} : memref<256x64xf32, #tpu.memory_space<vmem>>, vector<16xf32>,
        %slice3A_1016 = vector.extract_strided_slice %get3A_1015 {offsets = [0], sizes = [1], strides = [1]} : vector<16xf32> to vector<1xf32>
        %squeeze3A_1017 = vector.extract %slice3A_1016[0] : f32 from vector<1xf32>
        %broadcast_in_dim3A_1018 = vector.broadcast %squeeze3A_1017 : f32 to vector<16xf32>
        %get3A_1019 = arith.index_cast %scan3A_423 : i32 to index
        %get3A_1020 = arith.constant 1536 : index
        %get3A_1021 = tpu.vector_load %arg14[%get3A_1019, %get3A_1020] {strides = array<i32>} : memref<16x2048xbf16, #tpu.memory_space<vmem>>, vector<32xbf16>,
        %unpack3A_1022 = tpu.unpack_subelements %get3A_1021, 0 {pack_format = #tpu.pack_format<interleaved>} : vector<32xbf16> -> vector<16xf32>
        %unpack3A_1023 = tpu.unpack_subelements %get3A_1021, 1 {pack_format = #tpu.pack_format<interleaved>} : vector<32xbf16> -> vector<16xf32>
        %mul3A_1024 = arith.mulf %broadcast_in_dim3A_1018, %unpack3A_1022 : vector<16xf32>
        %add3A_1025 = arith.addf %add3A_1010, %mul3A_1024 : vector<16xf32>
        %mul3A_1026 = arith.mulf %broadcast_in_dim3A_1018, %unpack3A_1023 : vector<16xf32>
        %add3A_1027 = arith.addf %add3A_1012, %mul3A_1026 : vector<16xf32>
        %slice3A_1028 = vector.extract_strided_slice %get3A_1015 {offsets = [1], sizes = [1], strides = [1]} : vector<16xf32> to vector<1xf32>
        %squeeze3A_1029 = vector.extract %slice3A_1028[0] : f32 from vector<1xf32>
        %broadcast_in_dim3A_1030 = vector.broadcast %squeeze3A_1029 : f32 to vector<16xf32>
        %get3A_1031 = arith.index_cast %scan3A_423 : i32 to index
        %get3A_1032 = arith.constant 1568 : index
        %get3A_1033 = tpu.vector_load %arg14[%get3A_1031, %get3A_1032] {strides = array<i32>} : memref<16x2048xbf16, #tpu.memory_space<vmem>>, vector<32xbf16>,
        %unpack3A_1034 = tpu.unpack_subelements %get3A_1033, 0 {pack_format = #tpu.pack_format<interleaved>} : vector<32xbf16> -> vector<16xf32>
        %unpack3A_1035 = tpu.unpack_subelements %get3A_1033, 1 {pack_format = #tpu.pack_format<interleaved>} : vector<32xbf16> -> vector<16xf32>
        %mul3A_1036 = arith.mulf %broadcast_in_dim3A_1030, %unpack3A_1034 : vector<16xf32>
        %add3A_1037 = arith.addf %add3A_1025, %mul3A_1036 : vector<16xf32>
        %mul3A_1038 = arith.mulf %broadcast_in_dim3A_1030, %unpack3A_1035 : vector<16xf32>
        %add3A_1039 = arith.addf %add3A_1027, %mul3A_1038 : vector<16xf32>
        %slice3A_1040 = vector.extract_strided_slice %get3A_1015 {offsets = [2], sizes = [1], strides = [1]} : vector<16xf32> to vector<1xf32>
        %squeeze3A_1041 = vector.extract %slice3A_1040[0] : f32 from vector<1xf32>
        %broadcast_in_dim3A_1042 = vector.broadcast %squeeze3A_1041 : f32 to vector<16xf32>
        %get3A_1043 = arith.index_cast %scan3A_423 : i32 to index
        %get3A_1044 = arith.constant 1600 : index
        %get3A_1045 = tpu.vector_load %arg14[%get3A_1043, %get3A_1044] {strides = array<i32>} : memref<16x2048xbf16, #tpu.memory_space<vmem>>, vector<32xbf16>,
        %unpack3A_1046 = tpu.unpack_subelements %get3A_1045, 0 {pack_format = #tpu.pack_format<interleaved>} : vector<32xbf16> -> vector<16xf32>
        %unpack3A_1047 = tpu.unpack_subelements %get3A_1045, 1 {pack_format = #tpu.pack_format<interleaved>} : vector<32xbf16> -> vector<16xf32>
        %mul3A_1048 = arith.mulf %broadcast_in_dim3A_1042, %unpack3A_1046 : vector<16xf32>
        %add3A_1049 = arith.addf %add3A_1037, %mul3A_1048 : vector<16xf32>
        %mul3A_1050 = arith.mulf %broadcast_in_dim3A_1042, %unpack3A_1047 : vector<16xf32>
        %add3A_1051 = arith.addf %add3A_1039, %mul3A_1050 : vector<16xf32>
        %slice3A_1052 = vector.extract_strided_slice %get3A_1015 {offsets = [3], sizes = [1], strides = [1]} : vector<16xf32> to vector<1xf32>
        %squeeze3A_1053 = vector.extract %slice3A_1052[0] : f32 from vector<1xf32>
        %broadcast_in_dim3A_1054 = vector.broadcast %squeeze3A_1053 : f32 to vector<16xf32>
        %get3A_1055 = arith.index_cast %scan3A_423 : i32 to index
        %get3A_1056 = arith.constant 1632 : index
        %get3A_1057 = tpu.vector_load %arg14[%get3A_1055, %get3A_1056] {strides = array<i32>} : memref<16x2048xbf16, #tpu.memory_space<vmem>>, vector<32xbf16>,
        %unpack3A_1058 = tpu.unpack_subelements %get3A_1057, 0 {pack_format = #tpu.pack_format<interleaved>} : vector<32xbf16> -> vector<16xf32>
        %unpack3A_1059 = tpu.unpack_subelements %get3A_1057, 1 {pack_format = #tpu.pack_format<interleaved>} : vector<32xbf16> -> vector<16xf32>
        %mul3A_1060 = arith.mulf %broadcast_in_dim3A_1054, %unpack3A_1058 : vector<16xf32>
        %add3A_1061 = arith.addf %add3A_1049, %mul3A_1060 : vector<16xf32>
        %mul3A_1062 = arith.mulf %broadcast_in_dim3A_1054, %unpack3A_1059 : vector<16xf32>
        %add3A_1063 = arith.addf %add3A_1051, %mul3A_1062 : vector<16xf32>
        %slice3A_1064 = vector.extract_strided_slice %get3A_1015 {offsets = [4], sizes = [1], strides = [1]} : vector<16xf32> to vector<1xf32>
        %squeeze3A_1065 = vector.extract %slice3A_1064[0] : f32 from vector<1xf32>
        %broadcast_in_dim3A_1066 = vector.broadcast %squeeze3A_1065 : f32 to vector<16xf32>
        %get3A_1067 = arith.index_cast %scan3A_423 : i32 to index
        %get3A_1068 = arith.constant 1664 : index
        %get3A_1069 = tpu.vector_load %arg14[%get3A_1067, %get3A_1068] {strides = array<i32>} : memref<16x2048xbf16, #tpu.memory_space<vmem>>, vector<32xbf16>,
        %unpack3A_1070 = tpu.unpack_subelements %get3A_1069, 0 {pack_format = #tpu.pack_format<interleaved>} : vector<32xbf16> -> vector<16xf32>
        %unpack3A_1071 = tpu.unpack_subelements %get3A_1069, 1 {pack_format = #tpu.pack_format<interleaved>} : vector<32xbf16> -> vector<16xf32>
        %mul3A_1072 = arith.mulf %broadcast_in_dim3A_1066, %unpack3A_1070 : vector<16xf32>
        %add3A_1073 = arith.addf %add3A_1061, %mul3A_1072 : vector<16xf32>
        %mul3A_1074 = arith.mulf %broadcast_in_dim3A_1066, %unpack3A_1071 : vector<16xf32>
        %add3A_1075 = arith.addf %add3A_1063, %mul3A_1074 : vector<16xf32>
        %slice3A_1076 = vector.extract_strided_slice %get3A_1015 {offsets = [5], sizes = [1], strides = [1]} : vector<16xf32> to vector<1xf32>
        %squeeze3A_1077 = vector.extract %slice3A_1076[0] : f32 from vector<1xf32>
        %broadcast_in_dim3A_1078 = vector.broadcast %squeeze3A_1077 : f32 to vector<16xf32>
        %get3A_1079 = arith.index_cast %scan3A_423 : i32 to index
        %get3A_1080 = arith.constant 1696 : index
        %get3A_1081 = tpu.vector_load %arg14[%get3A_1079, %get3A_1080] {strides = array<i32>} : memref<16x2048xbf16, #tpu.memory_space<vmem>>, vector<32xbf16>,
        %unpack3A_1082 = tpu.unpack_subelements %get3A_1081, 0 {pack_format = #tpu.pack_format<interleaved>} : vector<32xbf16> -> vector<16xf32>
        %unpack3A_1083 = tpu.unpack_subelements %get3A_1081, 1 {pack_format = #tpu.pack_format<interleaved>} : vector<32xbf16> -> vector<16xf32>
        %mul3A_1084 = arith.mulf %broadcast_in_dim3A_1078, %unpack3A_1082 : vector<16xf32>
        %add3A_1085 = arith.addf %add3A_1073, %mul3A_1084 : vector<16xf32>
        %mul3A_1086 = arith.mulf %broadcast_in_dim3A_1078, %unpack3A_1083 : vector<16xf32>
        %add3A_1087 = arith.addf %add3A_1075, %mul3A_1086 : vector<16xf32>
        %slice3A_1088 = vector.extract_strided_slice %get3A_1015 {offsets = [6], sizes = [1], strides = [1]} : vector<16xf32> to vector<1xf32>
        %squeeze3A_1089 = vector.extract %slice3A_1088[0] : f32 from vector<1xf32>
        %broadcast_in_dim3A_1090 = vector.broadcast %squeeze3A_1089 : f32 to vector<16xf32>
        %get3A_1091 = arith.index_cast %scan3A_423 : i32 to index
        %get3A_1092 = arith.constant 1728 : index
        %get3A_1093 = tpu.vector_load %arg14[%get3A_1091, %get3A_1092] {strides = array<i32>} : memref<16x2048xbf16, #tpu.memory_space<vmem>>, vector<32xbf16>,
        %unpack3A_1094 = tpu.unpack_subelements %get3A_1093, 0 {pack_format = #tpu.pack_format<interleaved>} : vector<32xbf16> -> vector<16xf32>
        %unpack3A_1095 = tpu.unpack_subelements %get3A_1093, 1 {pack_format = #tpu.pack_format<interleaved>} : vector<32xbf16> -> vector<16xf32>
        %mul3A_1096 = arith.mulf %broadcast_in_dim3A_1090, %unpack3A_1094 : vector<16xf32>
        %add3A_1097 = arith.addf %add3A_1085, %mul3A_1096 : vector<16xf32>
        %mul3A_1098 = arith.mulf %broadcast_in_dim3A_1090, %unpack3A_1095 : vector<16xf32>
        %add3A_1099 = arith.addf %add3A_1087, %mul3A_1098 : vector<16xf32>
        %slice3A_1100 = vector.extract_strided_slice %get3A_1015 {offsets = [7], sizes = [1], strides = [1]} : vector<16xf32> to vector<1xf32>
        %squeeze3A_1101 = vector.extract %slice3A_1100[0] : f32 from vector<1xf32>
        %broadcast_in_dim3A_1102 = vector.broadcast %squeeze3A_1101 : f32 to vector<16xf32>
        %get3A_1103 = arith.index_cast %scan3A_423 : i32 to index
        %get3A_1104 = arith.constant 1760 : index
        %get3A_1105 = tpu.vector_load %arg14[%get3A_1103, %get3A_1104] {strides = array<i32>} : memref<16x2048xbf16, #tpu.memory_space<vmem>>, vector<32xbf16>,
        %unpack3A_1106 = tpu.unpack_subelements %get3A_1105, 0 {pack_format = #tpu.pack_format<interleaved>} : vector<32xbf16> -> vector<16xf32>
        %unpack3A_1107 = tpu.unpack_subelements %get3A_1105, 1 {pack_format = #tpu.pack_format<interleaved>} : vector<32xbf16> -> vector<16xf32>
        %mul3A_1108 = arith.mulf %broadcast_in_dim3A_1102, %unpack3A_1106 : vector<16xf32>
        %add3A_1109 = arith.addf %add3A_1097, %mul3A_1108 : vector<16xf32>
        %mul3A_1110 = arith.mulf %broadcast_in_dim3A_1102, %unpack3A_1107 : vector<16xf32>
        %add3A_1111 = arith.addf %add3A_1099, %mul3A_1110 : vector<16xf32>
        %slice3A_1112 = vector.extract_strided_slice %get3A_1015 {offsets = [8], sizes = [1], strides = [1]} : vector<16xf32> to vector<1xf32>
        %squeeze3A_1113 = vector.extract %slice3A_1112[0] : f32 from vector<1xf32>
        %broadcast_in_dim3A_1114 = vector.broadcast %squeeze3A_1113 : f32 to vector<16xf32>
        %get3A_1115 = arith.index_cast %scan3A_423 : i32 to index
        %get3A_1116 = arith.constant 1792 : index
        %get3A_1117 = tpu.vector_load %arg14[%get3A_1115, %get3A_1116] {strides = array<i32>} : memref<16x2048xbf16, #tpu.memory_space<vmem>>, vector<32xbf16>,
        %unpack3A_1118 = tpu.unpack_subelements %get3A_1117, 0 {pack_format = #tpu.pack_format<interleaved>} : vector<32xbf16> -> vector<16xf32>
        %unpack3A_1119 = tpu.unpack_subelements %get3A_1117, 1 {pack_format = #tpu.pack_format<interleaved>} : vector<32xbf16> -> vector<16xf32>
        %mul3A_1120 = arith.mulf %broadcast_in_dim3A_1114, %unpack3A_1118 : vector<16xf32>
        %add3A_1121 = arith.addf %add3A_1109, %mul3A_1120 : vector<16xf32>
        %mul3A_1122 = arith.mulf %broadcast_in_dim3A_1114, %unpack3A_1119 : vector<16xf32>
        %add3A_1123 = arith.addf %add3A_1111, %mul3A_1122 : vector<16xf32>
        %slice3A_1124 = vector.extract_strided_slice %get3A_1015 {offsets = [9], sizes = [1], strides = [1]} : vector<16xf32> to vector<1xf32>
        %squeeze3A_1125 = vector.extract %slice3A_1124[0] : f32 from vector<1xf32>
        %broadcast_in_dim3A_1126 = vector.broadcast %squeeze3A_1125 : f32 to vector<16xf32>
        %get3A_1127 = arith.index_cast %scan3A_423 : i32 to index
        %get3A_1128 = arith.constant 1824 : index
        %get3A_1129 = tpu.vector_load %arg14[%get3A_1127, %get3A_1128] {strides = array<i32>} : memref<16x2048xbf16, #tpu.memory_space<vmem>>, vector<32xbf16>,
        %unpack3A_1130 = tpu.unpack_subelements %get3A_1129, 0 {pack_format = #tpu.pack_format<interleaved>} : vector<32xbf16> -> vector<16xf32>
        %unpack3A_1131 = tpu.unpack_subelements %get3A_1129, 1 {pack_format = #tpu.pack_format<interleaved>} : vector<32xbf16> -> vector<16xf32>
        %mul3A_1132 = arith.mulf %broadcast_in_dim3A_1126, %unpack3A_1130 : vector<16xf32>
        %add3A_1133 = arith.addf %add3A_1121, %mul3A_1132 : vector<16xf32>
        %mul3A_1134 = arith.mulf %broadcast_in_dim3A_1126, %unpack3A_1131 : vector<16xf32>
        %add3A_1135 = arith.addf %add3A_1123, %mul3A_1134 : vector<16xf32>
        %slice3A_1136 = vector.extract_strided_slice %get3A_1015 {offsets = [10], sizes = [1], strides = [1]} : vector<16xf32> to vector<1xf32>
        %squeeze3A_1137 = vector.extract %slice3A_1136[0] : f32 from vector<1xf32>
        %broadcast_in_dim3A_1138 = vector.broadcast %squeeze3A_1137 : f32 to vector<16xf32>
        %get3A_1139 = arith.index_cast %scan3A_423 : i32 to index
        %get3A_1140 = arith.constant 1856 : index
        %get3A_1141 = tpu.vector_load %arg14[%get3A_1139, %get3A_1140] {strides = array<i32>} : memref<16x2048xbf16, #tpu.memory_space<vmem>>, vector<32xbf16>,
        %unpack3A_1142 = tpu.unpack_subelements %get3A_1141, 0 {pack_format = #tpu.pack_format<interleaved>} : vector<32xbf16> -> vector<16xf32>
        %unpack3A_1143 = tpu.unpack_subelements %get3A_1141, 1 {pack_format = #tpu.pack_format<interleaved>} : vector<32xbf16> -> vector<16xf32>
        %mul3A_1144 = arith.mulf %broadcast_in_dim3A_1138, %unpack3A_1142 : vector<16xf32>
        %add3A_1145 = arith.addf %add3A_1133, %mul3A_1144 : vector<16xf32>
        %mul3A_1146 = arith.mulf %broadcast_in_dim3A_1138, %unpack3A_1143 : vector<16xf32>
        %add3A_1147 = arith.addf %add3A_1135, %mul3A_1146 : vector<16xf32>
        %slice3A_1148 = vector.extract_strided_slice %get3A_1015 {offsets = [11], sizes = [1], strides = [1]} : vector<16xf32> to vector<1xf32>
        %squeeze3A_1149 = vector.extract %slice3A_1148[0] : f32 from vector<1xf32>
        %broadcast_in_dim3A_1150 = vector.broadcast %squeeze3A_1149 : f32 to vector<16xf32>
        %get3A_1151 = arith.index_cast %scan3A_423 : i32 to index
        %get3A_1152 = arith.constant 1888 : index
        %get3A_1153 = tpu.vector_load %arg14[%get3A_1151, %get3A_1152] {strides = array<i32>} : memref<16x2048xbf16, #tpu.memory_space<vmem>>, vector<32xbf16>,
        %unpack3A_1154 = tpu.unpack_subelements %get3A_1153, 0 {pack_format = #tpu.pack_format<interleaved>} : vector<32xbf16> -> vector<16xf32>
        %unpack3A_1155 = tpu.unpack_subelements %get3A_1153, 1 {pack_format = #tpu.pack_format<interleaved>} : vector<32xbf16> -> vector<16xf32>
        %mul3A_1156 = arith.mulf %broadcast_in_dim3A_1150, %unpack3A_1154 : vector<16xf32>
        %add3A_1157 = arith.addf %add3A_1145, %mul3A_1156 : vector<16xf32>
        %mul3A_1158 = arith.mulf %broadcast_in_dim3A_1150, %unpack3A_1155 : vector<16xf32>
        %add3A_1159 = arith.addf %add3A_1147, %mul3A_1158 : vector<16xf32>
        %slice3A_1160 = vector.extract_strided_slice %get3A_1015 {offsets = [12], sizes = [1], strides = [1]} : vector<16xf32> to vector<1xf32>
        %squeeze3A_1161 = vector.extract %slice3A_1160[0] : f32 from vector<1xf32>
        %broadcast_in_dim3A_1162 = vector.broadcast %squeeze3A_1161 : f32 to vector<16xf32>
        %get3A_1163 = arith.index_cast %scan3A_423 : i32 to index
        %get3A_1164 = arith.constant 1920 : index
        %get3A_1165 = tpu.vector_load %arg14[%get3A_1163, %get3A_1164] {strides = array<i32>} : memref<16x2048xbf16, #tpu.memory_space<vmem>>, vector<32xbf16>,
        %unpack3A_1166 = tpu.unpack_subelements %get3A_1165, 0 {pack_format = #tpu.pack_format<interleaved>} : vector<32xbf16> -> vector<16xf32>
        %unpack3A_1167 = tpu.unpack_subelements %get3A_1165, 1 {pack_format = #tpu.pack_format<interleaved>} : vector<32xbf16> -> vector<16xf32>
        %mul3A_1168 = arith.mulf %broadcast_in_dim3A_1162, %unpack3A_1166 : vector<16xf32>
        %add3A_1169 = arith.addf %add3A_1157, %mul3A_1168 : vector<16xf32>
        %mul3A_1170 = arith.mulf %broadcast_in_dim3A_1162, %unpack3A_1167 : vector<16xf32>
        %add3A_1171 = arith.addf %add3A_1159, %mul3A_1170 : vector<16xf32>
        %slice3A_1172 = vector.extract_strided_slice %get3A_1015 {offsets = [13], sizes = [1], strides = [1]} : vector<16xf32> to vector<1xf32>
        %squeeze3A_1173 = vector.extract %slice3A_1172[0] : f32 from vector<1xf32>
        %broadcast_in_dim3A_1174 = vector.broadcast %squeeze3A_1173 : f32 to vector<16xf32>
        %get3A_1175 = arith.index_cast %scan3A_423 : i32 to index
        %get3A_1176 = arith.constant 1952 : index
        %get3A_1177 = tpu.vector_load %arg14[%get3A_1175, %get3A_1176] {strides = array<i32>} : memref<16x2048xbf16, #tpu.memory_space<vmem>>, vector<32xbf16>,
        %unpack3A_1178 = tpu.unpack_subelements %get3A_1177, 0 {pack_format = #tpu.pack_format<interleaved>} : vector<32xbf16> -> vector<16xf32>
        %unpack3A_1179 = tpu.unpack_subelements %get3A_1177, 1 {pack_format = #tpu.pack_format<interleaved>} : vector<32xbf16> -> vector<16xf32>
        %mul3A_1180 = arith.mulf %broadcast_in_dim3A_1174, %unpack3A_1178 : vector<16xf32>
        %add3A_1181 = arith.addf %add3A_1169, %mul3A_1180 : vector<16xf32>
        %mul3A_1182 = arith.mulf %broadcast_in_dim3A_1174, %unpack3A_1179 : vector<16xf32>
        %add3A_1183 = arith.addf %add3A_1171, %mul3A_1182 : vector<16xf32>
        %slice3A_1184 = vector.extract_strided_slice %get3A_1015 {offsets = [14], sizes = [1], strides = [1]} : vector<16xf32> to vector<1xf32>
        %squeeze3A_1185 = vector.extract %slice3A_1184[0] : f32 from vector<1xf32>
        %broadcast_in_dim3A_1186 = vector.broadcast %squeeze3A_1185 : f32 to vector<16xf32>
        %get3A_1187 = arith.index_cast %scan3A_423 : i32 to index
        %get3A_1188 = arith.constant 1984 : index
        %get3A_1189 = tpu.vector_load %arg14[%get3A_1187, %get3A_1188] {strides = array<i32>} : memref<16x2048xbf16, #tpu.memory_space<vmem>>, vector<32xbf16>,
        %unpack3A_1190 = tpu.unpack_subelements %get3A_1189, 0 {pack_format = #tpu.pack_format<interleaved>} : vector<32xbf16> -> vector<16xf32>
        %unpack3A_1191 = tpu.unpack_subelements %get3A_1189, 1 {pack_format = #tpu.pack_format<interleaved>} : vector<32xbf16> -> vector<16xf32>
        %mul3A_1192 = arith.mulf %broadcast_in_dim3A_1186, %unpack3A_1190 : vector<16xf32>
        %add3A_1193 = arith.addf %add3A_1181, %mul3A_1192 : vector<16xf32>
        %mul3A_1194 = arith.mulf %broadcast_in_dim3A_1186, %unpack3A_1191 : vector<16xf32>
        %add3A_1195 = arith.addf %add3A_1183, %mul3A_1194 : vector<16xf32>
        %slice3A_1196 = vector.extract_strided_slice %get3A_1015 {offsets = [15], sizes = [1], strides = [1]} : vector<16xf32> to vector<1xf32>
        %squeeze3A_1197 = vector.extract %slice3A_1196[0] : f32 from vector<1xf32>
        %broadcast_in_dim3A_1198 = vector.broadcast %squeeze3A_1197 : f32 to vector<16xf32>
        %get3A_1199 = arith.index_cast %scan3A_423 : i32 to index
        %get3A_1200 = arith.constant 2016 : index
        %get3A_1201 = tpu.vector_load %arg14[%get3A_1199, %get3A_1200] {strides = array<i32>} : memref<16x2048xbf16, #tpu.memory_space<vmem>>, vector<32xbf16>,
        %unpack3A_1202 = tpu.unpack_subelements %get3A_1201, 0 {pack_format = #tpu.pack_format<interleaved>} : vector<32xbf16> -> vector<16xf32>
        %unpack3A_1203 = tpu.unpack_subelements %get3A_1201, 1 {pack_format = #tpu.pack_format<interleaved>} : vector<32xbf16> -> vector<16xf32>
        %mul3A_1204 = arith.mulf %broadcast_in_dim3A_1198, %unpack3A_1202 : vector<16xf32>
        %add3A_1205 = arith.addf %add3A_1193, %mul3A_1204 : vector<16xf32>
        %mul3A_1206 = arith.mulf %broadcast_in_dim3A_1198, %unpack3A_1203 : vector<16xf32>
        %add3A_1207 = arith.addf %add3A_1195, %mul3A_1206 : vector<16xf32>
        %swap3A = arith.index_cast %add3A_426 : i32 to index
        %swap3A_1208 = arith.constant 0 : index
        %swap3A_1209 = tpu.vector_load %arg12[%swap3A, %swap3A_1208] {strides = array<i32>} : memref<256x32xf32, #tpu.memory_space<vmem>>, vector<16xf32>,
        tpu.vector_store %arg12[%swap3A, %swap3A_1208], %add3A_1205 {strides = array<i32>} : memref<256x32xf32, #tpu.memory_space<vmem>>, vector<16xf32>,
        %swap3A_1210 = arith.index_cast %add3A_426 : i32 to index
        %swap3A_1211 = arith.constant 16 : index
        %swap3A_1212 = tpu.vector_load %arg12[%swap3A_1210, %swap3A_1211] {strides = array<i32>} : memref<256x32xf32, #tpu.memory_space<vmem>>, vector<16xf32>,
        tpu.vector_store %arg12[%swap3A_1210, %swap3A_1211], %add3A_1207 {strides = array<i32>} : memref<256x32xf32, #tpu.memory_space<vmem>>, vector<16xf32>,
      }
      %scan3A_415 = arith.constant 16 : i32
      %add3A_416 = arith.constant 2 : i32
      %add3A_417 = arith.addi %add3A_362, %add3A_416 : i32
      %lt3A_418 = arith.constant 16 : i32
      %lt3A_419 = arith.cmpi slt, %add3A_417, %lt3A_418 : i32
      %convert_element_type3A_420 = arith.extui %lt3A_419 : i1 to i32
      %cond3A_421 = arith.constant 0 : i32
      %cond3A_422 = arith.cmpi ne, %convert_element_type3A_420, %cond3A_421 : i32
      scf.if %cond3A_422 {
        %jit3A_423 = arith.constant 8 : i32
        %div3A_424 = arith.divsi %add3A_417, %jit3A_423 : i32
        %sign3A_425 = arith.constant 0 : i32
        %sign3A_426 = arith.cmpi sgt, %add3A_417, %sign3A_425 : i32
        %sign3A_427 = arith.extui %sign3A_426 : i1 to i32
        %sign3A_428 = arith.constant 0 : i32
        %sign3A_429 = arith.cmpi slt, %add3A_417, %sign3A_428 : i32
        %sign3A_430 = arith.extui %sign3A_429 : i1 to i32
        %sign3A_431 = arith.subi %sign3A_427, %sign3A_430 : i32
        %sign3A_432 = arith.constant 0 : i32
        %sign3A_433 = arith.cmpi sgt, %jit3A_423, %sign3A_432 : i32
        %sign3A_434 = arith.extui %sign3A_433 : i1 to i32
        %sign3A_435 = arith.constant 0 : i32
        %sign3A_436 = arith.cmpi slt, %jit3A_423, %sign3A_435 : i32
        %sign3A_437 = arith.extui %sign3A_436 : i1 to i32
        %sign3A_438 = arith.subi %sign3A_434, %sign3A_437 : i32
        %ne3A_439 = arith.cmpi ne, %sign3A_431, %sign3A_438 : i32
        %rem3A_440 = arith.remsi %add3A_417, %jit3A_423 : i32
        %ne3A_441 = arith.constant 0 : i32
        %ne3A_442 = arith.cmpi ne, %rem3A_440, %ne3A_441 : i32
        %and3A_443 = arith.andi %ne3A_439, %ne3A_442 : i1
        %sub3A_444 = arith.constant 1 : i32
        %sub3A_445 = arith.subi %div3A_424, %sub3A_444 : i32
        %select_n3A_446 = arith.select %and3A_443, %sub3A_445, %div3A_424 : i32
        %jit3A_447 = arith.constant 8 : i32
        %eq3A_448 = arith.constant 0 : i32
        %eq3A_449 = arith.cmpi eq, %jit3A_447, %eq3A_448 : i32
        %jit3A_450 = arith.constant 1 : i32
        %select_n3A_451 = arith.select %eq3A_449, %jit3A_450, %jit3A_447 : i32
        %rem3A_452 = arith.remsi %add3A_417, %select_n3A_451 : i32
        %ne3A_453 = arith.constant 0 : i32
        %ne3A_454 = arith.cmpi ne, %rem3A_452, %ne3A_453 : i32
        %lt3A_455 = arith.constant 0 : i32
        %lt3A_456 = arith.cmpi slt, %rem3A_452, %lt3A_455 : i32
        %lt3A_457 = arith.constant 0 : i32
        %lt3A_458 = arith.cmpi slt, %select_n3A_451, %lt3A_457 : i32
        %ne3A_459 = arith.xori %lt3A_456, %lt3A_458 : i1
        %and3A_460 = arith.andi %ne3A_459, %ne3A_454 : i1
        %add3A_461 = arith.addi %rem3A_452, %select_n3A_451 : i32
        %select_n3A_462 = arith.select %and3A_460, %add3A_461, %rem3A_452 : i32
        %mul3A_463 = arith.constant 16 : i32
        %mul3A_464 = arith.muli %select_n3A_462, %mul3A_463 : i32
        %dma_start3A_465 = tpu.memref_slice %arg17[%select_n3A_446, %mul3A_464] : memref<2x128xi32, #tpu.memory_space<vmem>> -> memref<1x16xi32, #tpu.memory_space<vmem>>
        %dma_start3A_466 = tpu.memref_squeeze %dma_start3A_465 : memref<1x16xi32, #tpu.memory_space<vmem>> -> memref<16xi32, #tpu.memory_space<vmem>>
        %dma_start3A_467 = arith.constant 0 : i32
        %dma_start3A_468 = arith.constant 0 : i32
        %dma_start3A_469 = tpu.memref_slice %arg7[%dma_start3A_467, %dma_start3A_468] : memref<1000x2048xbf16, #tpu.memory_space<hbm>> -> memref<1000x2048xbf16, #tpu.memory_space<hbm>>
        tpu.enqueue_indirect_dma source(%dma_start3A_469 : memref<1000x2048xbf16, #tpu.memory_space<hbm>>) target(%arg14 : memref<16x2048xbf16, #tpu.memory_space<vmem>>) offsets(%dma_start3A_466 : memref<16xi32, #tpu.memory_space<vmem>>) semaphore(%arg20 : memref<!tpu.dma_semaphore, #tpu.memory_space<semaphore_mem>>)
      } else {
      }
    }
    %scan3A_305 = arith.constant 8 : i32
    "tpu.region"() ({
      %run_scoped3A = tpu.sem_alloc : memref<!tpu.dma_semaphore, #tpu.memory_space<semaphore_mem>>
      %dma_start3A_306 = arith.constant 0 : i32
      %dma_start3A_307 = tpu.memref_slice %arg8[%add3A_155, %dma_start3A_306] : memref<16384x32xf32, #tpu.memory_space<hbm>> -> memref<256x32xf32, #tpu.memory_space<hbm>>
      %dma_start3A_308 = arith.constant 0 : i32
      %dma_start3A_309 = tpu.memref_slice %arg8[%add3A_155, %dma_start3A_308] : memref<16384x32xf32, #tpu.memory_space<hbm>> -> memref<256x32xf32, #tpu.memory_space<hbm>>
      tpu.enqueue_dma source(%arg12 : memref<256x32xf32, #tpu.memory_space<vmem>>) target(%dma_start3A_309 : memref<256x32xf32, #tpu.memory_space<hbm>>) target_semaphore(%run_scoped3A : memref<!tpu.dma_semaphore, #tpu.memory_space<semaphore_mem>>)
      %dma_wait3A_310 = arith.constant 0 : i32
      %dma_wait3A_311 = tpu.memref_slice %arg8[%add3A_155, %dma_wait3A_310] : memref<16384x32xf32, #tpu.memory_space<hbm>> -> memref<256x32xf32, #tpu.memory_space<hbm>>
      %dma_wait3A_312 = arith.constant 0 : i32
      %dma_wait3A_313 = tpu.memref_slice %arg8[%add3A_155, %dma_wait3A_312] : memref<16384x32xf32, #tpu.memory_space<hbm>> -> memref<256x32xf32, #tpu.memory_space<hbm>>
      tpu.wait_dma2 semaphore(%run_scoped3A : memref<!tpu.dma_semaphore, #tpu.memory_space<semaphore_mem>>) src(%arg12 : memref<256x32xf32, #tpu.memory_space<vmem>>) dst(%dma_wait3A_313 : memref<256x32xf32, #tpu.memory_space<hbm>>)
      tpu.yield
    }) : () -> ()
    return
  }
}

module attributes {stable_mosaic.version = 14 : i64} {
  func.func @_tc_norm_body(%arg0: i32, %arg1: memref<1024x32xf32, #tpu.memory_space<vmem>>, %arg2: memref<1024xf32, #tpu.memory_space<vmem>>) attributes {dimension_semantics = [#tpu.dimension_semantics<arbitrary>], iteration_bounds = array<i64: 16>, scalar_prefetch = 0 : i64, scratch_operands = 0 : i64, tpu.core_type = #tpu.core_type<tc>, window_params = [{transform_indices = @transform_0, window_bounds = array<i64: 1024, 32>}, {transform_indices = @transform_1, window_bounds = array<i64: 1024>}]} {
    %get3A = arith.constant 0 : index
    %get3A_0 = arith.constant 0 : index
    %get3A_1 = vector.load %arg1[%get3A, %get3A_0] : memref<1024x32xf32, #tpu.memory_space<vmem>>, vector<1024x32xf32>
    %mul3A = arith.mulf %get3A_1, %get3A_1 : vector<1024x32xf32>
    %reduce_sum3A = arith.constant dense<0.000000e+00> : vector<1024xf32>
    %reduce_sum3A_2 = vector.multi_reduction <add>, %mul3A, %reduce_sum3A [1] : vector<1024x32xf32> to vector<1024xf32>
    %sqrt3A = math.sqrt %reduce_sum3A_2 : vector<1024xf32>
    %swap3A = arith.constant 0 : index
    %swap3A_3 = vector.load %arg2[%swap3A] : memref<1024xf32, #tpu.memory_space<vmem>>, vector<1024xf32>
    tpu.vector_store %arg2[%swap3A], %sqrt3A {strides = array<i32>} : memref<1024xf32, #tpu.memory_space<vmem>>, vector<1024xf32>,
    return
  }
  func.func @transform_0(%arg0: i32) -> (i32, i32) {
    %c0_i32 = arith.constant 0 : i32
    %c0_i32_0 = arith.constant 0 : i32
    return %arg0, %c0_i32 : i32, i32
  }
  func.func @transform_1(%arg0: i32) -> i32 {
    %c0_i32 = arith.constant 0 : i32
    return %arg0 : i32
  }
}

</mosaic_0001>

<sc_bundles>
// kernel: kernel.4.cloned.1.call-start
scs
__scs_entry_jumppad:
0x0: {  	(pc) =	sbr.rel $0x88, $3  }
0x1: {  	(tag) =	ssettag $0x0;
	lr =	simm.s32 $0x1  }
0x2: {  	[smem:$0x3F9B] =	sst lr;
	_ =	strace $0xD0000000  }
0x3: {  	_ = 	snop  }
0x4: {  	_ = 	snop  }
0x5: {  	_ = 	snop  }
0x6: {  	_ = 	snop  }
0x7: {  	_ = 	snop  }
__scs_overlays_trampoline_lowered:
0x8: {  	[smem:$0x3FAA] =	sst s0  }
0x9: {  	[smem:$0x3FAB] =	sst s1  }
0xa: {  	[smem:$0x3FAC] =	sst s2  }
0xb: {  	[smem:$0x3FAD] =	sst s3  }
0xc: {  	[smem:$0x3FAE] =	sst s4  }
0xd: {  	[smem:$0x3FAF] =	sst s5  }
0xe: {  	[smem:$0x3FB0] =	sst s6  }
0xf: {  	[smem:$0x3FB1] =	sst s7  }
0x10: {  	[smem:$0x3FB2] =	sst s8  }
0x11: {  	[smem:$0x3FB3] =	sst s9;
	s0 =	simm.s32 @!p0 $0x0  }
0x12: {  	s1 =	sld [smem:$0x3F99];
	s0 =	simm.s32 @p0 $0x1  }
0x13: {  	[smem:$0x3FB4] =	sst s0;
	s0 =	simm.s32 @!p1 $0x0  }
0x14: {  	s2 =	sld [smem:$0x3F98];
	s0 =	simm.s32 @p1 $0x1  }
0x15: {  	[smem:$0x3FB5] =	sst s0;
	s0 =	simm.s32 @!p2 $0x0  }
0x16: {  	s3 =	sld [smem:$0x3FDB];
	s0 =	simm.s32 @p2 $0x1  }
0x17: {  	s4 =	simm.s32 $0x1BF5;
	[smem:$0x3FB7] =	sst s0  }
0x18: {  	s0 =	sld [smem:$0x3F9A];
	_ =	swait.ge [sflag:s4], $0x0  }
0x19: {  	s7 =	sld [smem:$0x3F9B]  }
0x1a: {  	s8 =	sadd.s32 $0xFFFFE003, lr  }
0x1b: {  	s9 =	sadd.s32 $0xFFFFFEF7, lr;
	s5 =	simm.s32 $0xFFFFFFFF;
	p2 =	slt.u32 s8, $0xFFFFF086  }
0x1c: {  	p1 =	slt.u32 s9, $0xF7A;
	s5 =	simm.s32 @!p2 $0x0  }
0x1d: {  	s5 =	simm.s32 @p1 $0x1;
	p0 =	seq.s32 s7, s2  }
0x1e: {  	s7 =	smul.u32 @!p0 $0xF7A, s2;
	p2 =	seq.s32 @!p0 s5, $0x0  }
0x1f: {  	s9 =	smul.u32 $0xF7A, s1;
	s8 =	simm.s32 @!p0 $0x1BF5;
	p2 =	por !p2, p0  }
0x20: {  	[sflag:s8] =	ssyncset.s32 @!p0 $0xFFFFF086;
	s6 =	sadd.s32 @!p0 s3, s7;
	s7 =	simm.s32 @!p0 $0x108  }
0x21: {  	s3 =	sadd.s32 s3, s9;
	s6 =	sadd.s32 @!p0 $0x88, s6;
	s7 =	simm.s32 @p2 $0x1082  }
0x22: {  	[simem:s7], [sflag:s8] =	dma.local @!p0 [hbm:s6], $0xF7A  }
0x23: {  	s9 =	sor.u32 $0xD0000000, s2;
	s6 =	simm.s32 $0x108;
	_ =	swait.ge @!p0 [sflag:s8], $0x0  }
0x24: {  	s3 =	sadd.s32 $0x88, s3;
	s6 =	simm.s32 @!p1 $0x1082;
	[sflag:s4] =	ssyncset.s32 $0xFFFFF086  }
0x25: {  	[simem:s6], [sflag:s4] =	dma.local [hbm:s3], $0xF7A  }
0x26: {  	[smem:$0x3F9B] =	sst s1;
	(tag) =	ssettag s2;
	_ =	strace s9  }
0x27: {  	s1 =	sld [smem:$0x3FAB]  }
0x28: {  	s2 =	sld [smem:$0x3FAC]  }
0x29: {  	s4 =	sld [smem:$0x3FAE]  }
0x2a: {  	p0 =	seq.s32 s5, $0x0;
	s5 =	sld [smem:$0x3FAF]  }
0x2b: {  	s6 =	sld [smem:$0x3FB0]  }
0x2c: {  	s7 =	sld [smem:$0x3FB1]  }
0x2d: {  	s3 =	simm.s32 $0x108;
	s8 =	sld [smem:$0x3FB2]  }
0x2e: {  	s3 =	simm.s32 @!p0 $0x1082;
	s9 =	sld [smem:$0x3FB3]  }
0x2f: {  	lr =	sadd.s32 s0, s3;
	s0 =	sld [smem:$0x3FAA]  }
0x30: {  	s3 =	sld [smem:$0x3FAD]  }
0x31: {  	[smem:$0x3FB6] =	sst s10  }
0x32: {  	s10 =	sld [smem:$0x3FB4];
	_ =	sdelay $0x3  }
0x33: {  	p0 =	seq.s32 s10, $0x1;
	s10 =	sld [smem:$0x3FB6];
	_ =	sdelay $0x3  }
0x34: {  	[smem:$0x3FB6] =	sst s10  }
0x35: {  	s10 =	sld [smem:$0x3FB5];
	_ =	sdelay $0x3  }
0x36: {  	p1 =	seq.s32 s10, $0x1;
	s10 =	sld [smem:$0x3FB6];
	_ =	sdelay $0x3  }
0x37: {  	[smem:$0x3FB6] =	sst s10  }
0x38: {  	s10 =	sld [smem:$0x3FB7]  }
0x39: {  	_ = 	snop;
	(pc) =	sbr.ind lr, $3  }
0x3a: {  	_ = 	snop  }
0x3b: {  	_ = 	snop  }
0x3c: {  	p2 =	seq.s32 s10, $0x1;
	s10 =	sld [smem:$0x3FB6]  }
0x3d: {  	_ =	shalt  }
0x3e: {  	_ =	shalt  }
0x3f: {  	_ =	shalt  }
0x40: {  	_ =	shalt  }
0x41: {  	_ =	shalt  }
0x42: {  	_ =	shalt  }
0x43: {  	_ =	shalt  }
0x44: {  	_ =	shalt  }
0x45: {  	_ =	shalt  }
0x46: {  	_ =	shalt  }
0x47: {  	_ =	shalt  }
0x48: {  	_ =	shalt  }
0x49: {  	_ =	shalt  }
0x4a: {  	_ =	shalt  }
0x4b: {  	_ =	shalt  }
0x4c: {  	_ =	shalt  }
0x4d: {  	_ =	shalt  }
0x4e: {  	_ =	shalt  }
0x4f: {  	_ =	shalt  }
0x50: {  	_ =	shalt  }
0x51: {  	_ =	shalt  }
0x52: {  	_ =	shalt  }
0x53: {  	_ =	shalt  }
0x54: {  	_ =	shalt  }
0x55: {  	_ =	shalt  }
0x56: {  	_ =	shalt  }
0x57: {  	_ =	shalt  }
0x58: {  	_ =	shalt  }
0x59: {  	_ =	shalt  }
0x5a: {  	_ =	shalt  }
0x5b: {  	_ =	shalt  }
0x5c: {  	_ =	shalt  }
0x5d: {  	_ =	shalt  }
0x5e: {  	_ =	shalt  }
0x5f: {  	_ =	shalt  }
0x60: {  	_ =	shalt  }
0x61: {  	_ =	shalt  }
0x62: {  	_ =	shalt  }
0x63: {  	_ =	shalt  }
0x64: {  	_ =	shalt  }
0x65: {  	_ =	shalt  }
0x66: {  	_ =	shalt  }
0x67: {  	_ =	shalt  }
0x68: {  	_ =	shalt  }
0x69: {  	_ =	shalt  }
0x6a: {  	_ =	shalt  }
0x6b: {  	_ =	shalt  }
0x6c: {  	_ =	shalt  }
0x6d: {  	_ =	shalt  }
0x6e: {  	_ =	shalt  }
0x6f: {  	_ =	shalt  }
0x70: {  	_ =	shalt  }
0x71: {  	_ =	shalt  }
0x72: {  	_ =	shalt  }
0x73: {  	_ =	shalt  }
0x74: {  	_ =	shalt  }
0x75: {  	_ =	shalt  }
0x76: {  	_ =	shalt  }
0x77: {  	_ =	shalt  }
0x78: {  	_ =	shalt  }
0x79: {  	_ =	shalt  }
0x7a: {  	_ =	shalt  }
0x7b: {  	_ =	shalt  }
0x7c: {  	_ =	shalt  }
0x7d: {  	_ =	shalt  }
0x7e: {  	_ =	shalt  }
0x7f: {  	_ =	shalt  }
0x80: {  	_ =	shalt  }
0x81: {  	_ =	shalt  }
0x82: {  	_ =	shalt  }
0x83: {  	_ =	shalt  }
0x84: {  	_ =	shalt  }
0x85: {  	_ =	shalt  }
0x86: {  	_ =	shalt  }
0x87: {  	_ =	shalt  }
.Lfunc_end0:
.L_simem_size_0:
called_computation_lowered:
.L_overlay_start_0:
0x88: {  	s2 =	sld [smem:$0x3FD9]  }
0x89: {  	s3 =	sld [smem:$0x3FFE];
	_ =	sdelay $0x1  }
0x8a: {  	s1 =	srdreg.scid  }
0x8b: {  	s0 =	sand.u32 $0x1, s1  }
0x8c: {  	s17 =	sshll.u32 s0, $0xA;
	s2 =	sadd.s32 s3, s2  }
0x8d: {  	s2 =	sadd.s32 s2, s17  }
0x8e: {  	[smem:$0x3FC2] =	sst s2  }
0x8f: {  	_ = 	snop  }
0x90: {  	s2 =	sld [smem:$0x3FC9]  }
0x91: {  	s18 =	sld [smem:$0x3FC8]  }
0x92: {  	s4 =	sld [smem:$0x3FC7];
	(tm) =	ssettm $0x1  }
0x93: {  	s5 =	sld [smem:$0x3FFB];
	_ =	sdelay $0x3  }
0x94: {  	_ =	strace s5  }
0x95: {  	s5 =	sld [smem:$0x3FFC];
	_ =	sdelay $0x3  }
0x96: {  	_ =	strace s5  }
0x97: {  	s5 =	sld [smem:$0x3FFD];
	_ =	sdelay $0x3  }
0x98: {  	_ =	strace s5  }
0x99: {  	_ =	strace $0x8FFFFFFF  }
0x9a: {  	s19 =	sld [smem:$0x3FDB];
	_ =	sdelay $0x1  }
0x9b: {  	s6 =	simm.s32 $_scs_section_size  }
0x9c: {  	s7 =	simm.s32 $_size__tile_overlayer_lowered;
	s8 =	simm.s32 $_tile_overlayer_lowered  }
0x9d: {  	s22 =	simm.s32 $0x1BFF;
	s21 =	sshll.u32 s8, $0x1;
	s5 =	sadd.s32 s6, s19  }
0x9e: {  	s9 =	simm.s32 $0x0;
	s20 =	sshll.u32 s7, $0x1;
	s7 =	sadd.s32 s21, s5  }
0x9f: {  	[timem:s9], [sflag:s22] =	dma.local [hbm:s7], s20  }
0xa0: {  	_ =	swait.ge [sflag:s22], s20  }
0xa1: {  	s6 =	ssub.s32 $0x0, s20;
	[sflag:s22] =	ssyncset.done $0x0  }
0xa2: {  	[sflag:s22] =	ssyncadd.s32 s6;
	_ =	sdelay $0x1  }
0xa3: {  	s23 =	simm.s32 $0x1B8B  }
0xa4: {  	_ =	swait.ge [sflag:s23], $0x1  }
0xa5: {  	[sflag:s23] =	ssyncset.done $0x0  }
0xa6: {  	s25 =	simm.s32 $0x1B8E;
	s24 =	sld [smem:$0x3FFE];
	[sflag:s23] =	ssyncadd.s32 $0xFFFFFFFF  }
0xa7: {  	s26 =	simm.s32 $execute0_lowered;
	[smem:$0x3FD2] =	sst s25  }
0xa8: {  	s7 =	sshll.u32 s26, $0x1;
	_ =	strace $0x80000046;
	[dreg:$0x1] =	wrdreg $0xFFFFFFFF  }
0xa9: {  	s28 =	simm.s32 $_size_execute0_lowered;
	s5 =	sadd.s32 s5, s7;
	[dreg:$0x0] =	wrdreg $0x0  }
0xaa: {  	s7 =	sshll.u32 s28, $0x1;
	[dreg:$0x2] =	wrdreg s5  }
0xab: {  	[dreg:$0x3] =	wrdreg s7  }
0xac: {  	[dreg:$0x4] =	wrdreg $0xC0  }
0xad: {  	_ =	task [dreg:s9], $0x5FFFF  }
0xae: {  	[dreg:$0x1] =	wrdreg $0xFFFFFFFF  }
0xaf: {  	[dreg:$0x0] =	wrdreg $0x60  }
0xb0: {  	[dreg:$0x2] =	wrdreg s2  }
0xb1: {  	[dreg:$0x3] =	wrdreg s18  }
0xb2: {  	[dreg:$0x4] =	wrdreg s4  }
0xb3: {  	[dreg:$0x5] =	wrdreg s24  }
0xb4: {  	[dreg:$0x6] =	wrdreg $0x9  }
0xb5: {  	_ =	task.clear_ibuf [dreg:s9], $0x7FFFF;
	_ =	strace $0x90000046  }
0xb6: {  	s29 =	simm.s32 $0x9;
	_ =	strace $0x80000048  }
0xb7: {  	_ =	swait.ge [sflag:s29], $0x1  }
0xb8: {  	[sflag:s29] =	ssyncadd.s32 $0xFFFFFFFF  }
0xb9: {  	_ =	strace $0x90000048  }
0xba: {  	_ =	sfence  }
0xbb: {  	s30 =	sld [smem:$0x0];
	_ =	sdelay $0x2  }
0xbc: {  	s31 =	sshll.u32 s1, $0xD;
	s1 =	sshrl.u32 s1, $0x2  }
0xbd: {  	s3 =	sand.u32 $0x4000, s31;
	s1 =	sadd.s32 s1, s30  }
0xbe: {  	s0 =	sor.u32 s3, s0;
	s1 =	sshll.u32 s1, $0x11  }
0xbf: {  	s0 =	sor.u32 s1, s0  }
0xc0: {  	s0 =	sadd.s32 $0x8F2B, s0  }
0xc1: {  	[sflag:s0] =	ssyncadd.remote.s32 $0x1  }
0xc2: {  	_ =	sfence.sel $0xFFFF  }
0xc3: {  	[dreg:$0x0] =	wrdreg $0xFFFFFFFF;
	(pc) =	sbr.abs _section_cstart, $3  }
0xc4: {  	[dreg:$0x1] =	wrdreg $0xFFFFFFFF  }
0xc5: {  	_ =	task.clear_ibuf [dreg:s9], $0x2FFFF;
	_ =	strace $0x9FFFFFFF  }
0xc6: {  	(tm) =	ssettm $0x7FFFFFFF  }
0xc7: {  	_ =	shalt  }
tec
execute0_lowered:
.L_overlay_start_1:
0x0: {  	(tag) =	ssettag $0x1  }
0x1: {  	s0 =	rddreg [dreg:$0x0]  }
0x2: {  	s1 =	rddreg [dreg:$0x1]  }
0x3: {  	s6 =	rddreg [dreg:$0x2]  }
0x4: {  	s7 =	rddreg [dreg:$0x3];
	s2 =	simm.s32 $0x0;
	s3 =	srdreg.scid  }
0x5: {  	s4 =	stileid.u32;
	s15 =	simm.s32 $0x14000;
	s16 =	simm.s32 $0x4  }
0x6: {  	s17 =	simm.s32 $0x14100;
	s18 =	simm.s32 $0x14200;
	s19 =	simm.s32 $0x80  }
0x7: {  	s29 =	simm.s32 $0x10;
	s20 =	simm.s32 $0x2;
	s21 =	simm.s32 $0x3  }
0x8: {  	s23 =	simm.s32 $0x0;
	[smem:$0x7FF] =	sst s2;
	s8 =	sand.u32 $0x1, s3  }
0x9: {  	s5 =	sshll.u32 s4, $0x1;
	s3 =	sadd.s32 $0xF42A00, s7;
	s4 =	sadd.s32 $0x1FA00, s7  }
0xa: {  	_ =	strace $0x80000047;
	s9 =	sor.u32 s8, s5;
	s5 =	sadd.s32 $0x600, s7  }
0xb: {  	s8 =	ssub.s32 $0x2, s8;
	s10 =	sshll.u32 s9, $0xB;
	s9 =	sshll.u32 s9, $0x6  }
0xc: {  	s25 =	sshrl.u32 s8, $0x1;
	s7 =	sadd.s32 s10, s7;
	s26 =	sadd.s32 s0, s9  }
0xd: {  	s8 =	ssub.s32 s8, s25;
	s28 =	sadd.s32 s6, s9;
	[dreg:$0x5] =	wrdreg s26  }
.Ltmp0:
0xe: {  	s30 =	sadd.s32 s1, s9;
	[dreg:$0x6] =	wrdreg s28;
	(pc) =	sbr.rel .LBB2_1-.Ltmp0, $4  }
0xf: {  	s9 =	sor.u32 $0x20, s9;
	[dreg:$0x7] =	wrdreg s30;
	s31 =	sadd.s32 $0x20A00, s7  }
0x10: {  	s0 =	sadd.s32 s0, s9;
	s11 =	sadd.s32 s6, s9;
	s12 =	sadd.s32 s1, s9  }
0x11: {  	s13 =	sadd.s32 $0x20E00, s7;
	s14 =	smax.u32 s8, $0x1;
	[dreg:$0x8] =	wrdreg s31  }
0x12: {  	s1 =	simm.s32 $0x1;
	[dreg:$0x9] =	wrdreg s0;
	s0 =	simm.s32 $0x10000  }
.LBB2_19:
0x13: {  	s23 =	sadd.s32 $0x1, s23  }
0x14: {  	p0 =	sne.s32 s23, s14  }
.Ltmp1:
0x15: {  	s6 =	simm.s32 $0xA000;
	(pc) =	sbr.rel @!p0 .LBB2_20-.Ltmp1, $4  }
0x16: {  	[hbm4b:s13+s2] =	stream.linear.scatter [tilespmem:s6], [sflag:$0x4], $0x2000, $0x38;
	[tilespmem:$0x14300] =	vst v63  }
0x17: {  	_ =	swait.ge [sflag:s16], $0x2000  }
0x18: {  	[sflag:s16] =	ssyncset.done $0x0  }
0x19: {  	[sflag:s16] =	ssyncadd.s32 $0xFFFFE000  }
.LBB2_1:
0x1a: {  	s6 =	rddreg [dreg:$0x5]  }
0x1b: {  	[tilespmem:s15], [sflag:$0x4] =	stream.linear.gather [hbm4b:s6+s2], $0x100, $0x38;
	[tilespmem:$0x14300] =	vst v63  }
0x1c: {  	_ =	swait.ge [sflag:s16], $0x100  }
0x1d: {  	[sflag:s16] =	ssyncset.done $0x0  }
0x1e: {  	s7 =	rddreg [dreg:$0x6];
	[sflag:s16] =	ssyncadd.s32 $0xFFFFFF00  }
0x1f: {  	[tilespmem:s17], [sflag:$0x4] =	stream.linear.gather [hbm4b:s7+s2], $0x100, $0x38;
	[tilespmem:$0x14300] =	vst v63  }
0x20: {  	_ =	swait.ge [sflag:s16], $0x100  }
0x21: {  	[sflag:s16] =	ssyncset.done $0x0  }
0x22: {  	s8 =	rddreg [dreg:$0x7];
	[sflag:s16] =	ssyncadd.s32 $0xFFFFFF00  }
0x23: {  	[tilespmem:s18], [sflag:$0x4] =	stream.linear.gather [hbm4b:s8+s2], $0x100, $0x38;
	[tilespmem:$0x14300] =	vst v63  }
0x24: {  	_ =	swait.ge [sflag:s16], $0x100  }
0x25: {  	[sflag:s16] =	ssyncset.done $0x0  }
0x26: {  	[sflag:s16] =	ssyncadd.s32 $0xFFFFFF00  }
0x27: {  	[tilespmem:s2], [sflag:$0x1] =	stream.indirect.gather [hbm4b:s3+s19], $0x40, s15, s19, $0xb8;
	[tilespmem:$0x14300] =	vst v63  }
0x28: {  	s9 =	simm.s32 $0x4000  }
0x29: {  	[tilespmem:s9], [sflag:$0x1] =	stream.indirect.gather [hbm4b:s3+s19], $0x40, s17, s19, $0xb8;
	[tilespmem:$0x14300] =	vst v63  }
0x2a: {  	s10 =	simm.s32 $0x8000  }
0x2b: {  	[tilespmem:s10], [sflag:$0x1] =	stream.indirect.gather [hbm4b:s4+s19], $0x20, s18, s19, $0xb8;
	[tilespmem:$0x14300] =	vst v63  }
0x2c: {  	s22 =	simm.s32 $0x14080;
	s7 =	simm.s32 $0x2000  }
0x2d: {  	[tilespmem:s7], [sflag:$0x1] =	stream.indirect.gather [hbm4b:s3+s19], $0x40, s22, s19, $0xb8;
	[tilespmem:$0x14300] =	vst v63  }
0x2e: {  	s24 =	simm.s32 $0x14180;
	s25 =	simm.s32 $0x6000  }
0x2f: {  	[tilespmem:s25], [sflag:$0x1] =	stream.indirect.gather [hbm4b:s3+s19], $0x40, s24, s19, $0xb8;
	[tilespmem:$0x14300] =	vst v63  }
0x30: {  	s26 =	simm.s32 $0x14280;
	s28 =	simm.s32 $0x9000  }
0x31: {  	[tilespmem:s28], [sflag:$0x1] =	stream.indirect.gather [hbm4b:s4+s19], $0x20, s26, s19, $0xb8;
	[tilespmem:$0x14300] =	vst v63  }
0x32: {  	s30 =	simm.s32 $0xC000  }
0x33: {  	[tilespmem:s30], [sflag:$0x2] =	stream.indirect.gather [hbm4b:s5+s29], $0x400, s18, s29, $0xb8;
	[tilespmem:$0x14300] =	vst v63  }
0x34: {  	s31 =	simm.s32 $0x14210  }
0x35: {  	[tilespmem:s0], [sflag:$0x3] =	stream.indirect.gather [hbm4b:s5+s29], $0x400, s31, s29, $0xb8;
	[tilespmem:$0x14300] =	vst v63  }
0x36: {  	_ =	swait.ge [sflag:s1], $0x2000  }
0x37: {  	[sflag:s1] =	ssyncset.done $0x0  }
0x38: {  	[sflag:s1] =	ssyncadd.s32 $0xFFFFE000  }
0x39: {  	_ =	swait.ge [sflag:s1], $0x2000  }
0x3a: {  	[sflag:s1] =	ssyncset.done $0x0  }
0x3b: {  	[sflag:s1] =	ssyncadd.s32 $0xFFFFE000  }
0x3c: {  	_ =	swait.ge [sflag:s1], $0x1000  }
0x3d: {  	[sflag:s1] =	ssyncset.done $0x0  }
0x3e: {  	[sflag:s1] =	ssyncadd.s32 $0xFFFFF000  }
0x3f: {  	_ =	swait.ge [sflag:s1], $0x2000  }
0x40: {  	[sflag:s1] =	ssyncset.done $0x0  }
0x41: {  	[sflag:s1] =	ssyncadd.s32 $0xFFFFE000  }
0x42: {  	_ =	swait.ge [sflag:s1], $0x2000  }
0x43: {  	[sflag:s1] =	ssyncset.done $0x0  }
0x44: {  	[sflag:s1] =	ssyncadd.s32 $0xFFFFE000  }
0x45: {  	_ =	swait.ge [sflag:s1], $0x1000  }
0x46: {  	[sflag:s1] =	ssyncset.done $0x0  }
0x47: {  	s6 =	simm.s32 $0x0;
	[sflag:s1] =	ssyncadd.s32 $0xFFFFF000  }
0x48: {  	s7 =	simm.s32 $0x40;
	v0 =	vld [tilespmem:s6+$0x4000]  }
.LBB2_2:
0x49: {  	p0 =	sne.s32 s7, $0xFFC0;
	v1 =	vld [tilespmem:s6+$0x0];
	_ =	sdelay $0x2  }
.Ltmp2:
0x4a: {  	(pc) =	sbr.rel @p0 .LBB2_2-.Ltmp2, $4  }
0x4b: {  	_ = 	snop  }
0x4c: {  	v1 =	vsub.f32 v1, v0  }
0x4d: {  	s8 =	sshra.s32 s7, $0x2  }
0x4e: {  	s7 =	sadd.s32 $0x40, s7;
	v0 =	vld [tilespmem:s8+$0x4000];
	[tilespmem:s6+$0x0] =	vst v1;
	s6 =	smov.u32 s8  }
0x4f: {  	v1 =	vld [tilespmem:s6+$0x0];
	_ =	sdelay $0x4  }
0x50: {  	s24 =	simm.s32 $0x0;
	v0 =	vsub.f32 v1, v0  }
0x51: {  	s25 =	simm.s32 $0x20;
	s26 =	simm.s32 $0xA010;
	s28 =	simm.s32 $0x8010  }
0x52: {  	s30 =	simm.s32 $0xA210;
	s31 =	simm.s32 $0x8210;
	s9 =	simm.s32 $0x430;
	[tilespmem:s6+$0x0] =	vst v0  }
.LBB2_4:
0x53: {  	_ =	swait.ge [sflag:s20], $0x4000  }
0x54: {  	s6 =	simm.s32 $0xC200;
	[sflag:s20] =	ssyncset.done $0x0  }
0x55: {  	v0 =	vmov s28;
	v1 =	vmov s26;
	s7 =	smov.u32 s25;
	s8 =	simm.s32 $0x0;
	[sflag:s20] =	ssyncadd.s32 $0xFFFFC000  }
.LBB2_5:
0x56: {  	v3 =	vld [tilespmem:s7+$0xFFFFFFE0]  }
0x57: {  	v2 =	vld [tilespmem:s6+$0xFFFFFE00]  }
0x58: {  	v4 =	vld [tilespmem:s6+$0xFFFFFE10]  }
0x59: {  	v9 =	vld [tilespmem:s6+$0xFFFFFE20]  }
0x5a: {  	v11 =	vld [tilespmem:s6+$0xFFFFFE30]  }
0x5b: {  	v48 =	vld [tilespmem:s6+$0xFFFFFE40]  }
0x5c: {  	v52 =	vld [tilespmem:s6+$0xFFFFFE50]  }
0x5d: {  	v56 =	vld [tilespmem:s6+$0xFFFFFE60]  }
0x5e: {  	v60 =	vld [tilespmem:s6+$0xFFFFFE70];
	v7 =	vbroadcast v3, $0x0;
	v8 =	vunpack.i.l.bf16.f32 v2;
	v2 =	vunpack.i.u.bf16.f32 v2  }
0x5f: {  	v13 =	vld [tilespmem:s6+$0xFFFFFE80];
	v10 =	vbroadcast v3, $0x1;
	v45 =	vunpack.i.l.bf16.f32 v4;
	v4 =	vunpack.i.u.bf16.f32 v4  }
0x60: {  	v17 =	vld [tilespmem:s6+$0xFFFFFE90];
	v46 =	vbroadcast v3, $0x2;
	v47 =	vunpack.i.l.bf16.f32 v9;
	v9 =	vunpack.i.u.bf16.f32 v9  }
0x61: {  	v22 =	vld [tilespmem:s6+$0xFFFFFEA0];
	v49 =	vbroadcast v3, $0x3;
	v51 =	vunpack.i.l.bf16.f32 v11;
	v53 =	vunpack.i.u.bf16.f32 v11  }
0x62: {  	v26 =	vld [tilespmem:s6+$0xFFFFFEB0];
	v54 =	vbroadcast v3, $0x4;
	v55 =	vunpack.i.l.bf16.f32 v48;
	v57 =	vbroadcast v3, $0x5  }
0x63: {  	v31 =	vld [tilespmem:s6+$0xFFFFFEC0];
	v59 =	vunpack.i.l.bf16.f32 v52;
	v62 =	vunpack.i.u.bf16.f32 v52;
	v63 =	vbroadcast v3, $0x6  }
0x64: {  	v35 =	vld [tilespmem:s6+$0xFFFFFED0];
	v12 =	vunpack.i.l.bf16.f32 v56;
	v14 =	vbroadcast v3, $0x7;
	v16 =	vunpack.i.l.bf16.f32 v60  }
0x65: {  	s22 =	sshra.s32 s8, $0x2;
	v44 =	vld [tilespmem:s6+$0xFFFFFEF0];
	v19 =	vunpack.i.u.bf16.f32 v60;
	v20 =	vbroadcast v3, $0x8;
	v21 =	vunpack.i.l.bf16.f32 v13  }
0x66: {  	v6 =	vld.idx.msk [tilespmem:v0+s22+$0x0 ss:$0x1], $0xffff;
	v23 =	vbroadcast v3, $0x9;
	v25 =	vunpack.i.l.bf16.f32 v17;
	v28 =	vunpack.i.u.bf16.f32 v17  }
0x67: {  	v29 =	vbroadcast v3, $0xA;
	v30 =	vunpack.i.l.bf16.f32 v22;
	v32 =	vbroadcast v3, $0xB  }
0x68: {  	v34 =	vunpack.i.l.bf16.f32 v26;
	v37 =	vunpack.i.u.bf16.f32 v26;
	v38 =	vbroadcast v3, $0xC  }
0x69: {  	v5 =	vld.idx.msk [tilespmem:v0+s22+$0xFFFFFFF0 ss:$0x1], $0xffff;
	v39 =	vunpack.i.l.bf16.f32 v31;
	v41 =	vbroadcast v3, $0xD;
	v2 =	vmul.f32 v2, v7  }
0x6a: {  	v43 =	vunpack.i.l.bf16.f32 v35;
	v52 =	vunpack.i.l.bf16.f32 v44;
	v8 =	vmul.f32 v8, v7  }
0x6b: {  	v7 =	vmul.f32 v45, v10;
	v4 =	vmul.f32 v4, v10;
	v2 =	vadd.f32 v2, v6  }
0x6c: {  	v50 =	vmul.f32 v9, v46;
	v61 =	vmul.f32 v59, v57;
	v10 =	vunpack.i.u.bf16.f32 v56  }
0x6d: {  	v18 =	vmul.f32 v16, v14;
	v9 =	vunpack.i.u.bf16.f32 v13;
	v2 =	vadd.f32 v4, v2  }
0x6e: {  	v27 =	vmul.f32 v25, v23;
	v36 =	vmul.f32 v34, v32;
	v5 =	vadd.f32 v8, v5  }
0x6f: {  	v40 =	vld [tilespmem:s6+$0xFFFFFEE0];
	v45 =	vmul.f32 v43, v41;
	v4 =	vmul.f32 v53, v49;
	v2 =	vadd.f32 v50, v2  }
0x70: {  	v8 =	vunpack.i.u.bf16.f32 v48;
	v5 =	vadd.f32 v7, v5;
	v7 =	vmul.f32 v47, v46  }
0x71: {  	v15 =	vmul.f32 v10, v63;
	v58 =	vmul.f32 v8, v54;
	v2 =	vadd.f32 v4, v2  }
0x72: {  	v24 =	vmul.f32 v9, v20;
	v6 =	vmul.f32 v51, v49;
	v5 =	vadd.f32 v7, v5  }
0x73: {  	v10 =	vunpack.i.u.bf16.f32 v31;
	v4 =	vmul.f32 v62, v57;
	v2 =	vadd.f32 v58, v2  }
0x74: {  	v25 =	vld [tilespmem:s6+$0xFFFFFF60];
	v9 =	vunpack.i.u.bf16.f32 v40;
	v5 =	vadd.f32 v6, v5;
	v6 =	vmul.f32 v55, v54  }
0x75: {  	v34 =	vld [tilespmem:s6+$0xFFFFFF80];
	v42 =	vmul.f32 v10, v38;
	v8 =	vunpack.i.u.bf16.f32 v22;
	v2 =	vadd.f32 v4, v2  }
0x76: {  	v33 =	vmul.f32 v8, v29;
	v46 =	vunpack.i.u.bf16.f32 v35;
	v5 =	vadd.f32 v6, v5  }
0x77: {  	v47 =	vbroadcast v3, $0xE;
	v4 =	vmul.f32 v19, v14;
	v2 =	vadd.f32 v15, v2  }
0x78: {  	v16 =	vld [tilespmem:s6+$0xFFFFFF40];
	v49 =	vunpack.i.l.bf16.f32 v40;
	v6 =	vmul.f32 v12, v63;
	v5 =	vadd.f32 v61, v5  }
0x79: {  	v3 =	vbroadcast v3, $0xF;
	v48 =	vmul.f32 v46, v41;
	v2 =	vadd.f32 v4, v2  }
0x7a: {  	v53 =	vld [tilespmem:s6+$0xFFFFFF10];
	v10 =	vunpack.i.u.bf16.f32 v25;
	v8 =	vunpack.i.u.bf16.f32 v34;
	v5 =	vadd.f32 v6, v5  }
0x7b: {  	v50 =	vld [tilespmem:s6+$0xFFFFFF00];
	v7 =	vmul.f32 v49, v47;
	v4 =	vmul.f32 v28, v23;
	v2 =	vadd.f32 v24, v2  }
0x7c: {  	v51 =	vmul.f32 v9, v47;
	v47 =	vld [tilespmem:s6+$0xFFFFFFB0];
	v6 =	vmul.f32 v21, v20;
	v5 =	vadd.f32 v18, v5  }
0x7d: {  	v9 =	vunpack.i.u.bf16.f32 v16;
	v55 =	vunpack.i.u.bf16.f32 v44;
	v58 =	vld [tilespmem:s6+$0xFFFFFF20];
	v2 =	vadd.f32 v4, v2  }
0x7e: {  	v54 =	vmul.f32 v52, v3;
	v3 =	vmul.f32 v55, v3;
	v63 =	vld [tilespmem:s6+$0xFFFFFF30];
	v5 =	vadd.f32 v6, v5  }
0x7f: {  	v62 =	vunpack.i.l.bf16.f32 v53;
	v4 =	vmul.f32 v37, v32;
	v2 =	vadd.f32 v33, v2  }
0x80: {  	v13 =	vunpack.i.u.bf16.f32 v53;
	v20 =	vld [tilespmem:s6+$0xFFFFFF50];
	v6 =	vmul.f32 v30, v29;
	v5 =	vadd.f32 v27, v5  }
0x81: {  	v57 =	vunpack.i.l.bf16.f32 v50;
	v59 =	vunpack.i.u.bf16.f32 v50;
	v29 =	vld [tilespmem:s6+$0xFFFFFF70];
	v2 =	vadd.f32 v4, v2  }
0x82: {  	v55 =	vunpack.i.l.bf16.f32 v47;
	v5 =	vadd.f32 v6, v5;
	v6 =	vmul.f32 v39, v38;
	v38 =	vld [tilespmem:s6+$0xFFFFFF90]  }
0x83: {  	v15 =	vunpack.i.l.bf16.f32 v58;
	v19 =	vunpack.i.l.bf16.f32 v63;
	v4 =	vadd.f32 v42, v2;
	v2 =	vld [tilespmem:s7+$0xFFFFFFF0]  }
0x84: {  	v22 =	vunpack.i.u.bf16.f32 v63;
	v24 =	vunpack.i.l.bf16.f32 v16;
	v5 =	vadd.f32 v36, v5  }
0x85: {  	v28 =	vunpack.i.l.bf16.f32 v20;
	v31 =	vunpack.i.u.bf16.f32 v20;
	v33 =	vunpack.i.l.bf16.f32 v25  }
0x86: {  	v37 =	vunpack.i.l.bf16.f32 v29;
	v40 =	vunpack.i.u.bf16.f32 v29;
	v5 =	vadd.f32 v6, v5  }
0x87: {  	v42 =	vunpack.i.l.bf16.f32 v34;
	v46 =	vunpack.i.l.bf16.f32 v38;
	v49 =	vunpack.i.u.bf16.f32 v38  }
0x88: {  	v43 =	vld [tilespmem:s6+$0xFFFFFFA0];
	v5 =	vadd.f32 v45, v5;
	v56 =	vbroadcast v2, $0x0;
	v60 =	vbroadcast v2, $0x1  }
0x89: {  	v4 =	vadd.f32 v48, v4;
	v14 =	vbroadcast v2, $0x2;
	v17 =	vbroadcast v2, $0x3  }
0x8a: {  	v5 =	vadd.f32 v7, v5;
	v23 =	vbroadcast v2, $0x4;
	v26 =	vbroadcast v2, $0x5  }
0x8b: {  	v4 =	vadd.f32 v51, v4;
	v32 =	vbroadcast v2, $0x6;
	v35 =	vbroadcast v2, $0x7  }
0x8c: {  	v7 =	vunpack.i.u.bf16.f32 v58;
	v41 =	vbroadcast v2, $0x8;
	v44 =	vbroadcast v2, $0x9  }
0x8d: {  	v51 =	vunpack.i.l.bf16.f32 v43;
	v50 =	vbroadcast v2, $0xA;
	v53 =	vbroadcast v2, $0xB  }
0x8e: {  	v58 =	vunpack.i.u.bf16.f32 v47;
	v16 =	vbroadcast v2, $0xE;
	v6 =	vmul.f32 v57, v56  }
0x8f: {  	v3 =	vadd.f32 v3, v4;
	v61 =	vmul.f32 v59, v56;
	v12 =	vmul.f32 v62, v60  }
0x90: {  	v5 =	vadd.f32 v54, v5;
	v4 =	vmul.f32 v13, v60;
	v18 =	vmul.f32 v7, v14  }
0x91: {  	v21 =	vmul.f32 v19, v17;
	v27 =	vmul.f32 v9, v23;
	v3 =	vadd.f32 v61, v3  }
0x92: {  	v52 =	vld [tilespmem:s6+$0xFFFFFFC0];
	v30 =	vmul.f32 v28, v26;
	v36 =	vmul.f32 v10, v32;
	v5 =	vadd.f32 v6, v5  }
0x93: {  	v39 =	vmul.f32 v37, v35;
	v45 =	vmul.f32 v8, v41;
	v3 =	vadd.f32 v4, v3  }
0x94: {  	v48 =	vmul.f32 v46, v44;
	v6 =	vmul.f32 v15, v14;
	v5 =	vadd.f32 v12, v5  }
0x95: {  	v9 =	vunpack.i.u.bf16.f32 v43;
	v4 =	vmul.f32 v22, v17;
	v3 =	vadd.f32 v18, v3  }
0x96: {  	v56 =	vld [tilespmem:s6+$0xFFFFFFD0];
	v57 =	vmul.f32 v55, v53;
	v59 =	vbroadcast v2, $0xC;
	v5 =	vadd.f32 v6, v5  }
0x97: {  	v60 =	vunpack.i.l.bf16.f32 v52;
	v10 =	vunpack.i.u.bf16.f32 v52;
	v19 =	vld [tilespmem:s6+$0x0];
	v3 =	vadd.f32 v4, v3  }
0x98: {  	v62 =	vbroadcast v2, $0xD;
	v37 =	vld [tilespmem:s6+$0x40];
	v6 =	vmul.f32 v24, v23;
	v5 =	vadd.f32 v21, v5  }
0x99: {  	v2 =	vbroadcast v2, $0xF;
	v46 =	vld [tilespmem:s6+$0x60];
	v4 =	vmul.f32 v31, v26;
	v3 =	vadd.f32 v27, v3  }
0x9a: {  	v13 =	vld [tilespmem:s6+$0xFFFFFFF0];
	v54 =	vmul.f32 v9, v50;
	v63 =	vmul.f32 v10, v59;
	v5 =	vadd.f32 v6, v5  }
0x9b: {  	v61 =	vld [tilespmem:s6+$0xFFFFFFE0];
	v12 =	vunpack.i.l.bf16.f32 v56;
	v15 =	vunpack.i.u.bf16.f32 v56;
	v3 =	vadd.f32 v4, v3  }
0x9c: {  	v28 =	vunpack.i.u.bf16.f32 v19;
	v6 =	vmul.f32 v33, v32;
	v5 =	vadd.f32 v30, v5  }
0x9d: {  	v9 =	vunpack.i.u.bf16.f32 v37;
	v4 =	vmul.f32 v40, v35;
	v3 =	vadd.f32 v36, v3  }
0x9e: {  	v10 =	vunpack.i.u.bf16.f32 v46;
	v14 =	vmul.f32 v12, v62;
	v5 =	vadd.f32 v6, v5  }
0x9f: {  	v55 =	vld [tilespmem:s6+$0x80];
	v17 =	vmul.f32 v15, v62;
	v24 =	vunpack.i.u.bf16.f32 v13;
	v3 =	vadd.f32 v4, v3  }
0xa0: {  	v18 =	vunpack.i.l.bf16.f32 v61;
	v6 =	vmul.f32 v42, v41;
	v5 =	vadd.f32 v39, v5  }
0xa1: {  	v22 =	vld [tilespmem:s6+$0x10];
	v8 =	vunpack.i.u.bf16.f32 v61;
	v4 =	vmul.f32 v49, v44;
	v3 =	vadd.f32 v45, v3  }
0xa2: {  	v7 =	vmul.f32 v18, v16;
	v20 =	vmul.f32 v8, v16;
	v16 =	vld [tilespmem:s6+$0xB0];
	v5 =	vadd.f32 v6, v5  }
0xa3: {  	v21 =	vunpack.i.l.bf16.f32 v13;
	v26 =	vunpack.i.l.bf16.f32 v19;
	v27 =	vld [tilespmem:s6+$0x20];
	v3 =	vadd.f32 v4, v3  }
0xa4: {  	v8 =	vunpack.i.u.bf16.f32 v55;
	v32 =	vld [tilespmem:s6+$0x30];
	v6 =	vmul.f32 v51, v50;
	v5 =	vadd.f32 v48, v5  }
0xa5: {  	v23 =	vmul.f32 v21, v2;
	v41 =	vld [tilespmem:s6+$0x50];
	v4 =	vmul.f32 v58, v53;
	v3 =	vadd.f32 v54, v3  }
0xa6: {  	v2 =	vmul.f32 v24, v2;
	v31 =	vunpack.i.l.bf16.f32 v22;
	v50 =	vld [tilespmem:s6+$0x70];
	v5 =	vadd.f32 v6, v5  }
0xa7: {  	v34 =	vunpack.i.u.bf16.f32 v22;
	v24 =	vunpack.i.l.bf16.f32 v16;
	v3 =	vadd.f32 v4, v3  }
0xa8: {  	v36 =	vunpack.i.l.bf16.f32 v27;
	v6 =	vmul.f32 v60, v59;
	v59 =	vld [tilespmem:s6+$0x90];
	v5 =	vadd.f32 v57, v5  }
0xa9: {  	v40 =	vunpack.i.l.bf16.f32 v32;
	v43 =	vunpack.i.u.bf16.f32 v32;
	v4 =	vadd.f32 v63, v3;
	v3 =	vld [tilespmem:s7+$0x0]  }
0xaa: {  	v45 =	vunpack.i.l.bf16.f32 v37;
	v49 =	vunpack.i.l.bf16.f32 v41;
	v5 =	vadd.f32 v6, v5  }
0xab: {  	v12 =	vld [tilespmem:s6+$0xA0];
	v52 =	vunpack.i.u.bf16.f32 v41;
	v54 =	vunpack.i.l.bf16.f32 v46;
	v58 =	vunpack.i.l.bf16.f32 v50  }
0xac: {  	v61 =	vunpack.i.u.bf16.f32 v50;
	v5 =	vadd.f32 v14, v5;
	v4 =	vadd.f32 v17, v4  }
0xad: {  	v63 =	vunpack.i.l.bf16.f32 v55;
	v15 =	vunpack.i.l.bf16.f32 v59;
	v18 =	vunpack.i.u.bf16.f32 v59  }
0xae: {  	v5 =	vadd.f32 v7, v5;
	v4 =	vadd.f32 v20, v4;
	v25 =	vbroadcast v3, $0x0  }
0xaf: {  	v7 =	vunpack.i.u.bf16.f32 v27;
	v29 =	vbroadcast v3, $0x1;
	v35 =	vbroadcast v3, $0x2  }
0xb0: {  	v20 =	vunpack.i.l.bf16.f32 v12;
	v38 =	vbroadcast v3, $0x3;
	v44 =	vbroadcast v3, $0x4  }
0xb1: {  	v27 =	vunpack.i.u.bf16.f32 v16;
	v47 =	vbroadcast v3, $0x5;
	v53 =	vbroadcast v3, $0x6  }
0xb2: {  	v56 =	vbroadcast v3, $0x7;
	v2 =	vadd.f32 v2, v4;
	v30 =	vmul.f32 v28, v25  }
0xb3: {  	v62 =	vbroadcast v3, $0x8;
	v5 =	vadd.f32 v23, v5;
	v6 =	vmul.f32 v26, v25  }
0xb4: {  	v13 =	vbroadcast v3, $0x9;
	v4 =	vmul.f32 v34, v29;
	v2 =	vadd.f32 v30, v2  }
0xb5: {  	v19 =	vbroadcast v3, $0xA;
	v33 =	vmul.f32 v31, v29;
	v5 =	vadd.f32 v6, v5  }
0xb6: {  	v22 =	vbroadcast v3, $0xB;
	v39 =	vmul.f32 v7, v35;
	v2 =	vadd.f32 v4, v2  }
0xb7: {  	v37 =	vbroadcast v3, $0xE;
	v6 =	vmul.f32 v36, v35;
	v5 =	vadd.f32 v33, v5  }
0xb8: {  	v42 =	vmul.f32 v40, v38;
	v4 =	vmul.f32 v43, v38;
	v2 =	vadd.f32 v39, v2  }
0xb9: {  	v21 =	vld [tilespmem:s6+$0xC0];
	v48 =	vmul.f32 v9, v44;
	v51 =	vmul.f32 v49, v47;
	v5 =	vadd.f32 v6, v5  }
0xba: {  	v57 =	vmul.f32 v10, v53;
	v60 =	vmul.f32 v58, v56;
	v2 =	vadd.f32 v4, v2  }
0xbb: {  	v14 =	vmul.f32 v8, v62;
	v6 =	vmul.f32 v45, v44;
	v5 =	vadd.f32 v42, v5  }
0xbc: {  	v17 =	vmul.f32 v15, v13;
	v4 =	vmul.f32 v52, v47;
	v2 =	vadd.f32 v48, v2  }
0xbd: {  	v9 =	vunpack.i.u.bf16.f32 v12;
	v25 =	vld [tilespmem:s6+$0xD0];
	v26 =	vmul.f32 v24, v22;
	v5 =	vadd.f32 v6, v5  }
0xbe: {  	v28 =	vbroadcast v3, $0xC;
	v29 =	vunpack.i.l.bf16.f32 v21;
	v40 =	vld [tilespmem:s6+$0x100];
	v2 =	vadd.f32 v4, v2  }
0xbf: {  	v10 =	vunpack.i.u.bf16.f32 v21;
	v58 =	vld [tilespmem:s6+$0x140];
	v6 =	vmul.f32 v54, v53;
	v5 =	vadd.f32 v51, v5  }
0xc0: {  	v31 =	vbroadcast v3, $0xD;
	v15 =	vld [tilespmem:s6+$0x160];
	v4 =	vmul.f32 v61, v56;
	v2 =	vadd.f32 v57, v2  }
0xc1: {  	v3 =	vbroadcast v3, $0xF;
	v23 =	vmul.f32 v9, v19;
	v30 =	vld [tilespmem:s6+$0xE0];
	v5 =	vadd.f32 v6, v5  }
0xc2: {  	v32 =	vmul.f32 v10, v28;
	v33 =	vunpack.i.l.bf16.f32 v25;
	v2 =	vadd.f32 v4, v2  }
0xc3: {  	v36 =	vunpack.i.u.bf16.f32 v25;
	v6 =	vmul.f32 v63, v62;
	v5 =	vadd.f32 v60, v5  }
0xc4: {  	v49 =	vunpack.i.u.bf16.f32 v40;
	v4 =	vmul.f32 v18, v13;
	v2 =	vadd.f32 v14, v2  }
0xc5: {  	v34 =	vld [tilespmem:s6+$0xF0];
	v9 =	vunpack.i.u.bf16.f32 v58;
	v10 =	vunpack.i.u.bf16.f32 v15;
	v5 =	vadd.f32 v6, v5  }
0xc6: {  	v24 =	vld [tilespmem:s6+$0x180];
	v39 =	vunpack.i.l.bf16.f32 v30;
	v8 =	vunpack.i.u.bf16.f32 v30;
	v2 =	vadd.f32 v4, v2  }
0xc7: {  	v43 =	vld [tilespmem:s6+$0x110];
	v7 =	vmul.f32 v39, v37;
	v6 =	vmul.f32 v20, v19;
	v5 =	vadd.f32 v17, v5  }
0xc8: {  	v41 =	vmul.f32 v8, v37;
	v37 =	vld [tilespmem:s6+$0x1B0];
	v4 =	vmul.f32 v27, v22;
	v2 =	vadd.f32 v23, v2  }
0xc9: {  	v35 =	vmul.f32 v33, v31;
	v38 =	vmul.f32 v36, v31;
	v48 =	vld [tilespmem:s6+$0x120];
	v5 =	vadd.f32 v6, v5  }
0xca: {  	v45 =	vunpack.i.u.bf16.f32 v34;
	v42 =	vunpack.i.l.bf16.f32 v34;
	v53 =	vld [tilespmem:s6+$0x130];
	v2 =	vadd.f32 v4, v2  }
0xcb: {  	v47 =	vunpack.i.l.bf16.f32 v40;
	v62 =	vld [tilespmem:s6+$0x150];
	v6 =	vmul.f32 v29, v28;
	v5 =	vadd.f32 v26, v5  }
0xcc: {  	v8 =	vunpack.i.u.bf16.f32 v24;
	v44 =	vmul.f32 v42, v3;
	v4 =	vadd.f32 v32, v2;
	v2 =	vld [tilespmem:s7+$0x10]  }
0xcd: {  	v3 =	vmul.f32 v45, v3;
	v52 =	vunpack.i.l.bf16.f32 v43;
	v19 =	vld [tilespmem:s6+$0x170];
	v5 =	vadd.f32 v6, v5  }
0xce: {  	v55 =	vunpack.i.u.bf16.f32 v43;
	v45 =	vunpack.i.l.bf16.f32 v37;
	v57 =	vunpack.i.l.bf16.f32 v48  }
0xcf: {  	v61 =	vunpack.i.l.bf16.f32 v53;
	v12 =	vunpack.i.u.bf16.f32 v53;
	v5 =	vadd.f32 v35, v5  }
0xd0: {  	v14 =	vunpack.i.l.bf16.f32 v58;
	v18 =	vunpack.i.l.bf16.f32 v62;
	v4 =	vadd.f32 v38, v4  }
0xd1: {  	v21 =	vunpack.i.u.bf16.f32 v62;
	v5 =	vadd.f32 v7, v5;
	v46 =	vbroadcast v2, $0x0  }
0xd2: {  	v23 =	vunpack.i.l.bf16.f32 v15;
	v27 =	vunpack.i.l.bf16.f32 v19;
	v4 =	vadd.f32 v41, v4  }
0xd3: {  	v50 =	vbroadcast v2, $0x1;
	v5 =	vadd.f32 v44, v5;
	v6 =	vmul.f32 v47, v46  }
0xd4: {  	v30 =	vunpack.i.u.bf16.f32 v19;
	v3 =	vadd.f32 v3, v4;
	v51 =	vmul.f32 v49, v46  }
0xd5: {  	v28 =	vld [tilespmem:s6+$0x190];
	v56 =	vbroadcast v2, $0x2;
	v54 =	vmul.f32 v52, v50;
	v5 =	vadd.f32 v6, v5  }
0xd6: {  	v7 =	vunpack.i.u.bf16.f32 v48;
	v4 =	vmul.f32 v55, v50;
	v3 =	vadd.f32 v51, v3  }
0xd7: {  	v59 =	vbroadcast v2, $0x3;
	v6 =	vmul.f32 v57, v56;
	v5 =	vadd.f32 v54, v5  }
0xd8: {  	v32 =	vunpack.i.l.bf16.f32 v24;
	v60 =	vmul.f32 v7, v56;
	v3 =	vadd.f32 v4, v3  }
0xd9: {  	v33 =	vld [tilespmem:s6+$0x1A0];
	v13 =	vbroadcast v2, $0x4;
	v63 =	vmul.f32 v61, v59;
	v5 =	vadd.f32 v6, v5  }
0xda: {  	v36 =	vunpack.i.l.bf16.f32 v28;
	v4 =	vmul.f32 v12, v59;
	v3 =	vadd.f32 v60, v3  }
0xdb: {  	v16 =	vbroadcast v2, $0x5;
	v6 =	vmul.f32 v14, v13;
	v5 =	vadd.f32 v63, v5  }
0xdc: {  	v39 =	vunpack.i.u.bf16.f32 v28;
	v17 =	vmul.f32 v9, v13;
	v3 =	vadd.f32 v4, v3  }
0xdd: {  	v22 =	vbroadcast v2, $0x6;
	v20 =	vmul.f32 v18, v16;
	v5 =	vadd.f32 v6, v5  }
0xde: {  	v41 =	vunpack.i.l.bf16.f32 v33;
	v4 =	vmul.f32 v21, v16;
	v3 =	vadd.f32 v17, v3  }
0xdf: {  	v25 =	vbroadcast v2, $0x7;
	v6 =	vmul.f32 v23, v22;
	v5 =	vadd.f32 v20, v5  }
0xe0: {  	v48 =	vunpack.i.u.bf16.f32 v37;
	v26 =	vmul.f32 v10, v22;
	v3 =	vadd.f32 v4, v3  }
0xe1: {  	v31 =	vbroadcast v2, $0x8;
	v29 =	vmul.f32 v27, v25;
	v5 =	vadd.f32 v6, v5  }
0xe2: {  	v34 =	vbroadcast v2, $0x9;
	v4 =	vmul.f32 v30, v25;
	v3 =	vadd.f32 v26, v3  }
0xe3: {  	v40 =	vbroadcast v2, $0xA;
	v6 =	vmul.f32 v32, v31;
	v5 =	vadd.f32 v29, v5  }
0xe4: {  	v42 =	vld [tilespmem:s6+$0x1C0];
	v43 =	vbroadcast v2, $0xB;
	v35 =	vmul.f32 v8, v31;
	v3 =	vadd.f32 v4, v3  }
0xe5: {  	v58 =	vbroadcast v2, $0xE;
	v38 =	vmul.f32 v36, v34;
	v5 =	vadd.f32 v6, v5  }
0xe6: {  	v9 =	vunpack.i.u.bf16.f32 v33;
	v4 =	vmul.f32 v39, v34;
	v3 =	vadd.f32 v35, v3  }
0xe7: {  	v46 =	vld [tilespmem:s6+$0x1D0];
	v47 =	vmul.f32 v45, v43;
	v6 =	vmul.f32 v41, v40;
	v5 =	vadd.f32 v38, v5  }
0xe8: {  	v49 =	vbroadcast v2, $0xC;
	v44 =	vmul.f32 v9, v40;
	v3 =	vadd.f32 v4, v3  }
0xe9: {  	v50 =	vunpack.i.l.bf16.f32 v42;
	v10 =	vunpack.i.u.bf16.f32 v42;
	v51 =	vld [tilespmem:s6+$0x1E0];
	v5 =	vadd.f32 v6, v5  }
0xea: {  	v52 =	vbroadcast v2, $0xD;
	v4 =	vmul.f32 v48, v43;
	v3 =	vadd.f32 v44, v3  }
0xeb: {  	v55 =	vld [tilespmem:s6+$0x1F0];
	v2 =	vbroadcast v2, $0xF;
	v6 =	vmul.f32 v50, v49;
	v5 =	vadd.f32 v47, v5  }
0xec: {  	v53 =	vmul.f32 v10, v49;
	v54 =	vunpack.i.l.bf16.f32 v46;
	v3 =	vadd.f32 v4, v3  }
0xed: {  	v57 =	vunpack.i.u.bf16.f32 v46;
	v56 =	vmul.f32 v54, v52;
	v5 =	vadd.f32 v6, v5  }
0xee: {  	v59 =	vunpack.i.l.bf16.f32 v51;
	v4 =	vmul.f32 v57, v52;
	v3 =	vadd.f32 v53, v3  }
0xef: {  	v8 =	vunpack.i.u.bf16.f32 v51;
	v6 =	vmul.f32 v59, v58;
	v5 =	vadd.f32 v56, v5  }
0xf0: {  	v61 =	vunpack.i.l.bf16.f32 v55;
	v60 =	vmul.f32 v8, v58;
	v3 =	vadd.f32 v4, v3  }
0xf1: {  	p0 =	sne.s32 s8, $0x780;
	v62 =	vunpack.i.u.bf16.f32 v55;
	v7 =	vmul.f32 v61, v2;
	v5 =	vadd.f32 v6, v5  }
.Ltmp3:
0xf2: {  	v2 =	vmul.f32 v62, v2;
	v3 =	vadd.f32 v60, v3;
	(pc) =	sbr.rel @p0 .LBB2_5-.Ltmp3, $4  }
0xf3: {  	v63 =	vadd.f32 v7, v5  }
0xf4: {  	v2 =	vadd.f32 v2, v3  }
0xf5: {  	[tilespmem:v1+s22+$0xFFFFFFF0 ss:$0x1] =	vst.idx.msk $0xffff, v63  }
0xf6: {  	s8 =	sadd.s32 $0x80, s8;
	s7 =	sadd.s32 $0x40, s7;
	s6 =	sadd.s32 $0x400, s6;
	[tilespmem:v1+s22+$0x0 ss:$0x1] =	vst.idx.msk $0xffff, v2  }
0xf7: {  	s6 =	sshll.u32 s24, $0x1;
	p0 =	seq.s32 s24, $0x7  }
0xf8: {  	s7 =	sshll.u32 @!p0 s6, $0x4  }
0xf9: {  	s7 =	sadd.s32 @!p0 $0x20, s7  }
0xfa: {  	s7 =	sand.u32 @!p0 $0x1E0, s7  }
0xfb: {  	s8 =	simm.s32 @!p0 $0x10;
	s10 =	simm.s32 @!p0 $0xC000;
	s7 =	sor.u32 @!p0 $0x14200, s7  }
0xfc: {  	[tilespmem:s10], [sflag:$0x2] =	stream.indirect.gather @!p0 [hbm4b:s5+s8], $0x400, s7, s8, $0xb8;
	[tilespmem:$0x14300] =	vst v63  }
0xfd: {  	_ =	swait.ge [sflag:s21], $0x4000  }
0xfe: {  	s22 =	smov.u32 s9;
	[sflag:s21] =	ssyncset.done $0x0  }
0xff: {  	v0 =	vmov s31;
	v1 =	vmov s30;
	s7 =	simm.s32 $0x0;
	s8 =	simm.s32 $0x10200;
	[sflag:s21] =	ssyncadd.s32 $0xFFFFC000  }
.LBB2_7:
0x100: {  	v3 =	vld [tilespmem:s22+$0xFFFFFFD0]  }
0x101: {  	v2 =	vld [tilespmem:s8+$0xFFFFFE00]  }
0x102: {  	v4 =	vld [tilespmem:s8+$0xFFFFFE10]  }
0x103: {  	v9 =	vld [tilespmem:s8+$0xFFFFFE20]  }
0x104: {  	v11 =	vld [tilespmem:s8+$0xFFFFFE30]  }
0x105: {  	v48 =	vld [tilespmem:s8+$0xFFFFFE40]  }
0x106: {  	v52 =	vld [tilespmem:s8+$0xFFFFFE50]  }
0x107: {  	v56 =	vld [tilespmem:s8+$0xFFFFFE60]  }
0x108: {  	v60 =	vld [tilespmem:s8+$0xFFFFFE70];
	v7 =	vbroadcast v3, $0x0;
	v8 =	vunpack.i.l.bf16.f32 v2;
	v2 =	vunpack.i.u.bf16.f32 v2  }
0x109: {  	v13 =	vld [tilespmem:s8+$0xFFFFFE80];
	v10 =	vbroadcast v3, $0x1;
	v45 =	vunpack.i.l.bf16.f32 v4;
	v4 =	vunpack.i.u.bf16.f32 v4  }
0x10a: {  	v17 =	vld [tilespmem:s8+$0xFFFFFE90];
	v46 =	vbroadcast v3, $0x2;
	v47 =	vunpack.i.l.bf16.f32 v9;
	v9 =	vunpack.i.u.bf16.f32 v9  }
0x10b: {  	v22 =	vld [tilespmem:s8+$0xFFFFFEA0];
	v49 =	vbroadcast v3, $0x3;
	v51 =	vunpack.i.l.bf16.f32 v11;
	v53 =	vunpack.i.u.bf16.f32 v11  }
0x10c: {  	v26 =	vld [tilespmem:s8+$0xFFFFFEB0];
	v54 =	vbroadcast v3, $0x4;
	v55 =	vunpack.i.l.bf16.f32 v48;
	v57 =	vbroadcast v3, $0x5  }
0x10d: {  	v31 =	vld [tilespmem:s8+$0xFFFFFEC0];
	v59 =	vunpack.i.l.bf16.f32 v52;
	v62 =	vunpack.i.u.bf16.f32 v52;
	v63 =	vbroadcast v3, $0x6  }
0x10e: {  	v35 =	vld [tilespmem:s8+$0xFFFFFED0];
	v12 =	vunpack.i.l.bf16.f32 v56;
	v14 =	vbroadcast v3, $0x7;
	v16 =	vunpack.i.l.bf16.f32 v60  }
0x10f: {  	s10 =	sshra.s32 s7, $0x2;
	v44 =	vld [tilespmem:s8+$0xFFFFFEF0];
	v19 =	vunpack.i.u.bf16.f32 v60;
	v20 =	vbroadcast v3, $0x8;
	v21 =	vunpack.i.l.bf16.f32 v13  }
0x110: {  	v6 =	vld.idx.msk [tilespmem:v0+s10+$0x0 ss:$0x1], $0xffff;
	v23 =	vbroadcast v3, $0x9;
	v25 =	vunpack.i.l.bf16.f32 v17;
	v28 =	vunpack.i.u.bf16.f32 v17  }
0x111: {  	v29 =	vbroadcast v3, $0xA;
	v30 =	vunpack.i.l.bf16.f32 v22;
	v32 =	vbroadcast v3, $0xB  }
0x112: {  	v34 =	vunpack.i.l.bf16.f32 v26;
	v37 =	vunpack.i.u.bf16.f32 v26;
	v38 =	vbroadcast v3, $0xC  }
0x113: {  	v5 =	vld.idx.msk [tilespmem:v0+s10+$0xFFFFFFF0 ss:$0x1], $0xffff;
	v39 =	vunpack.i.l.bf16.f32 v31;
	v41 =	vbroadcast v3, $0xD;
	v2 =	vmul.f32 v2, v7  }
0x114: {  	v43 =	vunpack.i.l.bf16.f32 v35;
	v52 =	vunpack.i.l.bf16.f32 v44;
	v8 =	vmul.f32 v8, v7  }
0x115: {  	v7 =	vmul.f32 v45, v10;
	v4 =	vmul.f32 v4, v10;
	v2 =	vadd.f32 v2, v6  }
0x116: {  	v50 =	vmul.f32 v9, v46;
	v61 =	vmul.f32 v59, v57;
	v10 =	vunpack.i.u.bf16.f32 v56  }
0x117: {  	v18 =	vmul.f32 v16, v14;
	v9 =	vunpack.i.u.bf16.f32 v13;
	v2 =	vadd.f32 v4, v2  }
0x118: {  	v27 =	vmul.f32 v25, v23;
	v36 =	vmul.f32 v34, v32;
	v5 =	vadd.f32 v8, v5  }
0x119: {  	v40 =	vld [tilespmem:s8+$0xFFFFFEE0];
	v45 =	vmul.f32 v43, v41;
	v4 =	vmul.f32 v53, v49;
	v2 =	vadd.f32 v50, v2  }
0x11a: {  	v8 =	vunpack.i.u.bf16.f32 v48;
	v5 =	vadd.f32 v7, v5;
	v7 =	vmul.f32 v47, v46  }
0x11b: {  	v15 =	vmul.f32 v10, v63;
	v58 =	vmul.f32 v8, v54;
	v2 =	vadd.f32 v4, v2  }
0x11c: {  	v24 =	vmul.f32 v9, v20;
	v6 =	vmul.f32 v51, v49;
	v5 =	vadd.f32 v7, v5  }
0x11d: {  	v10 =	vunpack.i.u.bf16.f32 v31;
	v4 =	vmul.f32 v62, v57;
	v2 =	vadd.f32 v58, v2  }
0x11e: {  	v25 =	vld [tilespmem:s8+$0xFFFFFF60];
	v9 =	vunpack.i.u.bf16.f32 v40;
	v5 =	vadd.f32 v6, v5;
	v6 =	vmul.f32 v55, v54  }
0x11f: {  	v34 =	vld [tilespmem:s8+$0xFFFFFF80];
	v42 =	vmul.f32 v10, v38;
	v8 =	vunpack.i.u.bf16.f32 v22;
	v2 =	vadd.f32 v4, v2  }
0x120: {  	v33 =	vmul.f32 v8, v29;
	v46 =	vunpack.i.u.bf16.f32 v35;
	v5 =	vadd.f32 v6, v5  }
0x121: {  	v47 =	vbroadcast v3, $0xE;
	v4 =	vmul.f32 v19, v14;
	v2 =	vadd.f32 v15, v2  }
0x122: {  	v16 =	vld [tilespmem:s8+$0xFFFFFF40];
	v49 =	vunpack.i.l.bf16.f32 v40;
	v6 =	vmul.f32 v12, v63;
	v5 =	vadd.f32 v61, v5  }
0x123: {  	v3 =	vbroadcast v3, $0xF;
	v48 =	vmul.f32 v46, v41;
	v2 =	vadd.f32 v4, v2  }
0x124: {  	v53 =	vld [tilespmem:s8+$0xFFFFFF10];
	v10 =	vunpack.i.u.bf16.f32 v25;
	v8 =	vunpack.i.u.bf16.f32 v34;
	v5 =	vadd.f32 v6, v5  }
0x125: {  	v50 =	vld [tilespmem:s8+$0xFFFFFF00];
	v7 =	vmul.f32 v49, v47;
	v4 =	vmul.f32 v28, v23;
	v2 =	vadd.f32 v24, v2  }
0x126: {  	v51 =	vmul.f32 v9, v47;
	v47 =	vld [tilespmem:s8+$0xFFFFFFB0];
	v6 =	vmul.f32 v21, v20;
	v5 =	vadd.f32 v18, v5  }
0x127: {  	v9 =	vunpack.i.u.bf16.f32 v16;
	v55 =	vunpack.i.u.bf16.f32 v44;
	v58 =	vld [tilespmem:s8+$0xFFFFFF20];
	v2 =	vadd.f32 v4, v2  }
0x128: {  	v54 =	vmul.f32 v52, v3;
	v3 =	vmul.f32 v55, v3;
	v63 =	vld [tilespmem:s8+$0xFFFFFF30];
	v5 =	vadd.f32 v6, v5  }
0x129: {  	v62 =	vunpack.i.l.bf16.f32 v53;
	v4 =	vmul.f32 v37, v32;
	v2 =	vadd.f32 v33, v2  }
0x12a: {  	v13 =	vunpack.i.u.bf16.f32 v53;
	v20 =	vld [tilespmem:s8+$0xFFFFFF50];
	v6 =	vmul.f32 v30, v29;
	v5 =	vadd.f32 v27, v5  }
0x12b: {  	v57 =	vunpack.i.l.bf16.f32 v50;
	v59 =	vunpack.i.u.bf16.f32 v50;
	v29 =	vld [tilespmem:s8+$0xFFFFFF70];
	v2 =	vadd.f32 v4, v2  }
0x12c: {  	v55 =	vunpack.i.l.bf16.f32 v47;
	v5 =	vadd.f32 v6, v5;
	v6 =	vmul.f32 v39, v38;
	v38 =	vld [tilespmem:s8+$0xFFFFFF90]  }
0x12d: {  	v15 =	vunpack.i.l.bf16.f32 v58;
	v19 =	vunpack.i.l.bf16.f32 v63;
	v4 =	vadd.f32 v42, v2;
	v2 =	vld [tilespmem:s22+$0xFFFFFFE0]  }
0x12e: {  	v22 =	vunpack.i.u.bf16.f32 v63;
	v24 =	vunpack.i.l.bf16.f32 v16;
	v5 =	vadd.f32 v36, v5  }
0x12f: {  	v28 =	vunpack.i.l.bf16.f32 v20;
	v31 =	vunpack.i.u.bf16.f32 v20;
	v33 =	vunpack.i.l.bf16.f32 v25  }
0x130: {  	v37 =	vunpack.i.l.bf16.f32 v29;
	v40 =	vunpack.i.u.bf16.f32 v29;
	v5 =	vadd.f32 v6, v5  }
0x131: {  	v42 =	vunpack.i.l.bf16.f32 v34;
	v46 =	vunpack.i.l.bf16.f32 v38;
	v49 =	vunpack.i.u.bf16.f32 v38  }
0x132: {  	v43 =	vld [tilespmem:s8+$0xFFFFFFA0];
	v5 =	vadd.f32 v45, v5;
	v56 =	vbroadcast v2, $0x0;
	v60 =	vbroadcast v2, $0x1  }
0x133: {  	v4 =	vadd.f32 v48, v4;
	v14 =	vbroadcast v2, $0x2;
	v17 =	vbroadcast v2, $0x3  }
0x134: {  	v5 =	vadd.f32 v7, v5;
	v23 =	vbroadcast v2, $0x4;
	v26 =	vbroadcast v2, $0x5  }
0x135: {  	v4 =	vadd.f32 v51, v4;
	v32 =	vbroadcast v2, $0x6;
	v35 =	vbroadcast v2, $0x7  }
0x136: {  	v7 =	vunpack.i.u.bf16.f32 v58;
	v41 =	vbroadcast v2, $0x8;
	v44 =	vbroadcast v2, $0x9  }
0x137: {  	v51 =	vunpack.i.l.bf16.f32 v43;
	v50 =	vbroadcast v2, $0xA;
	v53 =	vbroadcast v2, $0xB  }
0x138: {  	v58 =	vunpack.i.u.bf16.f32 v47;
	v16 =	vbroadcast v2, $0xE;
	v6 =	vmul.f32 v57, v56  }
0x139: {  	v3 =	vadd.f32 v3, v4;
	v61 =	vmul.f32 v59, v56;
	v12 =	vmul.f32 v62, v60  }
0x13a: {  	v5 =	vadd.f32 v54, v5;
	v4 =	vmul.f32 v13, v60;
	v18 =	vmul.f32 v7, v14  }
0x13b: {  	v21 =	vmul.f32 v19, v17;
	v27 =	vmul.f32 v9, v23;
	v3 =	vadd.f32 v61, v3  }
0x13c: {  	v52 =	vld [tilespmem:s8+$0xFFFFFFC0];
	v30 =	vmul.f32 v28, v26;
	v36 =	vmul.f32 v10, v32;
	v5 =	vadd.f32 v6, v5  }
0x13d: {  	v39 =	vmul.f32 v37, v35;
	v45 =	vmul.f32 v8, v41;
	v3 =	vadd.f32 v4, v3  }
0x13e: {  	v48 =	vmul.f32 v46, v44;
	v6 =	vmul.f32 v15, v14;
	v5 =	vadd.f32 v12, v5  }
0x13f: {  	v9 =	vunpack.i.u.bf16.f32 v43;
	v4 =	vmul.f32 v22, v17;
	v3 =	vadd.f32 v18, v3  }
0x140: {  	v56 =	vld [tilespmem:s8+$0xFFFFFFD0];
	v57 =	vmul.f32 v55, v53;
	v59 =	vbroadcast v2, $0xC;
	v5 =	vadd.f32 v6, v5  }
0x141: {  	v60 =	vunpack.i.l.bf16.f32 v52;
	v10 =	vunpack.i.u.bf16.f32 v52;
	v19 =	vld [tilespmem:s8+$0x0];
	v3 =	vadd.f32 v4, v3  }
0x142: {  	v62 =	vbroadcast v2, $0xD;
	v37 =	vld [tilespmem:s8+$0x40];
	v6 =	vmul.f32 v24, v23;
	v5 =	vadd.f32 v21, v5  }
0x143: {  	v2 =	vbroadcast v2, $0xF;
	v46 =	vld [tilespmem:s8+$0x60];
	v4 =	vmul.f32 v31, v26;
	v3 =	vadd.f32 v27, v3  }
0x144: {  	v13 =	vld [tilespmem:s8+$0xFFFFFFF0];
	v54 =	vmul.f32 v9, v50;
	v63 =	vmul.f32 v10, v59;
	v5 =	vadd.f32 v6, v5  }
0x145: {  	v61 =	vld [tilespmem:s8+$0xFFFFFFE0];
	v12 =	vunpack.i.l.bf16.f32 v56;
	v15 =	vunpack.i.u.bf16.f32 v56;
	v3 =	vadd.f32 v4, v3  }
0x146: {  	v28 =	vunpack.i.u.bf16.f32 v19;
	v6 =	vmul.f32 v33, v32;
	v5 =	vadd.f32 v30, v5  }
0x147: {  	v9 =	vunpack.i.u.bf16.f32 v37;
	v4 =	vmul.f32 v40, v35;
	v3 =	vadd.f32 v36, v3  }
0x148: {  	v10 =	vunpack.i.u.bf16.f32 v46;
	v14 =	vmul.f32 v12, v62;
	v5 =	vadd.f32 v6, v5  }
0x149: {  	v55 =	vld [tilespmem:s8+$0x80];
	v17 =	vmul.f32 v15, v62;
	v24 =	vunpack.i.u.bf16.f32 v13;
	v3 =	vadd.f32 v4, v3  }
0x14a: {  	v18 =	vunpack.i.l.bf16.f32 v61;
	v6 =	vmul.f32 v42, v41;
	v5 =	vadd.f32 v39, v5  }
0x14b: {  	v22 =	vld [tilespmem:s8+$0x10];
	v8 =	vunpack.i.u.bf16.f32 v61;
	v4 =	vmul.f32 v49, v44;
	v3 =	vadd.f32 v45, v3  }
0x14c: {  	v7 =	vmul.f32 v18, v16;
	v20 =	vmul.f32 v8, v16;
	v16 =	vld [tilespmem:s8+$0xB0];
	v5 =	vadd.f32 v6, v5  }
0x14d: {  	v21 =	vunpack.i.l.bf16.f32 v13;
	v26 =	vunpack.i.l.bf16.f32 v19;
	v27 =	vld [tilespmem:s8+$0x20];
	v3 =	vadd.f32 v4, v3  }
0x14e: {  	v8 =	vunpack.i.u.bf16.f32 v55;
	v32 =	vld [tilespmem:s8+$0x30];
	v6 =	vmul.f32 v51, v50;
	v5 =	vadd.f32 v48, v5  }
0x14f: {  	v23 =	vmul.f32 v21, v2;
	v41 =	vld [tilespmem:s8+$0x50];
	v4 =	vmul.f32 v58, v53;
	v3 =	vadd.f32 v54, v3  }
0x150: {  	v2 =	vmul.f32 v24, v2;
	v31 =	vunpack.i.l.bf16.f32 v22;
	v50 =	vld [tilespmem:s8+$0x70];
	v5 =	vadd.f32 v6, v5  }
0x151: {  	v34 =	vunpack.i.u.bf16.f32 v22;
	v24 =	vunpack.i.l.bf16.f32 v16;
	v3 =	vadd.f32 v4, v3  }
0x152: {  	v36 =	vunpack.i.l.bf16.f32 v27;
	v6 =	vmul.f32 v60, v59;
	v59 =	vld [tilespmem:s8+$0x90];
	v5 =	vadd.f32 v57, v5  }
0x153: {  	v40 =	vunpack.i.l.bf16.f32 v32;
	v43 =	vunpack.i.u.bf16.f32 v32;
	v4 =	vadd.f32 v63, v3;
	v3 =	vld [tilespmem:s22+$0xFFFFFFF0]  }
0x154: {  	v45 =	vunpack.i.l.bf16.f32 v37;
	v49 =	vunpack.i.l.bf16.f32 v41;
	v5 =	vadd.f32 v6, v5  }
0x155: {  	v12 =	vld [tilespmem:s8+$0xA0];
	v52 =	vunpack.i.u.bf16.f32 v41;
	v54 =	vunpack.i.l.bf16.f32 v46;
	v58 =	vunpack.i.l.bf16.f32 v50  }
0x156: {  	v61 =	vunpack.i.u.bf16.f32 v50;
	v5 =	vadd.f32 v14, v5;
	v4 =	vadd.f32 v17, v4  }
0x157: {  	v63 =	vunpack.i.l.bf16.f32 v55;
	v15 =	vunpack.i.l.bf16.f32 v59;
	v18 =	vunpack.i.u.bf16.f32 v59  }
0x158: {  	v5 =	vadd.f32 v7, v5;
	v4 =	vadd.f32 v20, v4;
	v25 =	vbroadcast v3, $0x0  }
0x159: {  	v7 =	vunpack.i.u.bf16.f32 v27;
	v29 =	vbroadcast v3, $0x1;
	v35 =	vbroadcast v3, $0x2  }
0x15a: {  	v20 =	vunpack.i.l.bf16.f32 v12;
	v38 =	vbroadcast v3, $0x3;
	v44 =	vbroadcast v3, $0x4  }
0x15b: {  	v27 =	vunpack.i.u.bf16.f32 v16;
	v47 =	vbroadcast v3, $0x5;
	v53 =	vbroadcast v3, $0x6  }
0x15c: {  	v56 =	vbroadcast v3, $0x7;
	v2 =	vadd.f32 v2, v4;
	v30 =	vmul.f32 v28, v25  }
0x15d: {  	v62 =	vbroadcast v3, $0x8;
	v5 =	vadd.f32 v23, v5;
	v6 =	vmul.f32 v26, v25  }
0x15e: {  	v13 =	vbroadcast v3, $0x9;
	v4 =	vmul.f32 v34, v29;
	v2 =	vadd.f32 v30, v2  }
0x15f: {  	v19 =	vbroadcast v3, $0xA;
	v33 =	vmul.f32 v31, v29;
	v5 =	vadd.f32 v6, v5  }
0x160: {  	v22 =	vbroadcast v3, $0xB;
	v39 =	vmul.f32 v7, v35;
	v2 =	vadd.f32 v4, v2  }
0x161: {  	v37 =	vbroadcast v3, $0xE;
	v6 =	vmul.f32 v36, v35;
	v5 =	vadd.f32 v33, v5  }
0x162: {  	v42 =	vmul.f32 v40, v38;
	v4 =	vmul.f32 v43, v38;
	v2 =	vadd.f32 v39, v2  }
0x163: {  	v21 =	vld [tilespmem:s8+$0xC0];
	v48 =	vmul.f32 v9, v44;
	v51 =	vmul.f32 v49, v47;
	v5 =	vadd.f32 v6, v5  }
0x164: {  	v57 =	vmul.f32 v10, v53;
	v60 =	vmul.f32 v58, v56;
	v2 =	vadd.f32 v4, v2  }
0x165: {  	v14 =	vmul.f32 v8, v62;
	v6 =	vmul.f32 v45, v44;
	v5 =	vadd.f32 v42, v5  }
0x166: {  	v17 =	vmul.f32 v15, v13;
	v4 =	vmul.f32 v52, v47;
	v2 =	vadd.f32 v48, v2  }
0x167: {  	v9 =	vunpack.i.u.bf16.f32 v12;
	v25 =	vld [tilespmem:s8+$0xD0];
	v26 =	vmul.f32 v24, v22;
	v5 =	vadd.f32 v6, v5  }
0x168: {  	v28 =	vbroadcast v3, $0xC;
	v29 =	vunpack.i.l.bf16.f32 v21;
	v40 =	vld [tilespmem:s8+$0x100];
	v2 =	vadd.f32 v4, v2  }
0x169: {  	v10 =	vunpack.i.u.bf16.f32 v21;
	v58 =	vld [tilespmem:s8+$0x140];
	v6 =	vmul.f32 v54, v53;
	v5 =	vadd.f32 v51, v5  }
0x16a: {  	v31 =	vbroadcast v3, $0xD;
	v15 =	vld [tilespmem:s8+$0x160];
	v4 =	vmul.f32 v61, v56;
	v2 =	vadd.f32 v57, v2  }
0x16b: {  	v3 =	vbroadcast v3, $0xF;
	v23 =	vmul.f32 v9, v19;
	v30 =	vld [tilespmem:s8+$0xE0];
	v5 =	vadd.f32 v6, v5  }
0x16c: {  	v32 =	vmul.f32 v10, v28;
	v33 =	vunpack.i.l.bf16.f32 v25;
	v2 =	vadd.f32 v4, v2  }
0x16d: {  	v36 =	vunpack.i.u.bf16.f32 v25;
	v6 =	vmul.f32 v63, v62;
	v5 =	vadd.f32 v60, v5  }
0x16e: {  	v49 =	vunpack.i.u.bf16.f32 v40;
	v4 =	vmul.f32 v18, v13;
	v2 =	vadd.f32 v14, v2  }
0x16f: {  	v34 =	vld [tilespmem:s8+$0xF0];
	v9 =	vunpack.i.u.bf16.f32 v58;
	v10 =	vunpack.i.u.bf16.f32 v15;
	v5 =	vadd.f32 v6, v5  }
0x170: {  	v24 =	vld [tilespmem:s8+$0x180];
	v39 =	vunpack.i.l.bf16.f32 v30;
	v8 =	vunpack.i.u.bf16.f32 v30;
	v2 =	vadd.f32 v4, v2  }
0x171: {  	v43 =	vld [tilespmem:s8+$0x110];
	v7 =	vmul.f32 v39, v37;
	v6 =	vmul.f32 v20, v19;
	v5 =	vadd.f32 v17, v5  }
0x172: {  	v41 =	vmul.f32 v8, v37;
	v37 =	vld [tilespmem:s8+$0x1B0];
	v4 =	vmul.f32 v27, v22;
	v2 =	vadd.f32 v23, v2  }
0x173: {  	v35 =	vmul.f32 v33, v31;
	v38 =	vmul.f32 v36, v31;
	v48 =	vld [tilespmem:s8+$0x120];
	v5 =	vadd.f32 v6, v5  }
0x174: {  	v45 =	vunpack.i.u.bf16.f32 v34;
	v42 =	vunpack.i.l.bf16.f32 v34;
	v53 =	vld [tilespmem:s8+$0x130];
	v2 =	vadd.f32 v4, v2  }
0x175: {  	v47 =	vunpack.i.l.bf16.f32 v40;
	v62 =	vld [tilespmem:s8+$0x150];
	v6 =	vmul.f32 v29, v28;
	v5 =	vadd.f32 v26, v5  }
0x176: {  	v8 =	vunpack.i.u.bf16.f32 v24;
	v44 =	vmul.f32 v42, v3;
	v4 =	vadd.f32 v32, v2;
	v2 =	vld [tilespmem:s22+$0x0]  }
0x177: {  	v3 =	vmul.f32 v45, v3;
	v52 =	vunpack.i.l.bf16.f32 v43;
	v19 =	vld [tilespmem:s8+$0x170];
	v5 =	vadd.f32 v6, v5  }
0x178: {  	v55 =	vunpack.i.u.bf16.f32 v43;
	v45 =	vunpack.i.l.bf16.f32 v37;
	v57 =	vunpack.i.l.bf16.f32 v48  }
0x179: {  	v61 =	vunpack.i.l.bf16.f32 v53;
	v12 =	vunpack.i.u.bf16.f32 v53;
	v5 =	vadd.f32 v35, v5  }
0x17a: {  	v14 =	vunpack.i.l.bf16.f32 v58;
	v18 =	vunpack.i.l.bf16.f32 v62;
	v4 =	vadd.f32 v38, v4  }
0x17b: {  	v21 =	vunpack.i.u.bf16.f32 v62;
	v5 =	vadd.f32 v7, v5;
	v46 =	vbroadcast v2, $0x0  }
0x17c: {  	v23 =	vunpack.i.l.bf16.f32 v15;
	v27 =	vunpack.i.l.bf16.f32 v19;
	v4 =	vadd.f32 v41, v4  }
0x17d: {  	v50 =	vbroadcast v2, $0x1;
	v5 =	vadd.f32 v44, v5;
	v6 =	vmul.f32 v47, v46  }
0x17e: {  	v30 =	vunpack.i.u.bf16.f32 v19;
	v3 =	vadd.f32 v3, v4;
	v51 =	vmul.f32 v49, v46  }
0x17f: {  	v28 =	vld [tilespmem:s8+$0x190];
	v56 =	vbroadcast v2, $0x2;
	v54 =	vmul.f32 v52, v50;
	v5 =	vadd.f32 v6, v5  }
0x180: {  	v7 =	vunpack.i.u.bf16.f32 v48;
	v4 =	vmul.f32 v55, v50;
	v3 =	vadd.f32 v51, v3  }
0x181: {  	v59 =	vbroadcast v2, $0x3;
	v6 =	vmul.f32 v57, v56;
	v5 =	vadd.f32 v54, v5  }
0x182: {  	v32 =	vunpack.i.l.bf16.f32 v24;
	v60 =	vmul.f32 v7, v56;
	v3 =	vadd.f32 v4, v3  }
0x183: {  	v33 =	vld [tilespmem:s8+$0x1A0];
	v13 =	vbroadcast v2, $0x4;
	v63 =	vmul.f32 v61, v59;
	v5 =	vadd.f32 v6, v5  }
0x184: {  	v36 =	vunpack.i.l.bf16.f32 v28;
	v4 =	vmul.f32 v12, v59;
	v3 =	vadd.f32 v60, v3  }
0x185: {  	v16 =	vbroadcast v2, $0x5;
	v6 =	vmul.f32 v14, v13;
	v5 =	vadd.f32 v63, v5  }
0x186: {  	v39 =	vunpack.i.u.bf16.f32 v28;
	v17 =	vmul.f32 v9, v13;
	v3 =	vadd.f32 v4, v3  }
0x187: {  	v22 =	vbroadcast v2, $0x6;
	v20 =	vmul.f32 v18, v16;
	v5 =	vadd.f32 v6, v5  }
0x188: {  	v41 =	vunpack.i.l.bf16.f32 v33;
	v4 =	vmul.f32 v21, v16;
	v3 =	vadd.f32 v17, v3  }
0x189: {  	v25 =	vbroadcast v2, $0x7;
	v6 =	vmul.f32 v23, v22;
	v5 =	vadd.f32 v20, v5  }
0x18a: {  	v48 =	vunpack.i.u.bf16.f32 v37;
	v26 =	vmul.f32 v10, v22;
	v3 =	vadd.f32 v4, v3  }
0x18b: {  	v31 =	vbroadcast v2, $0x8;
	v29 =	vmul.f32 v27, v25;
	v5 =	vadd.f32 v6, v5  }
0x18c: {  	v34 =	vbroadcast v2, $0x9;
	v4 =	vmul.f32 v30, v25;
	v3 =	vadd.f32 v26, v3  }
0x18d: {  	v40 =	vbroadcast v2, $0xA;
	v6 =	vmul.f32 v32, v31;
	v5 =	vadd.f32 v29, v5  }
0x18e: {  	v42 =	vld [tilespmem:s8+$0x1C0];
	v43 =	vbroadcast v2, $0xB;
	v35 =	vmul.f32 v8, v31;
	v3 =	vadd.f32 v4, v3  }
0x18f: {  	v58 =	vbroadcast v2, $0xE;
	v38 =	vmul.f32 v36, v34;
	v5 =	vadd.f32 v6, v5  }
0x190: {  	v9 =	vunpack.i.u.bf16.f32 v33;
	v4 =	vmul.f32 v39, v34;
	v3 =	vadd.f32 v35, v3  }
0x191: {  	v46 =	vld [tilespmem:s8+$0x1D0];
	v47 =	vmul.f32 v45, v43;
	v6 =	vmul.f32 v41, v40;
	v5 =	vadd.f32 v38, v5  }
0x192: {  	v49 =	vbroadcast v2, $0xC;
	v44 =	vmul.f32 v9, v40;
	v3 =	vadd.f32 v4, v3  }
0x193: {  	v50 =	vunpack.i.l.bf16.f32 v42;
	v10 =	vunpack.i.u.bf16.f32 v42;
	v51 =	vld [tilespmem:s8+$0x1E0];
	v5 =	vadd.f32 v6, v5  }
0x194: {  	v52 =	vbroadcast v2, $0xD;
	v4 =	vmul.f32 v48, v43;
	v3 =	vadd.f32 v44, v3  }
0x195: {  	v55 =	vld [tilespmem:s8+$0x1F0];
	v2 =	vbroadcast v2, $0xF;
	v6 =	vmul.f32 v50, v49;
	v5 =	vadd.f32 v47, v5  }
0x196: {  	v53 =	vmul.f32 v10, v49;
	v54 =	vunpack.i.l.bf16.f32 v46;
	v3 =	vadd.f32 v4, v3  }
0x197: {  	v57 =	vunpack.i.u.bf16.f32 v46;
	v56 =	vmul.f32 v54, v52;
	v5 =	vadd.f32 v6, v5  }
0x198: {  	v59 =	vunpack.i.l.bf16.f32 v51;
	v4 =	vmul.f32 v57, v52;
	v3 =	vadd.f32 v53, v3  }
0x199: {  	v8 =	vunpack.i.u.bf16.f32 v51;
	v6 =	vmul.f32 v59, v58;
	v5 =	vadd.f32 v56, v5  }
0x19a: {  	v61 =	vunpack.i.l.bf16.f32 v55;
	v60 =	vmul.f32 v8, v58;
	v3 =	vadd.f32 v4, v3  }
0x19b: {  	p1 =	sne.s32 s7, $0x780;
	v62 =	vunpack.i.u.bf16.f32 v55;
	v7 =	vmul.f32 v61, v2;
	v5 =	vadd.f32 v6, v5  }
.Ltmp4:
0x19c: {  	v2 =	vmul.f32 v62, v2;
	v3 =	vadd.f32 v60, v3;
	(pc) =	sbr.rel @p1 .LBB2_7-.Ltmp4, $4  }
0x19d: {  	v63 =	vadd.f32 v7, v5  }
0x19e: {  	v2 =	vadd.f32 v2, v3  }
0x19f: {  	[tilespmem:v1+s10+$0xFFFFFFF0 ss:$0x1] =	vst.idx.msk $0xffff, v63  }
0x1a0: {  	s7 =	sadd.s32 $0x80, s7;
	s22 =	sadd.s32 $0x40, s22;
	s8 =	sadd.s32 $0x400, s8;
	[tilespmem:v1+s10+$0x0 ss:$0x1] =	vst.idx.msk $0xffff, v2  }
.Ltmp5:
0x1a1: {  	(pc) =	sbr.rel @p0 .LBB2_10-.Ltmp5, $1  }
0x1a2: {  	_ =	sdelay $0x3  }
.Ltmp6:
0x1a3: {  	s6 =	sshll.u32 s6, $0x4;
	s24 =	sadd.s32 $0x1, s24;
	(pc) =	sbr.rel .LBB2_4-.Ltmp6, $4  }
0x1a4: {  	s25 =	sadd.s32 $0x800, s25;
	s26 =	sadd.s32 $0x400, s26;
	s6 =	sadd.s32 $0x30, s6  }
0x1a5: {  	s28 =	sadd.s32 $0x400, s28;
	s30 =	sadd.s32 $0x400, s30;
	s6 =	sand.u32 $0x1F0, s6  }
0x1a6: {  	s31 =	sadd.s32 $0x400, s31;
	s9 =	sadd.s32 $0x800, s9;
	s6 =	sor.u32 $0x14200, s6  }
0x1a7: {  	[tilespmem:s0], [sflag:$0x3] =	stream.indirect.gather [hbm4b:s5+s29], $0x400, s6, s29, $0xb8;
	[tilespmem:$0x14300] =	vst v63  }
.LBB2_10:
0x1a8: {  	s24 =	simm.s32 $0x0;
	s6 =	rddreg [dreg:$0x8];
	s7 =	simm.s32 $0xA000  }
0x1a9: {  	[hbm4b:s6+s24] =	stream.linear.scatter [tilespmem:s7], [sflag:$0x4], $0x2000, $0x38;
	[tilespmem:$0x14300] =	vst v63  }
0x1aa: {  	_ =	swait.ge [sflag:s16], $0x2000  }
0x1ab: {  	[sflag:s16] =	ssyncset.done $0x0  }
0x1ac: {  	s31 =	rddreg [dreg:$0x9];
	[sflag:s16] =	ssyncadd.s32 $0xFFFFE000  }
0x1ad: {  	[tilespmem:s15], [sflag:$0x4] =	stream.linear.gather [hbm4b:s31+s24], $0x100, $0x38;
	[tilespmem:$0x14300] =	vst v63  }
0x1ae: {  	_ =	swait.ge [sflag:s16], $0x100  }
0x1af: {  	[sflag:s16] =	ssyncset.done $0x0  }
0x1b0: {  	[sflag:s16] =	ssyncadd.s32 $0xFFFFFF00  }
0x1b1: {  	[tilespmem:s17], [sflag:$0x4] =	stream.linear.gather [hbm4b:s11+s24], $0x100, $0x38;
	[tilespmem:$0x14300] =	vst v63  }
0x1b2: {  	_ =	swait.ge [sflag:s16], $0x100  }
0x1b3: {  	[sflag:s16] =	ssyncset.done $0x0  }
0x1b4: {  	[sflag:s16] =	ssyncadd.s32 $0xFFFFFF00  }
0x1b5: {  	[tilespmem:s18], [sflag:$0x4] =	stream.linear.gather [hbm4b:s12+s24], $0x100, $0x38;
	[tilespmem:$0x14300] =	vst v63  }
0x1b6: {  	_ =	swait.ge [sflag:s16], $0x100  }
0x1b7: {  	[sflag:s16] =	ssyncset.done $0x0  }
0x1b8: {  	[sflag:s16] =	ssyncadd.s32 $0xFFFFFF00  }
0x1b9: {  	[tilespmem:s24], [sflag:$0x1] =	stream.indirect.gather [hbm4b:s3+s19], $0x40, s15, s19, $0xb8;
	[tilespmem:$0x14300] =	vst v63  }
0x1ba: {  	s7 =	simm.s32 $0x4000  }
0x1bb: {  	[tilespmem:s7], [sflag:$0x1] =	stream.indirect.gather [hbm4b:s3+s19], $0x40, s17, s19, $0xb8;
	[tilespmem:$0x14300] =	vst v63  }
0x1bc: {  	s8 =	simm.s32 $0x8000  }
0x1bd: {  	[tilespmem:s8], [sflag:$0x1] =	stream.indirect.gather [hbm4b:s4+s19], $0x20, s18, s19, $0xb8;
	[tilespmem:$0x14300] =	vst v63  }
0x1be: {  	s9 =	simm.s32 $0x14080;
	s10 =	simm.s32 $0x2000  }
0x1bf: {  	[tilespmem:s10], [sflag:$0x1] =	stream.indirect.gather [hbm4b:s3+s19], $0x40, s9, s19, $0xb8;
	[tilespmem:$0x14300] =	vst v63  }
0x1c0: {  	s22 =	simm.s32 $0x14180;
	s25 =	simm.s32 $0x6000  }
0x1c1: {  	[tilespmem:s25], [sflag:$0x1] =	stream.indirect.gather [hbm4b:s3+s19], $0x40, s22, s19, $0xb8;
	[tilespmem:$0x14300] =	vst v63  }
0x1c2: {  	s26 =	simm.s32 $0x14280;
	s28 =	simm.s32 $0x9000  }
0x1c3: {  	[tilespmem:s28], [sflag:$0x1] =	stream.indirect.gather [hbm4b:s4+s19], $0x20, s26, s19, $0xb8;
	[tilespmem:$0x14300] =	vst v63  }
0x1c4: {  	s30 =	simm.s32 $0xC000  }
0x1c5: {  	[tilespmem:s30], [sflag:$0x2] =	stream.indirect.gather [hbm4b:s5+s29], $0x400, s18, s29, $0xb8;
	[tilespmem:$0x14300] =	vst v63  }
0x1c6: {  	s31 =	simm.s32 $0x14210  }
0x1c7: {  	[tilespmem:s0], [sflag:$0x3] =	stream.indirect.gather [hbm4b:s5+s29], $0x400, s31, s29, $0xb8;
	[tilespmem:$0x14300] =	vst v63  }
0x1c8: {  	_ =	swait.ge [sflag:s1], $0x2000  }
0x1c9: {  	[sflag:s1] =	ssyncset.done $0x0  }
0x1ca: {  	[sflag:s1] =	ssyncadd.s32 $0xFFFFE000  }
0x1cb: {  	_ =	swait.ge [sflag:s1], $0x2000  }
0x1cc: {  	[sflag:s1] =	ssyncset.done $0x0  }
0x1cd: {  	[sflag:s1] =	ssyncadd.s32 $0xFFFFE000  }
0x1ce: {  	_ =	swait.ge [sflag:s1], $0x1000  }
0x1cf: {  	[sflag:s1] =	ssyncset.done $0x0  }
0x1d0: {  	[sflag:s1] =	ssyncadd.s32 $0xFFFFF000  }
0x1d1: {  	_ =	swait.ge [sflag:s1], $0x2000  }
0x1d2: {  	[sflag:s1] =	ssyncset.done $0x0  }
0x1d3: {  	[sflag:s1] =	ssyncadd.s32 $0xFFFFE000  }
0x1d4: {  	_ =	swait.ge [sflag:s1], $0x2000  }
0x1d5: {  	[sflag:s1] =	ssyncset.done $0x0  }
0x1d6: {  	[sflag:s1] =	ssyncadd.s32 $0xFFFFE000  }
0x1d7: {  	_ =	swait.ge [sflag:s1], $0x1000  }
0x1d8: {  	[sflag:s1] =	ssyncset.done $0x0  }
0x1d9: {  	s6 =	simm.s32 $0x0;
	[sflag:s1] =	ssyncadd.s32 $0xFFFFF000  }
0x1da: {  	s7 =	simm.s32 $0x40;
	v0 =	vld [tilespmem:s6+$0x4000]  }
.LBB2_11:
0x1db: {  	p0 =	sne.s32 s7, $0xFFC0;
	v1 =	vld [tilespmem:s6+$0x0];
	_ =	sdelay $0x2  }
.Ltmp7:
0x1dc: {  	(pc) =	sbr.rel @p0 .LBB2_11-.Ltmp7, $4  }
0x1dd: {  	_ = 	snop  }
0x1de: {  	v1 =	vsub.f32 v1, v0  }
0x1df: {  	s8 =	sshra.s32 s7, $0x2  }
0x1e0: {  	s7 =	sadd.s32 $0x40, s7;
	v0 =	vld [tilespmem:s8+$0x4000];
	[tilespmem:s6+$0x0] =	vst v1;
	s6 =	smov.u32 s8  }
0x1e1: {  	v1 =	vld [tilespmem:s6+$0x0];
	_ =	sdelay $0x4  }
0x1e2: {  	v0 =	vsub.f32 v1, v0  }
0x1e3: {  	s25 =	simm.s32 $0x20;
	s26 =	simm.s32 $0xA010;
	s28 =	simm.s32 $0x8010  }
0x1e4: {  	s30 =	simm.s32 $0xA210;
	s31 =	simm.s32 $0x8210;
	s22 =	simm.s32 $0x430;
	[tilespmem:s6+$0x0] =	vst v0  }
.LBB2_13:
0x1e5: {  	_ =	swait.ge [sflag:s20], $0x4000  }
0x1e6: {  	s6 =	simm.s32 $0x0;
	[sflag:s20] =	ssyncset.done $0x0  }
0x1e7: {  	s7 =	simm.s32 $0xC200;
	v0 =	vmov s28;
	v1 =	vmov s26;
	s8 =	smov.u32 s25;
	[sflag:s20] =	ssyncadd.s32 $0xFFFFC000  }
.LBB2_14:
0x1e8: {  	v3 =	vld [tilespmem:s8+$0xFFFFFFE0]  }
0x1e9: {  	v2 =	vld [tilespmem:s7+$0xFFFFFE00]  }
0x1ea: {  	v4 =	vld [tilespmem:s7+$0xFFFFFE10]  }
0x1eb: {  	v9 =	vld [tilespmem:s7+$0xFFFFFE20]  }
0x1ec: {  	v11 =	vld [tilespmem:s7+$0xFFFFFE30]  }
0x1ed: {  	v48 =	vld [tilespmem:s7+$0xFFFFFE40]  }
0x1ee: {  	v52 =	vld [tilespmem:s7+$0xFFFFFE50]  }
0x1ef: {  	v56 =	vld [tilespmem:s7+$0xFFFFFE60]  }
0x1f0: {  	v60 =	vld [tilespmem:s7+$0xFFFFFE70];
	v7 =	vbroadcast v3, $0x0;
	v8 =	vunpack.i.l.bf16.f32 v2;
	v2 =	vunpack.i.u.bf16.f32 v2  }
0x1f1: {  	v13 =	vld [tilespmem:s7+$0xFFFFFE80];
	v10 =	vbroadcast v3, $0x1;
	v45 =	vunpack.i.l.bf16.f32 v4;
	v4 =	vunpack.i.u.bf16.f32 v4  }
0x1f2: {  	v17 =	vld [tilespmem:s7+$0xFFFFFE90];
	v46 =	vbroadcast v3, $0x2;
	v47 =	vunpack.i.l.bf16.f32 v9;
	v9 =	vunpack.i.u.bf16.f32 v9  }
0x1f3: {  	v22 =	vld [tilespmem:s7+$0xFFFFFEA0];
	v49 =	vbroadcast v3, $0x3;
	v51 =	vunpack.i.l.bf16.f32 v11;
	v53 =	vunpack.i.u.bf16.f32 v11  }
0x1f4: {  	v26 =	vld [tilespmem:s7+$0xFFFFFEB0];
	v54 =	vbroadcast v3, $0x4;
	v55 =	vunpack.i.l.bf16.f32 v48;
	v57 =	vbroadcast v3, $0x5  }
0x1f5: {  	v31 =	vld [tilespmem:s7+$0xFFFFFEC0];
	v59 =	vunpack.i.l.bf16.f32 v52;
	v62 =	vunpack.i.u.bf16.f32 v52;
	v63 =	vbroadcast v3, $0x6  }
0x1f6: {  	v35 =	vld [tilespmem:s7+$0xFFFFFED0];
	v12 =	vunpack.i.l.bf16.f32 v56;
	v14 =	vbroadcast v3, $0x7;
	v16 =	vunpack.i.l.bf16.f32 v60  }
0x1f7: {  	s9 =	sshra.s32 s6, $0x2;
	v44 =	vld [tilespmem:s7+$0xFFFFFEF0];
	v19 =	vunpack.i.u.bf16.f32 v60;
	v20 =	vbroadcast v3, $0x8;
	v21 =	vunpack.i.l.bf16.f32 v13  }
0x1f8: {  	v6 =	vld.idx.msk [tilespmem:v0+s9+$0x0 ss:$0x1], $0xffff;
	v23 =	vbroadcast v3, $0x9;
	v25 =	vunpack.i.l.bf16.f32 v17;
	v28 =	vunpack.i.u.bf16.f32 v17  }
0x1f9: {  	v29 =	vbroadcast v3, $0xA;
	v30 =	vunpack.i.l.bf16.f32 v22;
	v32 =	vbroadcast v3, $0xB  }
0x1fa: {  	v34 =	vunpack.i.l.bf16.f32 v26;
	v37 =	vunpack.i.u.bf16.f32 v26;
	v38 =	vbroadcast v3, $0xC  }
0x1fb: {  	v5 =	vld.idx.msk [tilespmem:v0+s9+$0xFFFFFFF0 ss:$0x1], $0xffff;
	v39 =	vunpack.i.l.bf16.f32 v31;
	v41 =	vbroadcast v3, $0xD;
	v2 =	vmul.f32 v2, v7  }
0x1fc: {  	v43 =	vunpack.i.l.bf16.f32 v35;
	v52 =	vunpack.i.l.bf16.f32 v44;
	v8 =	vmul.f32 v8, v7  }
0x1fd: {  	v7 =	vmul.f32 v45, v10;
	v4 =	vmul.f32 v4, v10;
	v2 =	vadd.f32 v2, v6  }
0x1fe: {  	v50 =	vmul.f32 v9, v46;
	v61 =	vmul.f32 v59, v57;
	v10 =	vunpack.i.u.bf16.f32 v56  }
0x1ff: {  	v18 =	vmul.f32 v16, v14;
	v9 =	vunpack.i.u.bf16.f32 v13;
	v2 =	vadd.f32 v4, v2  }
0x200: {  	v27 =	vmul.f32 v25, v23;
	v36 =	vmul.f32 v34, v32;
	v5 =	vadd.f32 v8, v5  }
0x201: {  	v40 =	vld [tilespmem:s7+$0xFFFFFEE0];
	v45 =	vmul.f32 v43, v41;
	v4 =	vmul.f32 v53, v49;
	v2 =	vadd.f32 v50, v2  }
0x202: {  	v8 =	vunpack.i.u.bf16.f32 v48;
	v5 =	vadd.f32 v7, v5;
	v7 =	vmul.f32 v47, v46  }
0x203: {  	v15 =	vmul.f32 v10, v63;
	v58 =	vmul.f32 v8, v54;
	v2 =	vadd.f32 v4, v2  }
0x204: {  	v24 =	vmul.f32 v9, v20;
	v6 =	vmul.f32 v51, v49;
	v5 =	vadd.f32 v7, v5  }
0x205: {  	v10 =	vunpack.i.u.bf16.f32 v31;
	v4 =	vmul.f32 v62, v57;
	v2 =	vadd.f32 v58, v2  }
0x206: {  	v25 =	vld [tilespmem:s7+$0xFFFFFF60];
	v9 =	vunpack.i.u.bf16.f32 v40;
	v5 =	vadd.f32 v6, v5;
	v6 =	vmul.f32 v55, v54  }
0x207: {  	v34 =	vld [tilespmem:s7+$0xFFFFFF80];
	v42 =	vmul.f32 v10, v38;
	v8 =	vunpack.i.u.bf16.f32 v22;
	v2 =	vadd.f32 v4, v2  }
0x208: {  	v33 =	vmul.f32 v8, v29;
	v46 =	vunpack.i.u.bf16.f32 v35;
	v5 =	vadd.f32 v6, v5  }
0x209: {  	v47 =	vbroadcast v3, $0xE;
	v4 =	vmul.f32 v19, v14;
	v2 =	vadd.f32 v15, v2  }
0x20a: {  	v16 =	vld [tilespmem:s7+$0xFFFFFF40];
	v49 =	vunpack.i.l.bf16.f32 v40;
	v6 =	vmul.f32 v12, v63;
	v5 =	vadd.f32 v61, v5  }
0x20b: {  	v3 =	vbroadcast v3, $0xF;
	v48 =	vmul.f32 v46, v41;
	v2 =	vadd.f32 v4, v2  }
0x20c: {  	v53 =	vld [tilespmem:s7+$0xFFFFFF10];
	v10 =	vunpack.i.u.bf16.f32 v25;
	v8 =	vunpack.i.u.bf16.f32 v34;
	v5 =	vadd.f32 v6, v5  }
0x20d: {  	v50 =	vld [tilespmem:s7+$0xFFFFFF00];
	v7 =	vmul.f32 v49, v47;
	v4 =	vmul.f32 v28, v23;
	v2 =	vadd.f32 v24, v2  }
0x20e: {  	v51 =	vmul.f32 v9, v47;
	v47 =	vld [tilespmem:s7+$0xFFFFFFB0];
	v6 =	vmul.f32 v21, v20;
	v5 =	vadd.f32 v18, v5  }
0x20f: {  	v9 =	vunpack.i.u.bf16.f32 v16;
	v55 =	vunpack.i.u.bf16.f32 v44;
	v58 =	vld [tilespmem:s7+$0xFFFFFF20];
	v2 =	vadd.f32 v4, v2  }
0x210: {  	v54 =	vmul.f32 v52, v3;
	v3 =	vmul.f32 v55, v3;
	v63 =	vld [tilespmem:s7+$0xFFFFFF30];
	v5 =	vadd.f32 v6, v5  }
0x211: {  	v62 =	vunpack.i.l.bf16.f32 v53;
	v4 =	vmul.f32 v37, v32;
	v2 =	vadd.f32 v33, v2  }
0x212: {  	v13 =	vunpack.i.u.bf16.f32 v53;
	v20 =	vld [tilespmem:s7+$0xFFFFFF50];
	v6 =	vmul.f32 v30, v29;
	v5 =	vadd.f32 v27, v5  }
0x213: {  	v57 =	vunpack.i.l.bf16.f32 v50;
	v59 =	vunpack.i.u.bf16.f32 v50;
	v29 =	vld [tilespmem:s7+$0xFFFFFF70];
	v2 =	vadd.f32 v4, v2  }
0x214: {  	v55 =	vunpack.i.l.bf16.f32 v47;
	v5 =	vadd.f32 v6, v5;
	v6 =	vmul.f32 v39, v38;
	v38 =	vld [tilespmem:s7+$0xFFFFFF90]  }
0x215: {  	v15 =	vunpack.i.l.bf16.f32 v58;
	v19 =	vunpack.i.l.bf16.f32 v63;
	v4 =	vadd.f32 v42, v2;
	v2 =	vld [tilespmem:s8+$0xFFFFFFF0]  }
0x216: {  	v22 =	vunpack.i.u.bf16.f32 v63;
	v24 =	vunpack.i.l.bf16.f32 v16;
	v5 =	vadd.f32 v36, v5  }
0x217: {  	v28 =	vunpack.i.l.bf16.f32 v20;
	v31 =	vunpack.i.u.bf16.f32 v20;
	v33 =	vunpack.i.l.bf16.f32 v25  }
0x218: {  	v37 =	vunpack.i.l.bf16.f32 v29;
	v40 =	vunpack.i.u.bf16.f32 v29;
	v5 =	vadd.f32 v6, v5  }
0x219: {  	v42 =	vunpack.i.l.bf16.f32 v34;
	v46 =	vunpack.i.l.bf16.f32 v38;
	v49 =	vunpack.i.u.bf16.f32 v38  }
0x21a: {  	v43 =	vld [tilespmem:s7+$0xFFFFFFA0];
	v5 =	vadd.f32 v45, v5;
	v56 =	vbroadcast v2, $0x0;
	v60 =	vbroadcast v2, $0x1  }
0x21b: {  	v4 =	vadd.f32 v48, v4;
	v14 =	vbroadcast v2, $0x2;
	v17 =	vbroadcast v2, $0x3  }
0x21c: {  	v5 =	vadd.f32 v7, v5;
	v23 =	vbroadcast v2, $0x4;
	v26 =	vbroadcast v2, $0x5  }
0x21d: {  	v4 =	vadd.f32 v51, v4;
	v32 =	vbroadcast v2, $0x6;
	v35 =	vbroadcast v2, $0x7  }
0x21e: {  	v7 =	vunpack.i.u.bf16.f32 v58;
	v41 =	vbroadcast v2, $0x8;
	v44 =	vbroadcast v2, $0x9  }
0x21f: {  	v51 =	vunpack.i.l.bf16.f32 v43;
	v50 =	vbroadcast v2, $0xA;
	v53 =	vbroadcast v2, $0xB  }
0x220: {  	v58 =	vunpack.i.u.bf16.f32 v47;
	v16 =	vbroadcast v2, $0xE;
	v6 =	vmul.f32 v57, v56  }
0x221: {  	v3 =	vadd.f32 v3, v4;
	v61 =	vmul.f32 v59, v56;
	v12 =	vmul.f32 v62, v60  }
0x222: {  	v5 =	vadd.f32 v54, v5;
	v4 =	vmul.f32 v13, v60;
	v18 =	vmul.f32 v7, v14  }
0x223: {  	v21 =	vmul.f32 v19, v17;
	v27 =	vmul.f32 v9, v23;
	v3 =	vadd.f32 v61, v3  }
0x224: {  	v52 =	vld [tilespmem:s7+$0xFFFFFFC0];
	v30 =	vmul.f32 v28, v26;
	v36 =	vmul.f32 v10, v32;
	v5 =	vadd.f32 v6, v5  }
0x225: {  	v39 =	vmul.f32 v37, v35;
	v45 =	vmul.f32 v8, v41;
	v3 =	vadd.f32 v4, v3  }
0x226: {  	v48 =	vmul.f32 v46, v44;
	v6 =	vmul.f32 v15, v14;
	v5 =	vadd.f32 v12, v5  }
0x227: {  	v9 =	vunpack.i.u.bf16.f32 v43;
	v4 =	vmul.f32 v22, v17;
	v3 =	vadd.f32 v18, v3  }
0x228: {  	v56 =	vld [tilespmem:s7+$0xFFFFFFD0];
	v57 =	vmul.f32 v55, v53;
	v59 =	vbroadcast v2, $0xC;
	v5 =	vadd.f32 v6, v5  }
0x229: {  	v60 =	vunpack.i.l.bf16.f32 v52;
	v10 =	vunpack.i.u.bf16.f32 v52;
	v19 =	vld [tilespmem:s7+$0x0];
	v3 =	vadd.f32 v4, v3  }
0x22a: {  	v62 =	vbroadcast v2, $0xD;
	v37 =	vld [tilespmem:s7+$0x40];
	v6 =	vmul.f32 v24, v23;
	v5 =	vadd.f32 v21, v5  }
0x22b: {  	v2 =	vbroadcast v2, $0xF;
	v46 =	vld [tilespmem:s7+$0x60];
	v4 =	vmul.f32 v31, v26;
	v3 =	vadd.f32 v27, v3  }
0x22c: {  	v13 =	vld [tilespmem:s7+$0xFFFFFFF0];
	v54 =	vmul.f32 v9, v50;
	v63 =	vmul.f32 v10, v59;
	v5 =	vadd.f32 v6, v5  }
0x22d: {  	v61 =	vld [tilespmem:s7+$0xFFFFFFE0];
	v12 =	vunpack.i.l.bf16.f32 v56;
	v15 =	vunpack.i.u.bf16.f32 v56;
	v3 =	vadd.f32 v4, v3  }
0x22e: {  	v28 =	vunpack.i.u.bf16.f32 v19;
	v6 =	vmul.f32 v33, v32;
	v5 =	vadd.f32 v30, v5  }
0x22f: {  	v9 =	vunpack.i.u.bf16.f32 v37;
	v4 =	vmul.f32 v40, v35;
	v3 =	vadd.f32 v36, v3  }
0x230: {  	v10 =	vunpack.i.u.bf16.f32 v46;
	v14 =	vmul.f32 v12, v62;
	v5 =	vadd.f32 v6, v5  }
0x231: {  	v55 =	vld [tilespmem:s7+$0x80];
	v17 =	vmul.f32 v15, v62;
	v24 =	vunpack.i.u.bf16.f32 v13;
	v3 =	vadd.f32 v4, v3  }
0x232: {  	v18 =	vunpack.i.l.bf16.f32 v61;
	v6 =	vmul.f32 v42, v41;
	v5 =	vadd.f32 v39, v5  }
0x233: {  	v22 =	vld [tilespmem:s7+$0x10];
	v8 =	vunpack.i.u.bf16.f32 v61;
	v4 =	vmul.f32 v49, v44;
	v3 =	vadd.f32 v45, v3  }
0x234: {  	v7 =	vmul.f32 v18, v16;
	v20 =	vmul.f32 v8, v16;
	v16 =	vld [tilespmem:s7+$0xB0];
	v5 =	vadd.f32 v6, v5  }
0x235: {  	v21 =	vunpack.i.l.bf16.f32 v13;
	v26 =	vunpack.i.l.bf16.f32 v19;
	v27 =	vld [tilespmem:s7+$0x20];
	v3 =	vadd.f32 v4, v3  }
0x236: {  	v8 =	vunpack.i.u.bf16.f32 v55;
	v32 =	vld [tilespmem:s7+$0x30];
	v6 =	vmul.f32 v51, v50;
	v5 =	vadd.f32 v48, v5  }
0x237: {  	v23 =	vmul.f32 v21, v2;
	v41 =	vld [tilespmem:s7+$0x50];
	v4 =	vmul.f32 v58, v53;
	v3 =	vadd.f32 v54, v3  }
0x238: {  	v2 =	vmul.f32 v24, v2;
	v31 =	vunpack.i.l.bf16.f32 v22;
	v50 =	vld [tilespmem:s7+$0x70];
	v5 =	vadd.f32 v6, v5  }
0x239: {  	v34 =	vunpack.i.u.bf16.f32 v22;
	v24 =	vunpack.i.l.bf16.f32 v16;
	v3 =	vadd.f32 v4, v3  }
0x23a: {  	v36 =	vunpack.i.l.bf16.f32 v27;
	v6 =	vmul.f32 v60, v59;
	v59 =	vld [tilespmem:s7+$0x90];
	v5 =	vadd.f32 v57, v5  }
0x23b: {  	v40 =	vunpack.i.l.bf16.f32 v32;
	v43 =	vunpack.i.u.bf16.f32 v32;
	v4 =	vadd.f32 v63, v3;
	v3 =	vld [tilespmem:s8+$0x0]  }
0x23c: {  	v45 =	vunpack.i.l.bf16.f32 v37;
	v49 =	vunpack.i.l.bf16.f32 v41;
	v5 =	vadd.f32 v6, v5  }
0x23d: {  	v12 =	vld [tilespmem:s7+$0xA0];
	v52 =	vunpack.i.u.bf16.f32 v41;
	v54 =	vunpack.i.l.bf16.f32 v46;
	v58 =	vunpack.i.l.bf16.f32 v50  }
0x23e: {  	v61 =	vunpack.i.u.bf16.f32 v50;
	v5 =	vadd.f32 v14, v5;
	v4 =	vadd.f32 v17, v4  }
0x23f: {  	v63 =	vunpack.i.l.bf16.f32 v55;
	v15 =	vunpack.i.l.bf16.f32 v59;
	v18 =	vunpack.i.u.bf16.f32 v59  }
0x240: {  	v5 =	vadd.f32 v7, v5;
	v4 =	vadd.f32 v20, v4;
	v25 =	vbroadcast v3, $0x0  }
0x241: {  	v7 =	vunpack.i.u.bf16.f32 v27;
	v29 =	vbroadcast v3, $0x1;
	v35 =	vbroadcast v3, $0x2  }
0x242: {  	v20 =	vunpack.i.l.bf16.f32 v12;
	v38 =	vbroadcast v3, $0x3;
	v44 =	vbroadcast v3, $0x4  }
0x243: {  	v27 =	vunpack.i.u.bf16.f32 v16;
	v47 =	vbroadcast v3, $0x5;
	v53 =	vbroadcast v3, $0x6  }
0x244: {  	v56 =	vbroadcast v3, $0x7;
	v2 =	vadd.f32 v2, v4;
	v30 =	vmul.f32 v28, v25  }
0x245: {  	v62 =	vbroadcast v3, $0x8;
	v5 =	vadd.f32 v23, v5;
	v6 =	vmul.f32 v26, v25  }
0x246: {  	v13 =	vbroadcast v3, $0x9;
	v4 =	vmul.f32 v34, v29;
	v2 =	vadd.f32 v30, v2  }
0x247: {  	v19 =	vbroadcast v3, $0xA;
	v33 =	vmul.f32 v31, v29;
	v5 =	vadd.f32 v6, v5  }
0x248: {  	v22 =	vbroadcast v3, $0xB;
	v39 =	vmul.f32 v7, v35;
	v2 =	vadd.f32 v4, v2  }
0x249: {  	v37 =	vbroadcast v3, $0xE;
	v6 =	vmul.f32 v36, v35;
	v5 =	vadd.f32 v33, v5  }
0x24a: {  	v42 =	vmul.f32 v40, v38;
	v4 =	vmul.f32 v43, v38;
	v2 =	vadd.f32 v39, v2  }
0x24b: {  	v21 =	vld [tilespmem:s7+$0xC0];
	v48 =	vmul.f32 v9, v44;
	v51 =	vmul.f32 v49, v47;
	v5 =	vadd.f32 v6, v5  }
0x24c: {  	v57 =	vmul.f32 v10, v53;
	v60 =	vmul.f32 v58, v56;
	v2 =	vadd.f32 v4, v2  }
0x24d: {  	v14 =	vmul.f32 v8, v62;
	v6 =	vmul.f32 v45, v44;
	v5 =	vadd.f32 v42, v5  }
0x24e: {  	v17 =	vmul.f32 v15, v13;
	v4 =	vmul.f32 v52, v47;
	v2 =	vadd.f32 v48, v2  }
0x24f: {  	v9 =	vunpack.i.u.bf16.f32 v12;
	v25 =	vld [tilespmem:s7+$0xD0];
	v26 =	vmul.f32 v24, v22;
	v5 =	vadd.f32 v6, v5  }
0x250: {  	v28 =	vbroadcast v3, $0xC;
	v29 =	vunpack.i.l.bf16.f32 v21;
	v40 =	vld [tilespmem:s7+$0x100];
	v2 =	vadd.f32 v4, v2  }
0x251: {  	v10 =	vunpack.i.u.bf16.f32 v21;
	v58 =	vld [tilespmem:s7+$0x140];
	v6 =	vmul.f32 v54, v53;
	v5 =	vadd.f32 v51, v5  }
0x252: {  	v31 =	vbroadcast v3, $0xD;
	v15 =	vld [tilespmem:s7+$0x160];
	v4 =	vmul.f32 v61, v56;
	v2 =	vadd.f32 v57, v2  }
0x253: {  	v3 =	vbroadcast v3, $0xF;
	v23 =	vmul.f32 v9, v19;
	v30 =	vld [tilespmem:s7+$0xE0];
	v5 =	vadd.f32 v6, v5  }
0x254: {  	v32 =	vmul.f32 v10, v28;
	v33 =	vunpack.i.l.bf16.f32 v25;
	v2 =	vadd.f32 v4, v2  }
0x255: {  	v36 =	vunpack.i.u.bf16.f32 v25;
	v6 =	vmul.f32 v63, v62;
	v5 =	vadd.f32 v60, v5  }
0x256: {  	v49 =	vunpack.i.u.bf16.f32 v40;
	v4 =	vmul.f32 v18, v13;
	v2 =	vadd.f32 v14, v2  }
0x257: {  	v34 =	vld [tilespmem:s7+$0xF0];
	v9 =	vunpack.i.u.bf16.f32 v58;
	v10 =	vunpack.i.u.bf16.f32 v15;
	v5 =	vadd.f32 v6, v5  }
0x258: {  	v24 =	vld [tilespmem:s7+$0x180];
	v39 =	vunpack.i.l.bf16.f32 v30;
	v8 =	vunpack.i.u.bf16.f32 v30;
	v2 =	vadd.f32 v4, v2  }
0x259: {  	v43 =	vld [tilespmem:s7+$0x110];
	v7 =	vmul.f32 v39, v37;
	v6 =	vmul.f32 v20, v19;
	v5 =	vadd.f32 v17, v5  }
0x25a: {  	v41 =	vmul.f32 v8, v37;
	v37 =	vld [tilespmem:s7+$0x1B0];
	v4 =	vmul.f32 v27, v22;
	v2 =	vadd.f32 v23, v2  }
0x25b: {  	v35 =	vmul.f32 v33, v31;
	v38 =	vmul.f32 v36, v31;
	v48 =	vld [tilespmem:s7+$0x120];
	v5 =	vadd.f32 v6, v5  }
0x25c: {  	v45 =	vunpack.i.u.bf16.f32 v34;
	v42 =	vunpack.i.l.bf16.f32 v34;
	v53 =	vld [tilespmem:s7+$0x130];
	v2 =	vadd.f32 v4, v2  }
0x25d: {  	v47 =	vunpack.i.l.bf16.f32 v40;
	v62 =	vld [tilespmem:s7+$0x150];
	v6 =	vmul.f32 v29, v28;
	v5 =	vadd.f32 v26, v5  }
0x25e: {  	v8 =	vunpack.i.u.bf16.f32 v24;
	v44 =	vmul.f32 v42, v3;
	v4 =	vadd.f32 v32, v2;
	v2 =	vld [tilespmem:s8+$0x10]  }
0x25f: {  	v3 =	vmul.f32 v45, v3;
	v52 =	vunpack.i.l.bf16.f32 v43;
	v19 =	vld [tilespmem:s7+$0x170];
	v5 =	vadd.f32 v6, v5  }
0x260: {  	v55 =	vunpack.i.u.bf16.f32 v43;
	v45 =	vunpack.i.l.bf16.f32 v37;
	v57 =	vunpack.i.l.bf16.f32 v48  }
0x261: {  	v61 =	vunpack.i.l.bf16.f32 v53;
	v12 =	vunpack.i.u.bf16.f32 v53;
	v5 =	vadd.f32 v35, v5  }
0x262: {  	v14 =	vunpack.i.l.bf16.f32 v58;
	v18 =	vunpack.i.l.bf16.f32 v62;
	v4 =	vadd.f32 v38, v4  }
0x263: {  	v21 =	vunpack.i.u.bf16.f32 v62;
	v5 =	vadd.f32 v7, v5;
	v46 =	vbroadcast v2, $0x0  }
0x264: {  	v23 =	vunpack.i.l.bf16.f32 v15;
	v27 =	vunpack.i.l.bf16.f32 v19;
	v4 =	vadd.f32 v41, v4  }
0x265: {  	v50 =	vbroadcast v2, $0x1;
	v5 =	vadd.f32 v44, v5;
	v6 =	vmul.f32 v47, v46  }
0x266: {  	v30 =	vunpack.i.u.bf16.f32 v19;
	v3 =	vadd.f32 v3, v4;
	v51 =	vmul.f32 v49, v46  }
0x267: {  	v28 =	vld [tilespmem:s7+$0x190];
	v56 =	vbroadcast v2, $0x2;
	v54 =	vmul.f32 v52, v50;
	v5 =	vadd.f32 v6, v5  }
0x268: {  	v7 =	vunpack.i.u.bf16.f32 v48;
	v4 =	vmul.f32 v55, v50;
	v3 =	vadd.f32 v51, v3  }
0x269: {  	v59 =	vbroadcast v2, $0x3;
	v6 =	vmul.f32 v57, v56;
	v5 =	vadd.f32 v54, v5  }
0x26a: {  	v32 =	vunpack.i.l.bf16.f32 v24;
	v60 =	vmul.f32 v7, v56;
	v3 =	vadd.f32 v4, v3  }
0x26b: {  	v33 =	vld [tilespmem:s7+$0x1A0];
	v13 =	vbroadcast v2, $0x4;
	v63 =	vmul.f32 v61, v59;
	v5 =	vadd.f32 v6, v5  }
0x26c: {  	v36 =	vunpack.i.l.bf16.f32 v28;
	v4 =	vmul.f32 v12, v59;
	v3 =	vadd.f32 v60, v3  }
0x26d: {  	v16 =	vbroadcast v2, $0x5;
	v6 =	vmul.f32 v14, v13;
	v5 =	vadd.f32 v63, v5  }
0x26e: {  	v39 =	vunpack.i.u.bf16.f32 v28;
	v17 =	vmul.f32 v9, v13;
	v3 =	vadd.f32 v4, v3  }
0x26f: {  	v22 =	vbroadcast v2, $0x6;
	v20 =	vmul.f32 v18, v16;
	v5 =	vadd.f32 v6, v5  }
0x270: {  	v41 =	vunpack.i.l.bf16.f32 v33;
	v4 =	vmul.f32 v21, v16;
	v3 =	vadd.f32 v17, v3  }
0x271: {  	v25 =	vbroadcast v2, $0x7;
	v6 =	vmul.f32 v23, v22;
	v5 =	vadd.f32 v20, v5  }
0x272: {  	v48 =	vunpack.i.u.bf16.f32 v37;
	v26 =	vmul.f32 v10, v22;
	v3 =	vadd.f32 v4, v3  }
0x273: {  	v31 =	vbroadcast v2, $0x8;
	v29 =	vmul.f32 v27, v25;
	v5 =	vadd.f32 v6, v5  }
0x274: {  	v34 =	vbroadcast v2, $0x9;
	v4 =	vmul.f32 v30, v25;
	v3 =	vadd.f32 v26, v3  }
0x275: {  	v40 =	vbroadcast v2, $0xA;
	v6 =	vmul.f32 v32, v31;
	v5 =	vadd.f32 v29, v5  }
0x276: {  	v42 =	vld [tilespmem:s7+$0x1C0];
	v43 =	vbroadcast v2, $0xB;
	v35 =	vmul.f32 v8, v31;
	v3 =	vadd.f32 v4, v3  }
0x277: {  	v58 =	vbroadcast v2, $0xE;
	v38 =	vmul.f32 v36, v34;
	v5 =	vadd.f32 v6, v5  }
0x278: {  	v9 =	vunpack.i.u.bf16.f32 v33;
	v4 =	vmul.f32 v39, v34;
	v3 =	vadd.f32 v35, v3  }
0x279: {  	v46 =	vld [tilespmem:s7+$0x1D0];
	v47 =	vmul.f32 v45, v43;
	v6 =	vmul.f32 v41, v40;
	v5 =	vadd.f32 v38, v5  }
0x27a: {  	v49 =	vbroadcast v2, $0xC;
	v44 =	vmul.f32 v9, v40;
	v3 =	vadd.f32 v4, v3  }
0x27b: {  	v50 =	vunpack.i.l.bf16.f32 v42;
	v10 =	vunpack.i.u.bf16.f32 v42;
	v51 =	vld [tilespmem:s7+$0x1E0];
	v5 =	vadd.f32 v6, v5  }
0x27c: {  	v52 =	vbroadcast v2, $0xD;
	v4 =	vmul.f32 v48, v43;
	v3 =	vadd.f32 v44, v3  }
0x27d: {  	v55 =	vld [tilespmem:s7+$0x1F0];
	v2 =	vbroadcast v2, $0xF;
	v6 =	vmul.f32 v50, v49;
	v5 =	vadd.f32 v47, v5  }
0x27e: {  	v53 =	vmul.f32 v10, v49;
	v54 =	vunpack.i.l.bf16.f32 v46;
	v3 =	vadd.f32 v4, v3  }
0x27f: {  	v57 =	vunpack.i.u.bf16.f32 v46;
	v56 =	vmul.f32 v54, v52;
	v5 =	vadd.f32 v6, v5  }
0x280: {  	v59 =	vunpack.i.l.bf16.f32 v51;
	v4 =	vmul.f32 v57, v52;
	v3 =	vadd.f32 v53, v3  }
0x281: {  	v8 =	vunpack.i.u.bf16.f32 v51;
	v6 =	vmul.f32 v59, v58;
	v5 =	vadd.f32 v56, v5  }
0x282: {  	v61 =	vunpack.i.l.bf16.f32 v55;
	v60 =	vmul.f32 v8, v58;
	v3 =	vadd.f32 v4, v3  }
0x283: {  	p0 =	sne.s32 s6, $0x780;
	v62 =	vunpack.i.u.bf16.f32 v55;
	v7 =	vmul.f32 v61, v2;
	v5 =	vadd.f32 v6, v5  }
.Ltmp8:
0x284: {  	v2 =	vmul.f32 v62, v2;
	v3 =	vadd.f32 v60, v3;
	(pc) =	sbr.rel @p0 .LBB2_14-.Ltmp8, $4  }
0x285: {  	v63 =	vadd.f32 v7, v5  }
0x286: {  	v2 =	vadd.f32 v2, v3  }
0x287: {  	[tilespmem:v1+s9+$0xFFFFFFF0 ss:$0x1] =	vst.idx.msk $0xffff, v63  }
0x288: {  	s6 =	sadd.s32 $0x80, s6;
	s8 =	sadd.s32 $0x40, s8;
	s7 =	sadd.s32 $0x400, s7;
	[tilespmem:v1+s9+$0x0 ss:$0x1] =	vst.idx.msk $0xffff, v2  }
0x289: {  	s6 =	sshll.u32 s24, $0x1;
	p0 =	seq.s32 s24, $0x7  }
0x28a: {  	s7 =	sshll.u32 @!p0 s6, $0x4  }
0x28b: {  	s7 =	sadd.s32 @!p0 $0x20, s7  }
0x28c: {  	s7 =	sand.u32 @!p0 $0x1E0, s7  }
0x28d: {  	s8 =	simm.s32 @!p0 $0x10;
	s9 =	simm.s32 @!p0 $0xC000;
	s7 =	sor.u32 @!p0 $0x14200, s7  }
0x28e: {  	[tilespmem:s9], [sflag:$0x2] =	stream.indirect.gather @!p0 [hbm4b:s5+s8], $0x400, s7, s8, $0xb8;
	[tilespmem:$0x14300] =	vst v63  }
0x28f: {  	_ =	swait.ge [sflag:s21], $0x4000  }
0x290: {  	s7 =	simm.s32 $0x0;
	[sflag:s21] =	ssyncset.done $0x0  }
0x291: {  	v0 =	vmov s31;
	v1 =	vmov s30;
	s8 =	simm.s32 $0x10200;
	s9 =	smov.u32 s22;
	[sflag:s21] =	ssyncadd.s32 $0xFFFFC000  }
.LBB2_16:
0x292: {  	v3 =	vld [tilespmem:s9+$0xFFFFFFD0]  }
0x293: {  	v2 =	vld [tilespmem:s8+$0xFFFFFE00]  }
0x294: {  	v4 =	vld [tilespmem:s8+$0xFFFFFE10]  }
0x295: {  	v9 =	vld [tilespmem:s8+$0xFFFFFE20]  }
0x296: {  	v11 =	vld [tilespmem:s8+$0xFFFFFE30]  }
0x297: {  	v48 =	vld [tilespmem:s8+$0xFFFFFE40]  }
0x298: {  	v52 =	vld [tilespmem:s8+$0xFFFFFE50]  }
0x299: {  	v56 =	vld [tilespmem:s8+$0xFFFFFE60]  }
0x29a: {  	v60 =	vld [tilespmem:s8+$0xFFFFFE70];
	v7 =	vbroadcast v3, $0x0;
	v8 =	vunpack.i.l.bf16.f32 v2;
	v2 =	vunpack.i.u.bf16.f32 v2  }
0x29b: {  	v13 =	vld [tilespmem:s8+$0xFFFFFE80];
	v10 =	vbroadcast v3, $0x1;
	v45 =	vunpack.i.l.bf16.f32 v4;
	v4 =	vunpack.i.u.bf16.f32 v4  }
0x29c: {  	v17 =	vld [tilespmem:s8+$0xFFFFFE90];
	v46 =	vbroadcast v3, $0x2;
	v47 =	vunpack.i.l.bf16.f32 v9;
	v9 =	vunpack.i.u.bf16.f32 v9  }
0x29d: {  	v22 =	vld [tilespmem:s8+$0xFFFFFEA0];
	v49 =	vbroadcast v3, $0x3;
	v51 =	vunpack.i.l.bf16.f32 v11;
	v53 =	vunpack.i.u.bf16.f32 v11  }
0x29e: {  	v26 =	vld [tilespmem:s8+$0xFFFFFEB0];
	v54 =	vbroadcast v3, $0x4;
	v55 =	vunpack.i.l.bf16.f32 v48;
	v57 =	vbroadcast v3, $0x5  }
0x29f: {  	v31 =	vld [tilespmem:s8+$0xFFFFFEC0];
	v59 =	vunpack.i.l.bf16.f32 v52;
	v62 =	vunpack.i.u.bf16.f32 v52;
	v63 =	vbroadcast v3, $0x6  }
0x2a0: {  	v35 =	vld [tilespmem:s8+$0xFFFFFED0];
	v12 =	vunpack.i.l.bf16.f32 v56;
	v14 =	vbroadcast v3, $0x7;
	v16 =	vunpack.i.l.bf16.f32 v60  }
0x2a1: {  	s10 =	sshra.s32 s7, $0x2;
	v44 =	vld [tilespmem:s8+$0xFFFFFEF0];
	v19 =	vunpack.i.u.bf16.f32 v60;
	v20 =	vbroadcast v3, $0x8;
	v21 =	vunpack.i.l.bf16.f32 v13  }
0x2a2: {  	v6 =	vld.idx.msk [tilespmem:v0+s10+$0x0 ss:$0x1], $0xffff;
	v23 =	vbroadcast v3, $0x9;
	v25 =	vunpack.i.l.bf16.f32 v17;
	v28 =	vunpack.i.u.bf16.f32 v17  }
0x2a3: {  	v29 =	vbroadcast v3, $0xA;
	v30 =	vunpack.i.l.bf16.f32 v22;
	v32 =	vbroadcast v3, $0xB  }
0x2a4: {  	v34 =	vunpack.i.l.bf16.f32 v26;
	v37 =	vunpack.i.u.bf16.f32 v26;
	v38 =	vbroadcast v3, $0xC  }
0x2a5: {  	v5 =	vld.idx.msk [tilespmem:v0+s10+$0xFFFFFFF0 ss:$0x1], $0xffff;
	v39 =	vunpack.i.l.bf16.f32 v31;
	v41 =	vbroadcast v3, $0xD;
	v2 =	vmul.f32 v2, v7  }
0x2a6: {  	v43 =	vunpack.i.l.bf16.f32 v35;
	v52 =	vunpack.i.l.bf16.f32 v44;
	v8 =	vmul.f32 v8, v7  }
0x2a7: {  	v7 =	vmul.f32 v45, v10;
	v4 =	vmul.f32 v4, v10;
	v2 =	vadd.f32 v2, v6  }
0x2a8: {  	v50 =	vmul.f32 v9, v46;
	v61 =	vmul.f32 v59, v57;
	v10 =	vunpack.i.u.bf16.f32 v56  }
0x2a9: {  	v18 =	vmul.f32 v16, v14;
	v9 =	vunpack.i.u.bf16.f32 v13;
	v2 =	vadd.f32 v4, v2  }
0x2aa: {  	v27 =	vmul.f32 v25, v23;
	v36 =	vmul.f32 v34, v32;
	v5 =	vadd.f32 v8, v5  }
0x2ab: {  	v40 =	vld [tilespmem:s8+$0xFFFFFEE0];
	v45 =	vmul.f32 v43, v41;
	v4 =	vmul.f32 v53, v49;
	v2 =	vadd.f32 v50, v2  }
0x2ac: {  	v8 =	vunpack.i.u.bf16.f32 v48;
	v5 =	vadd.f32 v7, v5;
	v7 =	vmul.f32 v47, v46  }
0x2ad: {  	v15 =	vmul.f32 v10, v63;
	v58 =	vmul.f32 v8, v54;
	v2 =	vadd.f32 v4, v2  }
0x2ae: {  	v24 =	vmul.f32 v9, v20;
	v6 =	vmul.f32 v51, v49;
	v5 =	vadd.f32 v7, v5  }
0x2af: {  	v10 =	vunpack.i.u.bf16.f32 v31;
	v4 =	vmul.f32 v62, v57;
	v2 =	vadd.f32 v58, v2  }
0x2b0: {  	v25 =	vld [tilespmem:s8+$0xFFFFFF60];
	v9 =	vunpack.i.u.bf16.f32 v40;
	v5 =	vadd.f32 v6, v5;
	v6 =	vmul.f32 v55, v54  }
0x2b1: {  	v34 =	vld [tilespmem:s8+$0xFFFFFF80];
	v42 =	vmul.f32 v10, v38;
	v8 =	vunpack.i.u.bf16.f32 v22;
	v2 =	vadd.f32 v4, v2  }
0x2b2: {  	v33 =	vmul.f32 v8, v29;
	v46 =	vunpack.i.u.bf16.f32 v35;
	v5 =	vadd.f32 v6, v5  }
0x2b3: {  	v47 =	vbroadcast v3, $0xE;
	v4 =	vmul.f32 v19, v14;
	v2 =	vadd.f32 v15, v2  }
0x2b4: {  	v16 =	vld [tilespmem:s8+$0xFFFFFF40];
	v49 =	vunpack.i.l.bf16.f32 v40;
	v6 =	vmul.f32 v12, v63;
	v5 =	vadd.f32 v61, v5  }
0x2b5: {  	v3 =	vbroadcast v3, $0xF;
	v48 =	vmul.f32 v46, v41;
	v2 =	vadd.f32 v4, v2  }
0x2b6: {  	v53 =	vld [tilespmem:s8+$0xFFFFFF10];
	v10 =	vunpack.i.u.bf16.f32 v25;
	v8 =	vunpack.i.u.bf16.f32 v34;
	v5 =	vadd.f32 v6, v5  }
0x2b7: {  	v50 =	vld [tilespmem:s8+$0xFFFFFF00];
	v7 =	vmul.f32 v49, v47;
	v4 =	vmul.f32 v28, v23;
	v2 =	vadd.f32 v24, v2  }
0x2b8: {  	v51 =	vmul.f32 v9, v47;
	v47 =	vld [tilespmem:s8+$0xFFFFFFB0];
	v6 =	vmul.f32 v21, v20;
	v5 =	vadd.f32 v18, v5  }
0x2b9: {  	v9 =	vunpack.i.u.bf16.f32 v16;
	v55 =	vunpack.i.u.bf16.f32 v44;
	v58 =	vld [tilespmem:s8+$0xFFFFFF20];
	v2 =	vadd.f32 v4, v2  }
0x2ba: {  	v54 =	vmul.f32 v52, v3;
	v3 =	vmul.f32 v55, v3;
	v63 =	vld [tilespmem:s8+$0xFFFFFF30];
	v5 =	vadd.f32 v6, v5  }
0x2bb: {  	v62 =	vunpack.i.l.bf16.f32 v53;
	v4 =	vmul.f32 v37, v32;
	v2 =	vadd.f32 v33, v2  }
0x2bc: {  	v13 =	vunpack.i.u.bf16.f32 v53;
	v20 =	vld [tilespmem:s8+$0xFFFFFF50];
	v6 =	vmul.f32 v30, v29;
	v5 =	vadd.f32 v27, v5  }
0x2bd: {  	v57 =	vunpack.i.l.bf16.f32 v50;
	v59 =	vunpack.i.u.bf16.f32 v50;
	v29 =	vld [tilespmem:s8+$0xFFFFFF70];
	v2 =	vadd.f32 v4, v2  }
0x2be: {  	v55 =	vunpack.i.l.bf16.f32 v47;
	v5 =	vadd.f32 v6, v5;
	v6 =	vmul.f32 v39, v38;
	v38 =	vld [tilespmem:s8+$0xFFFFFF90]  }
0x2bf: {  	v15 =	vunpack.i.l.bf16.f32 v58;
	v19 =	vunpack.i.l.bf16.f32 v63;
	v4 =	vadd.f32 v42, v2;
	v2 =	vld [tilespmem:s9+$0xFFFFFFE0]  }
0x2c0: {  	v22 =	vunpack.i.u.bf16.f32 v63;
	v24 =	vunpack.i.l.bf16.f32 v16;
	v5 =	vadd.f32 v36, v5  }
0x2c1: {  	v28 =	vunpack.i.l.bf16.f32 v20;
	v31 =	vunpack.i.u.bf16.f32 v20;
	v33 =	vunpack.i.l.bf16.f32 v25  }
0x2c2: {  	v37 =	vunpack.i.l.bf16.f32 v29;
	v40 =	vunpack.i.u.bf16.f32 v29;
	v5 =	vadd.f32 v6, v5  }
0x2c3: {  	v42 =	vunpack.i.l.bf16.f32 v34;
	v46 =	vunpack.i.l.bf16.f32 v38;
	v49 =	vunpack.i.u.bf16.f32 v38  }
0x2c4: {  	v43 =	vld [tilespmem:s8+$0xFFFFFFA0];
	v5 =	vadd.f32 v45, v5;
	v56 =	vbroadcast v2, $0x0;
	v60 =	vbroadcast v2, $0x1  }
0x2c5: {  	v4 =	vadd.f32 v48, v4;
	v14 =	vbroadcast v2, $0x2;
	v17 =	vbroadcast v2, $0x3  }
0x2c6: {  	v5 =	vadd.f32 v7, v5;
	v23 =	vbroadcast v2, $0x4;
	v26 =	vbroadcast v2, $0x5  }
0x2c7: {  	v4 =	vadd.f32 v51, v4;
	v32 =	vbroadcast v2, $0x6;
	v35 =	vbroadcast v2, $0x7  }
0x2c8: {  	v7 =	vunpack.i.u.bf16.f32 v58;
	v41 =	vbroadcast v2, $0x8;
	v44 =	vbroadcast v2, $0x9  }
0x2c9: {  	v51 =	vunpack.i.l.bf16.f32 v43;
	v50 =	vbroadcast v2, $0xA;
	v53 =	vbroadcast v2, $0xB  }
0x2ca: {  	v58 =	vunpack.i.u.bf16.f32 v47;
	v16 =	vbroadcast v2, $0xE;
	v6 =	vmul.f32 v57, v56  }
0x2cb: {  	v3 =	vadd.f32 v3, v4;
	v61 =	vmul.f32 v59, v56;
	v12 =	vmul.f32 v62, v60  }
0x2cc: {  	v5 =	vadd.f32 v54, v5;
	v4 =	vmul.f32 v13, v60;
	v18 =	vmul.f32 v7, v14  }
0x2cd: {  	v21 =	vmul.f32 v19, v17;
	v27 =	vmul.f32 v9, v23;
	v3 =	vadd.f32 v61, v3  }
0x2ce: {  	v52 =	vld [tilespmem:s8+$0xFFFFFFC0];
	v30 =	vmul.f32 v28, v26;
	v36 =	vmul.f32 v10, v32;
	v5 =	vadd.f32 v6, v5  }
0x2cf: {  	v39 =	vmul.f32 v37, v35;
	v45 =	vmul.f32 v8, v41;
	v3 =	vadd.f32 v4, v3  }
0x2d0: {  	v48 =	vmul.f32 v46, v44;
	v6 =	vmul.f32 v15, v14;
	v5 =	vadd.f32 v12, v5  }
0x2d1: {  	v9 =	vunpack.i.u.bf16.f32 v43;
	v4 =	vmul.f32 v22, v17;
	v3 =	vadd.f32 v18, v3  }
0x2d2: {  	v56 =	vld [tilespmem:s8+$0xFFFFFFD0];
	v57 =	vmul.f32 v55, v53;
	v59 =	vbroadcast v2, $0xC;
	v5 =	vadd.f32 v6, v5  }
0x2d3: {  	v60 =	vunpack.i.l.bf16.f32 v52;
	v10 =	vunpack.i.u.bf16.f32 v52;
	v19 =	vld [tilespmem:s8+$0x0];
	v3 =	vadd.f32 v4, v3  }
0x2d4: {  	v62 =	vbroadcast v2, $0xD;
	v37 =	vld [tilespmem:s8+$0x40];
	v6 =	vmul.f32 v24, v23;
	v5 =	vadd.f32 v21, v5  }
0x2d5: {  	v2 =	vbroadcast v2, $0xF;
	v46 =	vld [tilespmem:s8+$0x60];
	v4 =	vmul.f32 v31, v26;
	v3 =	vadd.f32 v27, v3  }
0x2d6: {  	v13 =	vld [tilespmem:s8+$0xFFFFFFF0];
	v54 =	vmul.f32 v9, v50;
	v63 =	vmul.f32 v10, v59;
	v5 =	vadd.f32 v6, v5  }
0x2d7: {  	v61 =	vld [tilespmem:s8+$0xFFFFFFE0];
	v12 =	vunpack.i.l.bf16.f32 v56;
	v15 =	vunpack.i.u.bf16.f32 v56;
	v3 =	vadd.f32 v4, v3  }
0x2d8: {  	v28 =	vunpack.i.u.bf16.f32 v19;
	v6 =	vmul.f32 v33, v32;
	v5 =	vadd.f32 v30, v5  }
0x2d9: {  	v9 =	vunpack.i.u.bf16.f32 v37;
	v4 =	vmul.f32 v40, v35;
	v3 =	vadd.f32 v36, v3  }
0x2da: {  	v10 =	vunpack.i.u.bf16.f32 v46;
	v14 =	vmul.f32 v12, v62;
	v5 =	vadd.f32 v6, v5  }
0x2db: {  	v55 =	vld [tilespmem:s8+$0x80];
	v17 =	vmul.f32 v15, v62;
	v24 =	vunpack.i.u.bf16.f32 v13;
	v3 =	vadd.f32 v4, v3  }
0x2dc: {  	v18 =	vunpack.i.l.bf16.f32 v61;
	v6 =	vmul.f32 v42, v41;
	v5 =	vadd.f32 v39, v5  }
0x2dd: {  	v22 =	vld [tilespmem:s8+$0x10];
	v8 =	vunpack.i.u.bf16.f32 v61;
	v4 =	vmul.f32 v49, v44;
	v3 =	vadd.f32 v45, v3  }
0x2de: {  	v7 =	vmul.f32 v18, v16;
	v20 =	vmul.f32 v8, v16;
	v16 =	vld [tilespmem:s8+$0xB0];
	v5 =	vadd.f32 v6, v5  }
0x2df: {  	v21 =	vunpack.i.l.bf16.f32 v13;
	v26 =	vunpack.i.l.bf16.f32 v19;
	v27 =	vld [tilespmem:s8+$0x20];
	v3 =	vadd.f32 v4, v3  }
0x2e0: {  	v8 =	vunpack.i.u.bf16.f32 v55;
	v32 =	vld [tilespmem:s8+$0x30];
	v6 =	vmul.f32 v51, v50;
	v5 =	vadd.f32 v48, v5  }
0x2e1: {  	v23 =	vmul.f32 v21, v2;
	v41 =	vld [tilespmem:s8+$0x50];
	v4 =	vmul.f32 v58, v53;
	v3 =	vadd.f32 v54, v3  }
0x2e2: {  	v2 =	vmul.f32 v24, v2;
	v31 =	vunpack.i.l.bf16.f32 v22;
	v50 =	vld [tilespmem:s8+$0x70];
	v5 =	vadd.f32 v6, v5  }
0x2e3: {  	v34 =	vunpack.i.u.bf16.f32 v22;
	v24 =	vunpack.i.l.bf16.f32 v16;
	v3 =	vadd.f32 v4, v3  }
0x2e4: {  	v36 =	vunpack.i.l.bf16.f32 v27;
	v6 =	vmul.f32 v60, v59;
	v59 =	vld [tilespmem:s8+$0x90];
	v5 =	vadd.f32 v57, v5  }
0x2e5: {  	v40 =	vunpack.i.l.bf16.f32 v32;
	v43 =	vunpack.i.u.bf16.f32 v32;
	v4 =	vadd.f32 v63, v3;
	v3 =	vld [tilespmem:s9+$0xFFFFFFF0]  }
0x2e6: {  	v45 =	vunpack.i.l.bf16.f32 v37;
	v49 =	vunpack.i.l.bf16.f32 v41;
	v5 =	vadd.f32 v6, v5  }
0x2e7: {  	v12 =	vld [tilespmem:s8+$0xA0];
	v52 =	vunpack.i.u.bf16.f32 v41;
	v54 =	vunpack.i.l.bf16.f32 v46;
	v58 =	vunpack.i.l.bf16.f32 v50  }
0x2e8: {  	v61 =	vunpack.i.u.bf16.f32 v50;
	v5 =	vadd.f32 v14, v5;
	v4 =	vadd.f32 v17, v4  }
0x2e9: {  	v63 =	vunpack.i.l.bf16.f32 v55;
	v15 =	vunpack.i.l.bf16.f32 v59;
	v18 =	vunpack.i.u.bf16.f32 v59  }
0x2ea: {  	v5 =	vadd.f32 v7, v5;
	v4 =	vadd.f32 v20, v4;
	v25 =	vbroadcast v3, $0x0  }
0x2eb: {  	v7 =	vunpack.i.u.bf16.f32 v27;
	v29 =	vbroadcast v3, $0x1;
	v35 =	vbroadcast v3, $0x2  }
0x2ec: {  	v20 =	vunpack.i.l.bf16.f32 v12;
	v38 =	vbroadcast v3, $0x3;
	v44 =	vbroadcast v3, $0x4  }
0x2ed: {  	v27 =	vunpack.i.u.bf16.f32 v16;
	v47 =	vbroadcast v3, $0x5;
	v53 =	vbroadcast v3, $0x6  }
0x2ee: {  	v56 =	vbroadcast v3, $0x7;
	v2 =	vadd.f32 v2, v4;
	v30 =	vmul.f32 v28, v25  }
0x2ef: {  	v62 =	vbroadcast v3, $0x8;
	v5 =	vadd.f32 v23, v5;
	v6 =	vmul.f32 v26, v25  }
0x2f0: {  	v13 =	vbroadcast v3, $0x9;
	v4 =	vmul.f32 v34, v29;
	v2 =	vadd.f32 v30, v2  }
0x2f1: {  	v19 =	vbroadcast v3, $0xA;
	v33 =	vmul.f32 v31, v29;
	v5 =	vadd.f32 v6, v5  }
0x2f2: {  	v22 =	vbroadcast v3, $0xB;
	v39 =	vmul.f32 v7, v35;
	v2 =	vadd.f32 v4, v2  }
0x2f3: {  	v37 =	vbroadcast v3, $0xE;
	v6 =	vmul.f32 v36, v35;
	v5 =	vadd.f32 v33, v5  }
0x2f4: {  	v42 =	vmul.f32 v40, v38;
	v4 =	vmul.f32 v43, v38;
	v2 =	vadd.f32 v39, v2  }
0x2f5: {  	v21 =	vld [tilespmem:s8+$0xC0];
	v48 =	vmul.f32 v9, v44;
	v51 =	vmul.f32 v49, v47;
	v5 =	vadd.f32 v6, v5  }
0x2f6: {  	v57 =	vmul.f32 v10, v53;
	v60 =	vmul.f32 v58, v56;
	v2 =	vadd.f32 v4, v2  }
0x2f7: {  	v14 =	vmul.f32 v8, v62;
	v6 =	vmul.f32 v45, v44;
	v5 =	vadd.f32 v42, v5  }
0x2f8: {  	v17 =	vmul.f32 v15, v13;
	v4 =	vmul.f32 v52, v47;
	v2 =	vadd.f32 v48, v2  }
0x2f9: {  	v9 =	vunpack.i.u.bf16.f32 v12;
	v25 =	vld [tilespmem:s8+$0xD0];
	v26 =	vmul.f32 v24, v22;
	v5 =	vadd.f32 v6, v5  }
0x2fa: {  	v28 =	vbroadcast v3, $0xC;
	v29 =	vunpack.i.l.bf16.f32 v21;
	v40 =	vld [tilespmem:s8+$0x100];
	v2 =	vadd.f32 v4, v2  }
0x2fb: {  	v10 =	vunpack.i.u.bf16.f32 v21;
	v58 =	vld [tilespmem:s8+$0x140];
	v6 =	vmul.f32 v54, v53;
	v5 =	vadd.f32 v51, v5  }
0x2fc: {  	v31 =	vbroadcast v3, $0xD;
	v15 =	vld [tilespmem:s8+$0x160];
	v4 =	vmul.f32 v61, v56;
	v2 =	vadd.f32 v57, v2  }
0x2fd: {  	v3 =	vbroadcast v3, $0xF;
	v23 =	vmul.f32 v9, v19;
	v30 =	vld [tilespmem:s8+$0xE0];
	v5 =	vadd.f32 v6, v5  }
0x2fe: {  	v32 =	vmul.f32 v10, v28;
	v33 =	vunpack.i.l.bf16.f32 v25;
	v2 =	vadd.f32 v4, v2  }
0x2ff: {  	v36 =	vunpack.i.u.bf16.f32 v25;
	v6 =	vmul.f32 v63, v62;
	v5 =	vadd.f32 v60, v5  }
0x300: {  	v49 =	vunpack.i.u.bf16.f32 v40;
	v4 =	vmul.f32 v18, v13;
	v2 =	vadd.f32 v14, v2  }
0x301: {  	v34 =	vld [tilespmem:s8+$0xF0];
	v9 =	vunpack.i.u.bf16.f32 v58;
	v10 =	vunpack.i.u.bf16.f32 v15;
	v5 =	vadd.f32 v6, v5  }
0x302: {  	v24 =	vld [tilespmem:s8+$0x180];
	v39 =	vunpack.i.l.bf16.f32 v30;
	v8 =	vunpack.i.u.bf16.f32 v30;
	v2 =	vadd.f32 v4, v2  }
0x303: {  	v43 =	vld [tilespmem:s8+$0x110];
	v7 =	vmul.f32 v39, v37;
	v6 =	vmul.f32 v20, v19;
	v5 =	vadd.f32 v17, v5  }
0x304: {  	v41 =	vmul.f32 v8, v37;
	v37 =	vld [tilespmem:s8+$0x1B0];
	v4 =	vmul.f32 v27, v22;
	v2 =	vadd.f32 v23, v2  }
0x305: {  	v35 =	vmul.f32 v33, v31;
	v38 =	vmul.f32 v36, v31;
	v48 =	vld [tilespmem:s8+$0x120];
	v5 =	vadd.f32 v6, v5  }
0x306: {  	v45 =	vunpack.i.u.bf16.f32 v34;
	v42 =	vunpack.i.l.bf16.f32 v34;
	v53 =	vld [tilespmem:s8+$0x130];
	v2 =	vadd.f32 v4, v2  }
0x307: {  	v47 =	vunpack.i.l.bf16.f32 v40;
	v62 =	vld [tilespmem:s8+$0x150];
	v6 =	vmul.f32 v29, v28;
	v5 =	vadd.f32 v26, v5  }
0x308: {  	v8 =	vunpack.i.u.bf16.f32 v24;
	v44 =	vmul.f32 v42, v3;
	v4 =	vadd.f32 v32, v2;
	v2 =	vld [tilespmem:s9+$0x0]  }
0x309: {  	v3 =	vmul.f32 v45, v3;
	v52 =	vunpack.i.l.bf16.f32 v43;
	v19 =	vld [tilespmem:s8+$0x170];
	v5 =	vadd.f32 v6, v5  }
0x30a: {  	v55 =	vunpack.i.u.bf16.f32 v43;
	v45 =	vunpack.i.l.bf16.f32 v37;
	v57 =	vunpack.i.l.bf16.f32 v48  }
0x30b: {  	v61 =	vunpack.i.l.bf16.f32 v53;
	v12 =	vunpack.i.u.bf16.f32 v53;
	v5 =	vadd.f32 v35, v5  }
0x30c: {  	v14 =	vunpack.i.l.bf16.f32 v58;
	v18 =	vunpack.i.l.bf16.f32 v62;
	v4 =	vadd.f32 v38, v4  }
0x30d: {  	v21 =	vunpack.i.u.bf16.f32 v62;
	v5 =	vadd.f32 v7, v5;
	v46 =	vbroadcast v2, $0x0  }
0x30e: {  	v23 =	vunpack.i.l.bf16.f32 v15;
	v27 =	vunpack.i.l.bf16.f32 v19;
	v4 =	vadd.f32 v41, v4  }
0x30f: {  	v50 =	vbroadcast v2, $0x1;
	v5 =	vadd.f32 v44, v5;
	v6 =	vmul.f32 v47, v46  }
0x310: {  	v30 =	vunpack.i.u.bf16.f32 v19;
	v3 =	vadd.f32 v3, v4;
	v51 =	vmul.f32 v49, v46  }
0x311: {  	v28 =	vld [tilespmem:s8+$0x190];
	v56 =	vbroadcast v2, $0x2;
	v54 =	vmul.f32 v52, v50;
	v5 =	vadd.f32 v6, v5  }
0x312: {  	v7 =	vunpack.i.u.bf16.f32 v48;
	v4 =	vmul.f32 v55, v50;
	v3 =	vadd.f32 v51, v3  }
0x313: {  	v59 =	vbroadcast v2, $0x3;
	v6 =	vmul.f32 v57, v56;
	v5 =	vadd.f32 v54, v5  }
0x314: {  	v32 =	vunpack.i.l.bf16.f32 v24;
	v60 =	vmul.f32 v7, v56;
	v3 =	vadd.f32 v4, v3  }
0x315: {  	v33 =	vld [tilespmem:s8+$0x1A0];
	v13 =	vbroadcast v2, $0x4;
	v63 =	vmul.f32 v61, v59;
	v5 =	vadd.f32 v6, v5  }
0x316: {  	v36 =	vunpack.i.l.bf16.f32 v28;
	v4 =	vmul.f32 v12, v59;
	v3 =	vadd.f32 v60, v3  }
0x317: {  	v16 =	vbroadcast v2, $0x5;
	v6 =	vmul.f32 v14, v13;
	v5 =	vadd.f32 v63, v5  }
0x318: {  	v39 =	vunpack.i.u.bf16.f32 v28;
	v17 =	vmul.f32 v9, v13;
	v3 =	vadd.f32 v4, v3  }
0x319: {  	v22 =	vbroadcast v2, $0x6;
	v20 =	vmul.f32 v18, v16;
	v5 =	vadd.f32 v6, v5  }
0x31a: {  	v41 =	vunpack.i.l.bf16.f32 v33;
	v4 =	vmul.f32 v21, v16;
	v3 =	vadd.f32 v17, v3  }
0x31b: {  	v25 =	vbroadcast v2, $0x7;
	v6 =	vmul.f32 v23, v22;
	v5 =	vadd.f32 v20, v5  }
0x31c: {  	v48 =	vunpack.i.u.bf16.f32 v37;
	v26 =	vmul.f32 v10, v22;
	v3 =	vadd.f32 v4, v3  }
0x31d: {  	v31 =	vbroadcast v2, $0x8;
	v29 =	vmul.f32 v27, v25;
	v5 =	vadd.f32 v6, v5  }
0x31e: {  	v34 =	vbroadcast v2, $0x9;
	v4 =	vmul.f32 v30, v25;
	v3 =	vadd.f32 v26, v3  }
0x31f: {  	v40 =	vbroadcast v2, $0xA;
	v6 =	vmul.f32 v32, v31;
	v5 =	vadd.f32 v29, v5  }
0x320: {  	v42 =	vld [tilespmem:s8+$0x1C0];
	v43 =	vbroadcast v2, $0xB;
	v35 =	vmul.f32 v8, v31;
	v3 =	vadd.f32 v4, v3  }
0x321: {  	v58 =	vbroadcast v2, $0xE;
	v38 =	vmul.f32 v36, v34;
	v5 =	vadd.f32 v6, v5  }
0x322: {  	v9 =	vunpack.i.u.bf16.f32 v33;
	v4 =	vmul.f32 v39, v34;
	v3 =	vadd.f32 v35, v3  }
0x323: {  	v46 =	vld [tilespmem:s8+$0x1D0];
	v47 =	vmul.f32 v45, v43;
	v6 =	vmul.f32 v41, v40;
	v5 =	vadd.f32 v38, v5  }
0x324: {  	v49 =	vbroadcast v2, $0xC;
	v44 =	vmul.f32 v9, v40;
	v3 =	vadd.f32 v4, v3  }
0x325: {  	v50 =	vunpack.i.l.bf16.f32 v42;
	v10 =	vunpack.i.u.bf16.f32 v42;
	v51 =	vld [tilespmem:s8+$0x1E0];
	v5 =	vadd.f32 v6, v5  }
0x326: {  	v52 =	vbroadcast v2, $0xD;
	v4 =	vmul.f32 v48, v43;
	v3 =	vadd.f32 v44, v3  }
0x327: {  	v55 =	vld [tilespmem:s8+$0x1F0];
	v2 =	vbroadcast v2, $0xF;
	v6 =	vmul.f32 v50, v49;
	v5 =	vadd.f32 v47, v5  }
0x328: {  	v53 =	vmul.f32 v10, v49;
	v54 =	vunpack.i.l.bf16.f32 v46;
	v3 =	vadd.f32 v4, v3  }
0x329: {  	v57 =	vunpack.i.u.bf16.f32 v46;
	v56 =	vmul.f32 v54, v52;
	v5 =	vadd.f32 v6, v5  }
0x32a: {  	v59 =	vunpack.i.l.bf16.f32 v51;
	v4 =	vmul.f32 v57, v52;
	v3 =	vadd.f32 v53, v3  }
0x32b: {  	v8 =	vunpack.i.u.bf16.f32 v51;
	v6 =	vmul.f32 v59, v58;
	v5 =	vadd.f32 v56, v5  }
0x32c: {  	v61 =	vunpack.i.l.bf16.f32 v55;
	v60 =	vmul.f32 v8, v58;
	v3 =	vadd.f32 v4, v3  }
0x32d: {  	p1 =	sne.s32 s7, $0x780;
	v62 =	vunpack.i.u.bf16.f32 v55;
	v7 =	vmul.f32 v61, v2;
	v5 =	vadd.f32 v6, v5  }
.Ltmp9:
0x32e: {  	v2 =	vmul.f32 v62, v2;
	v3 =	vadd.f32 v60, v3;
	(pc) =	sbr.rel @p1 .LBB2_16-.Ltmp9, $4  }
0x32f: {  	v63 =	vadd.f32 v7, v5  }
0x330: {  	v2 =	vadd.f32 v2, v3  }
0x331: {  	[tilespmem:v1+s10+$0xFFFFFFF0 ss:$0x1] =	vst.idx.msk $0xffff, v63  }
0x332: {  	s7 =	sadd.s32 $0x80, s7;
	s9 =	sadd.s32 $0x40, s9;
	s8 =	sadd.s32 $0x400, s8;
	[tilespmem:v1+s10+$0x0 ss:$0x1] =	vst.idx.msk $0xffff, v2  }
.Ltmp10:
0x333: {  	(pc) =	sbr.rel @p0 .LBB2_19-.Ltmp10, $1  }
0x334: {  	_ =	sdelay $0x3  }
.Ltmp11:
0x335: {  	s6 =	sshll.u32 s6, $0x4;
	s24 =	sadd.s32 $0x1, s24;
	(pc) =	sbr.rel .LBB2_13-.Ltmp11, $4  }
0x336: {  	s25 =	sadd.s32 $0x800, s25;
	s26 =	sadd.s32 $0x400, s26;
	s6 =	sadd.s32 $0x30, s6  }
0x337: {  	s28 =	sadd.s32 $0x400, s28;
	s30 =	sadd.s32 $0x400, s30;
	s6 =	sand.u32 $0x1F0, s6  }
0x338: {  	s31 =	sadd.s32 $0x400, s31;
	s22 =	sadd.s32 $0x800, s22;
	s6 =	sor.u32 $0x14200, s6  }
0x339: {  	[tilespmem:s0], [sflag:$0x3] =	stream.indirect.gather [hbm4b:s5+s29], $0x400, s6, s29, $0xb8;
	[tilespmem:$0x14300] =	vst v63  }
.LBB2_20:
0x33a: {  	_ =	sfence.sel $0x180000  }
0x33b: {  	[bflag:$0x0] =	sbarrier.arrive $0xFFFF  }
0x33c: {  	_ =	strace $0x90000047  }
0x33d: {  	s0 =	stileid.u32;
	[bflag:$0x2] =	sbarrier.arrive $0xFFFF  }
0x33e: {  	p0 =	sne.s32 s0, $0x0;
	s0 =	rddreg [dreg:$0x4]  }
0x33f: {  	s0 =	sadd.s32 @!p0 $0x100000, s0  }
0x340: {  	[sflag:s0] =	ssyncadd.tile.s32 @!p0 $0x1;
	_ =	shalt  }
.Lfunc_end2:
_tile_overlayer_lowered:
.L_overlay_start_2:
0x341: {  	(tag) =	ssettag $0x2  }
0x342: {  	s0 =	rddreg [dreg:$0x0];
	s2 =	stileid.u32  }
0x343: {  	s1 =	rddreg [dreg:$0x1];
	p0 =	sne.s32 s2, $0x0  }
0x344: {  	s3 =	rddreg [dreg:$0x2];
	[bflag:$0x3] =	sbarrier.arrive $0xFFFF;
	s2 =	simm.s32 @!p0 $0x1C04  }
0x345: {  	[timem:s3], [sflag:s2] =	dma.local @!p0 [hbm:s0], s1  }
0x346: {  	s0 =	simm.s32 @!p0 $0x4  }
0x347: {  	_ =	swait.ge @!p0 [sflag:s0], s1  }
0x348: {  	s1 =	ssub.s32 @!p0 $0x0, s1;
	[sflag:s0] =	ssyncset.done @!p0 $0x0  }
0x349: {  	[sflag:s0] =	ssyncadd.s32 @!p0 s1  }
0x34a: {  	[bflag:$0x3] =	sbarrier.arrive $0xFFFF  }
0x34b: {  	_ =	shalt  }

</sc_bundles>
